<compile_context>
chip_gen: v7x
topology: tpu7x:2x2x1
jax: 0.10.2.dev20260603
libtpu: 0.0.44.dev20260713+nightly
codegen_flags: <defaults>
</compile_context>

<pallas_src>
import functools
import math

import jax
import jax.numpy as jnp
from jax import lax
from jax.experimental import pallas as pl
from jax.experimental.pallas import tpu as pltpu
from jax.experimental.pallas import tpu_sc as plsc

D_EMBED = 64
SCALE = math.sqrt(D_EMBED)
L = 16
HC = 256
NBUF = 2


def _build_sc_kernel(num_rows_x, num_cols_x):
    try:
        info = plsc.get_sparse_core_info()
        nc, ns = info.num_cores, info.num_subcores
    except Exception:
        nc, ns = 2, 16
    nw = nc * ns
    rows_w = num_rows_x // nw
    assert rows_w * nw == num_rows_x and rows_w & (rows_w - 1) == 0
    assert rows_w % HC == 0
    nh = rows_w // HC
    per_w = rows_w * num_cols_x
    nchunk = per_w // HC
    assert nchunk % NBUF == 0 and nchunk >= 2 * NBUF
    rbits = rows_w.bit_length() - 1

    mesh = plsc.VectorSubcoreMesh(core_axis_name="c", subcore_axis_name="s")

    @functools.partial(
        pl.kernel,
        mesh=mesh,
        compiler_params=pltpu.CompilerParams(
            use_tc_tiling_on_sc=False, needs_layout_passes=False),
        out_type=jax.ShapeDtypeStruct(
            (num_cols_x, D_EMBED, num_rows_x), jnp.float32),
        scratch_types=(
            [pltpu.VMEM((rows_w, num_cols_x), jnp.int32),
             pltpu.VMEM((per_w,), jnp.int32)]
            + [pltpu.VMEM((HC, D_EMBED), jnp.float32) for _ in range(NBUF)]
            + [pltpu.VMEM((D_EMBED, HC), jnp.float32) for _ in range(NBUF)]
            + [pltpu.SemaphoreType.DMA for _ in range(2 * NBUF)]
        ),
    )
    def emb(x_hbm, table_hbm, out_hbm, xstage, xidx, *bufs_and_sems):
        gbuf = bufs_and_sems[0:NBUF]
        sbuf = bufs_and_sems[NBUF:2 * NBUF]
        gsem = bufs_and_sems[2 * NBUF:3 * NBUF]
        ssem = bufs_and_sems[3 * NBUF:4 * NBUF]

        wid = lax.axis_index("s") * nc + lax.axis_index("c")
        i0 = wid * rows_w

        pltpu.sync_copy(x_hbm.at[pl.ds(i0, rows_w)], xstage)

        lane_iota = jax.lax.iota(jnp.int32, L)

        @plsc.parallel_loop(0, per_w // L, unroll=4)
        def _(t):
            q = lane_iota + t * L
            j = jax.lax.shift_right_logical(q, rbits)
            r = jax.lax.bitwise_and(q, rows_w - 1)
            xidx[pl.ds(t * L, L)] = plsc.load_gather(xstage, [r, j])

        def start_gather(c, b):
            pltpu.async_copy(
                table_hbm.at[xidx.at[pl.ds(c * HC, HC)]], gbuf[b], gsem[b])

        def wait_gather(b):
            pltpu.make_async_copy(
                table_hbm.at[xidx.at[pl.ds(0, HC)]], gbuf[b], gsem[b]).wait()

        def start_scatter(c, b):
            j, h = c // nh, c % nh
            pltpu.async_copy(
                sbuf[b], out_hbm.at[j, :, pl.ds(i0 + h * HC, HC)], ssem[b])

        def wait_scatter(b):
            pltpu.make_async_copy(
                sbuf[b], out_hbm.at[0, :, pl.ds(i0, HC)], ssem[b]).wait()

        def transpose_scale(b):
            gb, sb = gbuf[b], sbuf[b]

            @plsc.parallel_loop(0, D_EMBED, unroll=2)
            def _(d):
                dv = jnp.zeros((L,), jnp.int32) + d
                for kk in range(HC // L):
                    k = lane_iota + kk * L
                    v = plsc.load_gather(gb, [k, dv])
                    sb[d, pl.ds(kk * L, L)] = v * SCALE

        for b in range(NBUF):
            start_gather(b, b)

        for b in range(NBUF):
            wait_gather(b)
            transpose_scale(b)
            start_scatter(b, b)
            start_gather(b + NBUF, b)

        @pl.loop(NBUF, nchunk - NBUF, step=NBUF)
        def _(g):
            for b in range(NBUF):
                c = g + b
                wait_gather(b)
                wait_scatter(b)
                transpose_scale(b)
                start_scatter(c, b)
                start_gather(c + NBUF, b)

        for b in range(NBUF):
            c = nchunk - NBUF + b
            wait_gather(b)
            wait_scatter(b)
            transpose_scale(b)
            start_scatter(c, b)

        for b in range(NBUF):
            wait_scatter(b)

    return emb


def kernel(x, table):
    rows, cols = x.shape
    emb = _build_sc_kernel(rows, cols)
    out_t = emb(x, table)
    return out_t.transpose(2, 0, 1)

# --- scband reference (transcript-rebuilt; emitter-appended) ---
"""Pipeline reference for scband-embedding-int-14843406975666 (READ-ONLY COPY).

The authoritative reference and input builder live on the scoring server;
editing this copy changes nothing except your own understanding.
"""

import jax, jax.numpy as jnp
import numpy as np
import math

N_INT = 1000000
D_EMBED = 64

def setup_inputs(seed: int = 0) -> dict:
    key = jax.random.key(seed)
    k1, k2 = jax.random.split(key)
    x = jax.random.randint(k1, (16384, 50), 0, N_INT, dtype=jnp.int64 if jax.config.jax_enable_x64 else jnp.int32)
    table = jax.random.normal(k2, (N_INT, D_EMBED), dtype=jnp.float32)
    return {"x": x, "table": table}

def reference(x, table):
    # nn.Embedding lookup followed by scaling with sqrt(d_embed)
    embeded = jnp.take(table, x, axis=0) * math.sqrt(D_EMBED)
    return embeded

if __name__ == "__main__":
    import jax
    _d = setup_inputs()
    print(jax.jit(kernel)(*tuple(_d.values())))

</pallas_src>

<mosaic_0001>
#map = affine_map<(d0, d1) -> (0, 0)>
#map1 = affine_map<(d0, d1) -> (0, 0, 0)>
module attributes {stable_mosaic.version = 14 : i64} {
  func.func @emb(%arg0: i32, %arg1: i32, %arg2: memref<16384x50xi32, #tpu.memory_space<hbm>>, %arg3: memref<1000000x64xf32, #tpu.memory_space<hbm>>, %arg4: memref<50x64x16384xf32, #tpu.memory_space<hbm>>, %arg5: memref<512x50xi32, #tpu.memory_space<vmem>>, %arg6: memref<25600xi32, #tpu.memory_space<vmem>>, %arg7: memref<256x64xf32, #tpu.memory_space<vmem>>, %arg8: memref<256x64xf32, #tpu.memory_space<vmem>>, %arg9: memref<64x256xf32, #tpu.memory_space<vmem>>, %arg10: memref<64x256xf32, #tpu.memory_space<vmem>>, %arg11: memref<!tpu.dma_semaphore, #tpu.memory_space<semaphore_mem>>, %arg12: memref<!tpu.dma_semaphore, #tpu.memory_space<semaphore_mem>>, %arg13: memref<!tpu.dma_semaphore, #tpu.memory_space<semaphore_mem>>, %arg14: memref<!tpu.dma_semaphore, #tpu.memory_space<semaphore_mem>>) attributes {dimension_semantics = [#tpu.dimension_semantics<core_parallel>, #tpu.dimension_semantics<subcore_parallel>], iteration_bounds = array<i64: 2, 16>, scalar_prefetch = 0 : i64, scratch_operands = 10 : i64, tpu.core_type = #tpu.core_type<sc_vector_subcore>, window_params = [{transform_indices = #map}, {transform_indices = #map}, {transform_indices = #map1}]} {
    %mul3A = arith.constant 2 : i32
    %mul3A_0 = arith.muli %arg1, %mul3A : i32
    %add3A = arith.addi %mul3A_0, %arg0 : i32
    %mul3A_1 = arith.constant 512 : i32
    %mul3A_2 = arith.muli %add3A, %mul3A_1 : i32
    "tpu.region"() ({
      %run_scoped3A = tpu.sem_alloc : memref<!tpu.dma_semaphore, #tpu.memory_space<semaphore_mem>>
      %dma_start3A_123 = arith.constant 0 : i32
      %dma_start3A_124 = tpu.memref_slice %arg2[%mul3A_2, %dma_start3A_123] : memref<16384x50xi32, #tpu.memory_space<hbm>> -> memref<512x50xi32, #tpu.memory_space<hbm>>
      %dma_start3A_125 = arith.constant 0 : i32
      %dma_start3A_126 = tpu.memref_slice %arg2[%mul3A_2, %dma_start3A_125] : memref<16384x50xi32, #tpu.memory_space<hbm>> -> memref<512x50xi32, #tpu.memory_space<hbm>>
      tpu.enqueue_dma source(%dma_start3A_126 : memref<512x50xi32, #tpu.memory_space<hbm>>) target(%arg5 : memref<512x50xi32, #tpu.memory_space<vmem>>) target_semaphore(%run_scoped3A : memref<!tpu.dma_semaphore, #tpu.memory_space<semaphore_mem>>)
      %dma_wait3A_127 = arith.constant 0 : i32
      %dma_wait3A_128 = tpu.memref_slice %arg2[%mul3A_2, %dma_wait3A_127] : memref<16384x50xi32, #tpu.memory_space<hbm>> -> memref<512x50xi32, #tpu.memory_space<hbm>>
      %dma_wait3A_129 = arith.constant 0 : i32
      %dma_wait3A_130 = tpu.memref_slice %arg2[%mul3A_2, %dma_wait3A_129] : memref<16384x50xi32, #tpu.memory_space<hbm>> -> memref<512x50xi32, #tpu.memory_space<hbm>>
      tpu.wait_dma2 semaphore(%run_scoped3A : memref<!tpu.dma_semaphore, #tpu.memory_space<semaphore_mem>>) src(%dma_wait3A_130 : memref<512x50xi32, #tpu.memory_space<hbm>>) dst(%arg5 : memref<512x50xi32, #tpu.memory_space<vmem>>)
      tpu.yield
    }) : () -> ()
    %iota3A = tpu.iota {dimensions = array<i32: 0>} : vector<16xi32>
    %parallel_loop3A = arith.constant 0 : i32
    %parallel_loop3A_3 = arith.constant 1600 : i32
    %parallel_loop3A_4 = arith.constant 1 : i32
    scf.for %parallel_loop3A_123 = %parallel_loop3A to %parallel_loop3A_3 step %parallel_loop3A_4  : i32 {
      %parallel_loop3A_124 = arith.constant 16 : i32
      %parallel_loop3A_125 = arith.muli %parallel_loop3A_123, %parallel_loop3A_124 : i32
      %parallel_loop3A_126 = vector.broadcast %parallel_loop3A_125 : i32 to vector<16xi32>
      %parallel_loop3A_127 = arith.addi %iota3A, %parallel_loop3A_126 : vector<16xi32>
      %parallel_loop3A_128 = arith.constant 9 : i32
      %parallel_loop3A_129 = vector.broadcast %parallel_loop3A_128 : i32 to vector<16xi32>
      %parallel_loop3A_130 = arith.shrui %parallel_loop3A_127, %parallel_loop3A_129 : vector<16xi32>
      %parallel_loop3A_131 = arith.constant 511 : i32
      %parallel_loop3A_132 = vector.broadcast %parallel_loop3A_131 : i32 to vector<16xi32>
      %parallel_loop3A_133 = arith.andi %parallel_loop3A_127, %parallel_loop3A_132 : vector<16xi32>
      %parallel_loop3A_134 = tpu.vector_load_idx %arg5[%parallel_loop3A_133, %parallel_loop3A_130] : memref<512x50xi32, #tpu.memory_space<vmem>>[vector<16xi32>, vector<16xi32>], vector<16xi32>,
      %parallel_loop3A_135 = arith.constant 16 : i32
      %parallel_loop3A_136 = arith.muli %parallel_loop3A_123, %parallel_loop3A_135 : i32
      %parallel_loop3A_137 = arith.index_cast %parallel_loop3A_136 : i32 to index
      %parallel_loop3A_138 = tpu.vector_load %arg6[%parallel_loop3A_137] {strides = array<i32>} : memref<25600xi32, #tpu.memory_space<vmem>>, vector<16xi32>,
      tpu.vector_store %arg6[%parallel_loop3A_137], %parallel_loop3A_134 {strides = array<i32>} : memref<25600xi32, #tpu.memory_space<vmem>>, vector<16xi32>,
    } {sc.loop_unroll_factor = 4 : i64, sc.parallel_access}
    %dma_start3A = arith.constant 0 : i32
    %dma_start3A_5 = tpu.memref_slice %arg6[%dma_start3A] : memref<25600xi32, #tpu.memory_space<vmem>> -> memref<256xi32, #tpu.memory_space<vmem>>
    %dma_start3A_6 = arith.constant 0 : i32
    %dma_start3A_7 = arith.constant 0 : i32
    %dma_start3A_8 = tpu.memref_slice %arg3[%dma_start3A_6, %dma_start3A_7] : memref<1000000x64xf32, #tpu.memory_space<hbm>> -> memref<1000000x64xf32, #tpu.memory_space<hbm>>
    tpu.enqueue_indirect_dma source(%dma_start3A_8 : memref<1000000x64xf32, #tpu.memory_space<hbm>>) target(%arg7 : memref<256x64xf32, #tpu.memory_space<vmem>>) offsets(%dma_start3A_5 : memref<256xi32, #tpu.memory_space<vmem>>) semaphore(%arg11 : memref<!tpu.dma_semaphore, #tpu.memory_space<semaphore_mem>>)
    %dma_start3A_9 = arith.constant 256 : i32
    %dma_start3A_10 = tpu.memref_slice %arg6[%dma_start3A_9] : memref<25600xi32, #tpu.memory_space<vmem>> -> memref<256xi32, #tpu.memory_space<vmem>>
    %dma_start3A_11 = arith.constant 0 : i32
    %dma_start3A_12 = arith.constant 0 : i32
    %dma_start3A_13 = tpu.memref_slice %arg3[%dma_start3A_11, %dma_start3A_12] : memref<1000000x64xf32, #tpu.memory_space<hbm>> -> memref<1000000x64xf32, #tpu.memory_space<hbm>>
    tpu.enqueue_indirect_dma source(%dma_start3A_13 : memref<1000000x64xf32, #tpu.memory_space<hbm>>) target(%arg8 : memref<256x64xf32, #tpu.memory_space<vmem>>) offsets(%dma_start3A_10 : memref<256xi32, #tpu.memory_space<vmem>>) semaphore(%arg12 : memref<!tpu.dma_semaphore, #tpu.memory_space<semaphore_mem>>)
    %dma_wait3A = arith.constant 0 : i32
    %dma_wait3A_14 = tpu.memref_slice %arg6[%dma_wait3A] : memref<25600xi32, #tpu.memory_space<vmem>> -> memref<256xi32, #tpu.memory_space<vmem>>
    %dma_wait3A_15 = arith.constant 0 : i32
    %dma_wait3A_16 = arith.constant 0 : i32
    %dma_wait3A_17 = tpu.memref_slice %arg3[%dma_wait3A_15, %dma_wait3A_16] : memref<1000000x64xf32, #tpu.memory_space<hbm>> -> memref<1000000x64xf32, #tpu.memory_space<hbm>>
    tpu.wait_indirect_dma semaphore(%arg11 : memref<!tpu.dma_semaphore, #tpu.memory_space<semaphore_mem>>) src(%dma_wait3A_17 : memref<1000000x64xf32, #tpu.memory_space<hbm>>) dst(%arg7 : memref<256x64xf32, #tpu.memory_space<vmem>>)
    %parallel_loop3A_18 = arith.constant 0 : i32
    %parallel_loop3A_19 = arith.constant 64 : i32
    %parallel_loop3A_20 = arith.constant 1 : i32
    scf.for %parallel_loop3A_123 = %parallel_loop3A_18 to %parallel_loop3A_19 step %parallel_loop3A_20  : i32 {
      %parallel_loop3A_124 = arith.constant 0 : i32
      %parallel_loop3A_125 = vector.broadcast %parallel_loop3A_124 : i32 to vector<16xi32>
      %parallel_loop3A_126 = vector.broadcast %parallel_loop3A_123 : i32 to vector<16xi32>
      %parallel_loop3A_127 = arith.addi %parallel_loop3A_125, %parallel_loop3A_126 : vector<16xi32>
      %parallel_loop3A_128 = arith.constant 0 : i32
      %parallel_loop3A_129 = vector.broadcast %parallel_loop3A_128 : i32 to vector<16xi32>
      %parallel_loop3A_130 = arith.addi %iota3A, %parallel_loop3A_129 : vector<16xi32>
      %parallel_loop3A_131 = tpu.vector_load_idx %arg7[%parallel_loop3A_130, %parallel_loop3A_127] : memref<256x64xf32, #tpu.memory_space<vmem>>[vector<16xi32>, vector<16xi32>], vector<16xf32>,
      %parallel_loop3A_132 = arith.constant 8.000000e+00 : f32
      %parallel_loop3A_133 = vector.broadcast %parallel_loop3A_132 : f32 to vector<16xf32>
      %parallel_loop3A_134 = arith.mulf %parallel_loop3A_131, %parallel_loop3A_133 : vector<16xf32>
      %parallel_loop3A_135 = arith.index_cast %parallel_loop3A_123 : i32 to index
      %parallel_loop3A_136 = arith.constant 0 : index
      %parallel_loop3A_137 = tpu.vector_load %arg9[%parallel_loop3A_135, %parallel_loop3A_136] {strides = array<i32>} : memref<64x256xf32, #tpu.memory_space<vmem>>, vector<16xf32>,
      tpu.vector_store %arg9[%parallel_loop3A_135, %parallel_loop3A_136], %parallel_loop3A_134 {strides = array<i32>} : memref<64x256xf32, #tpu.memory_space<vmem>>, vector<16xf32>,
      %parallel_loop3A_138 = arith.constant 16 : i32
      %parallel_loop3A_139 = vector.broadcast %parallel_loop3A_138 : i32 to vector<16xi32>
      %parallel_loop3A_140 = arith.addi %iota3A, %parallel_loop3A_139 : vector<16xi32>
      %parallel_loop3A_141 = tpu.vector_load_idx %arg7[%parallel_loop3A_140, %parallel_loop3A_127] : memref<256x64xf32, #tpu.memory_space<vmem>>[vector<16xi32>, vector<16xi32>], vector<16xf32>,
      %parallel_loop3A_142 = arith.constant 8.000000e+00 : f32
      %parallel_loop3A_143 = vector.broadcast %parallel_loop3A_142 : f32 to vector<16xf32>
      %parallel_loop3A_144 = arith.mulf %parallel_loop3A_141, %parallel_loop3A_143 : vector<16xf32>
      %parallel_loop3A_145 = arith.index_cast %parallel_loop3A_123 : i32 to index
      %parallel_loop3A_146 = arith.constant 16 : index
      %parallel_loop3A_147 = tpu.vector_load %arg9[%parallel_loop3A_145, %parallel_loop3A_146] {strides = array<i32>} : memref<64x256xf32, #tpu.memory_space<vmem>>, vector<16xf32>,
      tpu.vector_store %arg9[%parallel_loop3A_145, %parallel_loop3A_146], %parallel_loop3A_144 {strides = array<i32>} : memref<64x256xf32, #tpu.memory_space<vmem>>, vector<16xf32>,
      %parallel_loop3A_148 = arith.constant 32 : i32
      %parallel_loop3A_149 = vector.broadcast %parallel_loop3A_148 : i32 to vector<16xi32>
      %parallel_loop3A_150 = arith.addi %iota3A, %parallel_loop3A_149 : vector<16xi32>
      %parallel_loop3A_151 = tpu.vector_load_idx %arg7[%parallel_loop3A_150, %parallel_loop3A_127] : memref<256x64xf32, #tpu.memory_space<vmem>>[vector<16xi32>, vector<16xi32>], vector<16xf32>,
      %parallel_loop3A_152 = arith.constant 8.000000e+00 : f32
      %parallel_loop3A_153 = vector.broadcast %parallel_loop3A_152 : f32 to vector<16xf32>
      %parallel_loop3A_154 = arith.mulf %parallel_loop3A_151, %parallel_loop3A_153 : vector<16xf32>
      %parallel_loop3A_155 = arith.index_cast %parallel_loop3A_123 : i32 to index
      %parallel_loop3A_156 = arith.constant 32 : index
      %parallel_loop3A_157 = tpu.vector_load %arg9[%parallel_loop3A_155, %parallel_loop3A_156] {strides = array<i32>} : memref<64x256xf32, #tpu.memory_space<vmem>>, vector<16xf32>,
      tpu.vector_store %arg9[%parallel_loop3A_155, %parallel_loop3A_156], %parallel_loop3A_154 {strides = array<i32>} : memref<64x256xf32, #tpu.memory_space<vmem>>, vector<16xf32>,
      %parallel_loop3A_158 = arith.constant 48 : i32
      %parallel_loop3A_159 = vector.broadcast %parallel_loop3A_158 : i32 to vector<16xi32>
      %parallel_loop3A_160 = arith.addi %iota3A, %parallel_loop3A_159 : vector<16xi32>
      %parallel_loop3A_161 = tpu.vector_load_idx %arg7[%parallel_loop3A_160, %parallel_loop3A_127] : memref<256x64xf32, #tpu.memory_space<vmem>>[vector<16xi32>, vector<16xi32>], vector<16xf32>,
      %parallel_loop3A_162 = arith.constant 8.000000e+00 : f32
      %parallel_loop3A_163 = vector.broadcast %parallel_loop3A_162 : f32 to vector<16xf32>
      %parallel_loop3A_164 = arith.mulf %parallel_loop3A_161, %parallel_loop3A_163 : vector<16xf32>
      %parallel_loop3A_165 = arith.index_cast %parallel_loop3A_123 : i32 to index
      %parallel_loop3A_166 = arith.constant 48 : index
      %parallel_loop3A_167 = tpu.vector_load %arg9[%parallel_loop3A_165, %parallel_loop3A_166] {strides = array<i32>} : memref<64x256xf32, #tpu.memory_space<vmem>>, vector<16xf32>,
      tpu.vector_store %arg9[%parallel_loop3A_165, %parallel_loop3A_166], %parallel_loop3A_164 {strides = array<i32>} : memref<64x256xf32, #tpu.memory_space<vmem>>, vector<16xf32>,
      %parallel_loop3A_168 = arith.constant 64 : i32
      %parallel_loop3A_169 = vector.broadcast %parallel_loop3A_168 : i32 to vector<16xi32>
      %parallel_loop3A_170 = arith.addi %iota3A, %parallel_loop3A_169 : vector<16xi32>
      %parallel_loop3A_171 = tpu.vector_load_idx %arg7[%parallel_loop3A_170, %parallel_loop3A_127] : memref<256x64xf32, #tpu.memory_space<vmem>>[vector<16xi32>, vector<16xi32>], vector<16xf32>,
      %parallel_loop3A_172 = arith.constant 8.000000e+00 : f32
      %parallel_loop3A_173 = vector.broadcast %parallel_loop3A_172 : f32 to vector<16xf32>
      %parallel_loop3A_174 = arith.mulf %parallel_loop3A_171, %parallel_loop3A_173 : vector<16xf32>
      %parallel_loop3A_175 = arith.index_cast %parallel_loop3A_123 : i32 to index
      %parallel_loop3A_176 = arith.constant 64 : index
      %parallel_loop3A_177 = tpu.vector_load %arg9[%parallel_loop3A_175, %parallel_loop3A_176] {strides = array<i32>} : memref<64x256xf32, #tpu.memory_space<vmem>>, vector<16xf32>,
      tpu.vector_store %arg9[%parallel_loop3A_175, %parallel_loop3A_176], %parallel_loop3A_174 {strides = array<i32>} : memref<64x256xf32, #tpu.memory_space<vmem>>, vector<16xf32>,
      %parallel_loop3A_178 = arith.constant 80 : i32
      %parallel_loop3A_179 = vector.broadcast %parallel_loop3A_178 : i32 to vector<16xi32>
      %parallel_loop3A_180 = arith.addi %iota3A, %parallel_loop3A_179 : vector<16xi32>
      %parallel_loop3A_181 = tpu.vector_load_idx %arg7[%parallel_loop3A_180, %parallel_loop3A_127] : memref<256x64xf32, #tpu.memory_space<vmem>>[vector<16xi32>, vector<16xi32>], vector<16xf32>,
      %parallel_loop3A_182 = arith.constant 8.000000e+00 : f32
      %parallel_loop3A_183 = vector.broadcast %parallel_loop3A_182 : f32 to vector<16xf32>
      %parallel_loop3A_184 = arith.mulf %parallel_loop3A_181, %parallel_loop3A_183 : vector<16xf32>
      %parallel_loop3A_185 = arith.index_cast %parallel_loop3A_123 : i32 to index
      %parallel_loop3A_186 = arith.constant 80 : index
      %parallel_loop3A_187 = tpu.vector_load %arg9[%parallel_loop3A_185, %parallel_loop3A_186] {strides = array<i32>} : memref<64x256xf32, #tpu.memory_space<vmem>>, vector<16xf32>,
      tpu.vector_store %arg9[%parallel_loop3A_185, %parallel_loop3A_186], %parallel_loop3A_184 {strides = array<i32>} : memref<64x256xf32, #tpu.memory_space<vmem>>, vector<16xf32>,
      %parallel_loop3A_188 = arith.constant 96 : i32
      %parallel_loop3A_189 = vector.broadcast %parallel_loop3A_188 : i32 to vector<16xi32>
      %parallel_loop3A_190 = arith.addi %iota3A, %parallel_loop3A_189 : vector<16xi32>
      %parallel_loop3A_191 = tpu.vector_load_idx %arg7[%parallel_loop3A_190, %parallel_loop3A_127] : memref<256x64xf32, #tpu.memory_space<vmem>>[vector<16xi32>, vector<16xi32>], vector<16xf32>,
      %parallel_loop3A_192 = arith.constant 8.000000e+00 : f32
      %parallel_loop3A_193 = vector.broadcast %parallel_loop3A_192 : f32 to vector<16xf32>
      %parallel_loop3A_194 = arith.mulf %parallel_loop3A_191, %parallel_loop3A_193 : vector<16xf32>
      %parallel_loop3A_195 = arith.index_cast %parallel_loop3A_123 : i32 to index
      %parallel_loop3A_196 = arith.constant 96 : index
      %parallel_loop3A_197 = tpu.vector_load %arg9[%parallel_loop3A_195, %parallel_loop3A_196] {strides = array<i32>} : memref<64x256xf32, #tpu.memory_space<vmem>>, vector<16xf32>,
      tpu.vector_store %arg9[%parallel_loop3A_195, %parallel_loop3A_196], %parallel_loop3A_194 {strides = array<i32>} : memref<64x256xf32, #tpu.memory_space<vmem>>, vector<16xf32>,
      %parallel_loop3A_198 = arith.constant 112 : i32
      %parallel_loop3A_199 = vector.broadcast %parallel_loop3A_198 : i32 to vector<16xi32>
      %parallel_loop3A_200 = arith.addi %iota3A, %parallel_loop3A_199 : vector<16xi32>
      %parallel_loop3A_201 = tpu.vector_load_idx %arg7[%parallel_loop3A_200, %parallel_loop3A_127] : memref<256x64xf32, #tpu.memory_space<vmem>>[vector<16xi32>, vector<16xi32>], vector<16xf32>,
      %parallel_loop3A_202 = arith.constant 8.000000e+00 : f32
      %parallel_loop3A_203 = vector.broadcast %parallel_loop3A_202 : f32 to vector<16xf32>
      %parallel_loop3A_204 = arith.mulf %parallel_loop3A_201, %parallel_loop3A_203 : vector<16xf32>
      %parallel_loop3A_205 = arith.index_cast %parallel_loop3A_123 : i32 to index
      %parallel_loop3A_206 = arith.constant 112 : index
      %parallel_loop3A_207 = tpu.vector_load %arg9[%parallel_loop3A_205, %parallel_loop3A_206] {strides = array<i32>} : memref<64x256xf32, #tpu.memory_space<vmem>>, vector<16xf32>,
      tpu.vector_store %arg9[%parallel_loop3A_205, %parallel_loop3A_206], %parallel_loop3A_204 {strides = array<i32>} : memref<64x256xf32, #tpu.memory_space<vmem>>, vector<16xf32>,
      %parallel_loop3A_208 = arith.constant 128 : i32
      %parallel_loop3A_209 = vector.broadcast %parallel_loop3A_208 : i32 to vector<16xi32>
      %parallel_loop3A_210 = arith.addi %iota3A, %parallel_loop3A_209 : vector<16xi32>
      %parallel_loop3A_211 = tpu.vector_load_idx %arg7[%parallel_loop3A_210, %parallel_loop3A_127] : memref<256x64xf32, #tpu.memory_space<vmem>>[vector<16xi32>, vector<16xi32>], vector<16xf32>,
      %parallel_loop3A_212 = arith.constant 8.000000e+00 : f32
      %parallel_loop3A_213 = vector.broadcast %parallel_loop3A_212 : f32 to vector<16xf32>
      %parallel_loop3A_214 = arith.mulf %parallel_loop3A_211, %parallel_loop3A_213 : vector<16xf32>
      %parallel_loop3A_215 = arith.index_cast %parallel_loop3A_123 : i32 to index
      %parallel_loop3A_216 = arith.constant 128 : index
      %parallel_loop3A_217 = tpu.vector_load %arg9[%parallel_loop3A_215, %parallel_loop3A_216] {strides = array<i32>} : memref<64x256xf32, #tpu.memory_space<vmem>>, vector<16xf32>,
      tpu.vector_store %arg9[%parallel_loop3A_215, %parallel_loop3A_216], %parallel_loop3A_214 {strides = array<i32>} : memref<64x256xf32, #tpu.memory_space<vmem>>, vector<16xf32>,
      %parallel_loop3A_218 = arith.constant 144 : i32
      %parallel_loop3A_219 = vector.broadcast %parallel_loop3A_218 : i32 to vector<16xi32>
      %parallel_loop3A_220 = arith.addi %iota3A, %parallel_loop3A_219 : vector<16xi32>
      %parallel_loop3A_221 = tpu.vector_load_idx %arg7[%parallel_loop3A_220, %parallel_loop3A_127] : memref<256x64xf32, #tpu.memory_space<vmem>>[vector<16xi32>, vector<16xi32>], vector<16xf32>,
      %parallel_loop3A_222 = arith.constant 8.000000e+00 : f32
      %parallel_loop3A_223 = vector.broadcast %parallel_loop3A_222 : f32 to vector<16xf32>
      %parallel_loop3A_224 = arith.mulf %parallel_loop3A_221, %parallel_loop3A_223 : vector<16xf32>
      %parallel_loop3A_225 = arith.index_cast %parallel_loop3A_123 : i32 to index
      %parallel_loop3A_226 = arith.constant 144 : index
      %parallel_loop3A_227 = tpu.vector_load %arg9[%parallel_loop3A_225, %parallel_loop3A_226] {strides = array<i32>} : memref<64x256xf32, #tpu.memory_space<vmem>>, vector<16xf32>,
      tpu.vector_store %arg9[%parallel_loop3A_225, %parallel_loop3A_226], %parallel_loop3A_224 {strides = array<i32>} : memref<64x256xf32, #tpu.memory_space<vmem>>, vector<16xf32>,
      %parallel_loop3A_228 = arith.constant 160 : i32
      %parallel_loop3A_229 = vector.broadcast %parallel_loop3A_228 : i32 to vector<16xi32>
      %parallel_loop3A_230 = arith.addi %iota3A, %parallel_loop3A_229 : vector<16xi32>
      %parallel_loop3A_231 = tpu.vector_load_idx %arg7[%parallel_loop3A_230, %parallel_loop3A_127] : memref<256x64xf32, #tpu.memory_space<vmem>>[vector<16xi32>, vector<16xi32>], vector<16xf32>,
      %parallel_loop3A_232 = arith.constant 8.000000e+00 : f32
      %parallel_loop3A_233 = vector.broadcast %parallel_loop3A_232 : f32 to vector<16xf32>
      %parallel_loop3A_234 = arith.mulf %parallel_loop3A_231, %parallel_loop3A_233 : vector<16xf32>
      %parallel_loop3A_235 = arith.index_cast %parallel_loop3A_123 : i32 to index
      %parallel_loop3A_236 = arith.constant 160 : index
      %parallel_loop3A_237 = tpu.vector_load %arg9[%parallel_loop3A_235, %parallel_loop3A_236] {strides = array<i32>} : memref<64x256xf32, #tpu.memory_space<vmem>>, vector<16xf32>,
      tpu.vector_store %arg9[%parallel_loop3A_235, %parallel_loop3A_236], %parallel_loop3A_234 {strides = array<i32>} : memref<64x256xf32, #tpu.memory_space<vmem>>, vector<16xf32>,
      %parallel_loop3A_238 = arith.constant 176 : i32
      %parallel_loop3A_239 = vector.broadcast %parallel_loop3A_238 : i32 to vector<16xi32>
      %parallel_loop3A_240 = arith.addi %iota3A, %parallel_loop3A_239 : vector<16xi32>
      %parallel_loop3A_241 = tpu.vector_load_idx %arg7[%parallel_loop3A_240, %parallel_loop3A_127] : memref<256x64xf32, #tpu.memory_space<vmem>>[vector<16xi32>, vector<16xi32>], vector<16xf32>,
      %parallel_loop3A_242 = arith.constant 8.000000e+00 : f32
      %parallel_loop3A_243 = vector.broadcast %parallel_loop3A_242 : f32 to vector<16xf32>
      %parallel_loop3A_244 = arith.mulf %parallel_loop3A_241, %parallel_loop3A_243 : vector<16xf32>
      %parallel_loop3A_245 = arith.index_cast %parallel_loop3A_123 : i32 to index
      %parallel_loop3A_246 = arith.constant 176 : index
      %parallel_loop3A_247 = tpu.vector_load %arg9[%parallel_loop3A_245, %parallel_loop3A_246] {strides = array<i32>} : memref<64x256xf32, #tpu.memory_space<vmem>>, vector<16xf32>,
      tpu.vector_store %arg9[%parallel_loop3A_245, %parallel_loop3A_246], %parallel_loop3A_244 {strides = array<i32>} : memref<64x256xf32, #tpu.memory_space<vmem>>, vector<16xf32>,
      %parallel_loop3A_248 = arith.constant 192 : i32
      %parallel_loop3A_249 = vector.broadcast %parallel_loop3A_248 : i32 to vector<16xi32>
      %parallel_loop3A_250 = arith.addi %iota3A, %parallel_loop3A_249 : vector<16xi32>
      %parallel_loop3A_251 = tpu.vector_load_idx %arg7[%parallel_loop3A_250, %parallel_loop3A_127] : memref<256x64xf32, #tpu.memory_space<vmem>>[vector<16xi32>, vector<16xi32>], vector<16xf32>,
      %parallel_loop3A_252 = arith.constant 8.000000e+00 : f32
      %parallel_loop3A_253 = vector.broadcast %parallel_loop3A_252 : f32 to vector<16xf32>
      %parallel_loop3A_254 = arith.mulf %parallel_loop3A_251, %parallel_loop3A_253 : vector<16xf32>
      %parallel_loop3A_255 = arith.index_cast %parallel_loop3A_123 : i32 to index
      %parallel_loop3A_256 = arith.constant 192 : index
      %parallel_loop3A_257 = tpu.vector_load %arg9[%parallel_loop3A_255, %parallel_loop3A_256] {strides = array<i32>} : memref<64x256xf32, #tpu.memory_space<vmem>>, vector<16xf32>,
      tpu.vector_store %arg9[%parallel_loop3A_255, %parallel_loop3A_256], %parallel_loop3A_254 {strides = array<i32>} : memref<64x256xf32, #tpu.memory_space<vmem>>, vector<16xf32>,
      %parallel_loop3A_258 = arith.constant 208 : i32
      %parallel_loop3A_259 = vector.broadcast %parallel_loop3A_258 : i32 to vector<16xi32>
      %parallel_loop3A_260 = arith.addi %iota3A, %parallel_loop3A_259 : vector<16xi32>
      %parallel_loop3A_261 = tpu.vector_load_idx %arg7[%parallel_loop3A_260, %parallel_loop3A_127] : memref<256x64xf32, #tpu.memory_space<vmem>>[vector<16xi32>, vector<16xi32>], vector<16xf32>,
      %parallel_loop3A_262 = arith.constant 8.000000e+00 : f32
      %parallel_loop3A_263 = vector.broadcast %parallel_loop3A_262 : f32 to vector<16xf32>
      %parallel_loop3A_264 = arith.mulf %parallel_loop3A_261, %parallel_loop3A_263 : vector<16xf32>
      %parallel_loop3A_265 = arith.index_cast %parallel_loop3A_123 : i32 to index
      %parallel_loop3A_266 = arith.constant 208 : index
      %parallel_loop3A_267 = tpu.vector_load %arg9[%parallel_loop3A_265, %parallel_loop3A_266] {strides = array<i32>} : memref<64x256xf32, #tpu.memory_space<vmem>>, vector<16xf32>,
      tpu.vector_store %arg9[%parallel_loop3A_265, %parallel_loop3A_266], %parallel_loop3A_264 {strides = array<i32>} : memref<64x256xf32, #tpu.memory_space<vmem>>, vector<16xf32>,
      %parallel_loop3A_268 = arith.constant 224 : i32
      %parallel_loop3A_269 = vector.broadcast %parallel_loop3A_268 : i32 to vector<16xi32>
      %parallel_loop3A_270 = arith.addi %iota3A, %parallel_loop3A_269 : vector<16xi32>
      %parallel_loop3A_271 = tpu.vector_load_idx %arg7[%parallel_loop3A_270, %parallel_loop3A_127] : memref<256x64xf32, #tpu.memory_space<vmem>>[vector<16xi32>, vector<16xi32>], vector<16xf32>,
      %parallel_loop3A_272 = arith.constant 8.000000e+00 : f32
      %parallel_loop3A_273 = vector.broadcast %parallel_loop3A_272 : f32 to vector<16xf32>
      %parallel_loop3A_274 = arith.mulf %parallel_loop3A_271, %parallel_loop3A_273 : vector<16xf32>
      %parallel_loop3A_275 = arith.index_cast %parallel_loop3A_123 : i32 to index
      %parallel_loop3A_276 = arith.constant 224 : index
      %parallel_loop3A_277 = tpu.vector_load %arg9[%parallel_loop3A_275, %parallel_loop3A_276] {strides = array<i32>} : memref<64x256xf32, #tpu.memory_space<vmem>>, vector<16xf32>,
      tpu.vector_store %arg9[%parallel_loop3A_275, %parallel_loop3A_276], %parallel_loop3A_274 {strides = array<i32>} : memref<64x256xf32, #tpu.memory_space<vmem>>, vector<16xf32>,
      %parallel_loop3A_278 = arith.constant 240 : i32
      %parallel_loop3A_279 = vector.broadcast %parallel_loop3A_278 : i32 to vector<16xi32>
      %parallel_loop3A_280 = arith.addi %iota3A, %parallel_loop3A_279 : vector<16xi32>
      %parallel_loop3A_281 = tpu.vector_load_idx %arg7[%parallel_loop3A_280, %parallel_loop3A_127] : memref<256x64xf32, #tpu.memory_space<vmem>>[vector<16xi32>, vector<16xi32>], vector<16xf32>,
      %parallel_loop3A_282 = arith.constant 8.000000e+00 : f32
      %parallel_loop3A_283 = vector.broadcast %parallel_loop3A_282 : f32 to vector<16xf32>
      %parallel_loop3A_284 = arith.mulf %parallel_loop3A_281, %parallel_loop3A_283 : vector<16xf32>
      %parallel_loop3A_285 = arith.index_cast %parallel_loop3A_123 : i32 to index
      %parallel_loop3A_286 = arith.constant 240 : index
      %parallel_loop3A_287 = tpu.vector_load %arg9[%parallel_loop3A_285, %parallel_loop3A_286] {strides = array<i32>} : memref<64x256xf32, #tpu.memory_space<vmem>>, vector<16xf32>,
      tpu.vector_store %arg9[%parallel_loop3A_285, %parallel_loop3A_286], %parallel_loop3A_284 {strides = array<i32>} : memref<64x256xf32, #tpu.memory_space<vmem>>, vector<16xf32>,
    } {sc.loop_unroll_factor = 2 : i64, sc.parallel_access}
    %add3A_21 = arith.constant 0 : i32
    %add3A_22 = arith.addi %mul3A_2, %add3A_21 : i32
    %dma_start3A_23 = arith.constant 0 : i32
    %dma_start3A_24 = arith.constant 0 : i32
    %dma_start3A_25 = tpu.memref_slice %arg4[%dma_start3A_23, %dma_start3A_24, %add3A_22] : memref<50x64x16384xf32, #tpu.memory_space<hbm>> -> memref<1x64x256xf32, #tpu.memory_space<hbm>>
    %dma_start3A_26 = tpu.memref_squeeze %dma_start3A_25 : memref<1x64x256xf32, #tpu.memory_space<hbm>> -> memref<64x256xf32, #tpu.memory_space<hbm>>
    %dma_start3A_27 = arith.constant 0 : i32
    %dma_start3A_28 = tpu.memref_slice %arg4[%dma_start3A_23, %dma_start3A_27, %add3A_22] : memref<50x64x16384xf32, #tpu.memory_space<hbm>> -> memref<1x64x256xf32, #tpu.memory_space<hbm>>
    %dma_start3A_29 = tpu.memref_squeeze %dma_start3A_28 : memref<1x64x256xf32, #tpu.memory_space<hbm>> -> memref<64x256xf32, #tpu.memory_space<hbm>>
    tpu.enqueue_dma source(%arg9 : memref<64x256xf32, #tpu.memory_space<vmem>>) target(%dma_start3A_29 : memref<64x256xf32, #tpu.memory_space<hbm>>) target_semaphore(%arg13 : memref<!tpu.dma_semaphore, #tpu.memory_space<semaphore_mem>>)
    %dma_start3A_30 = arith.constant 512 : i32
    %dma_start3A_31 = tpu.memref_slice %arg6[%dma_start3A_30] : memref<25600xi32, #tpu.memory_space<vmem>> -> memref<256xi32, #tpu.memory_space<vmem>>
    %dma_start3A_32 = arith.constant 0 : i32
    %dma_start3A_33 = arith.constant 0 : i32
    %dma_start3A_34 = tpu.memref_slice %arg3[%dma_start3A_32, %dma_start3A_33] : memref<1000000x64xf32, #tpu.memory_space<hbm>> -> memref<1000000x64xf32, #tpu.memory_space<hbm>>
    tpu.enqueue_indirect_dma source(%dma_start3A_34 : memref<1000000x64xf32, #tpu.memory_space<hbm>>) target(%arg7 : memref<256x64xf32, #tpu.memory_space<vmem>>) offsets(%dma_start3A_31 : memref<256xi32, #tpu.memory_space<vmem>>) semaphore(%arg11 : memref<!tpu.dma_semaphore, #tpu.memory_space<semaphore_mem>>)
    %dma_wait3A_35 = arith.constant 0 : i32
    %dma_wait3A_36 = tpu.memref_slice %arg6[%dma_wait3A_35] : memref<25600xi32, #tpu.memory_space<vmem>> -> memref<256xi32, #tpu.memory_space<vmem>>
    %dma_wait3A_37 = arith.constant 0 : i32
    %dma_wait3A_38 = arith.constant 0 : i32
    %dma_wait3A_39 = tpu.memref_slice %arg3[%dma_wait3A_37, %dma_wait3A_38] : memref<1000000x64xf32, #tpu.memory_space<hbm>> -> memref<1000000x64xf32, #tpu.memory_space<hbm>>
    tpu.wait_indirect_dma semaphore(%arg12 : memref<!tpu.dma_semaphore, #tpu.memory_space<semaphore_mem>>) src(%dma_wait3A_39 : memref<1000000x64xf32, #tpu.memory_space<hbm>>) dst(%arg8 : memref<256x64xf32, #tpu.memory_space<vmem>>)
    %parallel_loop3A_40 = arith.constant 0 : i32
    %parallel_loop3A_41 = arith.constant 64 : i32
    %parallel_loop3A_42 = arith.constant 1 : i32
    scf.for %parallel_loop3A_123 = %parallel_loop3A_40 to %parallel_loop3A_41 step %parallel_loop3A_42  : i32 {
      %parallel_loop3A_124 = arith.constant 0 : i32
      %parallel_loop3A_125 = vector.broadcast %parallel_loop3A_124 : i32 to vector<16xi32>
      %parallel_loop3A_126 = vector.broadcast %parallel_loop3A_123 : i32 to vector<16xi32>
      %parallel_loop3A_127 = arith.addi %parallel_loop3A_125, %parallel_loop3A_126 : vector<16xi32>
      %parallel_loop3A_128 = arith.constant 0 : i32
      %parallel_loop3A_129 = vector.broadcast %parallel_loop3A_128 : i32 to vector<16xi32>
      %parallel_loop3A_130 = arith.addi %iota3A, %parallel_loop3A_129 : vector<16xi32>
      %parallel_loop3A_131 = tpu.vector_load_idx %arg8[%parallel_loop3A_130, %parallel_loop3A_127] : memref<256x64xf32, #tpu.memory_space<vmem>>[vector<16xi32>, vector<16xi32>], vector<16xf32>,
      %parallel_loop3A_132 = arith.constant 8.000000e+00 : f32
      %parallel_loop3A_133 = vector.broadcast %parallel_loop3A_132 : f32 to vector<16xf32>
      %parallel_loop3A_134 = arith.mulf %parallel_loop3A_131, %parallel_loop3A_133 : vector<16xf32>
      %parallel_loop3A_135 = arith.index_cast %parallel_loop3A_123 : i32 to index
      %parallel_loop3A_136 = arith.constant 0 : index
      %parallel_loop3A_137 = tpu.vector_load %arg10[%parallel_loop3A_135, %parallel_loop3A_136] {strides = array<i32>} : memref<64x256xf32, #tpu.memory_space<vmem>>, vector<16xf32>,
      tpu.vector_store %arg10[%parallel_loop3A_135, %parallel_loop3A_136], %parallel_loop3A_134 {strides = array<i32>} : memref<64x256xf32, #tpu.memory_space<vmem>>, vector<16xf32>,
      %parallel_loop3A_138 = arith.constant 16 : i32
      %parallel_loop3A_139 = vector.broadcast %parallel_loop3A_138 : i32 to vector<16xi32>
      %parallel_loop3A_140 = arith.addi %iota3A, %parallel_loop3A_139 : vector<16xi32>
      %parallel_loop3A_141 = tpu.vector_load_idx %arg8[%parallel_loop3A_140, %parallel_loop3A_127] : memref<256x64xf32, #tpu.memory_space<vmem>>[vector<16xi32>, vector<16xi32>], vector<16xf32>,
      %parallel_loop3A_142 = arith.constant 8.000000e+00 : f32
      %parallel_loop3A_143 = vector.broadcast %parallel_loop3A_142 : f32 to vector<16xf32>
      %parallel_loop3A_144 = arith.mulf %parallel_loop3A_141, %parallel_loop3A_143 : vector<16xf32>
      %parallel_loop3A_145 = arith.index_cast %parallel_loop3A_123 : i32 to index
      %parallel_loop3A_146 = arith.constant 16 : index
      %parallel_loop3A_147 = tpu.vector_load %arg10[%parallel_loop3A_145, %parallel_loop3A_146] {strides = array<i32>} : memref<64x256xf32, #tpu.memory_space<vmem>>, vector<16xf32>,
      tpu.vector_store %arg10[%parallel_loop3A_145, %parallel_loop3A_146], %parallel_loop3A_144 {strides = array<i32>} : memref<64x256xf32, #tpu.memory_space<vmem>>, vector<16xf32>,
      %parallel_loop3A_148 = arith.constant 32 : i32
      %parallel_loop3A_149 = vector.broadcast %parallel_loop3A_148 : i32 to vector<16xi32>
      %parallel_loop3A_150 = arith.addi %iota3A, %parallel_loop3A_149 : vector<16xi32>
      %parallel_loop3A_151 = tpu.vector_load_idx %arg8[%parallel_loop3A_150, %parallel_loop3A_127] : memref<256x64xf32, #tpu.memory_space<vmem>>[vector<16xi32>, vector<16xi32>], vector<16xf32>,
      %parallel_loop3A_152 = arith.constant 8.000000e+00 : f32
      %parallel_loop3A_153 = vector.broadcast %parallel_loop3A_152 : f32 to vector<16xf32>
      %parallel_loop3A_154 = arith.mulf %parallel_loop3A_151, %parallel_loop3A_153 : vector<16xf32>
      %parallel_loop3A_155 = arith.index_cast %parallel_loop3A_123 : i32 to index
      %parallel_loop3A_156 = arith.constant 32 : index
      %parallel_loop3A_157 = tpu.vector_load %arg10[%parallel_loop3A_155, %parallel_loop3A_156] {strides = array<i32>} : memref<64x256xf32, #tpu.memory_space<vmem>>, vector<16xf32>,
      tpu.vector_store %arg10[%parallel_loop3A_155, %parallel_loop3A_156], %parallel_loop3A_154 {strides = array<i32>} : memref<64x256xf32, #tpu.memory_space<vmem>>, vector<16xf32>,
      %parallel_loop3A_158 = arith.constant 48 : i32
      %parallel_loop3A_159 = vector.broadcast %parallel_loop3A_158 : i32 to vector<16xi32>
      %parallel_loop3A_160 = arith.addi %iota3A, %parallel_loop3A_159 : vector<16xi32>
      %parallel_loop3A_161 = tpu.vector_load_idx %arg8[%parallel_loop3A_160, %parallel_loop3A_127] : memref<256x64xf32, #tpu.memory_space<vmem>>[vector<16xi32>, vector<16xi32>], vector<16xf32>,
      %parallel_loop3A_162 = arith.constant 8.000000e+00 : f32
      %parallel_loop3A_163 = vector.broadcast %parallel_loop3A_162 : f32 to vector<16xf32>
      %parallel_loop3A_164 = arith.mulf %parallel_loop3A_161, %parallel_loop3A_163 : vector<16xf32>
      %parallel_loop3A_165 = arith.index_cast %parallel_loop3A_123 : i32 to index
      %parallel_loop3A_166 = arith.constant 48 : index
      %parallel_loop3A_167 = tpu.vector_load %arg10[%parallel_loop3A_165, %parallel_loop3A_166] {strides = array<i32>} : memref<64x256xf32, #tpu.memory_space<vmem>>, vector<16xf32>,
      tpu.vector_store %arg10[%parallel_loop3A_165, %parallel_loop3A_166], %parallel_loop3A_164 {strides = array<i32>} : memref<64x256xf32, #tpu.memory_space<vmem>>, vector<16xf32>,
      %parallel_loop3A_168 = arith.constant 64 : i32
      %parallel_loop3A_169 = vector.broadcast %parallel_loop3A_168 : i32 to vector<16xi32>
      %parallel_loop3A_170 = arith.addi %iota3A, %parallel_loop3A_169 : vector<16xi32>
      %parallel_loop3A_171 = tpu.vector_load_idx %arg8[%parallel_loop3A_170, %parallel_loop3A_127] : memref<256x64xf32, #tpu.memory_space<vmem>>[vector<16xi32>, vector<16xi32>], vector<16xf32>,
      %parallel_loop3A_172 = arith.constant 8.000000e+00 : f32
      %parallel_loop3A_173 = vector.broadcast %parallel_loop3A_172 : f32 to vector<16xf32>
      %parallel_loop3A_174 = arith.mulf %parallel_loop3A_171, %parallel_loop3A_173 : vector<16xf32>
      %parallel_loop3A_175 = arith.index_cast %parallel_loop3A_123 : i32 to index
      %parallel_loop3A_176 = arith.constant 64 : index
      %parallel_loop3A_177 = tpu.vector_load %arg10[%parallel_loop3A_175, %parallel_loop3A_176] {strides = array<i32>} : memref<64x256xf32, #tpu.memory_space<vmem>>, vector<16xf32>,
      tpu.vector_store %arg10[%parallel_loop3A_175, %parallel_loop3A_176], %parallel_loop3A_174 {strides = array<i32>} : memref<64x256xf32, #tpu.memory_space<vmem>>, vector<16xf32>,
      %parallel_loop3A_178 = arith.constant 80 : i32
      %parallel_loop3A_179 = vector.broadcast %parallel_loop3A_178 : i32 to vector<16xi32>
      %parallel_loop3A_180 = arith.addi %iota3A, %parallel_loop3A_179 : vector<16xi32>
      %parallel_loop3A_181 = tpu.vector_load_idx %arg8[%parallel_loop3A_180, %parallel_loop3A_127] : memref<256x64xf32, #tpu.memory_space<vmem>>[vector<16xi32>, vector<16xi32>], vector<16xf32>,
      %parallel_loop3A_182 = arith.constant 8.000000e+00 : f32
      %parallel_loop3A_183 = vector.broadcast %parallel_loop3A_182 : f32 to vector<16xf32>
      %parallel_loop3A_184 = arith.mulf %parallel_loop3A_181, %parallel_loop3A_183 : vector<16xf32>
      %parallel_loop3A_185 = arith.index_cast %parallel_loop3A_123 : i32 to index
      %parallel_loop3A_186 = arith.constant 80 : index
      %parallel_loop3A_187 = tpu.vector_load %arg10[%parallel_loop3A_185, %parallel_loop3A_186] {strides = array<i32>} : memref<64x256xf32, #tpu.memory_space<vmem>>, vector<16xf32>,
      tpu.vector_store %arg10[%parallel_loop3A_185, %parallel_loop3A_186], %parallel_loop3A_184 {strides = array<i32>} : memref<64x256xf32, #tpu.memory_space<vmem>>, vector<16xf32>,
      %parallel_loop3A_188 = arith.constant 96 : i32
      %parallel_loop3A_189 = vector.broadcast %parallel_loop3A_188 : i32 to vector<16xi32>
      %parallel_loop3A_190 = arith.addi %iota3A, %parallel_loop3A_189 : vector<16xi32>
      %parallel_loop3A_191 = tpu.vector_load_idx %arg8[%parallel_loop3A_190, %parallel_loop3A_127] : memref<256x64xf32, #tpu.memory_space<vmem>>[vector<16xi32>, vector<16xi32>], vector<16xf32>,
      %parallel_loop3A_192 = arith.constant 8.000000e+00 : f32
      %parallel_loop3A_193 = vector.broadcast %parallel_loop3A_192 : f32 to vector<16xf32>
      %parallel_loop3A_194 = arith.mulf %parallel_loop3A_191, %parallel_loop3A_193 : vector<16xf32>
      %parallel_loop3A_195 = arith.index_cast %parallel_loop3A_123 : i32 to index
      %parallel_loop3A_196 = arith.constant 96 : index
      %parallel_loop3A_197 = tpu.vector_load %arg10[%parallel_loop3A_195, %parallel_loop3A_196] {strides = array<i32>} : memref<64x256xf32, #tpu.memory_space<vmem>>, vector<16xf32>,
      tpu.vector_store %arg10[%parallel_loop3A_195, %parallel_loop3A_196], %parallel_loop3A_194 {strides = array<i32>} : memref<64x256xf32, #tpu.memory_space<vmem>>, vector<16xf32>,
      %parallel_loop3A_198 = arith.constant 112 : i32
      %parallel_loop3A_199 = vector.broadcast %parallel_loop3A_198 : i32 to vector<16xi32>
      %parallel_loop3A_200 = arith.addi %iota3A, %parallel_loop3A_199 : vector<16xi32>
      %parallel_loop3A_201 = tpu.vector_load_idx %arg8[%parallel_loop3A_200, %parallel_loop3A_127] : memref<256x64xf32, #tpu.memory_space<vmem>>[vector<16xi32>, vector<16xi32>], vector<16xf32>,
      %parallel_loop3A_202 = arith.constant 8.000000e+00 : f32
      %parallel_loop3A_203 = vector.broadcast %parallel_loop3A_202 : f32 to vector<16xf32>
      %parallel_loop3A_204 = arith.mulf %parallel_loop3A_201, %parallel_loop3A_203 : vector<16xf32>
      %parallel_loop3A_205 = arith.index_cast %parallel_loop3A_123 : i32 to index
      %parallel_loop3A_206 = arith.constant 112 : index
      %parallel_loop3A_207 = tpu.vector_load %arg10[%parallel_loop3A_205, %parallel_loop3A_206] {strides = array<i32>} : memref<64x256xf32, #tpu.memory_space<vmem>>, vector<16xf32>,
      tpu.vector_store %arg10[%parallel_loop3A_205, %parallel_loop3A_206], %parallel_loop3A_204 {strides = array<i32>} : memref<64x256xf32, #tpu.memory_space<vmem>>, vector<16xf32>,
      %parallel_loop3A_208 = arith.constant 128 : i32
      %parallel_loop3A_209 = vector.broadcast %parallel_loop3A_208 : i32 to vector<16xi32>
      %parallel_loop3A_210 = arith.addi %iota3A, %parallel_loop3A_209 : vector<16xi32>
      %parallel_loop3A_211 = tpu.vector_load_idx %arg8[%parallel_loop3A_210, %parallel_loop3A_127] : memref<256x64xf32, #tpu.memory_space<vmem>>[vector<16xi32>, vector<16xi32>], vector<16xf32>,
      %parallel_loop3A_212 = arith.constant 8.000000e+00 : f32
      %parallel_loop3A_213 = vector.broadcast %parallel_loop3A_212 : f32 to vector<16xf32>
      %parallel_loop3A_214 = arith.mulf %parallel_loop3A_211, %parallel_loop3A_213 : vector<16xf32>
      %parallel_loop3A_215 = arith.index_cast %parallel_loop3A_123 : i32 to index
      %parallel_loop3A_216 = arith.constant 128 : index
      %parallel_loop3A_217 = tpu.vector_load %arg10[%parallel_loop3A_215, %parallel_loop3A_216] {strides = array<i32>} : memref<64x256xf32, #tpu.memory_space<vmem>>, vector<16xf32>,
      tpu.vector_store %arg10[%parallel_loop3A_215, %parallel_loop3A_216], %parallel_loop3A_214 {strides = array<i32>} : memref<64x256xf32, #tpu.memory_space<vmem>>, vector<16xf32>,
      %parallel_loop3A_218 = arith.constant 144 : i32
      %parallel_loop3A_219 = vector.broadcast %parallel_loop3A_218 : i32 to vector<16xi32>
      %parallel_loop3A_220 = arith.addi %iota3A, %parallel_loop3A_219 : vector<16xi32>
      %parallel_loop3A_221 = tpu.vector_load_idx %arg8[%parallel_loop3A_220, %parallel_loop3A_127] : memref<256x64xf32, #tpu.memory_space<vmem>>[vector<16xi32>, vector<16xi32>], vector<16xf32>,
      %parallel_loop3A_222 = arith.constant 8.000000e+00 : f32
      %parallel_loop3A_223 = vector.broadcast %parallel_loop3A_222 : f32 to vector<16xf32>
      %parallel_loop3A_224 = arith.mulf %parallel_loop3A_221, %parallel_loop3A_223 : vector<16xf32>
      %parallel_loop3A_225 = arith.index_cast %parallel_loop3A_123 : i32 to index
      %parallel_loop3A_226 = arith.constant 144 : index
      %parallel_loop3A_227 = tpu.vector_load %arg10[%parallel_loop3A_225, %parallel_loop3A_226] {strides = array<i32>} : memref<64x256xf32, #tpu.memory_space<vmem>>, vector<16xf32>,
      tpu.vector_store %arg10[%parallel_loop3A_225, %parallel_loop3A_226], %parallel_loop3A_224 {strides = array<i32>} : memref<64x256xf32, #tpu.memory_space<vmem>>, vector<16xf32>,
      %parallel_loop3A_228 = arith.constant 160 : i32
      %parallel_loop3A_229 = vector.broadcast %parallel_loop3A_228 : i32 to vector<16xi32>
      %parallel_loop3A_230 = arith.addi %iota3A, %parallel_loop3A_229 : vector<16xi32>
      %parallel_loop3A_231 = tpu.vector_load_idx %arg8[%parallel_loop3A_230, %parallel_loop3A_127] : memref<256x64xf32, #tpu.memory_space<vmem>>[vector<16xi32>, vector<16xi32>], vector<16xf32>,
      %parallel_loop3A_232 = arith.constant 8.000000e+00 : f32
      %parallel_loop3A_233 = vector.broadcast %parallel_loop3A_232 : f32 to vector<16xf32>
      %parallel_loop3A_234 = arith.mulf %parallel_loop3A_231, %parallel_loop3A_233 : vector<16xf32>
      %parallel_loop3A_235 = arith.index_cast %parallel_loop3A_123 : i32 to index
      %parallel_loop3A_236 = arith.constant 160 : index
      %parallel_loop3A_237 = tpu.vector_load %arg10[%parallel_loop3A_235, %parallel_loop3A_236] {strides = array<i32>} : memref<64x256xf32, #tpu.memory_space<vmem>>, vector<16xf32>,
      tpu.vector_store %arg10[%parallel_loop3A_235, %parallel_loop3A_236], %parallel_loop3A_234 {strides = array<i32>} : memref<64x256xf32, #tpu.memory_space<vmem>>, vector<16xf32>,
      %parallel_loop3A_238 = arith.constant 176 : i32
      %parallel_loop3A_239 = vector.broadcast %parallel_loop3A_238 : i32 to vector<16xi32>
      %parallel_loop3A_240 = arith.addi %iota3A, %parallel_loop3A_239 : vector<16xi32>
      %parallel_loop3A_241 = tpu.vector_load_idx %arg8[%parallel_loop3A_240, %parallel_loop3A_127] : memref<256x64xf32, #tpu.memory_space<vmem>>[vector<16xi32>, vector<16xi32>], vector<16xf32>,
      %parallel_loop3A_242 = arith.constant 8.000000e+00 : f32
      %parallel_loop3A_243 = vector.broadcast %parallel_loop3A_242 : f32 to vector<16xf32>
      %parallel_loop3A_244 = arith.mulf %parallel_loop3A_241, %parallel_loop3A_243 : vector<16xf32>
      %parallel_loop3A_245 = arith.index_cast %parallel_loop3A_123 : i32 to index
      %parallel_loop3A_246 = arith.constant 176 : index
      %parallel_loop3A_247 = tpu.vector_load %arg10[%parallel_loop3A_245, %parallel_loop3A_246] {strides = array<i32>} : memref<64x256xf32, #tpu.memory_space<vmem>>, vector<16xf32>,
      tpu.vector_store %arg10[%parallel_loop3A_245, %parallel_loop3A_246], %parallel_loop3A_244 {strides = array<i32>} : memref<64x256xf32, #tpu.memory_space<vmem>>, vector<16xf32>,
      %parallel_loop3A_248 = arith.constant 192 : i32
      %parallel_loop3A_249 = vector.broadcast %parallel_loop3A_248 : i32 to vector<16xi32>
      %parallel_loop3A_250 = arith.addi %iota3A, %parallel_loop3A_249 : vector<16xi32>
      %parallel_loop3A_251 = tpu.vector_load_idx %arg8[%parallel_loop3A_250, %parallel_loop3A_127] : memref<256x64xf32, #tpu.memory_space<vmem>>[vector<16xi32>, vector<16xi32>], vector<16xf32>,
      %parallel_loop3A_252 = arith.constant 8.000000e+00 : f32
      %parallel_loop3A_253 = vector.broadcast %parallel_loop3A_252 : f32 to vector<16xf32>
      %parallel_loop3A_254 = arith.mulf %parallel_loop3A_251, %parallel_loop3A_253 : vector<16xf32>
      %parallel_loop3A_255 = arith.index_cast %parallel_loop3A_123 : i32 to index
      %parallel_loop3A_256 = arith.constant 192 : index
      %parallel_loop3A_257 = tpu.vector_load %arg10[%parallel_loop3A_255, %parallel_loop3A_256] {strides = array<i32>} : memref<64x256xf32, #tpu.memory_space<vmem>>, vector<16xf32>,
      tpu.vector_store %arg10[%parallel_loop3A_255, %parallel_loop3A_256], %parallel_loop3A_254 {strides = array<i32>} : memref<64x256xf32, #tpu.memory_space<vmem>>, vector<16xf32>,
      %parallel_loop3A_258 = arith.constant 208 : i32
      %parallel_loop3A_259 = vector.broadcast %parallel_loop3A_258 : i32 to vector<16xi32>
      %parallel_loop3A_260 = arith.addi %iota3A, %parallel_loop3A_259 : vector<16xi32>
      %parallel_loop3A_261 = tpu.vector_load_idx %arg8[%parallel_loop3A_260, %parallel_loop3A_127] : memref<256x64xf32, #tpu.memory_space<vmem>>[vector<16xi32>, vector<16xi32>], vector<16xf32>,
      %parallel_loop3A_262 = arith.constant 8.000000e+00 : f32
      %parallel_loop3A_263 = vector.broadcast %parallel_loop3A_262 : f32 to vector<16xf32>
      %parallel_loop3A_264 = arith.mulf %parallel_loop3A_261, %parallel_loop3A_263 : vector<16xf32>
      %parallel_loop3A_265 = arith.index_cast %parallel_loop3A_123 : i32 to index
      %parallel_loop3A_266 = arith.constant 208 : index
      %parallel_loop3A_267 = tpu.vector_load %arg10[%parallel_loop3A_265, %parallel_loop3A_266] {strides = array<i32>} : memref<64x256xf32, #tpu.memory_space<vmem>>, vector<16xf32>,
      tpu.vector_store %arg10[%parallel_loop3A_265, %parallel_loop3A_266], %parallel_loop3A_264 {strides = array<i32>} : memref<64x256xf32, #tpu.memory_space<vmem>>, vector<16xf32>,
      %parallel_loop3A_268 = arith.constant 224 : i32
      %parallel_loop3A_269 = vector.broadcast %parallel_loop3A_268 : i32 to vector<16xi32>
      %parallel_loop3A_270 = arith.addi %iota3A, %parallel_loop3A_269 : vector<16xi32>
      %parallel_loop3A_271 = tpu.vector_load_idx %arg8[%parallel_loop3A_270, %parallel_loop3A_127] : memref<256x64xf32, #tpu.memory_space<vmem>>[vector<16xi32>, vector<16xi32>], vector<16xf32>,
      %parallel_loop3A_272 = arith.constant 8.000000e+00 : f32
      %parallel_loop3A_273 = vector.broadcast %parallel_loop3A_272 : f32 to vector<16xf32>
      %parallel_loop3A_274 = arith.mulf %parallel_loop3A_271, %parallel_loop3A_273 : vector<16xf32>
      %parallel_loop3A_275 = arith.index_cast %parallel_loop3A_123 : i32 to index
      %parallel_loop3A_276 = arith.constant 224 : index
      %parallel_loop3A_277 = tpu.vector_load %arg10[%parallel_loop3A_275, %parallel_loop3A_276] {strides = array<i32>} : memref<64x256xf32, #tpu.memory_space<vmem>>, vector<16xf32>,
      tpu.vector_store %arg10[%parallel_loop3A_275, %parallel_loop3A_276], %parallel_loop3A_274 {strides = array<i32>} : memref<64x256xf32, #tpu.memory_space<vmem>>, vector<16xf32>,
      %parallel_loop3A_278 = arith.constant 240 : i32
      %parallel_loop3A_279 = vector.broadcast %parallel_loop3A_278 : i32 to vector<16xi32>
      %parallel_loop3A_280 = arith.addi %iota3A, %parallel_loop3A_279 : vector<16xi32>
      %parallel_loop3A_281 = tpu.vector_load_idx %arg8[%parallel_loop3A_280, %parallel_loop3A_127] : memref<256x64xf32, #tpu.memory_space<vmem>>[vector<16xi32>, vector<16xi32>], vector<16xf32>,
      %parallel_loop3A_282 = arith.constant 8.000000e+00 : f32
      %parallel_loop3A_283 = vector.broadcast %parallel_loop3A_282 : f32 to vector<16xf32>
      %parallel_loop3A_284 = arith.mulf %parallel_loop3A_281, %parallel_loop3A_283 : vector<16xf32>
      %parallel_loop3A_285 = arith.index_cast %parallel_loop3A_123 : i32 to index
      %parallel_loop3A_286 = arith.constant 240 : index
      %parallel_loop3A_287 = tpu.vector_load %arg10[%parallel_loop3A_285, %parallel_loop3A_286] {strides = array<i32>} : memref<64x256xf32, #tpu.memory_space<vmem>>, vector<16xf32>,
      tpu.vector_store %arg10[%parallel_loop3A_285, %parallel_loop3A_286], %parallel_loop3A_284 {strides = array<i32>} : memref<64x256xf32, #tpu.memory_space<vmem>>, vector<16xf32>,
    } {sc.loop_unroll_factor = 2 : i64, sc.parallel_access}
    %add3A_43 = arith.constant 256 : i32
    %add3A_44 = arith.addi %mul3A_2, %add3A_43 : i32
    %dma_start3A_45 = arith.constant 0 : i32
    %dma_start3A_46 = arith.constant 0 : i32
    %dma_start3A_47 = tpu.memref_slice %arg4[%dma_start3A_45, %dma_start3A_46, %add3A_44] : memref<50x64x16384xf32, #tpu.memory_space<hbm>> -> memref<1x64x256xf32, #tpu.memory_space<hbm>>
    %dma_start3A_48 = tpu.memref_squeeze %dma_start3A_47 : memref<1x64x256xf32, #tpu.memory_space<hbm>> -> memref<64x256xf32, #tpu.memory_space<hbm>>
    %dma_start3A_49 = arith.constant 0 : i32
    %dma_start3A_50 = tpu.memref_slice %arg4[%dma_start3A_45, %dma_start3A_49, %add3A_44] : memref<50x64x16384xf32, #tpu.memory_space<hbm>> -> memref<1x64x256xf32, #tpu.memory_space<hbm>>
    %dma_start3A_51 = tpu.memref_squeeze %dma_start3A_50 : memref<1x64x256xf32, #tpu.memory_space<hbm>> -> memref<64x256xf32, #tpu.memory_space<hbm>>
    tpu.enqueue_dma source(%arg10 : memref<64x256xf32, #tpu.memory_space<vmem>>) target(%dma_start3A_51 : memref<64x256xf32, #tpu.memory_space<hbm>>) target_semaphore(%arg14 : memref<!tpu.dma_semaphore, #tpu.memory_space<semaphore_mem>>)
    %dma_start3A_52 = arith.constant 768 : i32
    %dma_start3A_53 = tpu.memref_slice %arg6[%dma_start3A_52] : memref<25600xi32, #tpu.memory_space<vmem>> -> memref<256xi32, #tpu.memory_space<vmem>>
    %dma_start3A_54 = arith.constant 0 : i32
    %dma_start3A_55 = arith.constant 0 : i32
    %dma_start3A_56 = tpu.memref_slice %arg3[%dma_start3A_54, %dma_start3A_55] : memref<1000000x64xf32, #tpu.memory_space<hbm>> -> memref<1000000x64xf32, #tpu.memory_space<hbm>>
    tpu.enqueue_indirect_dma source(%dma_start3A_56 : memref<1000000x64xf32, #tpu.memory_space<hbm>>) target(%arg8 : memref<256x64xf32, #tpu.memory_space<vmem>>) offsets(%dma_start3A_53 : memref<256xi32, #tpu.memory_space<vmem>>) semaphore(%arg12 : memref<!tpu.dma_semaphore, #tpu.memory_space<semaphore_mem>>)
    %scan3A = arith.constant 0 : i32
    %scan3A_57 = arith.constant 48 : i32
    %scan3A_58 = arith.addi %scan3A, %scan3A_57 : i32
    %scan3A_59 = arith.constant 1 : i32
    scf.for %scan3A_123 = %scan3A to %scan3A_58 step %scan3A_59  : i32 {
      %mul3A_124 = arith.constant 2 : i32
      %mul3A_125 = arith.muli %scan3A_123, %mul3A_124 : i32
      %add3A_126 = arith.constant 2 : i32
      %add3A_127 = arith.addi %add3A_126, %mul3A_125 : i32
      %add3A_128 = arith.constant 0 : i32
      %add3A_129 = arith.addi %add3A_127, %add3A_128 : i32
      %dma_wait3A_130 = arith.constant 0 : i32
      %dma_wait3A_131 = tpu.memref_slice %arg6[%dma_wait3A_130] : memref<25600xi32, #tpu.memory_space<vmem>> -> memref<256xi32, #tpu.memory_space<vmem>>
      %dma_wait3A_132 = arith.constant 0 : i32
      %dma_wait3A_133 = arith.constant 0 : i32
      %dma_wait3A_134 = tpu.memref_slice %arg3[%dma_wait3A_132, %dma_wait3A_133] : memref<1000000x64xf32, #tpu.memory_space<hbm>> -> memref<1000000x64xf32, #tpu.memory_space<hbm>>
      tpu.wait_indirect_dma semaphore(%arg11 : memref<!tpu.dma_semaphore, #tpu.memory_space<semaphore_mem>>) src(%dma_wait3A_134 : memref<1000000x64xf32, #tpu.memory_space<hbm>>) dst(%arg7 : memref<256x64xf32, #tpu.memory_space<vmem>>)
      %dma_wait3A_135 = arith.constant 0 : i32
      %dma_wait3A_136 = arith.constant 0 : i32
      %dma_wait3A_137 = tpu.memref_slice %arg4[%dma_wait3A_135, %dma_wait3A_136, %mul3A_2] : memref<50x64x16384xf32, #tpu.memory_space<hbm>> -> memref<1x64x256xf32, #tpu.memory_space<hbm>>
      %dma_wait3A_138 = tpu.memref_squeeze %dma_wait3A_137 : memref<1x64x256xf32, #tpu.memory_space<hbm>> -> memref<64x256xf32, #tpu.memory_space<hbm>>
      %dma_wait3A_139 = arith.constant 0 : i32
      %dma_wait3A_140 = tpu.memref_slice %arg4[%dma_wait3A_135, %dma_wait3A_139, %mul3A_2] : memref<50x64x16384xf32, #tpu.memory_space<hbm>> -> memref<1x64x256xf32, #tpu.memory_space<hbm>>
      %dma_wait3A_141 = tpu.memref_squeeze %dma_wait3A_140 : memref<1x64x256xf32, #tpu.memory_space<hbm>> -> memref<64x256xf32, #tpu.memory_space<hbm>>
      tpu.wait_dma2 semaphore(%arg13 : memref<!tpu.dma_semaphore, #tpu.memory_space<semaphore_mem>>) src(%arg9 : memref<64x256xf32, #tpu.memory_space<vmem>>) dst(%dma_wait3A_141 : memref<64x256xf32, #tpu.memory_space<hbm>>)
      %parallel_loop3A_142 = arith.constant 0 : i32
      %parallel_loop3A_143 = arith.constant 64 : i32
      %parallel_loop3A_144 = arith.constant 1 : i32
      scf.for %parallel_loop3A_266 = %parallel_loop3A_142 to %parallel_loop3A_143 step %parallel_loop3A_144  : i32 {
        %parallel_loop3A_267 = arith.constant 0 : i32
        %parallel_loop3A_268 = vector.broadcast %parallel_loop3A_267 : i32 to vector<16xi32>
        %parallel_loop3A_269 = vector.broadcast %parallel_loop3A_266 : i32 to vector<16xi32>
        %parallel_loop3A_270 = arith.addi %parallel_loop3A_268, %parallel_loop3A_269 : vector<16xi32>
        %parallel_loop3A_271 = arith.constant 0 : i32
        %parallel_loop3A_272 = vector.broadcast %parallel_loop3A_271 : i32 to vector<16xi32>
        %parallel_loop3A_273 = arith.addi %iota3A, %parallel_loop3A_272 : vector<16xi32>
        %parallel_loop3A_274 = tpu.vector_load_idx %arg7[%parallel_loop3A_273, %parallel_loop3A_270] : memref<256x64xf32, #tpu.memory_space<vmem>>[vector<16xi32>, vector<16xi32>], vector<16xf32>,
        %parallel_loop3A_275 = arith.constant 8.000000e+00 : f32
        %parallel_loop3A_276 = vector.broadcast %parallel_loop3A_275 : f32 to vector<16xf32>
        %parallel_loop3A_277 = arith.mulf %parallel_loop3A_274, %parallel_loop3A_276 : vector<16xf32>
        %parallel_loop3A_278 = arith.index_cast %parallel_loop3A_266 : i32 to index
        %parallel_loop3A_279 = arith.constant 0 : index
        %parallel_loop3A_280 = tpu.vector_load %arg9[%parallel_loop3A_278, %parallel_loop3A_279] {strides = array<i32>} : memref<64x256xf32, #tpu.memory_space<vmem>>, vector<16xf32>,
        tpu.vector_store %arg9[%parallel_loop3A_278, %parallel_loop3A_279], %parallel_loop3A_277 {strides = array<i32>} : memref<64x256xf32, #tpu.memory_space<vmem>>, vector<16xf32>,
        %parallel_loop3A_281 = arith.constant 16 : i32
        %parallel_loop3A_282 = vector.broadcast %parallel_loop3A_281 : i32 to vector<16xi32>
        %parallel_loop3A_283 = arith.addi %iota3A, %parallel_loop3A_282 : vector<16xi32>
        %parallel_loop3A_284 = tpu.vector_load_idx %arg7[%parallel_loop3A_283, %parallel_loop3A_270] : memref<256x64xf32, #tpu.memory_space<vmem>>[vector<16xi32>, vector<16xi32>], vector<16xf32>,
        %parallel_loop3A_285 = arith.constant 8.000000e+00 : f32
        %parallel_loop3A_286 = vector.broadcast %parallel_loop3A_285 : f32 to vector<16xf32>
        %parallel_loop3A_287 = arith.mulf %parallel_loop3A_284, %parallel_loop3A_286 : vector<16xf32>
        %parallel_loop3A_288 = arith.index_cast %parallel_loop3A_266 : i32 to index
        %parallel_loop3A_289 = arith.constant 16 : index
        %parallel_loop3A_290 = tpu.vector_load %arg9[%parallel_loop3A_288, %parallel_loop3A_289] {strides = array<i32>} : memref<64x256xf32, #tpu.memory_space<vmem>>, vector<16xf32>,
        tpu.vector_store %arg9[%parallel_loop3A_288, %parallel_loop3A_289], %parallel_loop3A_287 {strides = array<i32>} : memref<64x256xf32, #tpu.memory_space<vmem>>, vector<16xf32>,
        %parallel_loop3A_291 = arith.constant 32 : i32
        %parallel_loop3A_292 = vector.broadcast %parallel_loop3A_291 : i32 to vector<16xi32>
        %parallel_loop3A_293 = arith.addi %iota3A, %parallel_loop3A_292 : vector<16xi32>
        %parallel_loop3A_294 = tpu.vector_load_idx %arg7[%parallel_loop3A_293, %parallel_loop3A_270] : memref<256x64xf32, #tpu.memory_space<vmem>>[vector<16xi32>, vector<16xi32>], vector<16xf32>,
        %parallel_loop3A_295 = arith.constant 8.000000e+00 : f32
        %parallel_loop3A_296 = vector.broadcast %parallel_loop3A_295 : f32 to vector<16xf32>
        %parallel_loop3A_297 = arith.mulf %parallel_loop3A_294, %parallel_loop3A_296 : vector<16xf32>
        %parallel_loop3A_298 = arith.index_cast %parallel_loop3A_266 : i32 to index
        %parallel_loop3A_299 = arith.constant 32 : index
        %parallel_loop3A_300 = tpu.vector_load %arg9[%parallel_loop3A_298, %parallel_loop3A_299] {strides = array<i32>} : memref<64x256xf32, #tpu.memory_space<vmem>>, vector<16xf32>,
        tpu.vector_store %arg9[%parallel_loop3A_298, %parallel_loop3A_299], %parallel_loop3A_297 {strides = array<i32>} : memref<64x256xf32, #tpu.memory_space<vmem>>, vector<16xf32>,
        %parallel_loop3A_301 = arith.constant 48 : i32
        %parallel_loop3A_302 = vector.broadcast %parallel_loop3A_301 : i32 to vector<16xi32>
        %parallel_loop3A_303 = arith.addi %iota3A, %parallel_loop3A_302 : vector<16xi32>
        %parallel_loop3A_304 = tpu.vector_load_idx %arg7[%parallel_loop3A_303, %parallel_loop3A_270] : memref<256x64xf32, #tpu.memory_space<vmem>>[vector<16xi32>, vector<16xi32>], vector<16xf32>,
        %parallel_loop3A_305 = arith.constant 8.000000e+00 : f32
        %parallel_loop3A_306 = vector.broadcast %parallel_loop3A_305 : f32 to vector<16xf32>
        %parallel_loop3A_307 = arith.mulf %parallel_loop3A_304, %parallel_loop3A_306 : vector<16xf32>
        %parallel_loop3A_308 = arith.index_cast %parallel_loop3A_266 : i32 to index
        %parallel_loop3A_309 = arith.constant 48 : index
        %parallel_loop3A_310 = tpu.vector_load %arg9[%parallel_loop3A_308, %parallel_loop3A_309] {strides = array<i32>} : memref<64x256xf32, #tpu.memory_space<vmem>>, vector<16xf32>,
        tpu.vector_store %arg9[%parallel_loop3A_308, %parallel_loop3A_309], %parallel_loop3A_307 {strides = array<i32>} : memref<64x256xf32, #tpu.memory_space<vmem>>, vector<16xf32>,
        %parallel_loop3A_311 = arith.constant 64 : i32
        %parallel_loop3A_312 = vector.broadcast %parallel_loop3A_311 : i32 to vector<16xi32>
        %parallel_loop3A_313 = arith.addi %iota3A, %parallel_loop3A_312 : vector<16xi32>
        %parallel_loop3A_314 = tpu.vector_load_idx %arg7[%parallel_loop3A_313, %parallel_loop3A_270] : memref<256x64xf32, #tpu.memory_space<vmem>>[vector<16xi32>, vector<16xi32>], vector<16xf32>,
        %parallel_loop3A_315 = arith.constant 8.000000e+00 : f32
        %parallel_loop3A_316 = vector.broadcast %parallel_loop3A_315 : f32 to vector<16xf32>
        %parallel_loop3A_317 = arith.mulf %parallel_loop3A_314, %parallel_loop3A_316 : vector<16xf32>
        %parallel_loop3A_318 = arith.index_cast %parallel_loop3A_266 : i32 to index
        %parallel_loop3A_319 = arith.constant 64 : index
        %parallel_loop3A_320 = tpu.vector_load %arg9[%parallel_loop3A_318, %parallel_loop3A_319] {strides = array<i32>} : memref<64x256xf32, #tpu.memory_space<vmem>>, vector<16xf32>,
        tpu.vector_store %arg9[%parallel_loop3A_318, %parallel_loop3A_319], %parallel_loop3A_317 {strides = array<i32>} : memref<64x256xf32, #tpu.memory_space<vmem>>, vector<16xf32>,
        %parallel_loop3A_321 = arith.constant 80 : i32
        %parallel_loop3A_322 = vector.broadcast %parallel_loop3A_321 : i32 to vector<16xi32>
        %parallel_loop3A_323 = arith.addi %iota3A, %parallel_loop3A_322 : vector<16xi32>
        %parallel_loop3A_324 = tpu.vector_load_idx %arg7[%parallel_loop3A_323, %parallel_loop3A_270] : memref<256x64xf32, #tpu.memory_space<vmem>>[vector<16xi32>, vector<16xi32>], vector<16xf32>,
        %parallel_loop3A_325 = arith.constant 8.000000e+00 : f32
        %parallel_loop3A_326 = vector.broadcast %parallel_loop3A_325 : f32 to vector<16xf32>
        %parallel_loop3A_327 = arith.mulf %parallel_loop3A_324, %parallel_loop3A_326 : vector<16xf32>
        %parallel_loop3A_328 = arith.index_cast %parallel_loop3A_266 : i32 to index
        %parallel_loop3A_329 = arith.constant 80 : index
        %parallel_loop3A_330 = tpu.vector_load %arg9[%parallel_loop3A_328, %parallel_loop3A_329] {strides = array<i32>} : memref<64x256xf32, #tpu.memory_space<vmem>>, vector<16xf32>,
        tpu.vector_store %arg9[%parallel_loop3A_328, %parallel_loop3A_329], %parallel_loop3A_327 {strides = array<i32>} : memref<64x256xf32, #tpu.memory_space<vmem>>, vector<16xf32>,
        %parallel_loop3A_331 = arith.constant 96 : i32
        %parallel_loop3A_332 = vector.broadcast %parallel_loop3A_331 : i32 to vector<16xi32>
        %parallel_loop3A_333 = arith.addi %iota3A, %parallel_loop3A_332 : vector<16xi32>
        %parallel_loop3A_334 = tpu.vector_load_idx %arg7[%parallel_loop3A_333, %parallel_loop3A_270] : memref<256x64xf32, #tpu.memory_space<vmem>>[vector<16xi32>, vector<16xi32>], vector<16xf32>,
        %parallel_loop3A_335 = arith.constant 8.000000e+00 : f32
        %parallel_loop3A_336 = vector.broadcast %parallel_loop3A_335 : f32 to vector<16xf32>
        %parallel_loop3A_337 = arith.mulf %parallel_loop3A_334, %parallel_loop3A_336 : vector<16xf32>
        %parallel_loop3A_338 = arith.index_cast %parallel_loop3A_266 : i32 to index
        %parallel_loop3A_339 = arith.constant 96 : index
        %parallel_loop3A_340 = tpu.vector_load %arg9[%parallel_loop3A_338, %parallel_loop3A_339] {strides = array<i32>} : memref<64x256xf32, #tpu.memory_space<vmem>>, vector<16xf32>,
        tpu.vector_store %arg9[%parallel_loop3A_338, %parallel_loop3A_339], %parallel_loop3A_337 {strides = array<i32>} : memref<64x256xf32, #tpu.memory_space<vmem>>, vector<16xf32>,
        %parallel_loop3A_341 = arith.constant 112 : i32
        %parallel_loop3A_342 = vector.broadcast %parallel_loop3A_341 : i32 to vector<16xi32>
        %parallel_loop3A_343 = arith.addi %iota3A, %parallel_loop3A_342 : vector<16xi32>
        %parallel_loop3A_344 = tpu.vector_load_idx %arg7[%parallel_loop3A_343, %parallel_loop3A_270] : memref<256x64xf32, #tpu.memory_space<vmem>>[vector<16xi32>, vector<16xi32>], vector<16xf32>,
        %parallel_loop3A_345 = arith.constant 8.000000e+00 : f32
        %parallel_loop3A_346 = vector.broadcast %parallel_loop3A_345 : f32 to vector<16xf32>
        %parallel_loop3A_347 = arith.mulf %parallel_loop3A_344, %parallel_loop3A_346 : vector<16xf32>
        %parallel_loop3A_348 = arith.index_cast %parallel_loop3A_266 : i32 to index
        %parallel_loop3A_349 = arith.constant 112 : index
        %parallel_loop3A_350 = tpu.vector_load %arg9[%parallel_loop3A_348, %parallel_loop3A_349] {strides = array<i32>} : memref<64x256xf32, #tpu.memory_space<vmem>>, vector<16xf32>,
        tpu.vector_store %arg9[%parallel_loop3A_348, %parallel_loop3A_349], %parallel_loop3A_347 {strides = array<i32>} : memref<64x256xf32, #tpu.memory_space<vmem>>, vector<16xf32>,
        %parallel_loop3A_351 = arith.constant 128 : i32
        %parallel_loop3A_352 = vector.broadcast %parallel_loop3A_351 : i32 to vector<16xi32>
        %parallel_loop3A_353 = arith.addi %iota3A, %parallel_loop3A_352 : vector<16xi32>
        %parallel_loop3A_354 = tpu.vector_load_idx %arg7[%parallel_loop3A_353, %parallel_loop3A_270] : memref<256x64xf32, #tpu.memory_space<vmem>>[vector<16xi32>, vector<16xi32>], vector<16xf32>,
        %parallel_loop3A_355 = arith.constant 8.000000e+00 : f32
        %parallel_loop3A_356 = vector.broadcast %parallel_loop3A_355 : f32 to vector<16xf32>
        %parallel_loop3A_357 = arith.mulf %parallel_loop3A_354, %parallel_loop3A_356 : vector<16xf32>
        %parallel_loop3A_358 = arith.index_cast %parallel_loop3A_266 : i32 to index
        %parallel_loop3A_359 = arith.constant 128 : index
        %parallel_loop3A_360 = tpu.vector_load %arg9[%parallel_loop3A_358, %parallel_loop3A_359] {strides = array<i32>} : memref<64x256xf32, #tpu.memory_space<vmem>>, vector<16xf32>,
        tpu.vector_store %arg9[%parallel_loop3A_358, %parallel_loop3A_359], %parallel_loop3A_357 {strides = array<i32>} : memref<64x256xf32, #tpu.memory_space<vmem>>, vector<16xf32>,
        %parallel_loop3A_361 = arith.constant 144 : i32
        %parallel_loop3A_362 = vector.broadcast %parallel_loop3A_361 : i32 to vector<16xi32>
        %parallel_loop3A_363 = arith.addi %iota3A, %parallel_loop3A_362 : vector<16xi32>
        %parallel_loop3A_364 = tpu.vector_load_idx %arg7[%parallel_loop3A_363, %parallel_loop3A_270] : memref<256x64xf32, #tpu.memory_space<vmem>>[vector<16xi32>, vector<16xi32>], vector<16xf32>,
        %parallel_loop3A_365 = arith.constant 8.000000e+00 : f32
        %parallel_loop3A_366 = vector.broadcast %parallel_loop3A_365 : f32 to vector<16xf32>
        %parallel_loop3A_367 = arith.mulf %parallel_loop3A_364, %parallel_loop3A_366 : vector<16xf32>
        %parallel_loop3A_368 = arith.index_cast %parallel_loop3A_266 : i32 to index
        %parallel_loop3A_369 = arith.constant 144 : index
        %parallel_loop3A_370 = tpu.vector_load %arg9[%parallel_loop3A_368, %parallel_loop3A_369] {strides = array<i32>} : memref<64x256xf32, #tpu.memory_space<vmem>>, vector<16xf32>,
        tpu.vector_store %arg9[%parallel_loop3A_368, %parallel_loop3A_369], %parallel_loop3A_367 {strides = array<i32>} : memref<64x256xf32, #tpu.memory_space<vmem>>, vector<16xf32>,
        %parallel_loop3A_371 = arith.constant 160 : i32
        %parallel_loop3A_372 = vector.broadcast %parallel_loop3A_371 : i32 to vector<16xi32>
        %parallel_loop3A_373 = arith.addi %iota3A, %parallel_loop3A_372 : vector<16xi32>
        %parallel_loop3A_374 = tpu.vector_load_idx %arg7[%parallel_loop3A_373, %parallel_loop3A_270] : memref<256x64xf32, #tpu.memory_space<vmem>>[vector<16xi32>, vector<16xi32>], vector<16xf32>,
        %parallel_loop3A_375 = arith.constant 8.000000e+00 : f32
        %parallel_loop3A_376 = vector.broadcast %parallel_loop3A_375 : f32 to vector<16xf32>
        %parallel_loop3A_377 = arith.mulf %parallel_loop3A_374, %parallel_loop3A_376 : vector<16xf32>
        %parallel_loop3A_378 = arith.index_cast %parallel_loop3A_266 : i32 to index
        %parallel_loop3A_379 = arith.constant 160 : index
        %parallel_loop3A_380 = tpu.vector_load %arg9[%parallel_loop3A_378, %parallel_loop3A_379] {strides = array<i32>} : memref<64x256xf32, #tpu.memory_space<vmem>>, vector<16xf32>,
        tpu.vector_store %arg9[%parallel_loop3A_378, %parallel_loop3A_379], %parallel_loop3A_377 {strides = array<i32>} : memref<64x256xf32, #tpu.memory_space<vmem>>, vector<16xf32>,
        %parallel_loop3A_381 = arith.constant 176 : i32
        %parallel_loop3A_382 = vector.broadcast %parallel_loop3A_381 : i32 to vector<16xi32>
        %parallel_loop3A_383 = arith.addi %iota3A, %parallel_loop3A_382 : vector<16xi32>
        %parallel_loop3A_384 = tpu.vector_load_idx %arg7[%parallel_loop3A_383, %parallel_loop3A_270] : memref<256x64xf32, #tpu.memory_space<vmem>>[vector<16xi32>, vector<16xi32>], vector<16xf32>,
        %parallel_loop3A_385 = arith.constant 8.000000e+00 : f32
        %parallel_loop3A_386 = vector.broadcast %parallel_loop3A_385 : f32 to vector<16xf32>
        %parallel_loop3A_387 = arith.mulf %parallel_loop3A_384, %parallel_loop3A_386 : vector<16xf32>
        %parallel_loop3A_388 = arith.index_cast %parallel_loop3A_266 : i32 to index
        %parallel_loop3A_389 = arith.constant 176 : index
        %parallel_loop3A_390 = tpu.vector_load %arg9[%parallel_loop3A_388, %parallel_loop3A_389] {strides = array<i32>} : memref<64x256xf32, #tpu.memory_space<vmem>>, vector<16xf32>,
        tpu.vector_store %arg9[%parallel_loop3A_388, %parallel_loop3A_389], %parallel_loop3A_387 {strides = array<i32>} : memref<64x256xf32, #tpu.memory_space<vmem>>, vector<16xf32>,
        %parallel_loop3A_391 = arith.constant 192 : i32
        %parallel_loop3A_392 = vector.broadcast %parallel_loop3A_391 : i32 to vector<16xi32>
        %parallel_loop3A_393 = arith.addi %iota3A, %parallel_loop3A_392 : vector<16xi32>
        %parallel_loop3A_394 = tpu.vector_load_idx %arg7[%parallel_loop3A_393, %parallel_loop3A_270] : memref<256x64xf32, #tpu.memory_space<vmem>>[vector<16xi32>, vector<16xi32>], vector<16xf32>,
        %parallel_loop3A_395 = arith.constant 8.000000e+00 : f32
        %parallel_loop3A_396 = vector.broadcast %parallel_loop3A_395 : f32 to vector<16xf32>
        %parallel_loop3A_397 = arith.mulf %parallel_loop3A_394, %parallel_loop3A_396 : vector<16xf32>
        %parallel_loop3A_398 = arith.index_cast %parallel_loop3A_266 : i32 to index
        %parallel_loop3A_399 = arith.constant 192 : index
        %parallel_loop3A_400 = tpu.vector_load %arg9[%parallel_loop3A_398, %parallel_loop3A_399] {strides = array<i32>} : memref<64x256xf32, #tpu.memory_space<vmem>>, vector<16xf32>,
        tpu.vector_store %arg9[%parallel_loop3A_398, %parallel_loop3A_399], %parallel_loop3A_397 {strides = array<i32>} : memref<64x256xf32, #tpu.memory_space<vmem>>, vector<16xf32>,
        %parallel_loop3A_401 = arith.constant 208 : i32
        %parallel_loop3A_402 = vector.broadcast %parallel_loop3A_401 : i32 to vector<16xi32>
        %parallel_loop3A_403 = arith.addi %iota3A, %parallel_loop3A_402 : vector<16xi32>
        %parallel_loop3A_404 = tpu.vector_load_idx %arg7[%parallel_loop3A_403, %parallel_loop3A_270] : memref<256x64xf32, #tpu.memory_space<vmem>>[vector<16xi32>, vector<16xi32>], vector<16xf32>,
        %parallel_loop3A_405 = arith.constant 8.000000e+00 : f32
        %parallel_loop3A_406 = vector.broadcast %parallel_loop3A_405 : f32 to vector<16xf32>
        %parallel_loop3A_407 = arith.mulf %parallel_loop3A_404, %parallel_loop3A_406 : vector<16xf32>
        %parallel_loop3A_408 = arith.index_cast %parallel_loop3A_266 : i32 to index
        %parallel_loop3A_409 = arith.constant 208 : index
        %parallel_loop3A_410 = tpu.vector_load %arg9[%parallel_loop3A_408, %parallel_loop3A_409] {strides = array<i32>} : memref<64x256xf32, #tpu.memory_space<vmem>>, vector<16xf32>,
        tpu.vector_store %arg9[%parallel_loop3A_408, %parallel_loop3A_409], %parallel_loop3A_407 {strides = array<i32>} : memref<64x256xf32, #tpu.memory_space<vmem>>, vector<16xf32>,
        %parallel_loop3A_411 = arith.constant 224 : i32
        %parallel_loop3A_412 = vector.broadcast %parallel_loop3A_411 : i32 to vector<16xi32>
        %parallel_loop3A_413 = arith.addi %iota3A, %parallel_loop3A_412 : vector<16xi32>
        %parallel_loop3A_414 = tpu.vector_load_idx %arg7[%parallel_loop3A_413, %parallel_loop3A_270] : memref<256x64xf32, #tpu.memory_space<vmem>>[vector<16xi32>, vector<16xi32>], vector<16xf32>,
        %parallel_loop3A_415 = arith.constant 8.000000e+00 : f32
        %parallel_loop3A_416 = vector.broadcast %parallel_loop3A_415 : f32 to vector<16xf32>
        %parallel_loop3A_417 = arith.mulf %parallel_loop3A_414, %parallel_loop3A_416 : vector<16xf32>
        %parallel_loop3A_418 = arith.index_cast %parallel_loop3A_266 : i32 to index
        %parallel_loop3A_419 = arith.constant 224 : index
        %parallel_loop3A_420 = tpu.vector_load %arg9[%parallel_loop3A_418, %parallel_loop3A_419] {strides = array<i32>} : memref<64x256xf32, #tpu.memory_space<vmem>>, vector<16xf32>,
        tpu.vector_store %arg9[%parallel_loop3A_418, %parallel_loop3A_419], %parallel_loop3A_417 {strides = array<i32>} : memref<64x256xf32, #tpu.memory_space<vmem>>, vector<16xf32>,
        %parallel_loop3A_421 = arith.constant 240 : i32
        %parallel_loop3A_422 = vector.broadcast %parallel_loop3A_421 : i32 to vector<16xi32>
        %parallel_loop3A_423 = arith.addi %iota3A, %parallel_loop3A_422 : vector<16xi32>
        %parallel_loop3A_424 = tpu.vector_load_idx %arg7[%parallel_loop3A_423, %parallel_loop3A_270] : memref<256x64xf32, #tpu.memory_space<vmem>>[vector<16xi32>, vector<16xi32>], vector<16xf32>,
        %parallel_loop3A_425 = arith.constant 8.000000e+00 : f32
        %parallel_loop3A_426 = vector.broadcast %parallel_loop3A_425 : f32 to vector<16xf32>
        %parallel_loop3A_427 = arith.mulf %parallel_loop3A_424, %parallel_loop3A_426 : vector<16xf32>
        %parallel_loop3A_428 = arith.index_cast %parallel_loop3A_266 : i32 to index
        %parallel_loop3A_429 = arith.constant 240 : index
        %parallel_loop3A_430 = tpu.vector_load %arg9[%parallel_loop3A_428, %parallel_loop3A_429] {strides = array<i32>} : memref<64x256xf32, #tpu.memory_space<vmem>>, vector<16xf32>,
        tpu.vector_store %arg9[%parallel_loop3A_428, %parallel_loop3A_429], %parallel_loop3A_427 {strides = array<i32>} : memref<64x256xf32, #tpu.memory_space<vmem>>, vector<16xf32>,
      } {sc.loop_unroll_factor = 2 : i64, sc.parallel_access}
      %jit3A = arith.constant 2 : i32
      %div3A = arith.divsi %add3A_129, %jit3A : i32
      %sign3A = arith.constant 0 : i32
      %sign3A_145 = arith.cmpi sgt, %add3A_129, %sign3A : i32
      %sign3A_146 = arith.extui %sign3A_145 : i1 to i32
      %sign3A_147 = arith.constant 0 : i32
      %sign3A_148 = arith.cmpi slt, %add3A_129, %sign3A_147 : i32
      %sign3A_149 = arith.extui %sign3A_148 : i1 to i32
      %sign3A_150 = arith.subi %sign3A_146, %sign3A_149 : i32
      %sign3A_151 = arith.constant 0 : i32
      %sign3A_152 = arith.cmpi sgt, %jit3A, %sign3A_151 : i32
      %sign3A_153 = arith.extui %sign3A_152 : i1 to i32
      %sign3A_154 = arith.constant 0 : i32
      %sign3A_155 = arith.cmpi slt, %jit3A, %sign3A_154 : i32
      %sign3A_156 = arith.extui %sign3A_155 : i1 to i32
      %sign3A_157 = arith.subi %sign3A_153, %sign3A_156 : i32
      %ne3A = arith.cmpi ne, %sign3A_150, %sign3A_157 : i32
      %rem3A = arith.remsi %add3A_129, %jit3A : i32
      %ne3A_158 = arith.constant 0 : i32
      %ne3A_159 = arith.cmpi ne, %rem3A, %ne3A_158 : i32
      %and3A = arith.andi %ne3A, %ne3A_159 : i1
      %sub3A = arith.constant 1 : i32
      %sub3A_160 = arith.subi %div3A, %sub3A : i32
      %select_n3A = arith.select %and3A, %sub3A_160, %div3A : i32
      %jit3A_161 = arith.constant 2 : i32
      %eq3A = arith.constant 0 : i32
      %eq3A_162 = arith.cmpi eq, %jit3A_161, %eq3A : i32
      %jit3A_163 = arith.constant 1 : i32
      %select_n3A_164 = arith.select %eq3A_162, %jit3A_163, %jit3A_161 : i32
      %rem3A_165 = arith.remsi %add3A_129, %select_n3A_164 : i32
      %ne3A_166 = arith.constant 0 : i32
      %ne3A_167 = arith.cmpi ne, %rem3A_165, %ne3A_166 : i32
      %lt3A = arith.constant 0 : i32
      %lt3A_168 = arith.cmpi slt, %rem3A_165, %lt3A : i32
      %lt3A_169 = arith.constant 0 : i32
      %lt3A_170 = arith.cmpi slt, %select_n3A_164, %lt3A_169 : i32
      %ne3A_171 = arith.xori %lt3A_168, %lt3A_170 : i1
      %and3A_172 = arith.andi %ne3A_171, %ne3A_167 : i1
      %add3A_173 = arith.addi %rem3A_165, %select_n3A_164 : i32
      %select_n3A_174 = arith.select %and3A_172, %add3A_173, %rem3A_165 : i32
      %mul3A_175 = arith.constant 256 : i32
      %mul3A_176 = arith.muli %select_n3A_174, %mul3A_175 : i32
      %add3A_177 = arith.addi %mul3A_2, %mul3A_176 : i32
      %dma_start3A_178 = arith.constant 0 : i32
      %dma_start3A_179 = tpu.memref_slice %arg4[%select_n3A, %dma_start3A_178, %add3A_177] : memref<50x64x16384xf32, #tpu.memory_space<hbm>> -> memref<1x64x256xf32, #tpu.memory_space<hbm>>
      %dma_start3A_180 = tpu.memref_squeeze %dma_start3A_179 : memref<1x64x256xf32, #tpu.memory_space<hbm>> -> memref<64x256xf32, #tpu.memory_space<hbm>>
      %dma_start3A_181 = arith.constant 0 : i32
      %dma_start3A_182 = tpu.memref_slice %arg4[%select_n3A, %dma_start3A_181, %add3A_177] : memref<50x64x16384xf32, #tpu.memory_space<hbm>> -> memref<1x64x256xf32, #tpu.memory_space<hbm>>
      %dma_start3A_183 = tpu.memref_squeeze %dma_start3A_182 : memref<1x64x256xf32, #tpu.memory_space<hbm>> -> memref<64x256xf32, #tpu.memory_space<hbm>>
      tpu.enqueue_dma source(%arg9 : memref<64x256xf32, #tpu.memory_space<vmem>>) target(%dma_start3A_183 : memref<64x256xf32, #tpu.memory_space<hbm>>) target_semaphore(%arg13 : memref<!tpu.dma_semaphore, #tpu.memory_space<semaphore_mem>>)
      %add3A_184 = arith.constant 2 : i32
      %add3A_185 = arith.addi %add3A_129, %add3A_184 : i32
      %mul3A_186 = arith.constant 256 : i32
      %mul3A_187 = arith.muli %add3A_185, %mul3A_186 : i32
      %dma_start3A_188 = tpu.memref_slice %arg6[%mul3A_187] : memref<25600xi32, #tpu.memory_space<vmem>> -> memref<256xi32, #tpu.memory_space<vmem>>
      %dma_start3A_189 = arith.constant 0 : i32
      %dma_start3A_190 = arith.constant 0 : i32
      %dma_start3A_191 = tpu.memref_slice %arg3[%dma_start3A_189, %dma_start3A_190] : memref<1000000x64xf32, #tpu.memory_space<hbm>> -> memref<1000000x64xf32, #tpu.memory_space<hbm>>
      tpu.enqueue_indirect_dma source(%dma_start3A_191 : memref<1000000x64xf32, #tpu.memory_space<hbm>>) target(%arg7 : memref<256x64xf32, #tpu.memory_space<vmem>>) offsets(%dma_start3A_188 : memref<256xi32, #tpu.memory_space<vmem>>) semaphore(%arg11 : memref<!tpu.dma_semaphore, #tpu.memory_space<semaphore_mem>>)
      %add3A_192 = arith.constant 1 : i32
      %add3A_193 = arith.addi %add3A_127, %add3A_192 : i32
      %dma_wait3A_194 = arith.constant 0 : i32
      %dma_wait3A_195 = tpu.memref_slice %arg6[%dma_wait3A_194] : memref<25600xi32, #tpu.memory_space<vmem>> -> memref<256xi32, #tpu.memory_space<vmem>>
      %dma_wait3A_196 = arith.constant 0 : i32
      %dma_wait3A_197 = arith.constant 0 : i32
      %dma_wait3A_198 = tpu.memref_slice %arg3[%dma_wait3A_196, %dma_wait3A_197] : memref<1000000x64xf32, #tpu.memory_space<hbm>> -> memref<1000000x64xf32, #tpu.memory_space<hbm>>
      tpu.wait_indirect_dma semaphore(%arg12 : memref<!tpu.dma_semaphore, #tpu.memory_space<semaphore_mem>>) src(%dma_wait3A_198 : memref<1000000x64xf32, #tpu.memory_space<hbm>>) dst(%arg8 : memref<256x64xf32, #tpu.memory_space<vmem>>)
      %dma_wait3A_199 = arith.constant 0 : i32
      %dma_wait3A_200 = arith.constant 0 : i32
      %dma_wait3A_201 = tpu.memref_slice %arg4[%dma_wait3A_199, %dma_wait3A_200, %mul3A_2] : memref<50x64x16384xf32, #tpu.memory_space<hbm>> -> memref<1x64x256xf32, #tpu.memory_space<hbm>>
      %dma_wait3A_202 = tpu.memref_squeeze %dma_wait3A_201 : memref<1x64x256xf32, #tpu.memory_space<hbm>> -> memref<64x256xf32, #tpu.memory_space<hbm>>
      %dma_wait3A_203 = arith.constant 0 : i32
      %dma_wait3A_204 = tpu.memref_slice %arg4[%dma_wait3A_199, %dma_wait3A_203, %mul3A_2] : memref<50x64x16384xf32, #tpu.memory_space<hbm>> -> memref<1x64x256xf32, #tpu.memory_space<hbm>>
      %dma_wait3A_205 = tpu.memref_squeeze %dma_wait3A_204 : memref<1x64x256xf32, #tpu.memory_space<hbm>> -> memref<64x256xf32, #tpu.memory_space<hbm>>
      tpu.wait_dma2 semaphore(%arg14 : memref<!tpu.dma_semaphore, #tpu.memory_space<semaphore_mem>>) src(%arg10 : memref<64x256xf32, #tpu.memory_space<vmem>>) dst(%dma_wait3A_205 : memref<64x256xf32, #tpu.memory_space<hbm>>)
      %parallel_loop3A_206 = arith.constant 0 : i32
      %parallel_loop3A_207 = arith.constant 64 : i32
      %parallel_loop3A_208 = arith.constant 1 : i32
      scf.for %parallel_loop3A_266 = %parallel_loop3A_206 to %parallel_loop3A_207 step %parallel_loop3A_208  : i32 {
        %parallel_loop3A_267 = arith.constant 0 : i32
        %parallel_loop3A_268 = vector.broadcast %parallel_loop3A_267 : i32 to vector<16xi32>
        %parallel_loop3A_269 = vector.broadcast %parallel_loop3A_266 : i32 to vector<16xi32>
        %parallel_loop3A_270 = arith.addi %parallel_loop3A_268, %parallel_loop3A_269 : vector<16xi32>
        %parallel_loop3A_271 = arith.constant 0 : i32
        %parallel_loop3A_272 = vector.broadcast %parallel_loop3A_271 : i32 to vector<16xi32>
        %parallel_loop3A_273 = arith.addi %iota3A, %parallel_loop3A_272 : vector<16xi32>
        %parallel_loop3A_274 = tpu.vector_load_idx %arg8[%parallel_loop3A_273, %parallel_loop3A_270] : memref<256x64xf32, #tpu.memory_space<vmem>>[vector<16xi32>, vector<16xi32>], vector<16xf32>,
        %parallel_loop3A_275 = arith.constant 8.000000e+00 : f32
        %parallel_loop3A_276 = vector.broadcast %parallel_loop3A_275 : f32 to vector<16xf32>
        %parallel_loop3A_277 = arith.mulf %parallel_loop3A_274, %parallel_loop3A_276 : vector<16xf32>
        %parallel_loop3A_278 = arith.index_cast %parallel_loop3A_266 : i32 to index
        %parallel_loop3A_279 = arith.constant 0 : index
        %parallel_loop3A_280 = tpu.vector_load %arg10[%parallel_loop3A_278, %parallel_loop3A_279] {strides = array<i32>} : memref<64x256xf32, #tpu.memory_space<vmem>>, vector<16xf32>,
        tpu.vector_store %arg10[%parallel_loop3A_278, %parallel_loop3A_279], %parallel_loop3A_277 {strides = array<i32>} : memref<64x256xf32, #tpu.memory_space<vmem>>, vector<16xf32>,
        %parallel_loop3A_281 = arith.constant 16 : i32
        %parallel_loop3A_282 = vector.broadcast %parallel_loop3A_281 : i32 to vector<16xi32>
        %parallel_loop3A_283 = arith.addi %iota3A, %parallel_loop3A_282 : vector<16xi32>
        %parallel_loop3A_284 = tpu.vector_load_idx %arg8[%parallel_loop3A_283, %parallel_loop3A_270] : memref<256x64xf32, #tpu.memory_space<vmem>>[vector<16xi32>, vector<16xi32>], vector<16xf32>,
        %parallel_loop3A_285 = arith.constant 8.000000e+00 : f32
        %parallel_loop3A_286 = vector.broadcast %parallel_loop3A_285 : f32 to vector<16xf32>
        %parallel_loop3A_287 = arith.mulf %parallel_loop3A_284, %parallel_loop3A_286 : vector<16xf32>
        %parallel_loop3A_288 = arith.index_cast %parallel_loop3A_266 : i32 to index
        %parallel_loop3A_289 = arith.constant 16 : index
        %parallel_loop3A_290 = tpu.vector_load %arg10[%parallel_loop3A_288, %parallel_loop3A_289] {strides = array<i32>} : memref<64x256xf32, #tpu.memory_space<vmem>>, vector<16xf32>,
        tpu.vector_store %arg10[%parallel_loop3A_288, %parallel_loop3A_289], %parallel_loop3A_287 {strides = array<i32>} : memref<64x256xf32, #tpu.memory_space<vmem>>, vector<16xf32>,
        %parallel_loop3A_291 = arith.constant 32 : i32
        %parallel_loop3A_292 = vector.broadcast %parallel_loop3A_291 : i32 to vector<16xi32>
        %parallel_loop3A_293 = arith.addi %iota3A, %parallel_loop3A_292 : vector<16xi32>
        %parallel_loop3A_294 = tpu.vector_load_idx %arg8[%parallel_loop3A_293, %parallel_loop3A_270] : memref<256x64xf32, #tpu.memory_space<vmem>>[vector<16xi32>, vector<16xi32>], vector<16xf32>,
        %parallel_loop3A_295 = arith.constant 8.000000e+00 : f32
        %parallel_loop3A_296 = vector.broadcast %parallel_loop3A_295 : f32 to vector<16xf32>
        %parallel_loop3A_297 = arith.mulf %parallel_loop3A_294, %parallel_loop3A_296 : vector<16xf32>
        %parallel_loop3A_298 = arith.index_cast %parallel_loop3A_266 : i32 to index
        %parallel_loop3A_299 = arith.constant 32 : index
        %parallel_loop3A_300 = tpu.vector_load %arg10[%parallel_loop3A_298, %parallel_loop3A_299] {strides = array<i32>} : memref<64x256xf32, #tpu.memory_space<vmem>>, vector<16xf32>,
        tpu.vector_store %arg10[%parallel_loop3A_298, %parallel_loop3A_299], %parallel_loop3A_297 {strides = array<i32>} : memref<64x256xf32, #tpu.memory_space<vmem>>, vector<16xf32>,
        %parallel_loop3A_301 = arith.constant 48 : i32
        %parallel_loop3A_302 = vector.broadcast %parallel_loop3A_301 : i32 to vector<16xi32>
        %parallel_loop3A_303 = arith.addi %iota3A, %parallel_loop3A_302 : vector<16xi32>
        %parallel_loop3A_304 = tpu.vector_load_idx %arg8[%parallel_loop3A_303, %parallel_loop3A_270] : memref<256x64xf32, #tpu.memory_space<vmem>>[vector<16xi32>, vector<16xi32>], vector<16xf32>,
        %parallel_loop3A_305 = arith.constant 8.000000e+00 : f32
        %parallel_loop3A_306 = vector.broadcast %parallel_loop3A_305 : f32 to vector<16xf32>
        %parallel_loop3A_307 = arith.mulf %parallel_loop3A_304, %parallel_loop3A_306 : vector<16xf32>
        %parallel_loop3A_308 = arith.index_cast %parallel_loop3A_266 : i32 to index
        %parallel_loop3A_309 = arith.constant 48 : index
        %parallel_loop3A_310 = tpu.vector_load %arg10[%parallel_loop3A_308, %parallel_loop3A_309] {strides = array<i32>} : memref<64x256xf32, #tpu.memory_space<vmem>>, vector<16xf32>,
        tpu.vector_store %arg10[%parallel_loop3A_308, %parallel_loop3A_309], %parallel_loop3A_307 {strides = array<i32>} : memref<64x256xf32, #tpu.memory_space<vmem>>, vector<16xf32>,
        %parallel_loop3A_311 = arith.constant 64 : i32
        %parallel_loop3A_312 = vector.broadcast %parallel_loop3A_311 : i32 to vector<16xi32>
        %parallel_loop3A_313 = arith.addi %iota3A, %parallel_loop3A_312 : vector<16xi32>
        %parallel_loop3A_314 = tpu.vector_load_idx %arg8[%parallel_loop3A_313, %parallel_loop3A_270] : memref<256x64xf32, #tpu.memory_space<vmem>>[vector<16xi32>, vector<16xi32>], vector<16xf32>,
        %parallel_loop3A_315 = arith.constant 8.000000e+00 : f32
        %parallel_loop3A_316 = vector.broadcast %parallel_loop3A_315 : f32 to vector<16xf32>
        %parallel_loop3A_317 = arith.mulf %parallel_loop3A_314, %parallel_loop3A_316 : vector<16xf32>
        %parallel_loop3A_318 = arith.index_cast %parallel_loop3A_266 : i32 to index
        %parallel_loop3A_319 = arith.constant 64 : index
        %parallel_loop3A_320 = tpu.vector_load %arg10[%parallel_loop3A_318, %parallel_loop3A_319] {strides = array<i32>} : memref<64x256xf32, #tpu.memory_space<vmem>>, vector<16xf32>,
        tpu.vector_store %arg10[%parallel_loop3A_318, %parallel_loop3A_319], %parallel_loop3A_317 {strides = array<i32>} : memref<64x256xf32, #tpu.memory_space<vmem>>, vector<16xf32>,
        %parallel_loop3A_321 = arith.constant 80 : i32
        %parallel_loop3A_322 = vector.broadcast %parallel_loop3A_321 : i32 to vector<16xi32>
        %parallel_loop3A_323 = arith.addi %iota3A, %parallel_loop3A_322 : vector<16xi32>
        %parallel_loop3A_324 = tpu.vector_load_idx %arg8[%parallel_loop3A_323, %parallel_loop3A_270] : memref<256x64xf32, #tpu.memory_space<vmem>>[vector<16xi32>, vector<16xi32>], vector<16xf32>,
        %parallel_loop3A_325 = arith.constant 8.000000e+00 : f32
        %parallel_loop3A_326 = vector.broadcast %parallel_loop3A_325 : f32 to vector<16xf32>
        %parallel_loop3A_327 = arith.mulf %parallel_loop3A_324, %parallel_loop3A_326 : vector<16xf32>
        %parallel_loop3A_328 = arith.index_cast %parallel_loop3A_266 : i32 to index
        %parallel_loop3A_329 = arith.constant 80 : index
        %parallel_loop3A_330 = tpu.vector_load %arg10[%parallel_loop3A_328, %parallel_loop3A_329] {strides = array<i32>} : memref<64x256xf32, #tpu.memory_space<vmem>>, vector<16xf32>,
        tpu.vector_store %arg10[%parallel_loop3A_328, %parallel_loop3A_329], %parallel_loop3A_327 {strides = array<i32>} : memref<64x256xf32, #tpu.memory_space<vmem>>, vector<16xf32>,
        %parallel_loop3A_331 = arith.constant 96 : i32
        %parallel_loop3A_332 = vector.broadcast %parallel_loop3A_331 : i32 to vector<16xi32>
        %parallel_loop3A_333 = arith.addi %iota3A, %parallel_loop3A_332 : vector<16xi32>
        %parallel_loop3A_334 = tpu.vector_load_idx %arg8[%parallel_loop3A_333, %parallel_loop3A_270] : memref<256x64xf32, #tpu.memory_space<vmem>>[vector<16xi32>, vector<16xi32>], vector<16xf32>,
        %parallel_loop3A_335 = arith.constant 8.000000e+00 : f32
        %parallel_loop3A_336 = vector.broadcast %parallel_loop3A_335 : f32 to vector<16xf32>
        %parallel_loop3A_337 = arith.mulf %parallel_loop3A_334, %parallel_loop3A_336 : vector<16xf32>
        %parallel_loop3A_338 = arith.index_cast %parallel_loop3A_266 : i32 to index
        %parallel_loop3A_339 = arith.constant 96 : index
        %parallel_loop3A_340 = tpu.vector_load %arg10[%parallel_loop3A_338, %parallel_loop3A_339] {strides = array<i32>} : memref<64x256xf32, #tpu.memory_space<vmem>>, vector<16xf32>,
        tpu.vector_store %arg10[%parallel_loop3A_338, %parallel_loop3A_339], %parallel_loop3A_337 {strides = array<i32>} : memref<64x256xf32, #tpu.memory_space<vmem>>, vector<16xf32>,
        %parallel_loop3A_341 = arith.constant 112 : i32
        %parallel_loop3A_342 = vector.broadcast %parallel_loop3A_341 : i32 to vector<16xi32>
        %parallel_loop3A_343 = arith.addi %iota3A, %parallel_loop3A_342 : vector<16xi32>
        %parallel_loop3A_344 = tpu.vector_load_idx %arg8[%parallel_loop3A_343, %parallel_loop3A_270] : memref<256x64xf32, #tpu.memory_space<vmem>>[vector<16xi32>, vector<16xi32>], vector<16xf32>,
        %parallel_loop3A_345 = arith.constant 8.000000e+00 : f32
        %parallel_loop3A_346 = vector.broadcast %parallel_loop3A_345 : f32 to vector<16xf32>
        %parallel_loop3A_347 = arith.mulf %parallel_loop3A_344, %parallel_loop3A_346 : vector<16xf32>
        %parallel_loop3A_348 = arith.index_cast %parallel_loop3A_266 : i32 to index
        %parallel_loop3A_349 = arith.constant 112 : index
        %parallel_loop3A_350 = tpu.vector_load %arg10[%parallel_loop3A_348, %parallel_loop3A_349] {strides = array<i32>} : memref<64x256xf32, #tpu.memory_space<vmem>>, vector<16xf32>,
        tpu.vector_store %arg10[%parallel_loop3A_348, %parallel_loop3A_349], %parallel_loop3A_347 {strides = array<i32>} : memref<64x256xf32, #tpu.memory_space<vmem>>, vector<16xf32>,
        %parallel_loop3A_351 = arith.constant 128 : i32
        %parallel_loop3A_352 = vector.broadcast %parallel_loop3A_351 : i32 to vector<16xi32>
        %parallel_loop3A_353 = arith.addi %iota3A, %parallel_loop3A_352 : vector<16xi32>
        %parallel_loop3A_354 = tpu.vector_load_idx %arg8[%parallel_loop3A_353, %parallel_loop3A_270] : memref<256x64xf32, #tpu.memory_space<vmem>>[vector<16xi32>, vector<16xi32>], vector<16xf32>,
        %parallel_loop3A_355 = arith.constant 8.000000e+00 : f32
        %parallel_loop3A_356 = vector.broadcast %parallel_loop3A_355 : f32 to vector<16xf32>
        %parallel_loop3A_357 = arith.mulf %parallel_loop3A_354, %parallel_loop3A_356 : vector<16xf32>
        %parallel_loop3A_358 = arith.index_cast %parallel_loop3A_266 : i32 to index
        %parallel_loop3A_359 = arith.constant 128 : index
        %parallel_loop3A_360 = tpu.vector_load %arg10[%parallel_loop3A_358, %parallel_loop3A_359] {strides = array<i32>} : memref<64x256xf32, #tpu.memory_space<vmem>>, vector<16xf32>,
        tpu.vector_store %arg10[%parallel_loop3A_358, %parallel_loop3A_359], %parallel_loop3A_357 {strides = array<i32>} : memref<64x256xf32, #tpu.memory_space<vmem>>, vector<16xf32>,
        %parallel_loop3A_361 = arith.constant 144 : i32
        %parallel_loop3A_362 = vector.broadcast %parallel_loop3A_361 : i32 to vector<16xi32>
        %parallel_loop3A_363 = arith.addi %iota3A, %parallel_loop3A_362 : vector<16xi32>
        %parallel_loop3A_364 = tpu.vector_load_idx %arg8[%parallel_loop3A_363, %parallel_loop3A_270] : memref<256x64xf32, #tpu.memory_space<vmem>>[vector<16xi32>, vector<16xi32>], vector<16xf32>,
        %parallel_loop3A_365 = arith.constant 8.000000e+00 : f32
        %parallel_loop3A_366 = vector.broadcast %parallel_loop3A_365 : f32 to vector<16xf32>
        %parallel_loop3A_367 = arith.mulf %parallel_loop3A_364, %parallel_loop3A_366 : vector<16xf32>
        %parallel_loop3A_368 = arith.index_cast %parallel_loop3A_266 : i32 to index
        %parallel_loop3A_369 = arith.constant 144 : index
        %parallel_loop3A_370 = tpu.vector_load %arg10[%parallel_loop3A_368, %parallel_loop3A_369] {strides = array<i32>} : memref<64x256xf32, #tpu.memory_space<vmem>>, vector<16xf32>,
        tpu.vector_store %arg10[%parallel_loop3A_368, %parallel_loop3A_369], %parallel_loop3A_367 {strides = array<i32>} : memref<64x256xf32, #tpu.memory_space<vmem>>, vector<16xf32>,
        %parallel_loop3A_371 = arith.constant 160 : i32
        %parallel_loop3A_372 = vector.broadcast %parallel_loop3A_371 : i32 to vector<16xi32>
        %parallel_loop3A_373 = arith.addi %iota3A, %parallel_loop3A_372 : vector<16xi32>
        %parallel_loop3A_374 = tpu.vector_load_idx %arg8[%parallel_loop3A_373, %parallel_loop3A_270] : memref<256x64xf32, #tpu.memory_space<vmem>>[vector<16xi32>, vector<16xi32>], vector<16xf32>,
        %parallel_loop3A_375 = arith.constant 8.000000e+00 : f32
        %parallel_loop3A_376 = vector.broadcast %parallel_loop3A_375 : f32 to vector<16xf32>
        %parallel_loop3A_377 = arith.mulf %parallel_loop3A_374, %parallel_loop3A_376 : vector<16xf32>
        %parallel_loop3A_378 = arith.index_cast %parallel_loop3A_266 : i32 to index
        %parallel_loop3A_379 = arith.constant 160 : index
        %parallel_loop3A_380 = tpu.vector_load %arg10[%parallel_loop3A_378, %parallel_loop3A_379] {strides = array<i32>} : memref<64x256xf32, #tpu.memory_space<vmem>>, vector<16xf32>,
        tpu.vector_store %arg10[%parallel_loop3A_378, %parallel_loop3A_379], %parallel_loop3A_377 {strides = array<i32>} : memref<64x256xf32, #tpu.memory_space<vmem>>, vector<16xf32>,
        %parallel_loop3A_381 = arith.constant 176 : i32
        %parallel_loop3A_382 = vector.broadcast %parallel_loop3A_381 : i32 to vector<16xi32>
        %parallel_loop3A_383 = arith.addi %iota3A, %parallel_loop3A_382 : vector<16xi32>
        %parallel_loop3A_384 = tpu.vector_load_idx %arg8[%parallel_loop3A_383, %parallel_loop3A_270] : memref<256x64xf32, #tpu.memory_space<vmem>>[vector<16xi32>, vector<16xi32>], vector<16xf32>,
        %parallel_loop3A_385 = arith.constant 8.000000e+00 : f32
        %parallel_loop3A_386 = vector.broadcast %parallel_loop3A_385 : f32 to vector<16xf32>
        %parallel_loop3A_387 = arith.mulf %parallel_loop3A_384, %parallel_loop3A_386 : vector<16xf32>
        %parallel_loop3A_388 = arith.index_cast %parallel_loop3A_266 : i32 to index
        %parallel_loop3A_389 = arith.constant 176 : index
        %parallel_loop3A_390 = tpu.vector_load %arg10[%parallel_loop3A_388, %parallel_loop3A_389] {strides = array<i32>} : memref<64x256xf32, #tpu.memory_space<vmem>>, vector<16xf32>,
        tpu.vector_store %arg10[%parallel_loop3A_388, %parallel_loop3A_389], %parallel_loop3A_387 {strides = array<i32>} : memref<64x256xf32, #tpu.memory_space<vmem>>, vector<16xf32>,
        %parallel_loop3A_391 = arith.constant 192 : i32
        %parallel_loop3A_392 = vector.broadcast %parallel_loop3A_391 : i32 to vector<16xi32>
        %parallel_loop3A_393 = arith.addi %iota3A, %parallel_loop3A_392 : vector<16xi32>
        %parallel_loop3A_394 = tpu.vector_load_idx %arg8[%parallel_loop3A_393, %parallel_loop3A_270] : memref<256x64xf32, #tpu.memory_space<vmem>>[vector<16xi32>, vector<16xi32>], vector<16xf32>,
        %parallel_loop3A_395 = arith.constant 8.000000e+00 : f32
        %parallel_loop3A_396 = vector.broadcast %parallel_loop3A_395 : f32 to vector<16xf32>
        %parallel_loop3A_397 = arith.mulf %parallel_loop3A_394, %parallel_loop3A_396 : vector<16xf32>
        %parallel_loop3A_398 = arith.index_cast %parallel_loop3A_266 : i32 to index
        %parallel_loop3A_399 = arith.constant 192 : index
        %parallel_loop3A_400 = tpu.vector_load %arg10[%parallel_loop3A_398, %parallel_loop3A_399] {strides = array<i32>} : memref<64x256xf32, #tpu.memory_space<vmem>>, vector<16xf32>,
        tpu.vector_store %arg10[%parallel_loop3A_398, %parallel_loop3A_399], %parallel_loop3A_397 {strides = array<i32>} : memref<64x256xf32, #tpu.memory_space<vmem>>, vector<16xf32>,
        %parallel_loop3A_401 = arith.constant 208 : i32
        %parallel_loop3A_402 = vector.broadcast %parallel_loop3A_401 : i32 to vector<16xi32>
        %parallel_loop3A_403 = arith.addi %iota3A, %parallel_loop3A_402 : vector<16xi32>
        %parallel_loop3A_404 = tpu.vector_load_idx %arg8[%parallel_loop3A_403, %parallel_loop3A_270] : memref<256x64xf32, #tpu.memory_space<vmem>>[vector<16xi32>, vector<16xi32>], vector<16xf32>,
        %parallel_loop3A_405 = arith.constant 8.000000e+00 : f32
        %parallel_loop3A_406 = vector.broadcast %parallel_loop3A_405 : f32 to vector<16xf32>
        %parallel_loop3A_407 = arith.mulf %parallel_loop3A_404, %parallel_loop3A_406 : vector<16xf32>
        %parallel_loop3A_408 = arith.index_cast %parallel_loop3A_266 : i32 to index
        %parallel_loop3A_409 = arith.constant 208 : index
        %parallel_loop3A_410 = tpu.vector_load %arg10[%parallel_loop3A_408, %parallel_loop3A_409] {strides = array<i32>} : memref<64x256xf32, #tpu.memory_space<vmem>>, vector<16xf32>,
        tpu.vector_store %arg10[%parallel_loop3A_408, %parallel_loop3A_409], %parallel_loop3A_407 {strides = array<i32>} : memref<64x256xf32, #tpu.memory_space<vmem>>, vector<16xf32>,
        %parallel_loop3A_411 = arith.constant 224 : i32
        %parallel_loop3A_412 = vector.broadcast %parallel_loop3A_411 : i32 to vector<16xi32>
        %parallel_loop3A_413 = arith.addi %iota3A, %parallel_loop3A_412 : vector<16xi32>
        %parallel_loop3A_414 = tpu.vector_load_idx %arg8[%parallel_loop3A_413, %parallel_loop3A_270] : memref<256x64xf32, #tpu.memory_space<vmem>>[vector<16xi32>, vector<16xi32>], vector<16xf32>,
        %parallel_loop3A_415 = arith.constant 8.000000e+00 : f32
        %parallel_loop3A_416 = vector.broadcast %parallel_loop3A_415 : f32 to vector<16xf32>
        %parallel_loop3A_417 = arith.mulf %parallel_loop3A_414, %parallel_loop3A_416 : vector<16xf32>
        %parallel_loop3A_418 = arith.index_cast %parallel_loop3A_266 : i32 to index
        %parallel_loop3A_419 = arith.constant 224 : index
        %parallel_loop3A_420 = tpu.vector_load %arg10[%parallel_loop3A_418, %parallel_loop3A_419] {strides = array<i32>} : memref<64x256xf32, #tpu.memory_space<vmem>>, vector<16xf32>,
        tpu.vector_store %arg10[%parallel_loop3A_418, %parallel_loop3A_419], %parallel_loop3A_417 {strides = array<i32>} : memref<64x256xf32, #tpu.memory_space<vmem>>, vector<16xf32>,
        %parallel_loop3A_421 = arith.constant 240 : i32
        %parallel_loop3A_422 = vector.broadcast %parallel_loop3A_421 : i32 to vector<16xi32>
        %parallel_loop3A_423 = arith.addi %iota3A, %parallel_loop3A_422 : vector<16xi32>
        %parallel_loop3A_424 = tpu.vector_load_idx %arg8[%parallel_loop3A_423, %parallel_loop3A_270] : memref<256x64xf32, #tpu.memory_space<vmem>>[vector<16xi32>, vector<16xi32>], vector<16xf32>,
        %parallel_loop3A_425 = arith.constant 8.000000e+00 : f32
        %parallel_loop3A_426 = vector.broadcast %parallel_loop3A_425 : f32 to vector<16xf32>
        %parallel_loop3A_427 = arith.mulf %parallel_loop3A_424, %parallel_loop3A_426 : vector<16xf32>
        %parallel_loop3A_428 = arith.index_cast %parallel_loop3A_266 : i32 to index
        %parallel_loop3A_429 = arith.constant 240 : index
        %parallel_loop3A_430 = tpu.vector_load %arg10[%parallel_loop3A_428, %parallel_loop3A_429] {strides = array<i32>} : memref<64x256xf32, #tpu.memory_space<vmem>>, vector<16xf32>,
        tpu.vector_store %arg10[%parallel_loop3A_428, %parallel_loop3A_429], %parallel_loop3A_427 {strides = array<i32>} : memref<64x256xf32, #tpu.memory_space<vmem>>, vector<16xf32>,
      } {sc.loop_unroll_factor = 2 : i64, sc.parallel_access}
      %jit3A_209 = arith.constant 2 : i32
      %div3A_210 = arith.divsi %add3A_193, %jit3A_209 : i32
      %sign3A_211 = arith.constant 0 : i32
      %sign3A_212 = arith.cmpi sgt, %add3A_193, %sign3A_211 : i32
      %sign3A_213 = arith.extui %sign3A_212 : i1 to i32
      %sign3A_214 = arith.constant 0 : i32
      %sign3A_215 = arith.cmpi slt, %add3A_193, %sign3A_214 : i32
      %sign3A_216 = arith.extui %sign3A_215 : i1 to i32
      %sign3A_217 = arith.subi %sign3A_213, %sign3A_216 : i32
      %sign3A_218 = arith.constant 0 : i32
      %sign3A_219 = arith.cmpi sgt, %jit3A_209, %sign3A_218 : i32
      %sign3A_220 = arith.extui %sign3A_219 : i1 to i32
      %sign3A_221 = arith.constant 0 : i32
      %sign3A_222 = arith.cmpi slt, %jit3A_209, %sign3A_221 : i32
      %sign3A_223 = arith.extui %sign3A_222 : i1 to i32
      %sign3A_224 = arith.subi %sign3A_220, %sign3A_223 : i32
      %ne3A_225 = arith.cmpi ne, %sign3A_217, %sign3A_224 : i32
      %rem3A_226 = arith.remsi %add3A_193, %jit3A_209 : i32
      %ne3A_227 = arith.constant 0 : i32
      %ne3A_228 = arith.cmpi ne, %rem3A_226, %ne3A_227 : i32
      %and3A_229 = arith.andi %ne3A_225, %ne3A_228 : i1
      %sub3A_230 = arith.constant 1 : i32
      %sub3A_231 = arith.subi %div3A_210, %sub3A_230 : i32
      %select_n3A_232 = arith.select %and3A_229, %sub3A_231, %div3A_210 : i32
      %jit3A_233 = arith.constant 2 : i32
      %eq3A_234 = arith.constant 0 : i32
      %eq3A_235 = arith.cmpi eq, %jit3A_233, %eq3A_234 : i32
      %jit3A_236 = arith.constant 1 : i32
      %select_n3A_237 = arith.select %eq3A_235, %jit3A_236, %jit3A_233 : i32
      %rem3A_238 = arith.remsi %add3A_193, %select_n3A_237 : i32
      %ne3A_239 = arith.constant 0 : i32
      %ne3A_240 = arith.cmpi ne, %rem3A_238, %ne3A_239 : i32
      %lt3A_241 = arith.constant 0 : i32
      %lt3A_242 = arith.cmpi slt, %rem3A_238, %lt3A_241 : i32
      %lt3A_243 = arith.constant 0 : i32
      %lt3A_244 = arith.cmpi slt, %select_n3A_237, %lt3A_243 : i32
      %ne3A_245 = arith.xori %lt3A_242, %lt3A_244 : i1
      %and3A_246 = arith.andi %ne3A_245, %ne3A_240 : i1
      %add3A_247 = arith.addi %rem3A_238, %select_n3A_237 : i32
      %select_n3A_248 = arith.select %and3A_246, %add3A_247, %rem3A_238 : i32
      %mul3A_249 = arith.constant 256 : i32
      %mul3A_250 = arith.muli %select_n3A_248, %mul3A_249 : i32
      %add3A_251 = arith.addi %mul3A_2, %mul3A_250 : i32
      %dma_start3A_252 = arith.constant 0 : i32
      %dma_start3A_253 = tpu.memref_slice %arg4[%select_n3A_232, %dma_start3A_252, %add3A_251] : memref<50x64x16384xf32, #tpu.memory_space<hbm>> -> memref<1x64x256xf32, #tpu.memory_space<hbm>>
      %dma_start3A_254 = tpu.memref_squeeze %dma_start3A_253 : memref<1x64x256xf32, #tpu.memory_space<hbm>> -> memref<64x256xf32, #tpu.memory_space<hbm>>
      %dma_start3A_255 = arith.constant 0 : i32
      %dma_start3A_256 = tpu.memref_slice %arg4[%select_n3A_232, %dma_start3A_255, %add3A_251] : memref<50x64x16384xf32, #tpu.memory_space<hbm>> -> memref<1x64x256xf32, #tpu.memory_space<hbm>>
      %dma_start3A_257 = tpu.memref_squeeze %dma_start3A_256 : memref<1x64x256xf32, #tpu.memory_space<hbm>> -> memref<64x256xf32, #tpu.memory_space<hbm>>
      tpu.enqueue_dma source(%arg10 : memref<64x256xf32, #tpu.memory_space<vmem>>) target(%dma_start3A_257 : memref<64x256xf32, #tpu.memory_space<hbm>>) target_semaphore(%arg14 : memref<!tpu.dma_semaphore, #tpu.memory_space<semaphore_mem>>)
      %add3A_258 = arith.constant 2 : i32
      %add3A_259 = arith.addi %add3A_193, %add3A_258 : i32
      %mul3A_260 = arith.constant 256 : i32
      %mul3A_261 = arith.muli %add3A_259, %mul3A_260 : i32
      %dma_start3A_262 = tpu.memref_slice %arg6[%mul3A_261] : memref<25600xi32, #tpu.memory_space<vmem>> -> memref<256xi32, #tpu.memory_space<vmem>>
      %dma_start3A_263 = arith.constant 0 : i32
      %dma_start3A_264 = arith.constant 0 : i32
      %dma_start3A_265 = tpu.memref_slice %arg3[%dma_start3A_263, %dma_start3A_264] : memref<1000000x64xf32, #tpu.memory_space<hbm>> -> memref<1000000x64xf32, #tpu.memory_space<hbm>>
      tpu.enqueue_indirect_dma source(%dma_start3A_265 : memref<1000000x64xf32, #tpu.memory_space<hbm>>) target(%arg8 : memref<256x64xf32, #tpu.memory_space<vmem>>) offsets(%dma_start3A_262 : memref<256xi32, #tpu.memory_space<vmem>>) semaphore(%arg12 : memref<!tpu.dma_semaphore, #tpu.memory_space<semaphore_mem>>)
    }
    %scan3A_60 = arith.constant 48 : i32
    %dma_wait3A_61 = arith.constant 0 : i32
    %dma_wait3A_62 = tpu.memref_slice %arg6[%dma_wait3A_61] : memref<25600xi32, #tpu.memory_space<vmem>> -> memref<256xi32, #tpu.memory_space<vmem>>
    %dma_wait3A_63 = arith.constant 0 : i32
    %dma_wait3A_64 = arith.constant 0 : i32
    %dma_wait3A_65 = tpu.memref_slice %arg3[%dma_wait3A_63, %dma_wait3A_64] : memref<1000000x64xf32, #tpu.memory_space<hbm>> -> memref<1000000x64xf32, #tpu.memory_space<hbm>>
    tpu.wait_indirect_dma semaphore(%arg11 : memref<!tpu.dma_semaphore, #tpu.memory_space<semaphore_mem>>) src(%dma_wait3A_65 : memref<1000000x64xf32, #tpu.memory_space<hbm>>) dst(%arg7 : memref<256x64xf32, #tpu.memory_space<vmem>>)
    %dma_wait3A_66 = arith.constant 0 : i32
    %dma_wait3A_67 = arith.constant 0 : i32
    %dma_wait3A_68 = tpu.memref_slice %arg4[%dma_wait3A_66, %dma_wait3A_67, %mul3A_2] : memref<50x64x16384xf32, #tpu.memory_space<hbm>> -> memref<1x64x256xf32, #tpu.memory_space<hbm>>
    %dma_wait3A_69 = tpu.memref_squeeze %dma_wait3A_68 : memref<1x64x256xf32, #tpu.memory_space<hbm>> -> memref<64x256xf32, #tpu.memory_space<hbm>>
    %dma_wait3A_70 = arith.constant 0 : i32
    %dma_wait3A_71 = tpu.memref_slice %arg4[%dma_wait3A_66, %dma_wait3A_70, %mul3A_2] : memref<50x64x16384xf32, #tpu.memory_space<hbm>> -> memref<1x64x256xf32, #tpu.memory_space<hbm>>
    %dma_wait3A_72 = tpu.memref_squeeze %dma_wait3A_71 : memref<1x64x256xf32, #tpu.memory_space<hbm>> -> memref<64x256xf32, #tpu.memory_space<hbm>>
    tpu.wait_dma2 semaphore(%arg13 : memref<!tpu.dma_semaphore, #tpu.memory_space<semaphore_mem>>) src(%arg9 : memref<64x256xf32, #tpu.memory_space<vmem>>) dst(%dma_wait3A_72 : memref<64x256xf32, #tpu.memory_space<hbm>>)
    %parallel_loop3A_73 = arith.constant 0 : i32
    %parallel_loop3A_74 = arith.constant 64 : i32
    %parallel_loop3A_75 = arith.constant 1 : i32
    scf.for %parallel_loop3A_123 = %parallel_loop3A_73 to %parallel_loop3A_74 step %parallel_loop3A_75  : i32 {
      %parallel_loop3A_124 = arith.constant 0 : i32
      %parallel_loop3A_125 = vector.broadcast %parallel_loop3A_124 : i32 to vector<16xi32>
      %parallel_loop3A_126 = vector.broadcast %parallel_loop3A_123 : i32 to vector<16xi32>
      %parallel_loop3A_127 = arith.addi %parallel_loop3A_125, %parallel_loop3A_126 : vector<16xi32>
      %parallel_loop3A_128 = arith.constant 0 : i32
      %parallel_loop3A_129 = vector.broadcast %parallel_loop3A_128 : i32 to vector<16xi32>
      %parallel_loop3A_130 = arith.addi %iota3A, %parallel_loop3A_129 : vector<16xi32>
      %parallel_loop3A_131 = tpu.vector_load_idx %arg7[%parallel_loop3A_130, %parallel_loop3A_127] : memref<256x64xf32, #tpu.memory_space<vmem>>[vector<16xi32>, vector<16xi32>], vector<16xf32>,
      %parallel_loop3A_132 = arith.constant 8.000000e+00 : f32
      %parallel_loop3A_133 = vector.broadcast %parallel_loop3A_132 : f32 to vector<16xf32>
      %parallel_loop3A_134 = arith.mulf %parallel_loop3A_131, %parallel_loop3A_133 : vector<16xf32>
      %parallel_loop3A_135 = arith.index_cast %parallel_loop3A_123 : i32 to index
      %parallel_loop3A_136 = arith.constant 0 : index
      %parallel_loop3A_137 = tpu.vector_load %arg9[%parallel_loop3A_135, %parallel_loop3A_136] {strides = array<i32>} : memref<64x256xf32, #tpu.memory_space<vmem>>, vector<16xf32>,
      tpu.vector_store %arg9[%parallel_loop3A_135, %parallel_loop3A_136], %parallel_loop3A_134 {strides = array<i32>} : memref<64x256xf32, #tpu.memory_space<vmem>>, vector<16xf32>,
      %parallel_loop3A_138 = arith.constant 16 : i32
      %parallel_loop3A_139 = vector.broadcast %parallel_loop3A_138 : i32 to vector<16xi32>
      %parallel_loop3A_140 = arith.addi %iota3A, %parallel_loop3A_139 : vector<16xi32>
      %parallel_loop3A_141 = tpu.vector_load_idx %arg7[%parallel_loop3A_140, %parallel_loop3A_127] : memref<256x64xf32, #tpu.memory_space<vmem>>[vector<16xi32>, vector<16xi32>], vector<16xf32>,
      %parallel_loop3A_142 = arith.constant 8.000000e+00 : f32
      %parallel_loop3A_143 = vector.broadcast %parallel_loop3A_142 : f32 to vector<16xf32>
      %parallel_loop3A_144 = arith.mulf %parallel_loop3A_141, %parallel_loop3A_143 : vector<16xf32>
      %parallel_loop3A_145 = arith.index_cast %parallel_loop3A_123 : i32 to index
      %parallel_loop3A_146 = arith.constant 16 : index
      %parallel_loop3A_147 = tpu.vector_load %arg9[%parallel_loop3A_145, %parallel_loop3A_146] {strides = array<i32>} : memref<64x256xf32, #tpu.memory_space<vmem>>, vector<16xf32>,
      tpu.vector_store %arg9[%parallel_loop3A_145, %parallel_loop3A_146], %parallel_loop3A_144 {strides = array<i32>} : memref<64x256xf32, #tpu.memory_space<vmem>>, vector<16xf32>,
      %parallel_loop3A_148 = arith.constant 32 : i32
      %parallel_loop3A_149 = vector.broadcast %parallel_loop3A_148 : i32 to vector<16xi32>
      %parallel_loop3A_150 = arith.addi %iota3A, %parallel_loop3A_149 : vector<16xi32>
      %parallel_loop3A_151 = tpu.vector_load_idx %arg7[%parallel_loop3A_150, %parallel_loop3A_127] : memref<256x64xf32, #tpu.memory_space<vmem>>[vector<16xi32>, vector<16xi32>], vector<16xf32>,
      %parallel_loop3A_152 = arith.constant 8.000000e+00 : f32
      %parallel_loop3A_153 = vector.broadcast %parallel_loop3A_152 : f32 to vector<16xf32>
      %parallel_loop3A_154 = arith.mulf %parallel_loop3A_151, %parallel_loop3A_153 : vector<16xf32>
      %parallel_loop3A_155 = arith.index_cast %parallel_loop3A_123 : i32 to index
      %parallel_loop3A_156 = arith.constant 32 : index
      %parallel_loop3A_157 = tpu.vector_load %arg9[%parallel_loop3A_155, %parallel_loop3A_156] {strides = array<i32>} : memref<64x256xf32, #tpu.memory_space<vmem>>, vector<16xf32>,
      tpu.vector_store %arg9[%parallel_loop3A_155, %parallel_loop3A_156], %parallel_loop3A_154 {strides = array<i32>} : memref<64x256xf32, #tpu.memory_space<vmem>>, vector<16xf32>,
      %parallel_loop3A_158 = arith.constant 48 : i32
      %parallel_loop3A_159 = vector.broadcast %parallel_loop3A_158 : i32 to vector<16xi32>
      %parallel_loop3A_160 = arith.addi %iota3A, %parallel_loop3A_159 : vector<16xi32>
      %parallel_loop3A_161 = tpu.vector_load_idx %arg7[%parallel_loop3A_160, %parallel_loop3A_127] : memref<256x64xf32, #tpu.memory_space<vmem>>[vector<16xi32>, vector<16xi32>], vector<16xf32>,
      %parallel_loop3A_162 = arith.constant 8.000000e+00 : f32
      %parallel_loop3A_163 = vector.broadcast %parallel_loop3A_162 : f32 to vector<16xf32>
      %parallel_loop3A_164 = arith.mulf %parallel_loop3A_161, %parallel_loop3A_163 : vector<16xf32>
      %parallel_loop3A_165 = arith.index_cast %parallel_loop3A_123 : i32 to index
      %parallel_loop3A_166 = arith.constant 48 : index
      %parallel_loop3A_167 = tpu.vector_load %arg9[%parallel_loop3A_165, %parallel_loop3A_166] {strides = array<i32>} : memref<64x256xf32, #tpu.memory_space<vmem>>, vector<16xf32>,
      tpu.vector_store %arg9[%parallel_loop3A_165, %parallel_loop3A_166], %parallel_loop3A_164 {strides = array<i32>} : memref<64x256xf32, #tpu.memory_space<vmem>>, vector<16xf32>,
      %parallel_loop3A_168 = arith.constant 64 : i32
      %parallel_loop3A_169 = vector.broadcast %parallel_loop3A_168 : i32 to vector<16xi32>
      %parallel_loop3A_170 = arith.addi %iota3A, %parallel_loop3A_169 : vector<16xi32>
      %parallel_loop3A_171 = tpu.vector_load_idx %arg7[%parallel_loop3A_170, %parallel_loop3A_127] : memref<256x64xf32, #tpu.memory_space<vmem>>[vector<16xi32>, vector<16xi32>], vector<16xf32>,
      %parallel_loop3A_172 = arith.constant 8.000000e+00 : f32
      %parallel_loop3A_173 = vector.broadcast %parallel_loop3A_172 : f32 to vector<16xf32>
      %parallel_loop3A_174 = arith.mulf %parallel_loop3A_171, %parallel_loop3A_173 : vector<16xf32>
      %parallel_loop3A_175 = arith.index_cast %parallel_loop3A_123 : i32 to index
      %parallel_loop3A_176 = arith.constant 64 : index
      %parallel_loop3A_177 = tpu.vector_load %arg9[%parallel_loop3A_175, %parallel_loop3A_176] {strides = array<i32>} : memref<64x256xf32, #tpu.memory_space<vmem>>, vector<16xf32>,
      tpu.vector_store %arg9[%parallel_loop3A_175, %parallel_loop3A_176], %parallel_loop3A_174 {strides = array<i32>} : memref<64x256xf32, #tpu.memory_space<vmem>>, vector<16xf32>,
      %parallel_loop3A_178 = arith.constant 80 : i32
      %parallel_loop3A_179 = vector.broadcast %parallel_loop3A_178 : i32 to vector<16xi32>
      %parallel_loop3A_180 = arith.addi %iota3A, %parallel_loop3A_179 : vector<16xi32>
      %parallel_loop3A_181 = tpu.vector_load_idx %arg7[%parallel_loop3A_180, %parallel_loop3A_127] : memref<256x64xf32, #tpu.memory_space<vmem>>[vector<16xi32>, vector<16xi32>], vector<16xf32>,
      %parallel_loop3A_182 = arith.constant 8.000000e+00 : f32
      %parallel_loop3A_183 = vector.broadcast %parallel_loop3A_182 : f32 to vector<16xf32>
      %parallel_loop3A_184 = arith.mulf %parallel_loop3A_181, %parallel_loop3A_183 : vector<16xf32>
      %parallel_loop3A_185 = arith.index_cast %parallel_loop3A_123 : i32 to index
      %parallel_loop3A_186 = arith.constant 80 : index
      %parallel_loop3A_187 = tpu.vector_load %arg9[%parallel_loop3A_185, %parallel_loop3A_186] {strides = array<i32>} : memref<64x256xf32, #tpu.memory_space<vmem>>, vector<16xf32>,
      tpu.vector_store %arg9[%parallel_loop3A_185, %parallel_loop3A_186], %parallel_loop3A_184 {strides = array<i32>} : memref<64x256xf32, #tpu.memory_space<vmem>>, vector<16xf32>,
      %parallel_loop3A_188 = arith.constant 96 : i32
      %parallel_loop3A_189 = vector.broadcast %parallel_loop3A_188 : i32 to vector<16xi32>
      %parallel_loop3A_190 = arith.addi %iota3A, %parallel_loop3A_189 : vector<16xi32>
      %parallel_loop3A_191 = tpu.vector_load_idx %arg7[%parallel_loop3A_190, %parallel_loop3A_127] : memref<256x64xf32, #tpu.memory_space<vmem>>[vector<16xi32>, vector<16xi32>], vector<16xf32>,
      %parallel_loop3A_192 = arith.constant 8.000000e+00 : f32
      %parallel_loop3A_193 = vector.broadcast %parallel_loop3A_192 : f32 to vector<16xf32>
      %parallel_loop3A_194 = arith.mulf %parallel_loop3A_191, %parallel_loop3A_193 : vector<16xf32>
      %parallel_loop3A_195 = arith.index_cast %parallel_loop3A_123 : i32 to index
      %parallel_loop3A_196 = arith.constant 96 : index
      %parallel_loop3A_197 = tpu.vector_load %arg9[%parallel_loop3A_195, %parallel_loop3A_196] {strides = array<i32>} : memref<64x256xf32, #tpu.memory_space<vmem>>, vector<16xf32>,
      tpu.vector_store %arg9[%parallel_loop3A_195, %parallel_loop3A_196], %parallel_loop3A_194 {strides = array<i32>} : memref<64x256xf32, #tpu.memory_space<vmem>>, vector<16xf32>,
      %parallel_loop3A_198 = arith.constant 112 : i32
      %parallel_loop3A_199 = vector.broadcast %parallel_loop3A_198 : i32 to vector<16xi32>
      %parallel_loop3A_200 = arith.addi %iota3A, %parallel_loop3A_199 : vector<16xi32>
      %parallel_loop3A_201 = tpu.vector_load_idx %arg7[%parallel_loop3A_200, %parallel_loop3A_127] : memref<256x64xf32, #tpu.memory_space<vmem>>[vector<16xi32>, vector<16xi32>], vector<16xf32>,
      %parallel_loop3A_202 = arith.constant 8.000000e+00 : f32
      %parallel_loop3A_203 = vector.broadcast %parallel_loop3A_202 : f32 to vector<16xf32>
      %parallel_loop3A_204 = arith.mulf %parallel_loop3A_201, %parallel_loop3A_203 : vector<16xf32>
      %parallel_loop3A_205 = arith.index_cast %parallel_loop3A_123 : i32 to index
      %parallel_loop3A_206 = arith.constant 112 : index
      %parallel_loop3A_207 = tpu.vector_load %arg9[%parallel_loop3A_205, %parallel_loop3A_206] {strides = array<i32>} : memref<64x256xf32, #tpu.memory_space<vmem>>, vector<16xf32>,
      tpu.vector_store %arg9[%parallel_loop3A_205, %parallel_loop3A_206], %parallel_loop3A_204 {strides = array<i32>} : memref<64x256xf32, #tpu.memory_space<vmem>>, vector<16xf32>,
      %parallel_loop3A_208 = arith.constant 128 : i32
      %parallel_loop3A_209 = vector.broadcast %parallel_loop3A_208 : i32 to vector<16xi32>
      %parallel_loop3A_210 = arith.addi %iota3A, %parallel_loop3A_209 : vector<16xi32>
      %parallel_loop3A_211 = tpu.vector_load_idx %arg7[%parallel_loop3A_210, %parallel_loop3A_127] : memref<256x64xf32, #tpu.memory_space<vmem>>[vector<16xi32>, vector<16xi32>], vector<16xf32>,
      %parallel_loop3A_212 = arith.constant 8.000000e+00 : f32
      %parallel_loop3A_213 = vector.broadcast %parallel_loop3A_212 : f32 to vector<16xf32>
      %parallel_loop3A_214 = arith.mulf %parallel_loop3A_211, %parallel_loop3A_213 : vector<16xf32>
      %parallel_loop3A_215 = arith.index_cast %parallel_loop3A_123 : i32 to index
      %parallel_loop3A_216 = arith.constant 128 : index
      %parallel_loop3A_217 = tpu.vector_load %arg9[%parallel_loop3A_215, %parallel_loop3A_216] {strides = array<i32>} : memref<64x256xf32, #tpu.memory_space<vmem>>, vector<16xf32>,
      tpu.vector_store %arg9[%parallel_loop3A_215, %parallel_loop3A_216], %parallel_loop3A_214 {strides = array<i32>} : memref<64x256xf32, #tpu.memory_space<vmem>>, vector<16xf32>,
      %parallel_loop3A_218 = arith.constant 144 : i32
      %parallel_loop3A_219 = vector.broadcast %parallel_loop3A_218 : i32 to vector<16xi32>
      %parallel_loop3A_220 = arith.addi %iota3A, %parallel_loop3A_219 : vector<16xi32>
      %parallel_loop3A_221 = tpu.vector_load_idx %arg7[%parallel_loop3A_220, %parallel_loop3A_127] : memref<256x64xf32, #tpu.memory_space<vmem>>[vector<16xi32>, vector<16xi32>], vector<16xf32>,
      %parallel_loop3A_222 = arith.constant 8.000000e+00 : f32
      %parallel_loop3A_223 = vector.broadcast %parallel_loop3A_222 : f32 to vector<16xf32>
      %parallel_loop3A_224 = arith.mulf %parallel_loop3A_221, %parallel_loop3A_223 : vector<16xf32>
      %parallel_loop3A_225 = arith.index_cast %parallel_loop3A_123 : i32 to index
      %parallel_loop3A_226 = arith.constant 144 : index
      %parallel_loop3A_227 = tpu.vector_load %arg9[%parallel_loop3A_225, %parallel_loop3A_226] {strides = array<i32>} : memref<64x256xf32, #tpu.memory_space<vmem>>, vector<16xf32>,
      tpu.vector_store %arg9[%parallel_loop3A_225, %parallel_loop3A_226], %parallel_loop3A_224 {strides = array<i32>} : memref<64x256xf32, #tpu.memory_space<vmem>>, vector<16xf32>,
      %parallel_loop3A_228 = arith.constant 160 : i32
      %parallel_loop3A_229 = vector.broadcast %parallel_loop3A_228 : i32 to vector<16xi32>
      %parallel_loop3A_230 = arith.addi %iota3A, %parallel_loop3A_229 : vector<16xi32>
      %parallel_loop3A_231 = tpu.vector_load_idx %arg7[%parallel_loop3A_230, %parallel_loop3A_127] : memref<256x64xf32, #tpu.memory_space<vmem>>[vector<16xi32>, vector<16xi32>], vector<16xf32>,
      %parallel_loop3A_232 = arith.constant 8.000000e+00 : f32
      %parallel_loop3A_233 = vector.broadcast %parallel_loop3A_232 : f32 to vector<16xf32>
      %parallel_loop3A_234 = arith.mulf %parallel_loop3A_231, %parallel_loop3A_233 : vector<16xf32>
      %parallel_loop3A_235 = arith.index_cast %parallel_loop3A_123 : i32 to index
      %parallel_loop3A_236 = arith.constant 160 : index
      %parallel_loop3A_237 = tpu.vector_load %arg9[%parallel_loop3A_235, %parallel_loop3A_236] {strides = array<i32>} : memref<64x256xf32, #tpu.memory_space<vmem>>, vector<16xf32>,
      tpu.vector_store %arg9[%parallel_loop3A_235, %parallel_loop3A_236], %parallel_loop3A_234 {strides = array<i32>} : memref<64x256xf32, #tpu.memory_space<vmem>>, vector<16xf32>,
      %parallel_loop3A_238 = arith.constant 176 : i32
      %parallel_loop3A_239 = vector.broadcast %parallel_loop3A_238 : i32 to vector<16xi32>
      %parallel_loop3A_240 = arith.addi %iota3A, %parallel_loop3A_239 : vector<16xi32>
      %parallel_loop3A_241 = tpu.vector_load_idx %arg7[%parallel_loop3A_240, %parallel_loop3A_127] : memref<256x64xf32, #tpu.memory_space<vmem>>[vector<16xi32>, vector<16xi32>], vector<16xf32>,
      %parallel_loop3A_242 = arith.constant 8.000000e+00 : f32
      %parallel_loop3A_243 = vector.broadcast %parallel_loop3A_242 : f32 to vector<16xf32>
      %parallel_loop3A_244 = arith.mulf %parallel_loop3A_241, %parallel_loop3A_243 : vector<16xf32>
      %parallel_loop3A_245 = arith.index_cast %parallel_loop3A_123 : i32 to index
      %parallel_loop3A_246 = arith.constant 176 : index
      %parallel_loop3A_247 = tpu.vector_load %arg9[%parallel_loop3A_245, %parallel_loop3A_246] {strides = array<i32>} : memref<64x256xf32, #tpu.memory_space<vmem>>, vector<16xf32>,
      tpu.vector_store %arg9[%parallel_loop3A_245, %parallel_loop3A_246], %parallel_loop3A_244 {strides = array<i32>} : memref<64x256xf32, #tpu.memory_space<vmem>>, vector<16xf32>,
      %parallel_loop3A_248 = arith.constant 192 : i32
      %parallel_loop3A_249 = vector.broadcast %parallel_loop3A_248 : i32 to vector<16xi32>
      %parallel_loop3A_250 = arith.addi %iota3A, %parallel_loop3A_249 : vector<16xi32>
      %parallel_loop3A_251 = tpu.vector_load_idx %arg7[%parallel_loop3A_250, %parallel_loop3A_127] : memref<256x64xf32, #tpu.memory_space<vmem>>[vector<16xi32>, vector<16xi32>], vector<16xf32>,
      %parallel_loop3A_252 = arith.constant 8.000000e+00 : f32
      %parallel_loop3A_253 = vector.broadcast %parallel_loop3A_252 : f32 to vector<16xf32>
      %parallel_loop3A_254 = arith.mulf %parallel_loop3A_251, %parallel_loop3A_253 : vector<16xf32>
      %parallel_loop3A_255 = arith.index_cast %parallel_loop3A_123 : i32 to index
      %parallel_loop3A_256 = arith.constant 192 : index
      %parallel_loop3A_257 = tpu.vector_load %arg9[%parallel_loop3A_255, %parallel_loop3A_256] {strides = array<i32>} : memref<64x256xf32, #tpu.memory_space<vmem>>, vector<16xf32>,
      tpu.vector_store %arg9[%parallel_loop3A_255, %parallel_loop3A_256], %parallel_loop3A_254 {strides = array<i32>} : memref<64x256xf32, #tpu.memory_space<vmem>>, vector<16xf32>,
      %parallel_loop3A_258 = arith.constant 208 : i32
      %parallel_loop3A_259 = vector.broadcast %parallel_loop3A_258 : i32 to vector<16xi32>
      %parallel_loop3A_260 = arith.addi %iota3A, %parallel_loop3A_259 : vector<16xi32>
      %parallel_loop3A_261 = tpu.vector_load_idx %arg7[%parallel_loop3A_260, %parallel_loop3A_127] : memref<256x64xf32, #tpu.memory_space<vmem>>[vector<16xi32>, vector<16xi32>], vector<16xf32>,
      %parallel_loop3A_262 = arith.constant 8.000000e+00 : f32
      %parallel_loop3A_263 = vector.broadcast %parallel_loop3A_262 : f32 to vector<16xf32>
      %parallel_loop3A_264 = arith.mulf %parallel_loop3A_261, %parallel_loop3A_263 : vector<16xf32>
      %parallel_loop3A_265 = arith.index_cast %parallel_loop3A_123 : i32 to index
      %parallel_loop3A_266 = arith.constant 208 : index
      %parallel_loop3A_267 = tpu.vector_load %arg9[%parallel_loop3A_265, %parallel_loop3A_266] {strides = array<i32>} : memref<64x256xf32, #tpu.memory_space<vmem>>, vector<16xf32>,
      tpu.vector_store %arg9[%parallel_loop3A_265, %parallel_loop3A_266], %parallel_loop3A_264 {strides = array<i32>} : memref<64x256xf32, #tpu.memory_space<vmem>>, vector<16xf32>,
      %parallel_loop3A_268 = arith.constant 224 : i32
      %parallel_loop3A_269 = vector.broadcast %parallel_loop3A_268 : i32 to vector<16xi32>
      %parallel_loop3A_270 = arith.addi %iota3A, %parallel_loop3A_269 : vector<16xi32>
      %parallel_loop3A_271 = tpu.vector_load_idx %arg7[%parallel_loop3A_270, %parallel_loop3A_127] : memref<256x64xf32, #tpu.memory_space<vmem>>[vector<16xi32>, vector<16xi32>], vector<16xf32>,
      %parallel_loop3A_272 = arith.constant 8.000000e+00 : f32
      %parallel_loop3A_273 = vector.broadcast %parallel_loop3A_272 : f32 to vector<16xf32>
      %parallel_loop3A_274 = arith.mulf %parallel_loop3A_271, %parallel_loop3A_273 : vector<16xf32>
      %parallel_loop3A_275 = arith.index_cast %parallel_loop3A_123 : i32 to index
      %parallel_loop3A_276 = arith.constant 224 : index
      %parallel_loop3A_277 = tpu.vector_load %arg9[%parallel_loop3A_275, %parallel_loop3A_276] {strides = array<i32>} : memref<64x256xf32, #tpu.memory_space<vmem>>, vector<16xf32>,
      tpu.vector_store %arg9[%parallel_loop3A_275, %parallel_loop3A_276], %parallel_loop3A_274 {strides = array<i32>} : memref<64x256xf32, #tpu.memory_space<vmem>>, vector<16xf32>,
      %parallel_loop3A_278 = arith.constant 240 : i32
      %parallel_loop3A_279 = vector.broadcast %parallel_loop3A_278 : i32 to vector<16xi32>
      %parallel_loop3A_280 = arith.addi %iota3A, %parallel_loop3A_279 : vector<16xi32>
      %parallel_loop3A_281 = tpu.vector_load_idx %arg7[%parallel_loop3A_280, %parallel_loop3A_127] : memref<256x64xf32, #tpu.memory_space<vmem>>[vector<16xi32>, vector<16xi32>], vector<16xf32>,
      %parallel_loop3A_282 = arith.constant 8.000000e+00 : f32
      %parallel_loop3A_283 = vector.broadcast %parallel_loop3A_282 : f32 to vector<16xf32>
      %parallel_loop3A_284 = arith.mulf %parallel_loop3A_281, %parallel_loop3A_283 : vector<16xf32>
      %parallel_loop3A_285 = arith.index_cast %parallel_loop3A_123 : i32 to index
      %parallel_loop3A_286 = arith.constant 240 : index
      %parallel_loop3A_287 = tpu.vector_load %arg9[%parallel_loop3A_285, %parallel_loop3A_286] {strides = array<i32>} : memref<64x256xf32, #tpu.memory_space<vmem>>, vector<16xf32>,
      tpu.vector_store %arg9[%parallel_loop3A_285, %parallel_loop3A_286], %parallel_loop3A_284 {strides = array<i32>} : memref<64x256xf32, #tpu.memory_space<vmem>>, vector<16xf32>,
    } {sc.loop_unroll_factor = 2 : i64, sc.parallel_access}
    %add3A_76 = arith.constant 0 : i32
    %add3A_77 = arith.addi %mul3A_2, %add3A_76 : i32
    %dma_start3A_78 = arith.constant 49 : i32
    %dma_start3A_79 = arith.constant 0 : i32
    %dma_start3A_80 = tpu.memref_slice %arg4[%dma_start3A_78, %dma_start3A_79, %add3A_77] : memref<50x64x16384xf32, #tpu.memory_space<hbm>> -> memref<1x64x256xf32, #tpu.memory_space<hbm>>
    %dma_start3A_81 = tpu.memref_squeeze %dma_start3A_80 : memref<1x64x256xf32, #tpu.memory_space<hbm>> -> memref<64x256xf32, #tpu.memory_space<hbm>>
    %dma_start3A_82 = arith.constant 0 : i32
    %dma_start3A_83 = tpu.memref_slice %arg4[%dma_start3A_78, %dma_start3A_82, %add3A_77] : memref<50x64x16384xf32, #tpu.memory_space<hbm>> -> memref<1x64x256xf32, #tpu.memory_space<hbm>>
    %dma_start3A_84 = tpu.memref_squeeze %dma_start3A_83 : memref<1x64x256xf32, #tpu.memory_space<hbm>> -> memref<64x256xf32, #tpu.memory_space<hbm>>
    tpu.enqueue_dma source(%arg9 : memref<64x256xf32, #tpu.memory_space<vmem>>) target(%dma_start3A_84 : memref<64x256xf32, #tpu.memory_space<hbm>>) target_semaphore(%arg13 : memref<!tpu.dma_semaphore, #tpu.memory_space<semaphore_mem>>)
    %dma_wait3A_85 = arith.constant 0 : i32
    %dma_wait3A_86 = tpu.memref_slice %arg6[%dma_wait3A_85] : memref<25600xi32, #tpu.memory_space<vmem>> -> memref<256xi32, #tpu.memory_space<vmem>>
    %dma_wait3A_87 = arith.constant 0 : i32
    %dma_wait3A_88 = arith.constant 0 : i32
    %dma_wait3A_89 = tpu.memref_slice %arg3[%dma_wait3A_87, %dma_wait3A_88] : memref<1000000x64xf32, #tpu.memory_space<hbm>> -> memref<1000000x64xf32, #tpu.memory_space<hbm>>
    tpu.wait_indirect_dma semaphore(%arg12 : memref<!tpu.dma_semaphore, #tpu.memory_space<semaphore_mem>>) src(%dma_wait3A_89 : memref<1000000x64xf32, #tpu.memory_space<hbm>>) dst(%arg8 : memref<256x64xf32, #tpu.memory_space<vmem>>)
    %dma_wait3A_90 = arith.constant 0 : i32
    %dma_wait3A_91 = arith.constant 0 : i32
    %dma_wait3A_92 = tpu.memref_slice %arg4[%dma_wait3A_90, %dma_wait3A_91, %mul3A_2] : memref<50x64x16384xf32, #tpu.memory_space<hbm>> -> memref<1x64x256xf32, #tpu.memory_space<hbm>>
    %dma_wait3A_93 = tpu.memref_squeeze %dma_wait3A_92 : memref<1x64x256xf32, #tpu.memory_space<hbm>> -> memref<64x256xf32, #tpu.memory_space<hbm>>
    %dma_wait3A_94 = arith.constant 0 : i32
    %dma_wait3A_95 = tpu.memref_slice %arg4[%dma_wait3A_90, %dma_wait3A_94, %mul3A_2] : memref<50x64x16384xf32, #tpu.memory_space<hbm>> -> memref<1x64x256xf32, #tpu.memory_space<hbm>>
    %dma_wait3A_96 = tpu.memref_squeeze %dma_wait3A_95 : memref<1x64x256xf32, #tpu.memory_space<hbm>> -> memref<64x256xf32, #tpu.memory_space<hbm>>
    tpu.wait_dma2 semaphore(%arg14 : memref<!tpu.dma_semaphore, #tpu.memory_space<semaphore_mem>>) src(%arg10 : memref<64x256xf32, #tpu.memory_space<vmem>>) dst(%dma_wait3A_96 : memref<64x256xf32, #tpu.memory_space<hbm>>)
    %parallel_loop3A_97 = arith.constant 0 : i32
    %parallel_loop3A_98 = arith.constant 64 : i32
    %parallel_loop3A_99 = arith.constant 1 : i32
    scf.for %parallel_loop3A_123 = %parallel_loop3A_97 to %parallel_loop3A_98 step %parallel_loop3A_99  : i32 {
      %parallel_loop3A_124 = arith.constant 0 : i32
      %parallel_loop3A_125 = vector.broadcast %parallel_loop3A_124 : i32 to vector<16xi32>
      %parallel_loop3A_126 = vector.broadcast %parallel_loop3A_123 : i32 to vector<16xi32>
      %parallel_loop3A_127 = arith.addi %parallel_loop3A_125, %parallel_loop3A_126 : vector<16xi32>
      %parallel_loop3A_128 = arith.constant 0 : i32
      %parallel_loop3A_129 = vector.broadcast %parallel_loop3A_128 : i32 to vector<16xi32>
      %parallel_loop3A_130 = arith.addi %iota3A, %parallel_loop3A_129 : vector<16xi32>
      %parallel_loop3A_131 = tpu.vector_load_idx %arg8[%parallel_loop3A_130, %parallel_loop3A_127] : memref<256x64xf32, #tpu.memory_space<vmem>>[vector<16xi32>, vector<16xi32>], vector<16xf32>,
      %parallel_loop3A_132 = arith.constant 8.000000e+00 : f32
      %parallel_loop3A_133 = vector.broadcast %parallel_loop3A_132 : f32 to vector<16xf32>
      %parallel_loop3A_134 = arith.mulf %parallel_loop3A_131, %parallel_loop3A_133 : vector<16xf32>
      %parallel_loop3A_135 = arith.index_cast %parallel_loop3A_123 : i32 to index
      %parallel_loop3A_136 = arith.constant 0 : index
      %parallel_loop3A_137 = tpu.vector_load %arg10[%parallel_loop3A_135, %parallel_loop3A_136] {strides = array<i32>} : memref<64x256xf32, #tpu.memory_space<vmem>>, vector<16xf32>,
      tpu.vector_store %arg10[%parallel_loop3A_135, %parallel_loop3A_136], %parallel_loop3A_134 {strides = array<i32>} : memref<64x256xf32, #tpu.memory_space<vmem>>, vector<16xf32>,
      %parallel_loop3A_138 = arith.constant 16 : i32
      %parallel_loop3A_139 = vector.broadcast %parallel_loop3A_138 : i32 to vector<16xi32>
      %parallel_loop3A_140 = arith.addi %iota3A, %parallel_loop3A_139 : vector<16xi32>
      %parallel_loop3A_141 = tpu.vector_load_idx %arg8[%parallel_loop3A_140, %parallel_loop3A_127] : memref<256x64xf32, #tpu.memory_space<vmem>>[vector<16xi32>, vector<16xi32>], vector<16xf32>,
      %parallel_loop3A_142 = arith.constant 8.000000e+00 : f32
      %parallel_loop3A_143 = vector.broadcast %parallel_loop3A_142 : f32 to vector<16xf32>
      %parallel_loop3A_144 = arith.mulf %parallel_loop3A_141, %parallel_loop3A_143 : vector<16xf32>
      %parallel_loop3A_145 = arith.index_cast %parallel_loop3A_123 : i32 to index
      %parallel_loop3A_146 = arith.constant 16 : index
      %parallel_loop3A_147 = tpu.vector_load %arg10[%parallel_loop3A_145, %parallel_loop3A_146] {strides = array<i32>} : memref<64x256xf32, #tpu.memory_space<vmem>>, vector<16xf32>,
      tpu.vector_store %arg10[%parallel_loop3A_145, %parallel_loop3A_146], %parallel_loop3A_144 {strides = array<i32>} : memref<64x256xf32, #tpu.memory_space<vmem>>, vector<16xf32>,
      %parallel_loop3A_148 = arith.constant 32 : i32
      %parallel_loop3A_149 = vector.broadcast %parallel_loop3A_148 : i32 to vector<16xi32>
      %parallel_loop3A_150 = arith.addi %iota3A, %parallel_loop3A_149 : vector<16xi32>
      %parallel_loop3A_151 = tpu.vector_load_idx %arg8[%parallel_loop3A_150, %parallel_loop3A_127] : memref<256x64xf32, #tpu.memory_space<vmem>>[vector<16xi32>, vector<16xi32>], vector<16xf32>,
      %parallel_loop3A_152 = arith.constant 8.000000e+00 : f32
      %parallel_loop3A_153 = vector.broadcast %parallel_loop3A_152 : f32 to vector<16xf32>
      %parallel_loop3A_154 = arith.mulf %parallel_loop3A_151, %parallel_loop3A_153 : vector<16xf32>
      %parallel_loop3A_155 = arith.index_cast %parallel_loop3A_123 : i32 to index
      %parallel_loop3A_156 = arith.constant 32 : index
      %parallel_loop3A_157 = tpu.vector_load %arg10[%parallel_loop3A_155, %parallel_loop3A_156] {strides = array<i32>} : memref<64x256xf32, #tpu.memory_space<vmem>>, vector<16xf32>,
      tpu.vector_store %arg10[%parallel_loop3A_155, %parallel_loop3A_156], %parallel_loop3A_154 {strides = array<i32>} : memref<64x256xf32, #tpu.memory_space<vmem>>, vector<16xf32>,
      %parallel_loop3A_158 = arith.constant 48 : i32
      %parallel_loop3A_159 = vector.broadcast %parallel_loop3A_158 : i32 to vector<16xi32>
      %parallel_loop3A_160 = arith.addi %iota3A, %parallel_loop3A_159 : vector<16xi32>
      %parallel_loop3A_161 = tpu.vector_load_idx %arg8[%parallel_loop3A_160, %parallel_loop3A_127] : memref<256x64xf32, #tpu.memory_space<vmem>>[vector<16xi32>, vector<16xi32>], vector<16xf32>,
      %parallel_loop3A_162 = arith.constant 8.000000e+00 : f32
      %parallel_loop3A_163 = vector.broadcast %parallel_loop3A_162 : f32 to vector<16xf32>
      %parallel_loop3A_164 = arith.mulf %parallel_loop3A_161, %parallel_loop3A_163 : vector<16xf32>
      %parallel_loop3A_165 = arith.index_cast %parallel_loop3A_123 : i32 to index
      %parallel_loop3A_166 = arith.constant 48 : index
      %parallel_loop3A_167 = tpu.vector_load %arg10[%parallel_loop3A_165, %parallel_loop3A_166] {strides = array<i32>} : memref<64x256xf32, #tpu.memory_space<vmem>>, vector<16xf32>,
      tpu.vector_store %arg10[%parallel_loop3A_165, %parallel_loop3A_166], %parallel_loop3A_164 {strides = array<i32>} : memref<64x256xf32, #tpu.memory_space<vmem>>, vector<16xf32>,
      %parallel_loop3A_168 = arith.constant 64 : i32
      %parallel_loop3A_169 = vector.broadcast %parallel_loop3A_168 : i32 to vector<16xi32>
      %parallel_loop3A_170 = arith.addi %iota3A, %parallel_loop3A_169 : vector<16xi32>
      %parallel_loop3A_171 = tpu.vector_load_idx %arg8[%parallel_loop3A_170, %parallel_loop3A_127] : memref<256x64xf32, #tpu.memory_space<vmem>>[vector<16xi32>, vector<16xi32>], vector<16xf32>,
      %parallel_loop3A_172 = arith.constant 8.000000e+00 : f32
      %parallel_loop3A_173 = vector.broadcast %parallel_loop3A_172 : f32 to vector<16xf32>
      %parallel_loop3A_174 = arith.mulf %parallel_loop3A_171, %parallel_loop3A_173 : vector<16xf32>
      %parallel_loop3A_175 = arith.index_cast %parallel_loop3A_123 : i32 to index
      %parallel_loop3A_176 = arith.constant 64 : index
      %parallel_loop3A_177 = tpu.vector_load %arg10[%parallel_loop3A_175, %parallel_loop3A_176] {strides = array<i32>} : memref<64x256xf32, #tpu.memory_space<vmem>>, vector<16xf32>,
      tpu.vector_store %arg10[%parallel_loop3A_175, %parallel_loop3A_176], %parallel_loop3A_174 {strides = array<i32>} : memref<64x256xf32, #tpu.memory_space<vmem>>, vector<16xf32>,
      %parallel_loop3A_178 = arith.constant 80 : i32
      %parallel_loop3A_179 = vector.broadcast %parallel_loop3A_178 : i32 to vector<16xi32>
      %parallel_loop3A_180 = arith.addi %iota3A, %parallel_loop3A_179 : vector<16xi32>
      %parallel_loop3A_181 = tpu.vector_load_idx %arg8[%parallel_loop3A_180, %parallel_loop3A_127] : memref<256x64xf32, #tpu.memory_space<vmem>>[vector<16xi32>, vector<16xi32>], vector<16xf32>,
      %parallel_loop3A_182 = arith.constant 8.000000e+00 : f32
      %parallel_loop3A_183 = vector.broadcast %parallel_loop3A_182 : f32 to vector<16xf32>
      %parallel_loop3A_184 = arith.mulf %parallel_loop3A_181, %parallel_loop3A_183 : vector<16xf32>
      %parallel_loop3A_185 = arith.index_cast %parallel_loop3A_123 : i32 to index
      %parallel_loop3A_186 = arith.constant 80 : index
      %parallel_loop3A_187 = tpu.vector_load %arg10[%parallel_loop3A_185, %parallel_loop3A_186] {strides = array<i32>} : memref<64x256xf32, #tpu.memory_space<vmem>>, vector<16xf32>,
      tpu.vector_store %arg10[%parallel_loop3A_185, %parallel_loop3A_186], %parallel_loop3A_184 {strides = array<i32>} : memref<64x256xf32, #tpu.memory_space<vmem>>, vector<16xf32>,
      %parallel_loop3A_188 = arith.constant 96 : i32
      %parallel_loop3A_189 = vector.broadcast %parallel_loop3A_188 : i32 to vector<16xi32>
      %parallel_loop3A_190 = arith.addi %iota3A, %parallel_loop3A_189 : vector<16xi32>
      %parallel_loop3A_191 = tpu.vector_load_idx %arg8[%parallel_loop3A_190, %parallel_loop3A_127] : memref<256x64xf32, #tpu.memory_space<vmem>>[vector<16xi32>, vector<16xi32>], vector<16xf32>,
      %parallel_loop3A_192 = arith.constant 8.000000e+00 : f32
      %parallel_loop3A_193 = vector.broadcast %parallel_loop3A_192 : f32 to vector<16xf32>
      %parallel_loop3A_194 = arith.mulf %parallel_loop3A_191, %parallel_loop3A_193 : vector<16xf32>
      %parallel_loop3A_195 = arith.index_cast %parallel_loop3A_123 : i32 to index
      %parallel_loop3A_196 = arith.constant 96 : index
      %parallel_loop3A_197 = tpu.vector_load %arg10[%parallel_loop3A_195, %parallel_loop3A_196] {strides = array<i32>} : memref<64x256xf32, #tpu.memory_space<vmem>>, vector<16xf32>,
      tpu.vector_store %arg10[%parallel_loop3A_195, %parallel_loop3A_196], %parallel_loop3A_194 {strides = array<i32>} : memref<64x256xf32, #tpu.memory_space<vmem>>, vector<16xf32>,
      %parallel_loop3A_198 = arith.constant 112 : i32
      %parallel_loop3A_199 = vector.broadcast %parallel_loop3A_198 : i32 to vector<16xi32>
      %parallel_loop3A_200 = arith.addi %iota3A, %parallel_loop3A_199 : vector<16xi32>
      %parallel_loop3A_201 = tpu.vector_load_idx %arg8[%parallel_loop3A_200, %parallel_loop3A_127] : memref<256x64xf32, #tpu.memory_space<vmem>>[vector<16xi32>, vector<16xi32>], vector<16xf32>,
      %parallel_loop3A_202 = arith.constant 8.000000e+00 : f32
      %parallel_loop3A_203 = vector.broadcast %parallel_loop3A_202 : f32 to vector<16xf32>
      %parallel_loop3A_204 = arith.mulf %parallel_loop3A_201, %parallel_loop3A_203 : vector<16xf32>
      %parallel_loop3A_205 = arith.index_cast %parallel_loop3A_123 : i32 to index
      %parallel_loop3A_206 = arith.constant 112 : index
      %parallel_loop3A_207 = tpu.vector_load %arg10[%parallel_loop3A_205, %parallel_loop3A_206] {strides = array<i32>} : memref<64x256xf32, #tpu.memory_space<vmem>>, vector<16xf32>,
      tpu.vector_store %arg10[%parallel_loop3A_205, %parallel_loop3A_206], %parallel_loop3A_204 {strides = array<i32>} : memref<64x256xf32, #tpu.memory_space<vmem>>, vector<16xf32>,
      %parallel_loop3A_208 = arith.constant 128 : i32
      %parallel_loop3A_209 = vector.broadcast %parallel_loop3A_208 : i32 to vector<16xi32>
      %parallel_loop3A_210 = arith.addi %iota3A, %parallel_loop3A_209 : vector<16xi32>
      %parallel_loop3A_211 = tpu.vector_load_idx %arg8[%parallel_loop3A_210, %parallel_loop3A_127] : memref<256x64xf32, #tpu.memory_space<vmem>>[vector<16xi32>, vector<16xi32>], vector<16xf32>,
      %parallel_loop3A_212 = arith.constant 8.000000e+00 : f32
      %parallel_loop3A_213 = vector.broadcast %parallel_loop3A_212 : f32 to vector<16xf32>
      %parallel_loop3A_214 = arith.mulf %parallel_loop3A_211, %parallel_loop3A_213 : vector<16xf32>
      %parallel_loop3A_215 = arith.index_cast %parallel_loop3A_123 : i32 to index
      %parallel_loop3A_216 = arith.constant 128 : index
      %parallel_loop3A_217 = tpu.vector_load %arg10[%parallel_loop3A_215, %parallel_loop3A_216] {strides = array<i32>} : memref<64x256xf32, #tpu.memory_space<vmem>>, vector<16xf32>,
      tpu.vector_store %arg10[%parallel_loop3A_215, %parallel_loop3A_216], %parallel_loop3A_214 {strides = array<i32>} : memref<64x256xf32, #tpu.memory_space<vmem>>, vector<16xf32>,
      %parallel_loop3A_218 = arith.constant 144 : i32
      %parallel_loop3A_219 = vector.broadcast %parallel_loop3A_218 : i32 to vector<16xi32>
      %parallel_loop3A_220 = arith.addi %iota3A, %parallel_loop3A_219 : vector<16xi32>
      %parallel_loop3A_221 = tpu.vector_load_idx %arg8[%parallel_loop3A_220, %parallel_loop3A_127] : memref<256x64xf32, #tpu.memory_space<vmem>>[vector<16xi32>, vector<16xi32>], vector<16xf32>,
      %parallel_loop3A_222 = arith.constant 8.000000e+00 : f32
      %parallel_loop3A_223 = vector.broadcast %parallel_loop3A_222 : f32 to vector<16xf32>
      %parallel_loop3A_224 = arith.mulf %parallel_loop3A_221, %parallel_loop3A_223 : vector<16xf32>
      %parallel_loop3A_225 = arith.index_cast %parallel_loop3A_123 : i32 to index
      %parallel_loop3A_226 = arith.constant 144 : index
      %parallel_loop3A_227 = tpu.vector_load %arg10[%parallel_loop3A_225, %parallel_loop3A_226] {strides = array<i32>} : memref<64x256xf32, #tpu.memory_space<vmem>>, vector<16xf32>,
      tpu.vector_store %arg10[%parallel_loop3A_225, %parallel_loop3A_226], %parallel_loop3A_224 {strides = array<i32>} : memref<64x256xf32, #tpu.memory_space<vmem>>, vector<16xf32>,
      %parallel_loop3A_228 = arith.constant 160 : i32
      %parallel_loop3A_229 = vector.broadcast %parallel_loop3A_228 : i32 to vector<16xi32>
      %parallel_loop3A_230 = arith.addi %iota3A, %parallel_loop3A_229 : vector<16xi32>
      %parallel_loop3A_231 = tpu.vector_load_idx %arg8[%parallel_loop3A_230, %parallel_loop3A_127] : memref<256x64xf32, #tpu.memory_space<vmem>>[vector<16xi32>, vector<16xi32>], vector<16xf32>,
      %parallel_loop3A_232 = arith.constant 8.000000e+00 : f32
      %parallel_loop3A_233 = vector.broadcast %parallel_loop3A_232 : f32 to vector<16xf32>
      %parallel_loop3A_234 = arith.mulf %parallel_loop3A_231, %parallel_loop3A_233 : vector<16xf32>
      %parallel_loop3A_235 = arith.index_cast %parallel_loop3A_123 : i32 to index
      %parallel_loop3A_236 = arith.constant 160 : index
      %parallel_loop3A_237 = tpu.vector_load %arg10[%parallel_loop3A_235, %parallel_loop3A_236] {strides = array<i32>} : memref<64x256xf32, #tpu.memory_space<vmem>>, vector<16xf32>,
      tpu.vector_store %arg10[%parallel_loop3A_235, %parallel_loop3A_236], %parallel_loop3A_234 {strides = array<i32>} : memref<64x256xf32, #tpu.memory_space<vmem>>, vector<16xf32>,
      %parallel_loop3A_238 = arith.constant 176 : i32
      %parallel_loop3A_239 = vector.broadcast %parallel_loop3A_238 : i32 to vector<16xi32>
      %parallel_loop3A_240 = arith.addi %iota3A, %parallel_loop3A_239 : vector<16xi32>
      %parallel_loop3A_241 = tpu.vector_load_idx %arg8[%parallel_loop3A_240, %parallel_loop3A_127] : memref<256x64xf32, #tpu.memory_space<vmem>>[vector<16xi32>, vector<16xi32>], vector<16xf32>,
      %parallel_loop3A_242 = arith.constant 8.000000e+00 : f32
      %parallel_loop3A_243 = vector.broadcast %parallel_loop3A_242 : f32 to vector<16xf32>
      %parallel_loop3A_244 = arith.mulf %parallel_loop3A_241, %parallel_loop3A_243 : vector<16xf32>
      %parallel_loop3A_245 = arith.index_cast %parallel_loop3A_123 : i32 to index
      %parallel_loop3A_246 = arith.constant 176 : index
      %parallel_loop3A_247 = tpu.vector_load %arg10[%parallel_loop3A_245, %parallel_loop3A_246] {strides = array<i32>} : memref<64x256xf32, #tpu.memory_space<vmem>>, vector<16xf32>,
      tpu.vector_store %arg10[%parallel_loop3A_245, %parallel_loop3A_246], %parallel_loop3A_244 {strides = array<i32>} : memref<64x256xf32, #tpu.memory_space<vmem>>, vector<16xf32>,
      %parallel_loop3A_248 = arith.constant 192 : i32
      %parallel_loop3A_249 = vector.broadcast %parallel_loop3A_248 : i32 to vector<16xi32>
      %parallel_loop3A_250 = arith.addi %iota3A, %parallel_loop3A_249 : vector<16xi32>
      %parallel_loop3A_251 = tpu.vector_load_idx %arg8[%parallel_loop3A_250, %parallel_loop3A_127] : memref<256x64xf32, #tpu.memory_space<vmem>>[vector<16xi32>, vector<16xi32>], vector<16xf32>,
      %parallel_loop3A_252 = arith.constant 8.000000e+00 : f32
      %parallel_loop3A_253 = vector.broadcast %parallel_loop3A_252 : f32 to vector<16xf32>
      %parallel_loop3A_254 = arith.mulf %parallel_loop3A_251, %parallel_loop3A_253 : vector<16xf32>
      %parallel_loop3A_255 = arith.index_cast %parallel_loop3A_123 : i32 to index
      %parallel_loop3A_256 = arith.constant 192 : index
      %parallel_loop3A_257 = tpu.vector_load %arg10[%parallel_loop3A_255, %parallel_loop3A_256] {strides = array<i32>} : memref<64x256xf32, #tpu.memory_space<vmem>>, vector<16xf32>,
      tpu.vector_store %arg10[%parallel_loop3A_255, %parallel_loop3A_256], %parallel_loop3A_254 {strides = array<i32>} : memref<64x256xf32, #tpu.memory_space<vmem>>, vector<16xf32>,
      %parallel_loop3A_258 = arith.constant 208 : i32
      %parallel_loop3A_259 = vector.broadcast %parallel_loop3A_258 : i32 to vector<16xi32>
      %parallel_loop3A_260 = arith.addi %iota3A, %parallel_loop3A_259 : vector<16xi32>
      %parallel_loop3A_261 = tpu.vector_load_idx %arg8[%parallel_loop3A_260, %parallel_loop3A_127] : memref<256x64xf32, #tpu.memory_space<vmem>>[vector<16xi32>, vector<16xi32>], vector<16xf32>,
      %parallel_loop3A_262 = arith.constant 8.000000e+00 : f32
      %parallel_loop3A_263 = vector.broadcast %parallel_loop3A_262 : f32 to vector<16xf32>
      %parallel_loop3A_264 = arith.mulf %parallel_loop3A_261, %parallel_loop3A_263 : vector<16xf32>
      %parallel_loop3A_265 = arith.index_cast %parallel_loop3A_123 : i32 to index
      %parallel_loop3A_266 = arith.constant 208 : index
      %parallel_loop3A_267 = tpu.vector_load %arg10[%parallel_loop3A_265, %parallel_loop3A_266] {strides = array<i32>} : memref<64x256xf32, #tpu.memory_space<vmem>>, vector<16xf32>,
      tpu.vector_store %arg10[%parallel_loop3A_265, %parallel_loop3A_266], %parallel_loop3A_264 {strides = array<i32>} : memref<64x256xf32, #tpu.memory_space<vmem>>, vector<16xf32>,
      %parallel_loop3A_268 = arith.constant 224 : i32
      %parallel_loop3A_269 = vector.broadcast %parallel_loop3A_268 : i32 to vector<16xi32>
      %parallel_loop3A_270 = arith.addi %iota3A, %parallel_loop3A_269 : vector<16xi32>
      %parallel_loop3A_271 = tpu.vector_load_idx %arg8[%parallel_loop3A_270, %parallel_loop3A_127] : memref<256x64xf32, #tpu.memory_space<vmem>>[vector<16xi32>, vector<16xi32>], vector<16xf32>,
      %parallel_loop3A_272 = arith.constant 8.000000e+00 : f32
      %parallel_loop3A_273 = vector.broadcast %parallel_loop3A_272 : f32 to vector<16xf32>
      %parallel_loop3A_274 = arith.mulf %parallel_loop3A_271, %parallel_loop3A_273 : vector<16xf32>
      %parallel_loop3A_275 = arith.index_cast %parallel_loop3A_123 : i32 to index
      %parallel_loop3A_276 = arith.constant 224 : index
      %parallel_loop3A_277 = tpu.vector_load %arg10[%parallel_loop3A_275, %parallel_loop3A_276] {strides = array<i32>} : memref<64x256xf32, #tpu.memory_space<vmem>>, vector<16xf32>,
      tpu.vector_store %arg10[%parallel_loop3A_275, %parallel_loop3A_276], %parallel_loop3A_274 {strides = array<i32>} : memref<64x256xf32, #tpu.memory_space<vmem>>, vector<16xf32>,
      %parallel_loop3A_278 = arith.constant 240 : i32
      %parallel_loop3A_279 = vector.broadcast %parallel_loop3A_278 : i32 to vector<16xi32>
      %parallel_loop3A_280 = arith.addi %iota3A, %parallel_loop3A_279 : vector<16xi32>
      %parallel_loop3A_281 = tpu.vector_load_idx %arg8[%parallel_loop3A_280, %parallel_loop3A_127] : memref<256x64xf32, #tpu.memory_space<vmem>>[vector<16xi32>, vector<16xi32>], vector<16xf32>,
      %parallel_loop3A_282 = arith.constant 8.000000e+00 : f32
      %parallel_loop3A_283 = vector.broadcast %parallel_loop3A_282 : f32 to vector<16xf32>
      %parallel_loop3A_284 = arith.mulf %parallel_loop3A_281, %parallel_loop3A_283 : vector<16xf32>
      %parallel_loop3A_285 = arith.index_cast %parallel_loop3A_123 : i32 to index
      %parallel_loop3A_286 = arith.constant 240 : index
      %parallel_loop3A_287 = tpu.vector_load %arg10[%parallel_loop3A_285, %parallel_loop3A_286] {strides = array<i32>} : memref<64x256xf32, #tpu.memory_space<vmem>>, vector<16xf32>,
      tpu.vector_store %arg10[%parallel_loop3A_285, %parallel_loop3A_286], %parallel_loop3A_284 {strides = array<i32>} : memref<64x256xf32, #tpu.memory_space<vmem>>, vector<16xf32>,
    } {sc.loop_unroll_factor = 2 : i64, sc.parallel_access}
    %add3A_100 = arith.constant 256 : i32
    %add3A_101 = arith.addi %mul3A_2, %add3A_100 : i32
    %dma_start3A_102 = arith.constant 49 : i32
    %dma_start3A_103 = arith.constant 0 : i32
    %dma_start3A_104 = tpu.memref_slice %arg4[%dma_start3A_102, %dma_start3A_103, %add3A_101] : memref<50x64x16384xf32, #tpu.memory_space<hbm>> -> memref<1x64x256xf32, #tpu.memory_space<hbm>>
    %dma_start3A_105 = tpu.memref_squeeze %dma_start3A_104 : memref<1x64x256xf32, #tpu.memory_space<hbm>> -> memref<64x256xf32, #tpu.memory_space<hbm>>
    %dma_start3A_106 = arith.constant 0 : i32
    %dma_start3A_107 = tpu.memref_slice %arg4[%dma_start3A_102, %dma_start3A_106, %add3A_101] : memref<50x64x16384xf32, #tpu.memory_space<hbm>> -> memref<1x64x256xf32, #tpu.memory_space<hbm>>
    %dma_start3A_108 = tpu.memref_squeeze %dma_start3A_107 : memref<1x64x256xf32, #tpu.memory_space<hbm>> -> memref<64x256xf32, #tpu.memory_space<hbm>>
    tpu.enqueue_dma source(%arg10 : memref<64x256xf32, #tpu.memory_space<vmem>>) target(%dma_start3A_108 : memref<64x256xf32, #tpu.memory_space<hbm>>) target_semaphore(%arg14 : memref<!tpu.dma_semaphore, #tpu.memory_space<semaphore_mem>>)
    %dma_wait3A_109 = arith.constant 0 : i32
    %dma_wait3A_110 = arith.constant 0 : i32
    %dma_wait3A_111 = tpu.memref_slice %arg4[%dma_wait3A_109, %dma_wait3A_110, %mul3A_2] : memref<50x64x16384xf32, #tpu.memory_space<hbm>> -> memref<1x64x256xf32, #tpu.memory_space<hbm>>
    %dma_wait3A_112 = tpu.memref_squeeze %dma_wait3A_111 : memref<1x64x256xf32, #tpu.memory_space<hbm>> -> memref<64x256xf32, #tpu.memory_space<hbm>>
    %dma_wait3A_113 = arith.constant 0 : i32
    %dma_wait3A_114 = tpu.memref_slice %arg4[%dma_wait3A_109, %dma_wait3A_113, %mul3A_2] : memref<50x64x16384xf32, #tpu.memory_space<hbm>> -> memref<1x64x256xf32, #tpu.memory_space<hbm>>
    %dma_wait3A_115 = tpu.memref_squeeze %dma_wait3A_114 : memref<1x64x256xf32, #tpu.memory_space<hbm>> -> memref<64x256xf32, #tpu.memory_space<hbm>>
    tpu.wait_dma2 semaphore(%arg13 : memref<!tpu.dma_semaphore, #tpu.memory_space<semaphore_mem>>) src(%arg9 : memref<64x256xf32, #tpu.memory_space<vmem>>) dst(%dma_wait3A_115 : memref<64x256xf32, #tpu.memory_space<hbm>>)
    %dma_wait3A_116 = arith.constant 0 : i32
    %dma_wait3A_117 = arith.constant 0 : i32
    %dma_wait3A_118 = tpu.memref_slice %arg4[%dma_wait3A_116, %dma_wait3A_117, %mul3A_2] : memref<50x64x16384xf32, #tpu.memory_space<hbm>> -> memref<1x64x256xf32, #tpu.memory_space<hbm>>
    %dma_wait3A_119 = tpu.memref_squeeze %dma_wait3A_118 : memref<1x64x256xf32, #tpu.memory_space<hbm>> -> memref<64x256xf32, #tpu.memory_space<hbm>>
    %dma_wait3A_120 = arith.constant 0 : i32
    %dma_wait3A_121 = tpu.memref_slice %arg4[%dma_wait3A_116, %dma_wait3A_120, %mul3A_2] : memref<50x64x16384xf32, #tpu.memory_space<hbm>> -> memref<1x64x256xf32, #tpu.memory_space<hbm>>
    %dma_wait3A_122 = tpu.memref_squeeze %dma_wait3A_121 : memref<1x64x256xf32, #tpu.memory_space<hbm>> -> memref<64x256xf32, #tpu.memory_space<hbm>>
    tpu.wait_dma2 semaphore(%arg14 : memref<!tpu.dma_semaphore, #tpu.memory_space<semaphore_mem>>) src(%arg10 : memref<64x256xf32, #tpu.memory_space<vmem>>) dst(%dma_wait3A_122 : memref<64x256xf32, #tpu.memory_space<hbm>>)
    return
  }
}

</mosaic_0001>

<sc_bundles>
// kernel: kernel.3.cloned.1.call-start
scs
__scs_entry_jumppad:
0x0: {  	(pc) =	sbr.rel $0x88, $3  }
0x1: {  	(tag) =	ssettag $0x0;
	lr =	simm.s32 $0x1  }
0x2: {  	[smem:$0x3F9F] =	sst lr;
	_ =	strace $0xD0000000  }
0x3: {  	_ = 	snop  }
0x4: {  	_ = 	snop  }
0x5: {  	_ = 	snop  }
0x6: {  	_ = 	snop  }
0x7: {  	_ = 	snop  }
__scs_overlays_trampoline_lowered:
0x8: {  	[smem:$0x3FAE] =	sst s0  }
0x9: {  	[smem:$0x3FAF] =	sst s1  }
0xa: {  	[smem:$0x3FB0] =	sst s2  }
0xb: {  	[smem:$0x3FB1] =	sst s3  }
0xc: {  	[smem:$0x3FB2] =	sst s4  }
0xd: {  	[smem:$0x3FB3] =	sst s5  }
0xe: {  	[smem:$0x3FB4] =	sst s6  }
0xf: {  	[smem:$0x3FB5] =	sst s7  }
0x10: {  	[smem:$0x3FB6] =	sst s8  }
0x11: {  	[smem:$0x3FB7] =	sst s9;
	s0 =	simm.s32 @!p0 $0x0  }
0x12: {  	s1 =	sld [smem:$0x3F9D];
	s0 =	simm.s32 @p0 $0x1  }
0x13: {  	[smem:$0x3FB8] =	sst s0;
	s0 =	simm.s32 @!p1 $0x0  }
0x14: {  	s2 =	sld [smem:$0x3F9C];
	s0 =	simm.s32 @p1 $0x1  }
0x15: {  	[smem:$0x3FB9] =	sst s0;
	s0 =	simm.s32 @!p2 $0x0  }
0x16: {  	s3 =	sld [smem:$0x3FDB];
	s0 =	simm.s32 @p2 $0x1  }
0x17: {  	s4 =	simm.s32 $0x1BF5;
	[smem:$0x3FBB] =	sst s0  }
0x18: {  	s0 =	sld [smem:$0x3F9E];
	_ =	swait.ge [sflag:s4], $0x0  }
0x19: {  	s7 =	sld [smem:$0x3F9F]  }
0x1a: {  	s8 =	sadd.s32 $0xFFFFE003, lr  }
0x1b: {  	s9 =	sadd.s32 $0xFFFFFEF7, lr;
	s5 =	simm.s32 $0xFFFFFFFF;
	p2 =	slt.u32 s8, $0xFFFFF086  }
0x1c: {  	p1 =	slt.u32 s9, $0xF7A;
	s5 =	simm.s32 @!p2 $0x0  }
0x1d: {  	s5 =	simm.s32 @p1 $0x1;
	p0 =	seq.s32 s7, s2  }
0x1e: {  	s7 =	smul.u32 @!p0 $0xF7A, s2;
	p2 =	seq.s32 @!p0 s5, $0x0  }
0x1f: {  	s9 =	smul.u32 $0xF7A, s1;
	s8 =	simm.s32 @!p0 $0x1BF5;
	p2 =	por !p2, p0  }
0x20: {  	[sflag:s8] =	ssyncset.s32 @!p0 $0xFFFFF086;
	s6 =	sadd.s32 @!p0 s3, s7;
	s7 =	simm.s32 @!p0 $0x108  }
0x21: {  	s3 =	sadd.s32 s3, s9;
	s6 =	sadd.s32 @!p0 $0x88, s6;
	s7 =	simm.s32 @p2 $0x1082  }
0x22: {  	[simem:s7], [sflag:s8] =	dma.local @!p0 [hbm:s6], $0xF7A  }
0x23: {  	s9 =	sor.u32 $0xD0000000, s2;
	s6 =	simm.s32 $0x108;
	_ =	swait.ge @!p0 [sflag:s8], $0x0  }
0x24: {  	s3 =	sadd.s32 $0x88, s3;
	s6 =	simm.s32 @!p1 $0x1082;
	[sflag:s4] =	ssyncset.s32 $0xFFFFF086  }
0x25: {  	[simem:s6], [sflag:s4] =	dma.local [hbm:s3], $0xF7A  }
0x26: {  	[smem:$0x3F9F] =	sst s1;
	(tag) =	ssettag s2;
	_ =	strace s9  }
0x27: {  	s1 =	sld [smem:$0x3FAF]  }
0x28: {  	s2 =	sld [smem:$0x3FB0]  }
0x29: {  	s4 =	sld [smem:$0x3FB2]  }
0x2a: {  	p0 =	seq.s32 s5, $0x0;
	s5 =	sld [smem:$0x3FB3]  }
0x2b: {  	s6 =	sld [smem:$0x3FB4]  }
0x2c: {  	s7 =	sld [smem:$0x3FB5]  }
0x2d: {  	s3 =	simm.s32 $0x108;
	s8 =	sld [smem:$0x3FB6]  }
0x2e: {  	s3 =	simm.s32 @!p0 $0x1082;
	s9 =	sld [smem:$0x3FB7]  }
0x2f: {  	lr =	sadd.s32 s0, s3;
	s0 =	sld [smem:$0x3FAE]  }
0x30: {  	s3 =	sld [smem:$0x3FB1]  }
0x31: {  	[smem:$0x3FBA] =	sst s10  }
0x32: {  	s10 =	sld [smem:$0x3FB8];
	_ =	sdelay $0x3  }
0x33: {  	p0 =	seq.s32 s10, $0x1;
	s10 =	sld [smem:$0x3FBA];
	_ =	sdelay $0x3  }
0x34: {  	[smem:$0x3FBA] =	sst s10  }
0x35: {  	s10 =	sld [smem:$0x3FB9];
	_ =	sdelay $0x3  }
0x36: {  	p1 =	seq.s32 s10, $0x1;
	s10 =	sld [smem:$0x3FBA];
	_ =	sdelay $0x3  }
0x37: {  	[smem:$0x3FBA] =	sst s10  }
0x38: {  	s10 =	sld [smem:$0x3FBB]  }
0x39: {  	_ = 	snop;
	(pc) =	sbr.ind lr, $3  }
0x3a: {  	_ = 	snop  }
0x3b: {  	_ = 	snop  }
0x3c: {  	p2 =	seq.s32 s10, $0x1;
	s10 =	sld [smem:$0x3FBA]  }
0x3d: {  	_ =	shalt  }
0x3e: {  	_ =	shalt  }
0x3f: {  	_ =	shalt  }
0x40: {  	_ =	shalt  }
0x41: {  	_ =	shalt  }
0x42: {  	_ =	shalt  }
0x43: {  	_ =	shalt  }
0x44: {  	_ =	shalt  }
0x45: {  	_ =	shalt  }
0x46: {  	_ =	shalt  }
0x47: {  	_ =	shalt  }
0x48: {  	_ =	shalt  }
0x49: {  	_ =	shalt  }
0x4a: {  	_ =	shalt  }
0x4b: {  	_ =	shalt  }
0x4c: {  	_ =	shalt  }
0x4d: {  	_ =	shalt  }
0x4e: {  	_ =	shalt  }
0x4f: {  	_ =	shalt  }
0x50: {  	_ =	shalt  }
0x51: {  	_ =	shalt  }
0x52: {  	_ =	shalt  }
0x53: {  	_ =	shalt  }
0x54: {  	_ =	shalt  }
0x55: {  	_ =	shalt  }
0x56: {  	_ =	shalt  }
0x57: {  	_ =	shalt  }
0x58: {  	_ =	shalt  }
0x59: {  	_ =	shalt  }
0x5a: {  	_ =	shalt  }
0x5b: {  	_ =	shalt  }
0x5c: {  	_ =	shalt  }
0x5d: {  	_ =	shalt  }
0x5e: {  	_ =	shalt  }
0x5f: {  	_ =	shalt  }
0x60: {  	_ =	shalt  }
0x61: {  	_ =	shalt  }
0x62: {  	_ =	shalt  }
0x63: {  	_ =	shalt  }
0x64: {  	_ =	shalt  }
0x65: {  	_ =	shalt  }
0x66: {  	_ =	shalt  }
0x67: {  	_ =	shalt  }
0x68: {  	_ =	shalt  }
0x69: {  	_ =	shalt  }
0x6a: {  	_ =	shalt  }
0x6b: {  	_ =	shalt  }
0x6c: {  	_ =	shalt  }
0x6d: {  	_ =	shalt  }
0x6e: {  	_ =	shalt  }
0x6f: {  	_ =	shalt  }
0x70: {  	_ =	shalt  }
0x71: {  	_ =	shalt  }
0x72: {  	_ =	shalt  }
0x73: {  	_ =	shalt  }
0x74: {  	_ =	shalt  }
0x75: {  	_ =	shalt  }
0x76: {  	_ =	shalt  }
0x77: {  	_ =	shalt  }
0x78: {  	_ =	shalt  }
0x79: {  	_ =	shalt  }
0x7a: {  	_ =	shalt  }
0x7b: {  	_ =	shalt  }
0x7c: {  	_ =	shalt  }
0x7d: {  	_ =	shalt  }
0x7e: {  	_ =	shalt  }
0x7f: {  	_ =	shalt  }
0x80: {  	_ =	shalt  }
0x81: {  	_ =	shalt  }
0x82: {  	_ =	shalt  }
0x83: {  	_ =	shalt  }
0x84: {  	_ =	shalt  }
0x85: {  	_ =	shalt  }
0x86: {  	_ =	shalt  }
0x87: {  	_ =	shalt  }
.Lfunc_end0:
.L_simem_size_0:
called_computation_lowered:
.L_overlay_start_0:
0x88: {  	s2 =	sld [smem:$0x3FD9]  }
0x89: {  	s3 =	sld [smem:$0x3FFE];
	_ =	sdelay $0x1  }
0x8a: {  	s1 =	srdreg.scid  }
0x8b: {  	s0 =	sand.u32 $0x1, s1  }
0x8c: {  	s17 =	sshll.u32 s0, $0xA;
	s2 =	sadd.s32 s3, s2  }
0x8d: {  	s2 =	sadd.s32 s2, s17  }
0x8e: {  	[smem:$0x3FC6] =	sst s2  }
0x8f: {  	_ = 	snop  }
0x90: {  	s2 =	sld [smem:$0x3FD0];
	(tm) =	ssettm $0x1  }
0x91: {  	s18 =	sld [smem:$0x3FFB];
	_ =	sdelay $0x3  }
0x92: {  	_ =	strace s18  }
0x93: {  	s3 =	sld [smem:$0x3FFC];
	_ =	sdelay $0x3  }
0x94: {  	_ =	strace s3  }
0x95: {  	s3 =	sld [smem:$0x3FFD];
	_ =	sdelay $0x3  }
0x96: {  	_ =	strace s3  }
0x97: {  	_ =	strace $0x8FFFFFFF  }
0x98: {  	s19 =	sld [smem:$0x3FDB];
	_ =	sdelay $0x1  }
0x99: {  	s4 =	simm.s32 $_scs_section_size  }
0x9a: {  	s5 =	simm.s32 $_size__tile_overlayer_lowered;
	s6 =	simm.s32 $_tile_overlayer_lowered  }
0x9b: {  	s22 =	simm.s32 $0x1BFF;
	s21 =	sshll.u32 s6, $0x1;
	s3 =	sadd.s32 s4, s19  }
0x9c: {  	s7 =	simm.s32 $0x0;
	s20 =	sshll.u32 s5, $0x1;
	s5 =	sadd.s32 s21, s3  }
0x9d: {  	[timem:s7], [sflag:s22] =	dma.local [hbm:s5], s20  }
0x9e: {  	_ =	swait.ge [sflag:s22], s20  }
0x9f: {  	s4 =	ssub.s32 $0x0, s20;
	[sflag:s22] =	ssyncset.done $0x0  }
0xa0: {  	[sflag:s22] =	ssyncadd.s32 s4;
	_ =	sdelay $0x1  }
0xa1: {  	s23 =	simm.s32 $0x1B8B  }
0xa2: {  	_ =	swait.ge [sflag:s23], $0x1  }
0xa3: {  	[sflag:s23] =	ssyncset.done $0x0  }
0xa4: {  	s25 =	simm.s32 $0x1B8E;
	s24 =	sld [smem:$0x3FFE];
	[sflag:s23] =	ssyncadd.s32 $0xFFFFFFFF  }
0xa5: {  	s26 =	simm.s32 $execute0_lowered;
	[smem:$0x3FD2] =	sst s25  }
0xa6: {  	s5 =	sshll.u32 s26, $0x1;
	_ =	strace $0x80000046;
	[dreg:$0x1] =	wrdreg $0xFFFFFFFF  }
0xa7: {  	s28 =	simm.s32 $_size_execute0_lowered;
	s3 =	sadd.s32 s3, s5;
	[dreg:$0x0] =	wrdreg $0x0  }
0xa8: {  	s5 =	sshll.u32 s28, $0x1;
	[dreg:$0x2] =	wrdreg s3  }
0xa9: {  	[dreg:$0x3] =	wrdreg s5  }
0xaa: {  	[dreg:$0x4] =	wrdreg $0xC0  }
0xab: {  	_ =	task [dreg:s7], $0x5FFFF  }
0xac: {  	[dreg:$0x1] =	wrdreg $0xFFFFFFFF  }
0xad: {  	[dreg:$0x0] =	wrdreg $0x60  }
0xae: {  	[dreg:$0x2] =	wrdreg s2  }
0xaf: {  	[dreg:$0x3] =	wrdreg s24  }
0xb0: {  	[dreg:$0x4] =	wrdreg $0x9  }
0xb1: {  	_ =	task.clear_ibuf [dreg:s7], $0x5FFFF;
	_ =	strace $0x90000046  }
0xb2: {  	s29 =	simm.s32 $0x9;
	_ =	strace $0x80000048  }
0xb3: {  	_ =	swait.ge [sflag:s29], $0x1  }
0xb4: {  	[sflag:s29] =	ssyncadd.s32 $0xFFFFFFFF  }
0xb5: {  	_ =	strace $0x90000048  }
0xb6: {  	_ =	sfence  }
0xb7: {  	s30 =	sld [smem:$0x0];
	_ =	sdelay $0x2  }
0xb8: {  	s31 =	sshll.u32 s1, $0xD;
	s1 =	sshrl.u32 s1, $0x2  }
0xb9: {  	s3 =	sand.u32 $0x4000, s31;
	s1 =	sadd.s32 s1, s30  }
0xba: {  	s0 =	sor.u32 s3, s0;
	s1 =	sshll.u32 s1, $0x11  }
0xbb: {  	s0 =	sor.u32 s1, s0  }
0xbc: {  	s0 =	sadd.s32 $0x8F2B, s0  }
0xbd: {  	[sflag:s0] =	ssyncadd.remote.s32 $0x1  }
0xbe: {  	_ =	sfence.sel $0xFFFF  }
0xbf: {  	[dreg:$0x0] =	wrdreg $0xFFFFFFFF;
	(pc) =	sbr.abs _section_cstart, $3  }
0xc0: {  	[dreg:$0x1] =	wrdreg $0xFFFFFFFF  }
0xc1: {  	_ =	task.clear_ibuf [dreg:s7], $0x2FFFF;
	_ =	strace $0x9FFFFFFF  }
0xc2: {  	(tm) =	ssettm $0x7FFFFFFF  }
0xc3: {  	_ =	shalt  }
tec
execute0_lowered:
.L_overlay_start_1:
0x0: {  	(tag) =	ssettag $0x1  }
0x1: {  	s0 =	rddreg [dreg:$0x0]  }
0x2: {  	s1 =	rddreg [dreg:$0x1];
	s2 =	simm.s32 $0x0  }
0x3: {  	s3 =	srdreg.scid;
	s5 =	stileid.u32;
	s12 =	simm.s32 $0x5  }
0x4: {  	s13 =	simm.s32 $0x100;
	s15 =	simm.s32 $0xD400;
	s17 =	simm.s32 $0x11400  }
0x5: {  	s18 =	simm.s32 $0x1;
	s19 =	simm.s32 $0x4000;
	s20 =	simm.s32 $0x15400  }
0x6: {  	s22 =	simm.s32 $0x2;
	s23 =	simm.s32 $0x19400;
	s25 =	simm.s32 $0x3  }
0x7: {  	v0 =	vlaneseq.u32;
	s28 =	simm.s32 $0x0;
	s29 =	simm.s32 $0x0;
	s4 =	sand.u32 $0x1, s3  }
0x8: {  	[smem:$0x7FF] =	sst s2;
	s5 =	sshll.u32 s5, $0xA;
	v1 =	vmul.u32 $0x40, v0;
	s6 =	sshll.u32 s4, $0x9  }
0x9: {  	s3 =	sadd.s32 $0x600, s1;
	s7 =	ssub.s32 $0x2, s4;
	s4 =	sor.u32 s6, s5  }
0xa: {  	_ =	strace $0x80000047;
	s26 =	sshrl.u32 s7, $0x1;
	v2 =	vor.u32 $0x400, v1;
	v3 =	vor.u32 $0x800, v1;
	v4 =	vor.u32 $0xC00, v1;
	s8 =	smul.u32 $0x7, s4  }
0xb: {  	s5 =	sadd.s32 $0xF42A00, s1;
	v5 =	vor.u32 $0x1000, v1;
	v6 =	vor.u32 $0x1400, v1;
	v7 =	vor.u32 $0x1800, v1;
	s9 =	sshrl.u32 s4, $0x3;
	s30 =	ssub.s32 s7, s26  }
0xc: {  	v8 =	vor.u32 $0x1C00, v1;
	v9 =	vor.u32 $0x2000, v1;
	v10 =	vor.u32 $0x2400, v1;
	s26 =	simm.s32 $0x4;
	s6 =	sadd.s32 s3, s9;
	s0 =	sadd.s32 s0, s8  }
0xd: {  	v11 =	vor.u32 $0x2800, v1;
	v12 =	vor.u32 $0x2C00, v1;
	v13 =	vor.u32 $0x3000, v1;
	s11 =	smax.u32 s30, $0x1;
	s31 =	sadd.s32 $0x20, s6;
	[dreg:$0x3] =	wrdreg s0  }
0xe: {  	v14 =	vor.u32 $0x3400, v1;
	v15 =	vor.u32 $0x3800, v1;
	v16 =	vor.u32 $0x3C00, v1;
	s9 =	sadd.s32 $0x620000, s6;
	s10 =	sadd.s32 $0x620020, s6;
	[dreg:$0x4] =	wrdreg s31  }
.LBB2_1:
0xf: {  	v17 =	vmov s2;
	v18 =	vor.u32 s2, v0;
	s0 =	simm.s32 $0x10;
	s1 =	simm.s32 $0x30  }
0x10: {  	s7 =	simm.s32 $0x20;
	v18 =	vand.u32 $0x1CF, v18;
	v19 =	vor.u32 s0, v0;
	v20 =	vor.u32 s1, v0  }
0x11: {  	s30 =	simm.s32 $0x70;
	v21 =	vor.u32 s7, v0;
	v22 =	vmov s1;
	v23 =	vmov s0  }
0x12: {  	s24 =	simm.s32 $0x50;
	s31 =	simm.s32 $0x60;
	v25 =	vmov s7;
	v17 =	vshrl.u32 v17, $0x9;
	v57 =	vor.u32 s30, v0  }
0x13: {  	v58 =	vor.u32 s31, v0;
	v59 =	vmov s30;
	v27 =	vmov s24  }
0x14: {  	v29 =	vmov s31;
	v20 =	vand.u32 $0x1FF, v20;
	v19 =	vand.u32 $0x1DF, v19  }
0x15: {  	v22 =	vshrl.u32 v22, $0x9;
	v21 =	vand.u32 $0x1EF, v21;
	v20 =	vmul.u32 $0x38, v20  }
0x16: {  	v18 =	vmul.u32 $0x38, v18;
	v26 =	vand.u32 $0x38, v17;
	v24 =	vand.u32 $0x38, v22  }
0x17: {  	v17 =	vand.u32 $0x7, v17;
	v22 =	vand.u32 $0x7, v22;
	v20 =	vadd.s32 v24, v20  }
0x18: {  	v19 =	vmul.u32 $0x38, v19;
	v20 =	vor.u32 v22, v20;
	v22 =	vshrl.u32 v23, $0x9  }
0x19: {  	v21 =	vmul.u32 $0x38, v21;
	v23 =	vshrl.u32 v25, $0x9;
	v56 =	vand.u32 $0x38, v22  }
0x1a: {  	s16 =	rddreg [dreg:$0x3];
	v25 =	vand.u32 $0x38, v23;
	v22 =	vand.u32 $0x7, v22;
	v19 =	vadd.s32 v56, v19  }
0x1b: {  	[tilespmem:s2], [sflag:$0x5] =	stream.linear.gather [hbm4b:s16+s2], $0x7000, $0x38;
	v23 =	vand.u32 $0x7, v23;
	v21 =	vadd.s32 v25, v21;
	v19 =	vor.u32 v22, v19;
	[tilespmem:$0x1D400] =	vst v63  }
0x1c: {  	_ =	swait.ge [sflag:s12], $0x7000;
	v61 =	vshrl.u32 v27, $0x9;
	v18 =	vadd.s32 v26, v18;
	v21 =	vor.u32 v23, v21  }
0x1d: {  	v62 =	vshrl.u32 v29, $0x9;
	[sflag:s12] =	ssyncset.done $0x0;
	v17 =	vor.u32 v17, v18;
	v24 =	vand.u32 $0x1FF, v57  }
0x1e: {  	s21 =	simm.s32 $0x40;
	v27 =	vand.u32 $0x38, v61;
	[sflag:s12] =	ssyncadd.s32 $0xFFFF9000;
	v26 =	vshrl.u32 v59, $0x9;
	v24 =	vmul.u32 $0x38, v24  }
0x1f: {  	v28 =	vand.u32 $0x38, v26;
	v26 =	vand.u32 $0x7, v26;
	v23 =	vor.u32 s21, v0;
	v20 =	vld.idx.msk [tilespmem:v20+s2+$0x0], $0xffff  }
0x20: {  	v24 =	vadd.s32 v28, v24;
	v18 =	vand.u32 $0x1CF, v23;
	v23 =	vor.u32 s24, v0;
	v19 =	vld.idx.msk [tilespmem:v19+s2+$0x0], $0xffff  }
0x21: {  	v29 =	vand.u32 $0x38, v62;
	v24 =	vor.u32 v26, v24;
	v23 =	vand.u32 $0x1DF, v23;
	v60 =	vld.idx.msk [tilespmem:v21+s2+$0x0], $0xffff  }
0x22: {  	v25 =	vand.u32 $0x1EF, v58;
	v22 =	vmov s21;
	v17 =	vld.idx.msk [tilespmem:v17+s2+$0x0], $0xffff;
	v21 =	vmul.u32 $0x38, v23  }
0x23: {  	s0 =	simm.s32 $0x7020;
	v22 =	vshrl.u32 v22, $0x9;
	v18 =	vmul.u32 $0x38, v18;
	v23 =	vmul.u32 $0x38, v25  }
0x24: {  	v63 =	vand.u32 $0x7, v62;
	[tilespmem:s0+$0x10] =	vst v20;
	v20 =	vand.u32 $0x38, v22;
	v27 =	vadd.s32 v27, v21  }
0x25: {  	v23 =	vadd.s32 v29, v23;
	v21 =	vadd.s32 v20, v18;
	v18 =	vand.u32 $0x7, v61;
	[tilespmem:s0+$0xFFFFFFF0] =	vst v19  }
0x26: {  	s1 =	simm.s32 $0x4;
	s7 =	simm.s32 $0x80;
	v22 =	vand.u32 $0x7, v22;
	v20 =	vor.u32 v18, v27;
	v18 =	vld.idx.msk [tilespmem:v24+s2+$0x0], $0xffff;
	v19 =	vor.u32 v63, v23;
	[tilespmem:s0+$0x0] =	vst v60  }
.LBB2_2:
0x27: {  	v23 =	vmov s7;
	v24 =	vor.u32 s7, v0;
	s8 =	sadd.s32 $0x10, s7;
	s14 =	sadd.s32 $0x30, s7;
	s1 =	sadd.s32 $0x4, s1;
	v21 =	vor.u32 v22, v21;
	[tilespmem:s0+$0xFFFFFFE0] =	vst v17  }
0x28: {  	s16 =	sadd.s32 $0x20, s7;
	v22 =	vand.u32 $0x1CF, v24;
	v17 =	vor.u32 s8, v0;
	v24 =	vor.u32 s14, v0;
	p0 =	slt.u32 s1, $0x63C  }
0x29: {  	v25 =	vor.u32 s16, v0;
	v26 =	vmov s14;
	v24 =	vand.u32 $0x1FF, v24  }
0x2a: {  	v17 =	vand.u32 $0x1DF, v17;
	v26 =	vshrl.u32 v26, $0x9;
	v24 =	vmul.u32 $0x38, v24  }
0x2b: {  	s0 =	sadd.s32 $0x40, s0;
	v27 =	vmov s8;
	v25 =	vand.u32 $0x1EF, v25;
	v28 =	vand.u32 $0x38, v26;
	v20 =	vld.idx.msk [tilespmem:v20+s2+$0x0], $0xffff  }
0x2c: {  	v29 =	vmov s16;
	v26 =	vand.u32 $0x7, v26;
	v24 =	vadd.s32 v28, v24;
	v28 =	vld.idx.msk [tilespmem:v19+s2+$0x0], $0xffff;
	[tilespmem:s0+$0x10] =	vst v18  }
0x2d: {  	v18 =	vmul.u32 $0x38, v17;
	v19 =	vmul.u32 $0x38, v25;
	v24 =	vor.u32 v26, v24;
	v17 =	vld.idx.msk [tilespmem:v21+s2+$0x0], $0xffff  }
.Ltmp0:
0x2e: {  	v25 =	vshrl.u32 v29, $0x9;
	v21 =	vmul.u32 $0x38, v22;
	v22 =	vshrl.u32 v27, $0x9;
	(pc) =	sbr.rel @p0 .LBB2_2-.Ltmp0, $4  }
0x2f: {  	v23 =	vshrl.u32 v23, $0x9;
	v27 =	vand.u32 $0x38, v25;
	v26 =	vand.u32 $0x38, v22  }
0x30: {  	v29 =	vand.u32 $0x38, v23;
	v19 =	vadd.s32 v27, v19;
	v18 =	vadd.s32 v26, v18  }
0x31: {  	v25 =	vand.u32 $0x7, v25;
	v21 =	vadd.s32 v29, v21;
	v26 =	vand.u32 $0x7, v22;
	[tilespmem:s0+$0xFFFFFFF0] =	vst v20  }
0x32: {  	s7 =	sadd.s32 $0x40, s7;
	v22 =	vand.u32 $0x7, v23;
	v19 =	vor.u32 v25, v19;
	v20 =	vor.u32 v26, v18;
	v18 =	vld.idx.msk [tilespmem:v24+s2+$0x0], $0xffff;
	[tilespmem:s0+$0x0] =	vst v28  }
0x33: {  	_ = 	snop  }
0x34: {  	v21 =	vor.u32 v22, v21;
	_ =	sdelay $0x2  }
0x35: {  	v20 =	vld.idx.msk [tilespmem:v20+s2+$0x0], $0xffff  }
0x36: {  	v19 =	vld.idx.msk [tilespmem:v19+s2+$0x0], $0xffff  }
0x37: {  	v21 =	vld.idx.msk [tilespmem:v21+s2+$0x0], $0xffff  }
0x38: {  	[tilespmem:s0+$0xFFFFFFE0] =	vst v17;
	s21 =	sadd.s32 $0x40, s0  }
0x39: {  	s1 =	simm.s32 $0x1;
	[tilespmem:s21+$0x10] =	vst v18  }
0x3a: {  	v17 =	vmov s1;
	[tilespmem:s21+$0xFFFFFFF0] =	vst v20  }
0x3b: {  	v17 =	vand.u32 $0x3F, v17;
	[tilespmem:s21+$0x0] =	vst v19  }
0x3c: {  	s24 =	simm.s32 $0x0;
	s30 =	simm.s32 $0x7000;
	v25 =	vbroadcast v17, $0x0;
	[tilespmem:s21+$0xFFFFFFE0] =	vst v21  }
0x3d: {  	v17 =	vmov s24;
	[tilespmem:s15], [sflag:$0x1] =	stream.indirect.gather [hbm4b:s5+s13], $0x40, s30, s13, $0xb8;
	[tilespmem:$0x1D400] =	vst v63  }
0x3e: {  	s31 =	simm.s32 $0x7100;
	v17 =	vand.u32 $0x3E, v17;
	v18 =	vor.u32 v1, v25  }
0x3f: {  	v26 =	vbroadcast v17, $0x0;
	[tilespmem:s17], [sflag:$0x2] =	stream.indirect.gather [hbm4b:s5+s13], $0x40, s31, s13, $0xb8;
	[tilespmem:$0x1D400] =	vst v63  }
0x40: {  	_ =	swait.ge [sflag:s18], $0x4000  }
0x41: {  	v17 =	vor.u32 v1, v26;
	[sflag:s18] =	ssyncset.done $0x0  }
0x42: {  	[sflag:s18] =	ssyncadd.s32 $0xFFFFC000  }
0x43: {  	v18 =	vld.idx.msk [tilespmem:v18+s15+$0x0], $0xffff;
	_ =	sdelay $0x2  }
0x44: {  	v19 =	vor.u32 v2, v25;
	v17 =	vld.idx.msk [tilespmem:v17+s15+$0x0], $0xffff;
	_ =	sdelay $0x1  }
0x45: {  	v18 =	vmul.f32 $8.000000000e+00, v18  }
0x46: {  	s16 =	simm.s32 $0x15500;
	v20 =	vor.u32 v2, v26  }
0x47: {  	[tilespmem:s16+$0x0] =	vst v18  }
0x48: {  	v17 =	vmul.f32 $8.000000000e+00, v17;
	v18 =	vld.idx.msk [tilespmem:v19+s15+$0x0], $0xffff;
	_ =	sdelay $0x1  }
0x49: {  	[tilespmem:s16+$0xFFFFFF00] =	vst v17  }
0x4a: {  	v17 =	vld.idx.msk [tilespmem:v20+s15+$0x0], $0xffff;
	v19 =	vor.u32 v3, v25;
	_ =	sdelay $0x1  }
0x4b: {  	v18 =	vmul.f32 $8.000000000e+00, v18  }
0x4c: {  	v20 =	vor.u32 v3, v26  }
0x4d: {  	[tilespmem:s16+$0x10] =	vst v18  }
0x4e: {  	v17 =	vmul.f32 $8.000000000e+00, v17;
	v18 =	vld.idx.msk [tilespmem:v19+s15+$0x0], $0xffff;
	_ =	sdelay $0x1  }
0x4f: {  	s1 =	simm.s32 $0x3;
	[tilespmem:s16+$0xFFFFFF10] =	vst v17  }
0x50: {  	v17 =	vld.idx.msk [tilespmem:v20+s15+$0x0], $0xffff;
	v20 =	vor.u32 v4, v25;
	v19 =	vmov s1  }
0x51: {  	v19 =	vand.u32 $0x3F, v19  }
0x52: {  	s7 =	simm.s32 $0x2;
	v22 =	vbroadcast v19, $0x0;
	v18 =	vmul.f32 $8.000000000e+00, v18  }
0x53: {  	v21 =	vor.u32 v4, v26;
	v19 =	vmov s7  }
0x54: {  	v19 =	vand.u32 $0x3E, v19;
	[tilespmem:s16+$0x20] =	vst v18;
	v18 =	vor.u32 v1, v22  }
0x55: {  	v19 =	vbroadcast v19, $0x0;
	v17 =	vmul.f32 $8.000000000e+00, v17;
	v20 =	vld.idx.msk [tilespmem:v20+s15+$0x0], $0xffff;
	_ =	sdelay $0x1  }
0x56: {  	v23 =	vor.u32 v1, v19;
	[tilespmem:s16+$0xFFFFFF20] =	vst v17  }
0x57: {  	v17 =	vld.idx.msk [tilespmem:v21+s15+$0x0], $0xffff;
	v21 =	vor.u32 v5, v25  }
0x58: {  	v18 =	vld.idx.msk [tilespmem:v18+s15+$0x0], $0xffff  }
0x59: {  	v20 =	vmul.f32 $8.000000000e+00, v20  }
0x5a: {  	v24 =	vor.u32 v5, v26  }
0x5b: {  	v23 =	vld.idx.msk [tilespmem:v23+s15+$0x0], $0xffff;
	[tilespmem:s16+$0x30] =	vst v20;
	v20 =	vor.u32 v2, v22  }
0x5c: {  	v17 =	vmul.f32 $8.000000000e+00, v17;
	v21 =	vld.idx.msk [tilespmem:v21+s15+$0x0], $0xffff  }
0x5d: {  	v18 =	vmul.f32 $8.000000000e+00, v18  }
0x5e: {  	s0 =	simm.s32 $0x15700;
	[tilespmem:s16+$0xFFFFFF30] =	vst v17;
	v17 =	vor.u32 v2, v19  }
0x5f: {  	v24 =	vld.idx.msk [tilespmem:v24+s15+$0x0], $0xffff;
	[tilespmem:s0+$0x0] =	vst v18;
	v18 =	vor.u32 v6, v25  }
0x60: {  	v23 =	vmul.f32 $8.000000000e+00, v23;
	v20 =	vld.idx.msk [tilespmem:v20+s15+$0x0], $0xffff  }
0x61: {  	v21 =	vmul.f32 $8.000000000e+00, v21  }
0x62: {  	[tilespmem:s0+$0xFFFFFF00] =	vst v23;
	v23 =	vor.u32 v6, v26  }
0x63: {  	v17 =	vld.idx.msk [tilespmem:v17+s15+$0x0], $0xffff;
	[tilespmem:s16+$0x40] =	vst v21;
	v21 =	vor.u32 v3, v22  }
0x64: {  	v24 =	vmul.f32 $8.000000000e+00, v24;
	v18 =	vld.idx.msk [tilespmem:v18+s15+$0x0], $0xffff  }
0x65: {  	v20 =	vmul.f32 $8.000000000e+00, v20  }
0x66: {  	[tilespmem:s16+$0xFFFFFF40] =	vst v24;
	v24 =	vor.u32 v3, v19  }
0x67: {  	v23 =	vld.idx.msk [tilespmem:v23+s15+$0x0], $0xffff;
	[tilespmem:s0+$0x10] =	vst v20;
	v20 =	vor.u32 v7, v25  }
0x68: {  	v17 =	vmul.f32 $8.000000000e+00, v17;
	v21 =	vld.idx.msk [tilespmem:v21+s15+$0x0], $0xffff  }
0x69: {  	v18 =	vmul.f32 $8.000000000e+00, v18  }
0x6a: {  	v27 =	vor.u32 v7, v26;
	[tilespmem:s0+$0xFFFFFF10] =	vst v17  }
0x6b: {  	s8 =	simm.s32 $0x5;
	v28 =	vor.u32 v4, v22;
	v24 =	vld.idx.msk [tilespmem:v24+s15+$0x0], $0xffff;
	[tilespmem:s16+$0x50] =	vst v18  }
0x6c: {  	s7 =	simm.s32 $0x4;
	v17 =	vmul.f32 $8.000000000e+00, v23;
	v18 =	vmov s8;
	v20 =	vld.idx.msk [tilespmem:v20+s15+$0x0], $0xffff  }
0x6d: {  	v23 =	vmov s7;
	v18 =	vand.u32 $0x3F, v18;
	v21 =	vmul.f32 $8.000000000e+00, v21  }
0x6e: {  	v29 =	vor.u32 v4, v19;
	v23 =	vand.u32 $0x3E, v23;
	[tilespmem:s16+$0xFFFFFF50] =	vst v17;
	v18 =	vbroadcast v18, $0x0  }
0x6f: {  	v17 =	vbroadcast v23, $0x0;
	v23 =	vld.idx.msk [tilespmem:v27+s15+$0x0], $0xffff;
	[tilespmem:s0+$0x20] =	vst v21;
	v21 =	vor.u32 v8, v25  }
0x70: {  	v24 =	vmul.f32 $8.000000000e+00, v24;
	v27 =	vor.u32 v1, v18;
	v28 =	vld.idx.msk [tilespmem:v28+s15+$0x0], $0xffff  }
0x71: {  	v30 =	vor.u32 v1, v17;
	v20 =	vmul.f32 $8.000000000e+00, v20  }
0x72: {  	[tilespmem:s0+$0xFFFFFF20] =	vst v24;
	v24 =	vor.u32 v8, v26  }
0x73: {  	v29 =	vld.idx.msk [tilespmem:v29+s15+$0x0], $0xffff;
	[tilespmem:s16+$0x60] =	vst v20;
	v20 =	vor.u32 v5, v22  }
0x74: {  	v23 =	vmul.f32 $8.000000000e+00, v23;
	v21 =	vld.idx.msk [tilespmem:v21+s15+$0x0], $0xffff  }
0x75: {  	v27 =	vld.idx.msk [tilespmem:v27+s15+$0x0], $0xffff;
	v28 =	vmul.f32 $8.000000000e+00, v28  }
0x76: {  	v30 =	vld.idx.msk [tilespmem:v30+s15+$0x0], $0xffff;
	[tilespmem:s16+$0xFFFFFF60] =	vst v23;
	v23 =	vor.u32 v5, v19  }
0x77: {  	v24 =	vld.idx.msk [tilespmem:v24+s15+$0x0], $0xffff;
	[tilespmem:s0+$0x30] =	vst v28;
	v28 =	vor.u32 v9, v25  }
0x78: {  	v31 =	vor.u32 v2, v18;
	v29 =	vmul.f32 $8.000000000e+00, v29;
	v20 =	vld.idx.msk [tilespmem:v20+s15+$0x0], $0xffff  }
0x79: {  	v32 =	vor.u32 v2, v17;
	v21 =	vmul.f32 $8.000000000e+00, v21  }
0x7a: {  	[tilespmem:s0+$0xFFFFFF30] =	vst v29;
	v29 =	vor.u32 v9, v26;
	v27 =	vmul.f32 $8.000000000e+00, v27  }
0x7b: {  	s1 =	simm.s32 $0x15900;
	v30 =	vmul.f32 $8.000000000e+00, v30;
	v23 =	vld.idx.msk [tilespmem:v23+s15+$0x0], $0xffff;
	[tilespmem:s16+$0x70] =	vst v21;
	v21 =	vor.u32 v6, v22  }
0x7c: {  	v24 =	vmul.f32 $8.000000000e+00, v24;
	[tilespmem:s1+$0x0] =	vst v27;
	v27 =	vld.idx.msk [tilespmem:v28+s15+$0x0], $0xffff  }
0x7d: {  	[tilespmem:s1+$0xFFFFFF00] =	vst v30;
	v28 =	vld.idx.msk [tilespmem:v31+s15+$0x0], $0xffff;
	v20 =	vmul.f32 $8.000000000e+00, v20  }
0x7e: {  	v30 =	vor.u32 v6, v19;
	[tilespmem:s16+$0xFFFFFF70] =	vst v24;
	v31 =	vld.idx.msk [tilespmem:v32+s15+$0x0], $0xffff  }
0x7f: {  	v24 =	vld.idx.msk [tilespmem:v29+s15+$0x0], $0xffff;
	[tilespmem:s0+$0x40] =	vst v20;
	v20 =	vor.u32 v10, v25  }
0x80: {  	v29 =	vor.u32 v3, v18;
	v23 =	vmul.f32 $8.000000000e+00, v23;
	v21 =	vld.idx.msk [tilespmem:v21+s15+$0x0], $0xffff  }
0x81: {  	v38 =	vor.u32 v3, v17;
	v27 =	vmul.f32 $8.000000000e+00, v27  }
0x82: {  	[tilespmem:s0+$0xFFFFFF40] =	vst v23;
	v23 =	vmul.f32 $8.000000000e+00, v28;
	v28 =	vor.u32 v10, v26  }
0x83: {  	v30 =	vld.idx.msk [tilespmem:v30+s15+$0x0], $0xffff;
	v31 =	vmul.f32 $8.000000000e+00, v31;
	[tilespmem:s16+$0x80] =	vst v27;
	v27 =	vor.u32 v7, v22  }
0x84: {  	[tilespmem:s1+$0x10] =	vst v23;
	v23 =	vmul.f32 $8.000000000e+00, v24;
	v20 =	vld.idx.msk [tilespmem:v20+s15+$0x0], $0xffff  }
0x85: {  	s14 =	simm.s32 $0x6;
	[tilespmem:s1+$0xFFFFFF10] =	vst v31;
	v24 =	vld.idx.msk [tilespmem:v29+s15+$0x0], $0xffff;
	v21 =	vmul.f32 $8.000000000e+00, v21  }
0x86: {  	v31 =	vor.u32 v7, v19;
	v29 =	vmov s14;
	v32 =	vld.idx.msk [tilespmem:v38+s15+$0x0], $0xffff;
	[tilespmem:s16+$0xFFFFFF80] =	vst v23  }
0x87: {  	s21 =	simm.s32 $0x7;
	v23 =	vand.u32 $0x3E, v29;
	v29 =	vor.u32 v11, v25;
	v28 =	vld.idx.msk [tilespmem:v28+s15+$0x0], $0xffff;
	[tilespmem:s0+$0x50] =	vst v21  }
0x88: {  	v33 =	vmov s21;
	v21 =	vmul.f32 $8.000000000e+00, v30;
	v30 =	vor.u32 v4, v18;
	v27 =	vld.idx.msk [tilespmem:v27+s15+$0x0], $0xffff  }
0x89: {  	v34 =	vor.u32 v4, v17;
	v35 =	vmul.f32 $8.000000000e+00, v20;
	v20 =	vand.u32 $0x3F, v33  }
0x8a: {  	v39 =	vor.u32 v11, v26;
	[tilespmem:s0+$0xFFFFFF50] =	vst v21;
	v24 =	vmul.f32 $8.000000000e+00, v24;
	v21 =	vbroadcast v20, $0x0  }
0x8b: {  	v40 =	vor.u32 v8, v22;
	v20 =	vbroadcast v23, $0x0;
	v23 =	vld.idx.msk [tilespmem:v31+s15+$0x0], $0xffff;
	v31 =	vmul.f32 $8.000000000e+00, v32;
	[tilespmem:s16+$0x90] =	vst v35  }
0x8c: {  	[tilespmem:s1+$0x20] =	vst v24;
	v24 =	vmul.f32 $8.000000000e+00, v28;
	v28 =	vld.idx.msk [tilespmem:v29+s15+$0x0], $0xffff;
	v29 =	vor.u32 v1, v21  }
0x8d: {  	v41 =	vor.u32 v1, v20;
	[tilespmem:s1+$0xFFFFFF20] =	vst v31;
	v30 =	vld.idx.msk [tilespmem:v30+s15+$0x0], $0xffff;
	v27 =	vmul.f32 $8.000000000e+00, v27  }
0x8e: {  	v42 =	vor.u32 v8, v19;
	v31 =	vld.idx.msk [tilespmem:v34+s15+$0x0], $0xffff;
	[tilespmem:s16+$0xFFFFFF90] =	vst v24  }
0x8f: {  	v24 =	vld.idx.msk [tilespmem:v39+s15+$0x0], $0xffff;
	[tilespmem:s0+$0x60] =	vst v27;
	v27 =	vor.u32 v12, v25  }
0x90: {  	v43 =	vor.u32 v5, v18;
	v23 =	vmul.f32 $8.000000000e+00, v23;
	v32 =	vld.idx.msk [tilespmem:v40+s15+$0x0], $0xffff  }
0x91: {  	v36 =	vor.u32 v5, v17;
	v29 =	vld.idx.msk [tilespmem:v29+s15+$0x0], $0xffff;
	v28 =	vmul.f32 $8.000000000e+00, v28  }
0x92: {  	v35 =	vld.idx.msk [tilespmem:v41+s15+$0x0], $0xffff;
	[tilespmem:s0+$0xFFFFFF60] =	vst v23;
	v23 =	vmul.f32 $8.000000000e+00, v30;
	v30 =	vor.u32 v12, v26  }
0x93: {  	v34 =	vld.idx.msk [tilespmem:v42+s15+$0x0], $0xffff;
	v31 =	vmul.f32 $8.000000000e+00, v31;
	[tilespmem:s16+$0xA0] =	vst v28;
	v28 =	vor.u32 v9, v22  }
0x94: {  	[tilespmem:s1+$0x30] =	vst v23;
	v23 =	vmul.f32 $8.000000000e+00, v24;
	v24 =	vld.idx.msk [tilespmem:v27+s15+$0x0], $0xffff;
	v27 =	vor.u32 v2, v21  }
0x95: {  	v44 =	vor.u32 v2, v20;
	[tilespmem:s1+$0xFFFFFF30] =	vst v31;
	v31 =	vld.idx.msk [tilespmem:v43+s15+$0x0], $0xffff;
	v32 =	vmul.f32 $8.000000000e+00, v32  }
0x96: {  	s24 =	simm.s32 $0x8;
	v36 =	vld.idx.msk [tilespmem:v36+s15+$0x0], $0xffff;
	[tilespmem:s16+$0xFFFFFFA0] =	vst v23;
	v23 =	vmul.f32 $8.000000000e+00, v29;
	v29 =	vor.u32 v9, v19  }
0x97: {  	v37 =	vmov s24;
	v45 =	vor.u32 v13, v25;
	s14 =	simm.s32 $0x15B00;
	v30 =	vld.idx.msk [tilespmem:v30+s15+$0x0], $0xffff;
	v35 =	vmul.f32 $8.000000000e+00, v35;
	[tilespmem:s0+$0x70] =	vst v32  }
0x98: {  	v37 =	vand.u32 $0x3E, v37;
	v38 =	vor.u32 v6, v18;
	v34 =	vmul.f32 $8.000000000e+00, v34;
	[tilespmem:s14+$0x0] =	vst v23;
	v28 =	vld.idx.msk [tilespmem:v28+s15+$0x0], $0xffff  }
0x99: {  	v46 =	vor.u32 v6, v17;
	v23 =	vbroadcast v37, $0x0;
	[tilespmem:s14+$0xFFFFFF00] =	vst v35;
	v27 =	vld.idx.msk [tilespmem:v27+s15+$0x0], $0xffff;
	v24 =	vmul.f32 $8.000000000e+00, v24  }
0x9a: {  	v47 =	vor.u32 v13, v26;
	v33 =	vld.idx.msk [tilespmem:v44+s15+$0x0], $0xffff;
	v31 =	vmul.f32 $8.000000000e+00, v31;
	[tilespmem:s0+$0xFFFFFF70] =	vst v34  }
0x9b: {  	v37 =	vor.u32 v1, v23;
	v36 =	vmul.f32 $8.000000000e+00, v36;
	v29 =	vld.idx.msk [tilespmem:v29+s15+$0x0], $0xffff;
	[tilespmem:s16+$0xB0] =	vst v24  }
0x9c: {  	[tilespmem:s1+$0x40] =	vst v31;
	v24 =	vor.u32 v10, v22;
	v30 =	vmul.f32 $8.000000000e+00, v30;
	v31 =	vld.idx.msk [tilespmem:v45+s15+$0x0], $0xffff  }
0x9d: {  	v48 =	vor.u32 v3, v21;
	[tilespmem:s1+$0xFFFFFF40] =	vst v36;
	v49 =	vld.idx.msk [tilespmem:v38+s15+$0x0], $0xffff  }
0x9e: {  	v50 =	vor.u32 v3, v20;
	v35 =	vld.idx.msk [tilespmem:v46+s15+$0x0], $0xffff;
	v28 =	vmul.f32 $8.000000000e+00, v28;
	[tilespmem:s16+$0xFFFFFFB0] =	vst v30  }
0x9f: {  	v30 =	vor.u32 v10, v19;
	v27 =	vmul.f32 $8.000000000e+00, v27;
	v34 =	vld.idx.msk [tilespmem:v47+s15+$0x0], $0xffff  }
0xa0: {  	v33 =	vmul.f32 $8.000000000e+00, v33;
	v37 =	vld.idx.msk [tilespmem:v37+s15+$0x0], $0xffff;
	[tilespmem:s0+$0x80] =	vst v28;
	v28 =	vor.u32 v14, v25  }
0xa1: {  	[tilespmem:s14+$0x10] =	vst v27;
	v27 =	vor.u32 v7, v18;
	v29 =	vmul.f32 $8.000000000e+00, v29;
	v24 =	vld.idx.msk [tilespmem:v24+s15+$0x0], $0xffff  }
0xa2: {  	v51 =	vor.u32 v7, v17;
	[tilespmem:s14+$0xFFFFFF10] =	vst v33;
	v32 =	vld.idx.msk [tilespmem:v48+s15+$0x0], $0xffff;
	v31 =	vmul.f32 $8.000000000e+00, v31  }
0xa3: {  	v38 =	vld.idx.msk [tilespmem:v50+s15+$0x0], $0xffff;
	v36 =	vmul.f32 $8.000000000e+00, v49;
	[tilespmem:s0+$0xFFFFFF80] =	vst v29;
	v29 =	vor.u32 v14, v26  }
0xa4: {  	v50 =	vor.u32 v2, v23;
	v35 =	vmul.f32 $8.000000000e+00, v35;
	v30 =	vld.idx.msk [tilespmem:v30+s15+$0x0], $0xffff;
	[tilespmem:s16+$0xC0] =	vst v31  }
0xa5: {  	v31 =	vor.u32 v11, v22;
	[tilespmem:s1+$0x50] =	vst v36;
	v34 =	vmul.f32 $8.000000000e+00, v34;
	v28 =	vld.idx.msk [tilespmem:v28+s15+$0x0], $0xffff  }
0xa6: {  	s30 =	simm.s32 $0x9;
	v52 =	vor.u32 v4, v21;
	[tilespmem:s1+$0xFFFFFF50] =	vst v35;
	v37 =	vmul.f32 $8.000000000e+00, v37;
	v27 =	vld.idx.msk [tilespmem:v27+s15+$0x0], $0xffff  }
0xa7: {  	s21 =	simm.s32 $0x15D00;
	v53 =	vmov s30;
	v39 =	vor.u32 v4, v20;
	v40 =	vmul.f32 $8.000000000e+00, v24;
	v33 =	vld.idx.msk [tilespmem:v51+s15+$0x0], $0xffff;
	[tilespmem:s16+$0xFFFFFFC0] =	vst v34  }
0xa8: {  	v54 =	vor.u32 v11, v19;
	v24 =	vand.u32 $0x3F, v53;
	v32 =	vmul.f32 $8.000000000e+00, v32;
	[tilespmem:s21+$0xFFFFFF00] =	vst v37;
	v29 =	vld.idx.msk [tilespmem:v29+s15+$0x0], $0xffff  }
0xa9: {  	v56 =	vor.u32 v15, v25;
	v24 =	vbroadcast v24, $0x0;
	v55 =	vmul.f32 $8.000000000e+00, v38;
	[tilespmem:s0+$0x90] =	vst v40;
	v37 =	vld.idx.msk [tilespmem:v50+s15+$0x0], $0xffff  }
0xaa: {  	v57 =	vor.u32 v8, v18;
	[tilespmem:s14+$0x20] =	vst v32;
	v30 =	vmul.f32 $8.000000000e+00, v30;
	v31 =	vld.idx.msk [tilespmem:v31+s15+$0x0], $0xffff  }
0xab: {  	v58 =	vor.u32 v1, v24;
	[tilespmem:s14+$0xFFFFFF20] =	vst v55;
	v59 =	vld.idx.msk [tilespmem:v52+s15+$0x0], $0xffff;
	v28 =	vmul.f32 $8.000000000e+00, v28  }
0xac: {  	v61 =	vor.u32 v8, v17;
	v60 =	vld.idx.msk [tilespmem:v39+s15+$0x0], $0xffff;
	v27 =	vmul.f32 $8.000000000e+00, v27;
	[tilespmem:s0+$0xFFFFFF90] =	vst v30  }
0xad: {  	v62 =	vor.u32 v15, v26;
	v30 =	vld.idx.msk [tilespmem:v54+s15+$0x0], $0xffff;
	[tilespmem:s16+$0xD0] =	vst v28;
	v28 =	vmul.f32 $8.000000000e+00, v33  }
0xae: {  	[tilespmem:s1+$0x60] =	vst v27;
	v27 =	vor.u32 v12, v22;
	v63 =	vld.idx.msk [tilespmem:v56+s15+$0x0], $0xffff;
	v29 =	vmul.f32 $8.000000000e+00, v29  }
0xaf: {  	v44 =	vor.u32 v5, v21;
	v32 =	vld.idx.msk [tilespmem:v57+s15+$0x0], $0xffff;
	[tilespmem:s1+$0xFFFFFF60] =	vst v28;
	v31 =	vmul.f32 $8.000000000e+00, v31  }
0xb0: {  	v45 =	vor.u32 v5, v20;
	v28 =	vld.idx.msk [tilespmem:v58+s15+$0x0], $0xffff;
	[tilespmem:s16+$0xFFFFFFD0] =	vst v29;
	v29 =	vmul.f32 $8.000000000e+00, v59  }
0xb1: {  	v47 =	vor.u32 v12, v19;
	v46 =	vld.idx.msk [tilespmem:v61+s15+$0x0], $0xffff;
	v36 =	vmul.f32 $8.000000000e+00, v60;
	[tilespmem:s0+$0xA0] =	vst v31  }
0xb2: {  	v25 =	vor.u32 v16, v25;
	v31 =	vld.idx.msk [tilespmem:v62+s15+$0x0], $0xffff;
	[tilespmem:s14+$0x30] =	vst v29;
	v30 =	vmul.f32 $8.000000000e+00, v30  }
0xb3: {  	v29 =	vor.u32 v9, v18;
	[tilespmem:s14+$0xFFFFFF30] =	vst v36;
	v27 =	vld.idx.msk [tilespmem:v27+s15+$0x0], $0xffff;
	v33 =	vmul.f32 $8.000000000e+00, v63  }
0xb4: {  	v48 =	vor.u32 v2, v24;
	v49 =	vld.idx.msk [tilespmem:v44+s15+$0x0], $0xffff;
	v32 =	vmul.f32 $8.000000000e+00, v32;
	[tilespmem:s0+$0xFFFFFFA0] =	vst v30  }
0xb5: {  	v40 =	vld.idx.msk [tilespmem:v45+s15+$0x0], $0xffff;
	v28 =	vmul.f32 $8.000000000e+00, v28;
	v30 =	vor.u32 v9, v17;
	[tilespmem:s16+$0xE0] =	vst v33  }
0xb6: {  	v52 =	vor.u32 v13, v22;
	v61 =	vmul.f32 $8.000000000e+00, v37;
	v39 =	vld.idx.msk [tilespmem:v47+s15+$0x0], $0xffff;
	[tilespmem:s1+$0x70] =	vst v32  }
0xb7: {  	s31 =	simm.s32 $0xA;
	v35 =	vmul.f32 $8.000000000e+00, v46;
	v41 =	vld.idx.msk [tilespmem:v25+s15+$0x0], $0xffff;
	[tilespmem:s21+$0x0] =	vst v28;
	v28 =	vor.u32 v6, v21  }
0xb8: {  	v51 =	vmov s31;
	v60 =	vor.u32 v3, v23;
	[tilespmem:s21+$0xFFFFFF10] =	vst v61;
	v29 =	vld.idx.msk [tilespmem:v29+s15+$0x0], $0xffff;
	v27 =	vmul.f32 $8.000000000e+00, v27  }
0xb9: {  	v54 =	vor.u32 v6, v20;
	v25 =	vand.u32 $0x3E, v51;
	v53 =	vld.idx.msk [tilespmem:v48+s15+$0x0], $0xffff;
	[tilespmem:s1+$0xFFFFFF70] =	vst v35;
	v36 =	vmul.f32 $8.000000000e+00, v49  }
0xba: {  	v55 =	vor.u32 v13, v19;
	v25 =	vbroadcast v25, $0x0;
	v40 =	vmul.f32 $8.000000000e+00, v40;
	v30 =	vld.idx.msk [tilespmem:v30+s15+$0x0], $0xffff;
	[tilespmem:s0+$0xB0] =	vst v27  }
0xbb: {  	[tilespmem:s14+$0x40] =	vst v36;
	v27 =	vor.u32 v10, v18;
	v57 =	vmul.f32 $8.000000000e+00, v39;
	v32 =	vld.idx.msk [tilespmem:v52+s15+$0x0], $0xffff  }
0xbc: {  	v56 =	vor.u32 v1, v25;
	[tilespmem:s14+$0xFFFFFF40] =	vst v40;
	v59 =	vld.idx.msk [tilespmem:v28+s15+$0x0], $0xffff;
	v28 =	vmul.f32 $8.000000000e+00, v41  }
0xbd: {  	v58 =	vor.u32 v3, v24;
	v38 =	vld.idx.msk [tilespmem:v60+s15+$0x0], $0xffff;
	v29 =	vmul.f32 $8.000000000e+00, v29;
	[tilespmem:s0+$0xFFFFFFB0] =	vst v57  }
0xbe: {  	v43 =	vor.u32 v10, v17;
	v42 =	vld.idx.msk [tilespmem:v54+s15+$0x0], $0xffff;
	v33 =	vmul.f32 $8.000000000e+00, v53;
	[tilespmem:s16+$0xF0] =	vst v28  }
0xbf: {  	v35 =	vld.idx.msk [tilespmem:v55+s15+$0x0], $0xffff;
	[tilespmem:s1+$0x80] =	vst v29;
	v29 =	vor.u32 v14, v22;
	v30 =	vmul.f32 $8.000000000e+00, v30  }
0xc0: {  	v44 =	vor.u32 v7, v21;
	[tilespmem:s21+$0x10] =	vst v33;
	v34 =	vld.idx.msk [tilespmem:v27+s15+$0x0], $0xffff;
	v27 =	vmul.f32 $8.000000000e+00, v32  }
0xc1: {  	v36 =	vor.u32 v7, v20;
	v28 =	vld.idx.msk [tilespmem:v56+s15+$0x0], $0xffff;
	[tilespmem:s1+$0xFFFFFF80] =	vst v30  }
0xc2: {  	v39 =	vld.idx.msk [tilespmem:v58+s15+$0x0], $0xffff;
	v62 =	vmul.f32 $8.000000000e+00, v59;
	[tilespmem:s0+$0xC0] =	vst v27;
	v27 =	vmul.f32 $8.000000000e+00, v31;
	v31 =	vor.u32 v14, v19  }
0xc3: {  	v63 =	vmul.f32 $8.000000000e+00, v42;
	v30 =	vor.u32 v16, v26;
	v32 =	vld.idx.msk [tilespmem:v43+s15+$0x0], $0xffff  }
0xc4: {  	[tilespmem:s14+$0x50] =	vst v62;
	v37 =	vmul.f32 $8.000000000e+00, v35;
	v33 =	vld.idx.msk [tilespmem:v29+s15+$0x0], $0xffff;
	v29 =	vor.u32 v11, v18  }
0xc5: {  	s24 =	simm.s32 $0xB;
	s7 =	simm.s32 $0xC;
	v40 =	vor.u32 v4, v24;
	[tilespmem:s14+$0xFFFFFF50] =	vst v63;
	v35 =	vld.idx.msk [tilespmem:v44+s15+$0x0], $0xffff  }
.LBB2_4:
0xc6: {  	p0 =	slt.u32 s7, $0x3E;
	v26 =	vmov s24;
	v41 =	vor.u32 v4, v23;
	v36 =	vld.idx.msk [tilespmem:v36+s15+$0x0], $0xffff;
	v34 =	vmul.f32 $8.000000000e+00, v34;
	[tilespmem:s0+$0xFFFFFFC0] =	vst v37  }
0xc7: {  	v37 =	vmul.f32 $8.000000000e+00, v39;
	v39 =	vor.u32 v11, v17;
	v26 =	vand.u32 $0x3F, v26;
	v31 =	vld.idx.msk [tilespmem:v31+s15+$0x0], $0xffff;
	[tilespmem:s16+$0xFFFFFFE0] =	vst v27  }
0xc8: {  	v27 =	vmul.f32 $8.000000000e+00, v38;
	v26 =	vbroadcast v26, $0x0;
	[tilespmem:s1+$0x90] =	vst v34;
	v34 =	vor.u32 v15, v22;
	v30 =	vld.idx.msk [tilespmem:v30+s15+$0x0], $0xffff  }
0xc9: {  	v32 =	vmul.f32 $8.000000000e+00, v32;
	[tilespmem:s21+$0x20] =	vst v37;
	v37 =	vor.u32 v8, v21;
	v29 =	vld.idx.msk [tilespmem:v29+s15+$0x0], $0xffff  }
0xca: {  	v33 =	vmul.f32 $8.000000000e+00, v33;
	v38 =	vor.u32 v1, v26;
	[tilespmem:s21+$0xFFFFFF20] =	vst v27;
	v27 =	vld.idx.msk [tilespmem:v40+s15+$0x0], $0xffff  }
0xcb: {  	v35 =	vmul.f32 $8.000000000e+00, v35;
	v40 =	vld.idx.msk [tilespmem:v41+s15+$0x0], $0xffff;
	v41 =	vor.u32 v8, v20;
	[tilespmem:s1+$0xFFFFFF90] =	vst v32  }
0xcc: {  	v32 =	vmul.f32 $8.000000000e+00, v36;
	v36 =	vld.idx.msk [tilespmem:v39+s15+$0x0], $0xffff;
	v39 =	vor.u32 v15, v19;
	[tilespmem:s0+$0xD0] =	vst v33  }
0xcd: {  	v33 =	vor.u32 v12, v18;
	v31 =	vmul.f32 $8.000000000e+00, v31;
	[tilespmem:s14+$0x60] =	vst v35;
	v34 =	vld.idx.msk [tilespmem:v34+s15+$0x0], $0xffff  }
0xce: {  	v35 =	vor.u32 v5, v24;
	v30 =	vmul.f32 $8.000000000e+00, v30;
	[tilespmem:s14+$0xFFFFFF60] =	vst v32;
	v32 =	vld.idx.msk [tilespmem:v37+s15+$0x0], $0xffff  }
0xcf: {  	v29 =	vmul.f32 $8.000000000e+00, v29;
	v37 =	vld.idx.msk [tilespmem:v38+s15+$0x0], $0xffff;
	v38 =	vor.u32 v5, v23;
	[tilespmem:s0+$0xFFFFFFD0] =	vst v31  }
0xd0: {  	v27 =	vmul.f32 $8.000000000e+00, v27;
	v31 =	vld.idx.msk [tilespmem:v41+s15+$0x0], $0xffff;
	v41 =	vor.u32 v12, v17;
	[tilespmem:s16+$0xFFFFFFF0] =	vst v30;
	s16 =	smov.u32 s0;
	s0 =	smov.u32 s1;
	s1 =	smov.u32 s14  }
0xd1: {  	v30 =	vmul.f32 $8.000000000e+00, v40;
	s14 =	smov.u32 s21;
	[tilespmem:s0+$0xA0] =	vst v29;
	v29 =	vld.idx.msk [tilespmem:v39+s15+$0x0], $0xffff;
	v39 =	vor.u32 v16, v22;
	v22 =	vmovc v18;
	v18 =	vmov v21  }
0xd2: {  	v36 =	vmul.f32 $8.000000000e+00, v36;
	v21 =	vmovc v24;
	v24 =	vmov v26;
	[tilespmem:s21+$0x30] =	vst v27;
	v27 =	vor.u32 v9, v18;
	v33 =	vld.idx.msk [tilespmem:v33+s15+$0x0], $0xffff  }
0xd3: {  	v26 =	vor.u32 v2, v24;
	v34 =	vmul.f32 $8.000000000e+00, v34;
	[tilespmem:s21+$0xFFFFFF30] =	vst v30;
	v30 =	vld.idx.msk [tilespmem:v35+s15+$0x0], $0xffff  }
0xd4: {  	v35 =	vor.u32 v2, v25;
	v32 =	vmul.f32 $8.000000000e+00, v32;
	v38 =	vld.idx.msk [tilespmem:v38+s15+$0x0], $0xffff;
	[tilespmem:s0+$0xFFFFFFA0] =	vst v36  }
0xd5: {  	v40 =	vor.u32 v9, v20;
	v36 =	vmov s7;
	v37 =	vmul.f32 $8.000000000e+00, v37;
	v41 =	vld.idx.msk [tilespmem:v41+s15+$0x0], $0xffff;
	[tilespmem:s16+$0xE0] =	vst v34  }
0xd6: {  	v28 =	vmul.f32 $8.000000000e+00, v28;
	s21 =	sadd.s32 $0x200, s21;
	v31 =	vmul.f32 $8.000000000e+00, v31;
	[tilespmem:s1+$0x70] =	vst v32;
	v32 =	vor.u32 v13, v22;
	v34 =	vld.idx.msk [tilespmem:v39+s15+$0x0], $0xffff  }
0xd7: {  	v36 =	vand.u32 $0x3E, v36;
	[tilespmem:s21+$0x0] =	vst v37;
	v37 =	vor.u32 v6, v21;
	v39 =	vld.idx.msk [tilespmem:v27+s15+$0x0], $0xffff;
	v27 =	vmul.f32 $8.000000000e+00, v29  }
0xd8: {  	v42 =	vbroadcast v36, $0x0;
	v29 =	vmul.f32 $8.000000000e+00, v33;
	[tilespmem:s21+$0xFFFFFF00] =	vst v28;
	v26 =	vld.idx.msk [tilespmem:v26+s15+$0x0], $0xffff;
	v28 =	vor.u32 v6, v23  }
0xd9: {  	v30 =	vmul.f32 $8.000000000e+00, v30;
	v33 =	vld.idx.msk [tilespmem:v35+s15+$0x0], $0xffff;
	[tilespmem:s1+$0xFFFFFF70] =	vst v31;
	v31 =	vor.u32 v13, v17  }
0xda: {  	v35 =	vor.u32 v1, v42;
	v36 =	vmul.f32 $8.000000000e+00, v38;
	v38 =	vld.idx.msk [tilespmem:v40+s15+$0x0], $0xffff;
	[tilespmem:s0+$0xB0] =	vst v29  }
0xdb: {  	v29 =	vor.u32 v10, v18;
	[tilespmem:s14+$0x40] =	vst v30;
	v30 =	vmul.f32 $8.000000000e+00, v41;
	v32 =	vld.idx.msk [tilespmem:v32+s15+$0x0], $0xffff  }
0xdc: {  	v40 =	vor.u32 v3, v24;
	v34 =	vmul.f32 $8.000000000e+00, v34;
	[tilespmem:s14+$0xFFFFFF40] =	vst v36;
	v37 =	vld.idx.msk [tilespmem:v37+s15+$0x0], $0xffff  }
0xdd: {  	v41 =	vor.u32 v3, v25;
	v36 =	vmul.f32 $8.000000000e+00, v39;
	v43 =	vld.idx.msk [tilespmem:v28+s15+$0x0], $0xffff;
	[tilespmem:s0+$0xFFFFFFB0] =	vst v30  }
0xde: {  	v26 =	vmul.f32 $8.000000000e+00, v26;
	v30 =	vor.u32 v10, v20;
	v44 =	vld.idx.msk [tilespmem:v31+s15+$0x0], $0xffff;
	[tilespmem:s16+$0xF0] =	vst v34  }
0xdf: {  	v31 =	vmul.f32 $8.000000000e+00, v33;
	v33 =	vor.u32 v14, v22;
	v28 =	vld.idx.msk [tilespmem:v35+s15+$0x0], $0xffff;
	[tilespmem:s1+$0x80] =	vst v36  }
0xe0: {  	v35 =	vmul.f32 $8.000000000e+00, v38;
	[tilespmem:s21+$0x10] =	vst v26;
	v26 =	vor.u32 v7, v21;
	v34 =	vld.idx.msk [tilespmem:v29+s15+$0x0], $0xffff  }
.Ltmp1:
0xe1: {  	v36 =	vor.u32 v7, v23;
	v29 =	vmul.f32 $8.000000000e+00, v32;
	[tilespmem:s21+$0xFFFFFF10] =	vst v31;
	v39 =	vld.idx.msk [tilespmem:v40+s15+$0x0], $0xffff;
	(pc) =	sbr.rel @p0 .LBB2_4-.Ltmp1, $4  }
0xe2: {  	v37 =	vmul.f32 $8.000000000e+00, v37;
	v31 =	vor.u32 v14, v17;
	v38 =	vld.idx.msk [tilespmem:v41+s15+$0x0], $0xffff;
	[tilespmem:s1+$0xFFFFFF80] =	vst v35  }
0xe3: {  	v35 =	vmul.f32 $8.000000000e+00, v43;
	v32 =	vld.idx.msk [tilespmem:v30+s15+$0x0], $0xffff;
	[tilespmem:s0+$0xC0] =	vst v29;
	v30 =	vor.u32 v16, v19;
	v19 =	vmovc v17;
	v17 =	vmov v20  }
0xe4: {  	v29 =	vor.u32 v11, v18;
	v20 =	vmovc v23;
	v23 =	vmov v25;
	[tilespmem:s14+$0x50] =	vst v37;
	v37 =	vmul.f32 $8.000000000e+00, v44;
	v33 =	vld.idx.msk [tilespmem:v33+s15+$0x0], $0xffff  }
0xe5: {  	s24 =	sadd.s32 $0x1, s7;
	s7 =	sadd.s32 $0x2, s7;
	v40 =	vor.u32 v4, v24;
	v25 =	vmov v42;
	[tilespmem:s14+$0xFFFFFF50] =	vst v35;
	v35 =	vld.idx.msk [tilespmem:v26+s15+$0x0], $0xffff  }
0xe6: {  	v26 =	vmov s24  }
0xe7: {  	v26 =	vand.u32 $0x3F, v26  }
0xe8: {  	v26 =	vbroadcast v26, $0x0;
	_ =	sdelay $0x1  }
0xe9: {  	v41 =	vor.u32 v1, v26;
	_ =	sdelay $0x4  }
0xea: {  	v41 =	vld.idx.msk [tilespmem:v41+s15+$0x0], $0xffff;
	_ =	sdelay $0x2  }
0xeb: {  	v42 =	vor.u32 v2, v26  }
0xec: {  	v43 =	vor.u32 v2, v25  }
0xed: {  	v41 =	vmul.f32 $8.000000000e+00, v41  }
0xee: {  	v28 =	vmul.f32 $8.000000000e+00, v28;
	s8 =	sadd.s32 $0x200, s21  }
0xef: {  	[tilespmem:s8+$0x0] =	vst v41  }
0xf0: {  	[tilespmem:s8+$0xFFFFFF00] =	vst v28;
	v28 =	vld.idx.msk [tilespmem:v42+s15+$0x0], $0xffff  }
0xf1: {  	v52 =	vld.idx.msk [tilespmem:v43+s15+$0x0], $0xffff;
	_ =	sdelay $0x1  }
0xf2: {  	v53 =	vor.u32 v3, v26  }
0xf3: {  	v54 =	vor.u32 v3, v25  }
0xf4: {  	v28 =	vmul.f32 $8.000000000e+00, v28  }
0xf5: {  	v41 =	vmul.f32 $8.000000000e+00, v52  }
0xf6: {  	[tilespmem:s8+$0x10] =	vst v28  }
0xf7: {  	[tilespmem:s8+$0xFFFFFF10] =	vst v41;
	v28 =	vld.idx.msk [tilespmem:v53+s15+$0x0], $0xffff  }
0xf8: {  	v41 =	vld.idx.msk [tilespmem:v54+s15+$0x0], $0xffff  }
0xf9: {  	v55 =	vor.u32 v4, v23  }
0xfa: {  	v39 =	vmul.f32 $8.000000000e+00, v39;
	v56 =	vor.u32 v4, v26  }
0xfb: {  	v44 =	vor.u32 v4, v25;
	v38 =	vmul.f32 $8.000000000e+00, v38  }
0xfc: {  	[tilespmem:s21+$0x20] =	vst v39;
	v28 =	vmul.f32 $8.000000000e+00, v28  }
0xfd: {  	[tilespmem:s21+$0xFFFFFF20] =	vst v38;
	v57 =	vld.idx.msk [tilespmem:v40+s15+$0x0], $0xffff;
	v58 =	vmul.f32 $8.000000000e+00, v41  }
0xfe: {  	v59 =	vld.idx.msk [tilespmem:v55+s15+$0x0], $0xffff;
	[tilespmem:s8+$0x20] =	vst v28  }
0xff: {  	[tilespmem:s8+$0xFFFFFF20] =	vst v58;
	v28 =	vld.idx.msk [tilespmem:v56+s15+$0x0], $0xffff  }
0x100: {  	v60 =	vor.u32 v5, v24;
	v61 =	vld.idx.msk [tilespmem:v44+s15+$0x0], $0xffff  }
0x101: {  	v62 =	vor.u32 v5, v23  }
0x102: {  	v63 =	vor.u32 v5, v26;
	v38 =	vmul.f32 $8.000000000e+00, v57  }
0x103: {  	v48 =	vor.u32 v5, v25;
	v40 =	vmul.f32 $8.000000000e+00, v59  }
0x104: {  	[tilespmem:s21+$0x30] =	vst v38;
	v28 =	vmul.f32 $8.000000000e+00, v28  }
0x105: {  	v38 =	vld.idx.msk [tilespmem:v60+s15+$0x0], $0xffff;
	[tilespmem:s21+$0xFFFFFF30] =	vst v40;
	v49 =	vmul.f32 $8.000000000e+00, v61  }
0x106: {  	v40 =	vld.idx.msk [tilespmem:v62+s15+$0x0], $0xffff;
	[tilespmem:s8+$0x30] =	vst v28  }
0x107: {  	[tilespmem:s8+$0xFFFFFF30] =	vst v49;
	v28 =	vld.idx.msk [tilespmem:v63+s15+$0x0], $0xffff  }
0x108: {  	v50 =	vor.u32 v6, v24;
	v51 =	vld.idx.msk [tilespmem:v48+s15+$0x0], $0xffff  }
0x109: {  	v52 =	vor.u32 v6, v23  }
0x10a: {  	v38 =	vmul.f32 $8.000000000e+00, v38;
	v53 =	vor.u32 v6, v26  }
0x10b: {  	v40 =	vmul.f32 $8.000000000e+00, v40;
	v54 =	vor.u32 v6, v25  }
0x10c: {  	[tilespmem:s21+$0x40] =	vst v38;
	v28 =	vmul.f32 $8.000000000e+00, v28  }
0x10d: {  	v38 =	vld.idx.msk [tilespmem:v50+s15+$0x0], $0xffff;
	[tilespmem:s21+$0xFFFFFF40] =	vst v40;
	v55 =	vmul.f32 $8.000000000e+00, v51  }
0x10e: {  	[tilespmem:s8+$0x40] =	vst v28;
	v28 =	vld.idx.msk [tilespmem:v52+s15+$0x0], $0xffff  }
0x10f: {  	[tilespmem:s8+$0xFFFFFF40] =	vst v55;
	v56 =	vld.idx.msk [tilespmem:v53+s15+$0x0], $0xffff  }
0x110: {  	v57 =	vor.u32 v7, v24;
	v58 =	vld.idx.msk [tilespmem:v54+s15+$0x0], $0xffff  }
0x111: {  	v34 =	vmul.f32 $8.000000000e+00, v34;
	[tilespmem:s0+$0xFFFFFFC0] =	vst v37;
	v59 =	vor.u32 v7, v23  }
0x112: {  	[tilespmem:s16+$0xFFFFFFE0] =	vst v27;
	v60 =	vor.u32 v7, v26;
	v27 =	vmul.f32 $8.000000000e+00, v38  }
0x113: {  	[tilespmem:s1+$0x90] =	vst v34;
	v61 =	vor.u32 v7, v25;
	v28 =	vmul.f32 $8.000000000e+00, v28  }
0x114: {  	v36 =	vld.idx.msk [tilespmem:v36+s15+$0x0], $0xffff;
	[tilespmem:s21+$0x50] =	vst v27;
	v27 =	vmul.f32 $8.000000000e+00, v56  }
0x115: {  	v62 =	vmul.f32 $8.000000000e+00, v58;
	[tilespmem:s21+$0xFFFFFF50] =	vst v28;
	v28 =	vld.idx.msk [tilespmem:v57+s15+$0x0], $0xffff  }
0x116: {  	v32 =	vmul.f32 $8.000000000e+00, v32;
	v63 =	vor.u32 v8, v21;
	v37 =	vld.idx.msk [tilespmem:v59+s15+$0x0], $0xffff;
	[tilespmem:s8+$0x50] =	vst v27  }
0x117: {  	v44 =	vor.u32 v8, v20;
	[tilespmem:s8+$0xFFFFFF50] =	vst v62;
	v27 =	vmul.f32 $8.000000000e+00, v33;
	v38 =	vld.idx.msk [tilespmem:v60+s15+$0x0], $0xffff  }
0x118: {  	v45 =	vor.u32 v8, v24;
	v35 =	vmul.f32 $8.000000000e+00, v35;
	[tilespmem:s1+$0xFFFFFF90] =	vst v32;
	v34 =	vld.idx.msk [tilespmem:v61+s15+$0x0], $0xffff  }
0x119: {  	v31 =	vld.idx.msk [tilespmem:v31+s15+$0x0], $0xffff;
	v36 =	vmul.f32 $8.000000000e+00, v36;
	[tilespmem:s0+$0xD0] =	vst v27;
	v27 =	vor.u32 v8, v23  }
0x11a: {  	v30 =	vld.idx.msk [tilespmem:v30+s15+$0x0], $0xffff;
	v46 =	vor.u32 v8, v26;
	[tilespmem:s14+$0x60] =	vst v35;
	v28 =	vmul.f32 $8.000000000e+00, v28  }
0x11b: {  	[tilespmem:s14+$0xFFFFFF60] =	vst v36;
	v48 =	vor.u32 v8, v25;
	v47 =	vld.idx.msk [tilespmem:v63+s15+$0x0], $0xffff;
	v37 =	vmul.f32 $8.000000000e+00, v37  }
0x11c: {  	v33 =	vld.idx.msk [tilespmem:v44+s15+$0x0], $0xffff;
	[tilespmem:s21+$0x60] =	vst v28;
	v28 =	vmul.f32 $8.000000000e+00, v38  }
0x11d: {  	v49 =	vor.u32 v11, v17;
	v34 =	vmul.f32 $8.000000000e+00, v34;
	[tilespmem:s21+$0xFFFFFF60] =	vst v37;
	v32 =	vld.idx.msk [tilespmem:v45+s15+$0x0], $0xffff  }
0x11e: {  	v31 =	vmul.f32 $8.000000000e+00, v31;
	v50 =	vor.u32 v9, v21;
	v27 =	vld.idx.msk [tilespmem:v27+s15+$0x0], $0xffff;
	[tilespmem:s8+$0x60] =	vst v28  }
0x11f: {  	[tilespmem:s8+$0xFFFFFF60] =	vst v34;
	v28 =	vmul.f32 $8.000000000e+00, v30;
	v30 =	vor.u32 v9, v20;
	v51 =	vld.idx.msk [tilespmem:v46+s15+$0x0], $0xffff  }
0x120: {  	[tilespmem:s0+$0xFFFFFFD0] =	vst v31;
	v52 =	vor.u32 v9, v24;
	v31 =	vmul.f32 $8.000000000e+00, v47;
	v53 =	vld.idx.msk [tilespmem:v48+s15+$0x0], $0xffff  }
0x121: {  	v29 =	vld.idx.msk [tilespmem:v29+s15+$0x0], $0xffff;
	v54 =	vor.u32 v9, v23;
	[tilespmem:s16+$0xFFFFFFF0] =	vst v28;
	v28 =	vmul.f32 $8.000000000e+00, v33  }
0x122: {  	v55 =	vor.u32 v9, v26;
	[tilespmem:s14+$0x70] =	vst v31;
	v38 =	vld.idx.msk [tilespmem:v49+s15+$0x0], $0xffff;
	v31 =	vmul.f32 $8.000000000e+00, v32  }
0x123: {  	v37 =	vld.idx.msk [tilespmem:v50+s15+$0x0], $0xffff;
	[tilespmem:s14+$0xFFFFFF70] =	vst v28;
	v28 =	vor.u32 v9, v25;
	v27 =	vmul.f32 $8.000000000e+00, v27  }
0x124: {  	v56 =	vor.u32 v15, v22;
	v30 =	vld.idx.msk [tilespmem:v30+s15+$0x0], $0xffff;
	[tilespmem:s21+$0x70] =	vst v31;
	v31 =	vmul.f32 $8.000000000e+00, v51  }
0x125: {  	v57 =	vor.u32 v12, v18;
	v35 =	vld.idx.msk [tilespmem:v52+s15+$0x0], $0xffff;
	[tilespmem:s21+$0xFFFFFF70] =	vst v27;
	v27 =	vmul.f32 $8.000000000e+00, v53  }
0x126: {  	v29 =	vmul.f32 $8.000000000e+00, v29;
	v58 =	vor.u32 v10, v21;
	v33 =	vld.idx.msk [tilespmem:v54+s15+$0x0], $0xffff;
	[tilespmem:s8+$0x70] =	vst v31  }
0x127: {  	v59 =	vor.u32 v10, v20;
	v31 =	vmul.f32 $8.000000000e+00, v38;
	v32 =	vld.idx.msk [tilespmem:v55+s15+$0x0], $0xffff;
	[tilespmem:s8+$0xFFFFFF70] =	vst v27  }
0x128: {  	[tilespmem:s1+$0xA0] =	vst v29;
	v29 =	vor.u32 v10, v24;
	v27 =	vmul.f32 $8.000000000e+00, v37;
	v28 =	vld.idx.msk [tilespmem:v28+s15+$0x0], $0xffff  }
0x129: {  	v60 =	vld.idx.msk [tilespmem:v56+s15+$0x0], $0xffff;
	[tilespmem:s1+$0xFFFFFFA0] =	vst v31;
	v30 =	vmul.f32 $8.000000000e+00, v30;
	v31 =	vor.u32 v10, v23  }
0x12a: {  	v61 =	vor.u32 v10, v26;
	v34 =	vld.idx.msk [tilespmem:v57+s15+$0x0], $0xffff;
	[tilespmem:s14+$0x80] =	vst v27;
	v27 =	vmul.f32 $8.000000000e+00, v35  }
0x12b: {  	v62 =	vor.u32 v10, v25;
	v36 =	vld.idx.msk [tilespmem:v58+s15+$0x0], $0xffff;
	[tilespmem:s14+$0xFFFFFF80] =	vst v30;
	v30 =	vmul.f32 $8.000000000e+00, v33  }
0x12c: {  	v63 =	vor.u32 v12, v17;
	v38 =	vld.idx.msk [tilespmem:v59+s15+$0x0], $0xffff;
	[tilespmem:s21+$0x80] =	vst v27;
	v27 =	vmul.f32 $8.000000000e+00, v32  }
0x12d: {  	v22 =	vor.u32 v16, v22;
	v29 =	vld.idx.msk [tilespmem:v29+s15+$0x0], $0xffff;
	[tilespmem:s21+$0xFFFFFF80] =	vst v30;
	v28 =	vmul.f32 $8.000000000e+00, v28  }
0x12e: {  	v42 =	vor.u32 v11, v21;
	v30 =	vmul.f32 $8.000000000e+00, v60;
	v31 =	vld.idx.msk [tilespmem:v31+s15+$0x0], $0xffff;
	[tilespmem:s8+$0x80] =	vst v27  }
0x12f: {  	v43 =	vor.u32 v11, v20;
	v27 =	vmul.f32 $8.000000000e+00, v34;
	v35 =	vld.idx.msk [tilespmem:v61+s15+$0x0], $0xffff;
	[tilespmem:s8+$0xFFFFFF80] =	vst v28  }
0x130: {  	[tilespmem:s0+$0xE0] =	vst v30;
	v28 =	vmul.f32 $8.000000000e+00, v36;
	v30 =	vor.u32 v11, v24;
	v33 =	vld.idx.msk [tilespmem:v62+s15+$0x0], $0xffff  }
0x131: {  	v45 =	vor.u32 v11, v23;
	v44 =	vld.idx.msk [tilespmem:v63+s15+$0x0], $0xffff;
	[tilespmem:s1+$0xB0] =	vst v27;
	v27 =	vmul.f32 $8.000000000e+00, v38  }
0x132: {  	v22 =	vld.idx.msk [tilespmem:v22+s15+$0x0], $0xffff;
	[tilespmem:s14+$0x90] =	vst v28;
	v28 =	vmul.f32 $8.000000000e+00, v29;
	v29 =	vor.u32 v11, v26  }
0x133: {  	v32 =	vld.idx.msk [tilespmem:v42+s15+$0x0], $0xffff;
	[tilespmem:s14+$0xFFFFFF90] =	vst v27;
	v27 =	vmul.f32 $8.000000000e+00, v31;
	v31 =	vor.u32 v11, v25  }
0x134: {  	v46 =	vor.u32 v13, v18;
	v34 =	vld.idx.msk [tilespmem:v43+s15+$0x0], $0xffff;
	[tilespmem:s21+$0x90] =	vst v28;
	v28 =	vmul.f32 $8.000000000e+00, v35  }
0x135: {  	v47 =	vor.u32 v13, v17;
	v30 =	vld.idx.msk [tilespmem:v30+s15+$0x0], $0xffff;
	[tilespmem:s21+$0xFFFFFF90] =	vst v27;
	v27 =	vmul.f32 $8.000000000e+00, v33  }
0x136: {  	v49 =	vor.u32 v12, v21;
	v48 =	vmul.f32 $8.000000000e+00, v44;
	v37 =	vld.idx.msk [tilespmem:v45+s15+$0x0], $0xffff;
	[tilespmem:s8+$0x90] =	vst v28  }
0x137: {  	v22 =	vmul.f32 $8.000000000e+00, v22;
	v28 =	vor.u32 v12, v20;
	v29 =	vld.idx.msk [tilespmem:v29+s15+$0x0], $0xffff;
	[tilespmem:s8+$0xFFFFFF90] =	vst v27  }
0x138: {  	v50 =	vor.u32 v12, v24;
	[tilespmem:s1+$0xFFFFFFB0] =	vst v48;
	v27 =	vmul.f32 $8.000000000e+00, v32;
	v31 =	vld.idx.msk [tilespmem:v31+s15+$0x0], $0xffff  }
0x139: {  	v52 =	vor.u32 v12, v23;
	v51 =	vld.idx.msk [tilespmem:v46+s15+$0x0], $0xffff;
	[tilespmem:s0+$0xF0] =	vst v22;
	v22 =	vmul.f32 $8.000000000e+00, v34  }
0x13a: {  	v35 =	vld.idx.msk [tilespmem:v47+s15+$0x0], $0xffff;
	[tilespmem:s14+$0xA0] =	vst v27;
	v27 =	vmul.f32 $8.000000000e+00, v30;
	v30 =	vor.u32 v12, v26  }
0x13b: {  	v53 =	vor.u32 v12, v25;
	v36 =	vld.idx.msk [tilespmem:v49+s15+$0x0], $0xffff;
	[tilespmem:s14+$0xFFFFFFA0] =	vst v22;
	v22 =	vmul.f32 $8.000000000e+00, v37  }
0x13c: {  	v54 =	vor.u32 v15, v19;
	v28 =	vld.idx.msk [tilespmem:v28+s15+$0x0], $0xffff;
	[tilespmem:s21+$0xA0] =	vst v27;
	v27 =	vmul.f32 $8.000000000e+00, v29  }
0x13d: {  	v29 =	vor.u32 v14, v18;
	v32 =	vld.idx.msk [tilespmem:v50+s15+$0x0], $0xffff;
	[tilespmem:s21+$0xFFFFFFA0] =	vst v22;
	v22 =	vmul.f32 $8.000000000e+00, v31  }
0x13e: {  	v55 =	vor.u32 v13, v21;
	v31 =	vmul.f32 $8.000000000e+00, v51;
	v34 =	vld.idx.msk [tilespmem:v52+s15+$0x0], $0xffff;
	[tilespmem:s8+$0xA0] =	vst v27  }
0x13f: {  	v56 =	vor.u32 v13, v20;
	v27 =	vmul.f32 $8.000000000e+00, v35;
	v30 =	vld.idx.msk [tilespmem:v30+s15+$0x0], $0xffff;
	[tilespmem:s8+$0xFFFFFFA0] =	vst v22  }
0x140: {  	[tilespmem:s1+$0xC0] =	vst v31;
	v22 =	vmul.f32 $8.000000000e+00, v36;
	v31 =	vor.u32 v13, v24;
	v57 =	vld.idx.msk [tilespmem:v53+s15+$0x0], $0xffff  }
0x141: {  	v58 =	vld.idx.msk [tilespmem:v54+s15+$0x0], $0xffff;
	[tilespmem:s1+$0xFFFFFFC0] =	vst v27;
	v27 =	vmul.f32 $8.000000000e+00, v28;
	v28 =	vor.u32 v13, v23  }
0x142: {  	v59 =	vor.u32 v13, v26;
	v29 =	vld.idx.msk [tilespmem:v29+s15+$0x0], $0xffff;
	[tilespmem:s14+$0xB0] =	vst v22;
	v22 =	vmul.f32 $8.000000000e+00, v32  }
0x143: {  	v60 =	vor.u32 v13, v25;
	v33 =	vld.idx.msk [tilespmem:v55+s15+$0x0], $0xffff;
	[tilespmem:s14+$0xFFFFFFB0] =	vst v27;
	v27 =	vmul.f32 $8.000000000e+00, v34  }
0x144: {  	v61 =	vor.u32 v14, v17;
	v35 =	vld.idx.msk [tilespmem:v56+s15+$0x0], $0xffff;
	[tilespmem:s21+$0xB0] =	vst v22;
	v22 =	vmul.f32 $8.000000000e+00, v30  }
0x145: {  	v19 =	vor.u32 v16, v19;
	v30 =	vld.idx.msk [tilespmem:v31+s15+$0x0], $0xffff;
	[tilespmem:s21+$0xFFFFFFB0] =	vst v27;
	v27 =	vmul.f32 $8.000000000e+00, v57  }
0x146: {  	v62 =	vor.u32 v14, v21;
	v31 =	vmul.f32 $8.000000000e+00, v58;
	v28 =	vld.idx.msk [tilespmem:v28+s15+$0x0], $0xffff;
	[tilespmem:s8+$0xB0] =	vst v22  }
0x147: {  	v22 =	vmul.f32 $8.000000000e+00, v29;
	v29 =	vor.u32 v14, v20;
	v32 =	vld.idx.msk [tilespmem:v59+s15+$0x0], $0xffff;
	[tilespmem:s8+$0xFFFFFFB0] =	vst v27  }
0x148: {  	[tilespmem:s0+$0xFFFFFFE0] =	vst v31;
	v27 =	vmul.f32 $8.000000000e+00, v33;
	v31 =	vor.u32 v14, v24;
	v63 =	vld.idx.msk [tilespmem:v60+s15+$0x0], $0xffff  }
0x149: {  	v41 =	vor.u32 v14, v23;
	v40 =	vld.idx.msk [tilespmem:v61+s15+$0x0], $0xffff;
	[tilespmem:s1+$0xD0] =	vst v22;
	v22 =	vmul.f32 $8.000000000e+00, v35  }
0x14a: {  	v19 =	vld.idx.msk [tilespmem:v19+s15+$0x0], $0xffff;
	[tilespmem:s14+$0xC0] =	vst v27;
	v27 =	vmul.f32 $8.000000000e+00, v30;
	v30 =	vor.u32 v14, v26  }
0x14b: {  	v36 =	vld.idx.msk [tilespmem:v62+s15+$0x0], $0xffff;
	[tilespmem:s14+$0xFFFFFFC0] =	vst v22;
	v22 =	vmul.f32 $8.000000000e+00, v28;
	v28 =	vor.u32 v14, v25  }
0x14c: {  	v42 =	vor.u32 v15, v18;
	v29 =	vld.idx.msk [tilespmem:v29+s15+$0x0], $0xffff;
	[tilespmem:s21+$0xC0] =	vst v27;
	v27 =	vmul.f32 $8.000000000e+00, v32  }
0x14d: {  	v43 =	vor.u32 v15, v17;
	v31 =	vld.idx.msk [tilespmem:v31+s15+$0x0], $0xffff;
	[tilespmem:s21+$0xFFFFFFC0] =	vst v22;
	v22 =	vmul.f32 $8.000000000e+00, v63  }
0x14e: {  	v45 =	vor.u32 v15, v21;
	v44 =	vmul.f32 $8.000000000e+00, v40;
	v35 =	vld.idx.msk [tilespmem:v41+s15+$0x0], $0xffff;
	[tilespmem:s8+$0xC0] =	vst v27  }
0x14f: {  	v19 =	vmul.f32 $8.000000000e+00, v19;
	v27 =	vor.u32 v15, v20;
	v30 =	vld.idx.msk [tilespmem:v30+s15+$0x0], $0xffff;
	[tilespmem:s8+$0xFFFFFFC0] =	vst v22  }
0x150: {  	v46 =	vor.u32 v15, v24;
	[tilespmem:s1+$0xFFFFFFD0] =	vst v44;
	v22 =	vmul.f32 $8.000000000e+00, v36;
	v28 =	vld.idx.msk [tilespmem:v28+s15+$0x0], $0xffff  }
0x151: {  	v47 =	vld.idx.msk [tilespmem:v42+s15+$0x0], $0xffff;
	[tilespmem:s0+$0xFFFFFFF0] =	vst v19;
	v19 =	vmul.f32 $8.000000000e+00, v29;
	v29 =	vor.u32 v15, v23  }
0x152: {  	v32 =	vld.idx.msk [tilespmem:v43+s15+$0x0], $0xffff;
	[tilespmem:s14+$0xD0] =	vst v22;
	v22 =	vmul.f32 $8.000000000e+00, v31;
	v31 =	vor.u32 v15, v26  }
0x153: {  	v48 =	vor.u32 v15, v25;
	v34 =	vld.idx.msk [tilespmem:v45+s15+$0x0], $0xffff;
	[tilespmem:s14+$0xFFFFFFD0] =	vst v19;
	v19 =	vmul.f32 $8.000000000e+00, v35  }
0x154: {  	v18 =	vor.u32 v16, v18;
	v27 =	vld.idx.msk [tilespmem:v27+s15+$0x0], $0xffff;
	[tilespmem:s21+$0xD0] =	vst v22;
	v22 =	vmul.f32 $8.000000000e+00, v30  }
0x155: {  	v17 =	vor.u32 v16, v17;
	v30 =	vld.idx.msk [tilespmem:v46+s15+$0x0], $0xffff;
	[tilespmem:s21+$0xFFFFFFD0] =	vst v19;
	v19 =	vmul.f32 $8.000000000e+00, v28  }
0x156: {  	v21 =	vor.u32 v16, v21;
	v28 =	vmul.f32 $8.000000000e+00, v47;
	v29 =	vld.idx.msk [tilespmem:v29+s15+$0x0], $0xffff;
	[tilespmem:s8+$0xD0] =	vst v22  }
0x157: {  	v20 =	vor.u32 v16, v20;
	v22 =	vmul.f32 $8.000000000e+00, v32;
	v31 =	vld.idx.msk [tilespmem:v31+s15+$0x0], $0xffff;
	[tilespmem:s8+$0xFFFFFFD0] =	vst v19  }
0x158: {  	v24 =	vor.u32 v16, v24;
	[tilespmem:s1+$0xE0] =	vst v28;
	v19 =	vmul.f32 $8.000000000e+00, v34;
	v28 =	vld.idx.msk [tilespmem:v48+s15+$0x0], $0xffff  }
0x159: {  	v23 =	vor.u32 v16, v23;
	v18 =	vld.idx.msk [tilespmem:v18+s15+$0x0], $0xffff;
	[tilespmem:s1+$0xFFFFFFE0] =	vst v22;
	v22 =	vmul.f32 $8.000000000e+00, v27  }
0x15a: {  	v26 =	vor.u32 v16, v26;
	v17 =	vld.idx.msk [tilespmem:v17+s15+$0x0], $0xffff;
	[tilespmem:s14+$0xE0] =	vst v19;
	v19 =	vmul.f32 $8.000000000e+00, v30  }
0x15b: {  	v25 =	vor.u32 v16, v25;
	v21 =	vld.idx.msk [tilespmem:v21+s15+$0x0], $0xffff;
	[tilespmem:s14+$0xFFFFFFE0] =	vst v22;
	v22 =	vmul.f32 $8.000000000e+00, v29  }
0x15c: {  	v20 =	vld.idx.msk [tilespmem:v20+s15+$0x0], $0xffff;
	[tilespmem:s21+$0xE0] =	vst v19;
	v19 =	vmul.f32 $8.000000000e+00, v31  }
0x15d: {  	v24 =	vld.idx.msk [tilespmem:v24+s15+$0x0], $0xffff;
	[tilespmem:s21+$0xFFFFFFE0] =	vst v22;
	v22 =	vmul.f32 $8.000000000e+00, v28  }
0x15e: {  	v18 =	vmul.f32 $8.000000000e+00, v18;
	v23 =	vld.idx.msk [tilespmem:v23+s15+$0x0], $0xffff;
	[tilespmem:s8+$0xE0] =	vst v19  }
0x15f: {  	v17 =	vmul.f32 $8.000000000e+00, v17;
	v19 =	vld.idx.msk [tilespmem:v26+s15+$0x0], $0xffff;
	[tilespmem:s8+$0xFFFFFFE0] =	vst v22  }
0x160: {  	[tilespmem:s1+$0xF0] =	vst v18;
	v18 =	vmul.f32 $8.000000000e+00, v21;
	v21 =	vld.idx.msk [tilespmem:v25+s15+$0x0], $0xffff  }
0x161: {  	[tilespmem:s1+$0xFFFFFFF0] =	vst v17;
	v17 =	vmul.f32 $8.000000000e+00, v20  }
0x162: {  	[tilespmem:s14+$0xF0] =	vst v18;
	v18 =	vmul.f32 $8.000000000e+00, v24  }
0x163: {  	[tilespmem:s14+$0xFFFFFFF0] =	vst v17;
	v17 =	vmul.f32 $8.000000000e+00, v23  }
0x164: {  	s16 =	simm.s32 $0x1;
	[tilespmem:s21+$0xF0] =	vst v18;
	v18 =	vmul.f32 $8.000000000e+00, v19  }
0x165: {  	v19 =	vmov s16;
	[tilespmem:s21+$0xFFFFFFF0] =	vst v17;
	v17 =	vmul.f32 $8.000000000e+00, v21  }
0x166: {  	[tilespmem:s8+$0xF0] =	vst v18;
	v18 =	vand.u32 $0x3F, v19  }
0x167: {  	s30 =	simm.s32 $0x0;
	[tilespmem:s8+$0xFFFFFFF0] =	vst v17;
	v25 =	vbroadcast v18, $0x0  }
0x168: {  	v17 =	vmov s30;
	[hbm4b:s6+s13] =	stream.strided.scatter [tilespmem:s20], [sflag:$0x3], $0x4000, s19, s13, $0x38;
	[tilespmem:$0x1D400] =	vst v63  }
0x169: {  	s31 =	simm.s32 $0x7200;
	v17 =	vand.u32 $0x3E, v17;
	v18 =	vor.u32 v1, v25  }
0x16a: {  	v26 =	vbroadcast v17, $0x0;
	[tilespmem:s15], [sflag:$0x1] =	stream.indirect.gather [hbm4b:s5+s13], $0x40, s31, s13, $0xb8;
	[tilespmem:$0x1D400] =	vst v63  }
0x16b: {  	_ =	swait.ge [sflag:s22], $0x4000  }
0x16c: {  	v17 =	vor.u32 v1, v26;
	[sflag:s22] =	ssyncset.done $0x0  }
0x16d: {  	[sflag:s22] =	ssyncadd.s32 $0xFFFFC000  }
0x16e: {  	v18 =	vld.idx.msk [tilespmem:v18+s17+$0x0], $0xffff;
	_ =	sdelay $0x2  }
0x16f: {  	v19 =	vor.u32 v2, v25;
	v17 =	vld.idx.msk [tilespmem:v17+s17+$0x0], $0xffff;
	_ =	sdelay $0x1  }
0x170: {  	v18 =	vmul.f32 $8.000000000e+00, v18  }
0x171: {  	s16 =	simm.s32 $0x19500;
	v20 =	vor.u32 v2, v26  }
0x172: {  	[tilespmem:s16+$0x0] =	vst v18  }
0x173: {  	v17 =	vmul.f32 $8.000000000e+00, v17;
	v18 =	vld.idx.msk [tilespmem:v19+s17+$0x0], $0xffff;
	_ =	sdelay $0x1  }
0x174: {  	[tilespmem:s16+$0xFFFFFF00] =	vst v17  }
0x175: {  	v19 =	vor.u32 v3, v25;
	v17 =	vld.idx.msk [tilespmem:v20+s17+$0x0], $0xffff;
	_ =	sdelay $0x1  }
0x176: {  	v18 =	vmul.f32 $8.000000000e+00, v18  }
0x177: {  	v20 =	vor.u32 v3, v26  }
0x178: {  	[tilespmem:s16+$0x10] =	vst v18  }
0x179: {  	v17 =	vmul.f32 $8.000000000e+00, v17;
	v18 =	vld.idx.msk [tilespmem:v19+s17+$0x0], $0xffff;
	_ =	sdelay $0x1  }
0x17a: {  	s1 =	simm.s32 $0x3;
	[tilespmem:s16+$0xFFFFFF10] =	vst v17  }
0x17b: {  	v19 =	vmov s1;
	v17 =	vld.idx.msk [tilespmem:v20+s17+$0x0], $0xffff;
	v20 =	vor.u32 v4, v25  }
0x17c: {  	v19 =	vand.u32 $0x3F, v19  }
0x17d: {  	s7 =	simm.s32 $0x2;
	v22 =	vbroadcast v19, $0x0;
	v18 =	vmul.f32 $8.000000000e+00, v18  }
0x17e: {  	v21 =	vor.u32 v4, v26;
	v19 =	vmov s7  }
0x17f: {  	v19 =	vand.u32 $0x3E, v19;
	[tilespmem:s16+$0x20] =	vst v18;
	v18 =	vor.u32 v1, v22  }
0x180: {  	v19 =	vbroadcast v19, $0x0;
	v17 =	vmul.f32 $8.000000000e+00, v17;
	v20 =	vld.idx.msk [tilespmem:v20+s17+$0x0], $0xffff;
	_ =	sdelay $0x1  }
0x181: {  	v23 =	vor.u32 v1, v19;
	[tilespmem:s16+$0xFFFFFF20] =	vst v17  }
0x182: {  	v17 =	vld.idx.msk [tilespmem:v21+s17+$0x0], $0xffff;
	v21 =	vor.u32 v5, v25  }
0x183: {  	v18 =	vld.idx.msk [tilespmem:v18+s17+$0x0], $0xffff  }
0x184: {  	v20 =	vmul.f32 $8.000000000e+00, v20  }
0x185: {  	v24 =	vor.u32 v5, v26  }
0x186: {  	v23 =	vld.idx.msk [tilespmem:v23+s17+$0x0], $0xffff;
	[tilespmem:s16+$0x30] =	vst v20;
	v20 =	vor.u32 v2, v22  }
0x187: {  	v17 =	vmul.f32 $8.000000000e+00, v17;
	v21 =	vld.idx.msk [tilespmem:v21+s17+$0x0], $0xffff  }
0x188: {  	v18 =	vmul.f32 $8.000000000e+00, v18  }
0x189: {  	s0 =	simm.s32 $0x19700;
	[tilespmem:s16+$0xFFFFFF30] =	vst v17;
	v17 =	vor.u32 v2, v19  }
0x18a: {  	v24 =	vld.idx.msk [tilespmem:v24+s17+$0x0], $0xffff;
	[tilespmem:s0+$0x0] =	vst v18;
	v18 =	vor.u32 v6, v25  }
0x18b: {  	v23 =	vmul.f32 $8.000000000e+00, v23;
	v20 =	vld.idx.msk [tilespmem:v20+s17+$0x0], $0xffff  }
0x18c: {  	v21 =	vmul.f32 $8.000000000e+00, v21  }
0x18d: {  	[tilespmem:s0+$0xFFFFFF00] =	vst v23;
	v23 =	vor.u32 v6, v26  }
0x18e: {  	v17 =	vld.idx.msk [tilespmem:v17+s17+$0x0], $0xffff;
	[tilespmem:s16+$0x40] =	vst v21;
	v21 =	vor.u32 v3, v22  }
0x18f: {  	v24 =	vmul.f32 $8.000000000e+00, v24;
	v18 =	vld.idx.msk [tilespmem:v18+s17+$0x0], $0xffff  }
0x190: {  	v20 =	vmul.f32 $8.000000000e+00, v20  }
0x191: {  	[tilespmem:s16+$0xFFFFFF40] =	vst v24;
	v24 =	vor.u32 v3, v19  }
0x192: {  	v23 =	vld.idx.msk [tilespmem:v23+s17+$0x0], $0xffff;
	[tilespmem:s0+$0x10] =	vst v20;
	v20 =	vor.u32 v7, v25  }
0x193: {  	v17 =	vmul.f32 $8.000000000e+00, v17;
	v21 =	vld.idx.msk [tilespmem:v21+s17+$0x0], $0xffff  }
0x194: {  	v18 =	vmul.f32 $8.000000000e+00, v18  }
0x195: {  	v27 =	vor.u32 v7, v26;
	[tilespmem:s0+$0xFFFFFF10] =	vst v17  }
0x196: {  	s8 =	simm.s32 $0x5;
	v28 =	vor.u32 v4, v22;
	v24 =	vld.idx.msk [tilespmem:v24+s17+$0x0], $0xffff;
	[tilespmem:s16+$0x50] =	vst v18  }
0x197: {  	s7 =	simm.s32 $0x4;
	v17 =	vmul.f32 $8.000000000e+00, v23;
	v18 =	vmov s8;
	v20 =	vld.idx.msk [tilespmem:v20+s17+$0x0], $0xffff  }
0x198: {  	v23 =	vmov s7;
	v18 =	vand.u32 $0x3F, v18;
	v21 =	vmul.f32 $8.000000000e+00, v21  }
0x199: {  	v29 =	vor.u32 v4, v19;
	v23 =	vand.u32 $0x3E, v23;
	[tilespmem:s16+$0xFFFFFF50] =	vst v17;
	v18 =	vbroadcast v18, $0x0  }
0x19a: {  	v17 =	vbroadcast v23, $0x0;
	v23 =	vld.idx.msk [tilespmem:v27+s17+$0x0], $0xffff;
	[tilespmem:s0+$0x20] =	vst v21;
	v21 =	vor.u32 v8, v25  }
0x19b: {  	v24 =	vmul.f32 $8.000000000e+00, v24;
	v27 =	vor.u32 v1, v18;
	v28 =	vld.idx.msk [tilespmem:v28+s17+$0x0], $0xffff  }
0x19c: {  	v30 =	vor.u32 v1, v17;
	v20 =	vmul.f32 $8.000000000e+00, v20  }
0x19d: {  	[tilespmem:s0+$0xFFFFFF20] =	vst v24;
	v24 =	vor.u32 v8, v26  }
0x19e: {  	v29 =	vld.idx.msk [tilespmem:v29+s17+$0x0], $0xffff;
	[tilespmem:s16+$0x60] =	vst v20;
	v20 =	vor.u32 v5, v22  }
0x19f: {  	v23 =	vmul.f32 $8.000000000e+00, v23;
	v21 =	vld.idx.msk [tilespmem:v21+s17+$0x0], $0xffff  }
0x1a0: {  	v27 =	vld.idx.msk [tilespmem:v27+s17+$0x0], $0xffff;
	v28 =	vmul.f32 $8.000000000e+00, v28  }
0x1a1: {  	v30 =	vld.idx.msk [tilespmem:v30+s17+$0x0], $0xffff;
	[tilespmem:s16+$0xFFFFFF60] =	vst v23;
	v23 =	vor.u32 v5, v19  }
0x1a2: {  	v24 =	vld.idx.msk [tilespmem:v24+s17+$0x0], $0xffff;
	[tilespmem:s0+$0x30] =	vst v28;
	v28 =	vor.u32 v9, v25  }
0x1a3: {  	v31 =	vor.u32 v2, v18;
	v29 =	vmul.f32 $8.000000000e+00, v29;
	v20 =	vld.idx.msk [tilespmem:v20+s17+$0x0], $0xffff  }
0x1a4: {  	v49 =	vor.u32 v2, v17;
	v21 =	vmul.f32 $8.000000000e+00, v21  }
0x1a5: {  	[tilespmem:s0+$0xFFFFFF30] =	vst v29;
	v27 =	vmul.f32 $8.000000000e+00, v27;
	v29 =	vor.u32 v9, v26  }
0x1a6: {  	s1 =	simm.s32 $0x19900;
	v30 =	vmul.f32 $8.000000000e+00, v30;
	v23 =	vld.idx.msk [tilespmem:v23+s17+$0x0], $0xffff;
	[tilespmem:s16+$0x70] =	vst v21;
	v21 =	vor.u32 v6, v22  }
0x1a7: {  	v24 =	vmul.f32 $8.000000000e+00, v24;
	[tilespmem:s1+$0x0] =	vst v27;
	v27 =	vld.idx.msk [tilespmem:v28+s17+$0x0], $0xffff  }
0x1a8: {  	[tilespmem:s1+$0xFFFFFF00] =	vst v30;
	v28 =	vld.idx.msk [tilespmem:v31+s17+$0x0], $0xffff;
	v20 =	vmul.f32 $8.000000000e+00, v20  }
0x1a9: {  	v30 =	vor.u32 v6, v19;
	v31 =	vld.idx.msk [tilespmem:v49+s17+$0x0], $0xffff;
	[tilespmem:s16+$0xFFFFFF70] =	vst v24  }
0x1aa: {  	v24 =	vld.idx.msk [tilespmem:v29+s17+$0x0], $0xffff;
	[tilespmem:s0+$0x40] =	vst v20;
	v20 =	vor.u32 v10, v25  }
0x1ab: {  	v29 =	vor.u32 v3, v18;
	v23 =	vmul.f32 $8.000000000e+00, v23;
	v21 =	vld.idx.msk [tilespmem:v21+s17+$0x0], $0xffff  }
0x1ac: {  	v50 =	vor.u32 v3, v17;
	v27 =	vmul.f32 $8.000000000e+00, v27  }
0x1ad: {  	[tilespmem:s0+$0xFFFFFF40] =	vst v23;
	v23 =	vmul.f32 $8.000000000e+00, v28;
	v28 =	vor.u32 v10, v26  }
0x1ae: {  	v31 =	vmul.f32 $8.000000000e+00, v31;
	v30 =	vld.idx.msk [tilespmem:v30+s17+$0x0], $0xffff;
	[tilespmem:s16+$0x80] =	vst v27;
	v27 =	vor.u32 v7, v22  }
0x1af: {  	[tilespmem:s1+$0x10] =	vst v23;
	v23 =	vmul.f32 $8.000000000e+00, v24;
	v20 =	vld.idx.msk [tilespmem:v20+s17+$0x0], $0xffff  }
0x1b0: {  	s14 =	simm.s32 $0x6;
	[tilespmem:s1+$0xFFFFFF10] =	vst v31;
	v24 =	vld.idx.msk [tilespmem:v29+s17+$0x0], $0xffff;
	v21 =	vmul.f32 $8.000000000e+00, v21  }
0x1b1: {  	v31 =	vor.u32 v7, v19;
	v29 =	vmov s14;
	v32 =	vld.idx.msk [tilespmem:v50+s17+$0x0], $0xffff;
	[tilespmem:s16+$0xFFFFFF80] =	vst v23  }
0x1b2: {  	s21 =	simm.s32 $0x7;
	v23 =	vand.u32 $0x3E, v29;
	v29 =	vor.u32 v11, v25;
	v28 =	vld.idx.msk [tilespmem:v28+s17+$0x0], $0xffff;
	[tilespmem:s0+$0x50] =	vst v21  }
0x1b3: {  	v51 =	vmov s21;
	v21 =	vmul.f32 $8.000000000e+00, v30;
	v30 =	vor.u32 v4, v18;
	v27 =	vld.idx.msk [tilespmem:v27+s17+$0x0], $0xffff  }
0x1b4: {  	v52 =	vor.u32 v4, v17;
	v53 =	vmul.f32 $8.000000000e+00, v20;
	v20 =	vand.u32 $0x3F, v51  }
0x1b5: {  	v54 =	vor.u32 v11, v26;
	[tilespmem:s0+$0xFFFFFF50] =	vst v21;
	v24 =	vmul.f32 $8.000000000e+00, v24;
	v21 =	vbroadcast v20, $0x0  }
0x1b6: {  	v55 =	vor.u32 v8, v22;
	v20 =	vbroadcast v23, $0x0;
	v23 =	vld.idx.msk [tilespmem:v31+s17+$0x0], $0xffff;
	v31 =	vmul.f32 $8.000000000e+00, v32;
	[tilespmem:s16+$0x90] =	vst v53  }
0x1b7: {  	[tilespmem:s1+$0x20] =	vst v24;
	v24 =	vmul.f32 $8.000000000e+00, v28;
	v28 =	vld.idx.msk [tilespmem:v29+s17+$0x0], $0xffff;
	v29 =	vor.u32 v1, v21  }
0x1b8: {  	v56 =	vor.u32 v1, v20;
	[tilespmem:s1+$0xFFFFFF20] =	vst v31;
	v30 =	vld.idx.msk [tilespmem:v30+s17+$0x0], $0xffff;
	v27 =	vmul.f32 $8.000000000e+00, v27  }
0x1b9: {  	v57 =	vor.u32 v8, v19;
	v31 =	vld.idx.msk [tilespmem:v52+s17+$0x0], $0xffff;
	[tilespmem:s16+$0xFFFFFF90] =	vst v24  }
0x1ba: {  	v24 =	vld.idx.msk [tilespmem:v54+s17+$0x0], $0xffff;
	[tilespmem:s0+$0x60] =	vst v27;
	v27 =	vor.u32 v12, v25  }
0x1bb: {  	v58 =	vor.u32 v5, v18;
	v23 =	vmul.f32 $8.000000000e+00, v23;
	v32 =	vld.idx.msk [tilespmem:v55+s17+$0x0], $0xffff  }
0x1bc: {  	v59 =	vor.u32 v5, v17;
	v29 =	vld.idx.msk [tilespmem:v29+s17+$0x0], $0xffff;
	v28 =	vmul.f32 $8.000000000e+00, v28  }
0x1bd: {  	v35 =	vld.idx.msk [tilespmem:v56+s17+$0x0], $0xffff;
	[tilespmem:s0+$0xFFFFFF60] =	vst v23;
	v23 =	vmul.f32 $8.000000000e+00, v30;
	v30 =	vor.u32 v12, v26  }
0x1be: {  	v34 =	vld.idx.msk [tilespmem:v57+s17+$0x0], $0xffff;
	v31 =	vmul.f32 $8.000000000e+00, v31;
	[tilespmem:s16+$0xA0] =	vst v28;
	v28 =	vor.u32 v9, v22  }
0x1bf: {  	[tilespmem:s1+$0x30] =	vst v23;
	v23 =	vmul.f32 $8.000000000e+00, v24;
	v24 =	vld.idx.msk [tilespmem:v27+s17+$0x0], $0xffff;
	v27 =	vor.u32 v2, v21  }
0x1c0: {  	v60 =	vor.u32 v2, v20;
	[tilespmem:s1+$0xFFFFFF30] =	vst v31;
	v31 =	vld.idx.msk [tilespmem:v58+s17+$0x0], $0xffff;
	v32 =	vmul.f32 $8.000000000e+00, v32  }
0x1c1: {  	s24 =	simm.s32 $0x8;
	v36 =	vld.idx.msk [tilespmem:v59+s17+$0x0], $0xffff;
	[tilespmem:s16+$0xFFFFFFA0] =	vst v23;
	v23 =	vmul.f32 $8.000000000e+00, v29;
	v29 =	vor.u32 v9, v19  }
0x1c2: {  	v61 =	vmov s24;
	v62 =	vor.u32 v13, v25;
	s14 =	simm.s32 $0x19B00;
	v30 =	vld.idx.msk [tilespmem:v30+s17+$0x0], $0xffff;
	v35 =	vmul.f32 $8.000000000e+00, v35;
	[tilespmem:s0+$0x70] =	vst v32  }
0x1c3: {  	v37 =	vand.u32 $0x3E, v61;
	v63 =	vor.u32 v6, v18;
	v34 =	vmul.f32 $8.000000000e+00, v34;
	[tilespmem:s14+$0x0] =	vst v23;
	v28 =	vld.idx.msk [tilespmem:v28+s17+$0x0], $0xffff  }
0x1c4: {  	v40 =	vor.u32 v6, v17;
	v23 =	vbroadcast v37, $0x0;
	[tilespmem:s14+$0xFFFFFF00] =	vst v35;
	v27 =	vld.idx.msk [tilespmem:v27+s17+$0x0], $0xffff;
	v24 =	vmul.f32 $8.000000000e+00, v24  }
0x1c5: {  	v41 =	vor.u32 v13, v26;
	v33 =	vld.idx.msk [tilespmem:v60+s17+$0x0], $0xffff;
	v31 =	vmul.f32 $8.000000000e+00, v31;
	[tilespmem:s0+$0xFFFFFF70] =	vst v34  }
0x1c6: {  	v37 =	vor.u32 v1, v23;
	v36 =	vmul.f32 $8.000000000e+00, v36;
	v29 =	vld.idx.msk [tilespmem:v29+s17+$0x0], $0xffff;
	[tilespmem:s16+$0xB0] =	vst v24  }
0x1c7: {  	[tilespmem:s1+$0x40] =	vst v31;
	v24 =	vor.u32 v10, v22;
	v30 =	vmul.f32 $8.000000000e+00, v30;
	v31 =	vld.idx.msk [tilespmem:v62+s17+$0x0], $0xffff  }
0x1c8: {  	v42 =	vor.u32 v3, v21;
	[tilespmem:s1+$0xFFFFFF40] =	vst v36;
	v43 =	vld.idx.msk [tilespmem:v63+s17+$0x0], $0xffff  }
0x1c9: {  	v44 =	vor.u32 v3, v20;
	v35 =	vld.idx.msk [tilespmem:v40+s17+$0x0], $0xffff;
	v28 =	vmul.f32 $8.000000000e+00, v28;
	[tilespmem:s16+$0xFFFFFFB0] =	vst v30  }
0x1ca: {  	v30 =	vor.u32 v10, v19;
	v27 =	vmul.f32 $8.000000000e+00, v27;
	v34 =	vld.idx.msk [tilespmem:v41+s17+$0x0], $0xffff  }
0x1cb: {  	v33 =	vmul.f32 $8.000000000e+00, v33;
	v37 =	vld.idx.msk [tilespmem:v37+s17+$0x0], $0xffff;
	[tilespmem:s0+$0x80] =	vst v28;
	v28 =	vor.u32 v14, v25  }
0x1cc: {  	[tilespmem:s14+$0x10] =	vst v27;
	v27 =	vor.u32 v7, v18;
	v29 =	vmul.f32 $8.000000000e+00, v29;
	v24 =	vld.idx.msk [tilespmem:v24+s17+$0x0], $0xffff  }
0x1cd: {  	v45 =	vor.u32 v7, v17;
	[tilespmem:s14+$0xFFFFFF10] =	vst v33;
	v32 =	vld.idx.msk [tilespmem:v42+s17+$0x0], $0xffff;
	v31 =	vmul.f32 $8.000000000e+00, v31  }
0x1ce: {  	v38 =	vld.idx.msk [tilespmem:v44+s17+$0x0], $0xffff;
	v36 =	vmul.f32 $8.000000000e+00, v43;
	[tilespmem:s0+$0xFFFFFF80] =	vst v29;
	v29 =	vor.u32 v14, v26  }
0x1cf: {  	v35 =	vmul.f32 $8.000000000e+00, v35;
	v30 =	vld.idx.msk [tilespmem:v30+s17+$0x0], $0xffff;
	[tilespmem:s16+$0xC0] =	vst v31;
	v31 =	vor.u32 v11, v22  }
0x1d0: {  	s30 =	simm.s32 $0x9;
	v46 =	vor.u32 v4, v21;
	[tilespmem:s1+$0x50] =	vst v36;
	v34 =	vmul.f32 $8.000000000e+00, v34;
	v28 =	vld.idx.msk [tilespmem:v28+s17+$0x0], $0xffff  }
0x1d1: {  	v47 =	vmov s30;
	v48 =	vor.u32 v4, v20;
	[tilespmem:s1+$0xFFFFFF50] =	vst v35;
	v27 =	vld.idx.msk [tilespmem:v27+s17+$0x0], $0xffff;
	v49 =	vmul.f32 $8.000000000e+00, v24  }
0x1d2: {  	v50 =	vor.u32 v11, v19;
	v33 =	vld.idx.msk [tilespmem:v45+s17+$0x0], $0xffff;
	[tilespmem:s16+$0xFFFFFFC0] =	vst v34;
	v24 =	vand.u32 $0x3F, v47;
	v32 =	vmul.f32 $8.000000000e+00, v32  }
0x1d3: {  	v52 =	vor.u32 v15, v25;
	v24 =	vbroadcast v24, $0x0;
	v51 =	vmul.f32 $8.000000000e+00, v38;
	v29 =	vld.idx.msk [tilespmem:v29+s17+$0x0], $0xffff;
	[tilespmem:s0+$0x90] =	vst v49  }
0x1d4: {  	v53 =	vor.u32 v8, v18;
	[tilespmem:s14+$0x20] =	vst v32;
	v30 =	vmul.f32 $8.000000000e+00, v30;
	v31 =	vld.idx.msk [tilespmem:v31+s17+$0x0], $0xffff  }
0x1d5: {  	v54 =	vor.u32 v1, v24;
	[tilespmem:s14+$0xFFFFFF20] =	vst v51;
	v55 =	vld.idx.msk [tilespmem:v46+s17+$0x0], $0xffff;
	v28 =	vmul.f32 $8.000000000e+00, v28  }
0x1d6: {  	v57 =	vor.u32 v8, v17;
	v56 =	vld.idx.msk [tilespmem:v48+s17+$0x0], $0xffff;
	v27 =	vmul.f32 $8.000000000e+00, v27;
	[tilespmem:s0+$0xFFFFFF90] =	vst v30  }
0x1d7: {  	v37 =	vmul.f32 $8.000000000e+00, v37;
	v46 =	vor.u32 v2, v23;
	v30 =	vld.idx.msk [tilespmem:v50+s17+$0x0], $0xffff;
	[tilespmem:s16+$0xD0] =	vst v28  }
0x1d8: {  	s21 =	simm.s32 $0x19D00;
	v58 =	vor.u32 v15, v26;
	v28 =	vmul.f32 $8.000000000e+00, v33;
	[tilespmem:s1+$0x60] =	vst v27;
	v59 =	vld.idx.msk [tilespmem:v52+s17+$0x0], $0xffff  }
0x1d9: {  	[tilespmem:s21+$0xFFFFFF00] =	vst v37;
	v27 =	vor.u32 v12, v22;
	v29 =	vmul.f32 $8.000000000e+00, v29;
	v32 =	vld.idx.msk [tilespmem:v53+s17+$0x0], $0xffff  }
0x1da: {  	v60 =	vor.u32 v5, v21;
	[tilespmem:s1+$0xFFFFFF60] =	vst v28;
	v28 =	vld.idx.msk [tilespmem:v54+s17+$0x0], $0xffff;
	v31 =	vmul.f32 $8.000000000e+00, v31  }
0x1db: {  	v61 =	vor.u32 v5, v20;
	[tilespmem:s16+$0xFFFFFFD0] =	vst v29;
	v29 =	vmul.f32 $8.000000000e+00, v55;
	v62 =	vld.idx.msk [tilespmem:v57+s17+$0x0], $0xffff  }
0x1dc: {  	v63 =	vor.u32 v12, v19;
	v36 =	vmul.f32 $8.000000000e+00, v56;
	v37 =	vld.idx.msk [tilespmem:v46+s17+$0x0], $0xffff;
	[tilespmem:s0+$0xA0] =	vst v31  }
0x1dd: {  	v25 =	vor.u32 v16, v25;
	v31 =	vld.idx.msk [tilespmem:v58+s17+$0x0], $0xffff;
	[tilespmem:s14+$0x30] =	vst v29;
	v30 =	vmul.f32 $8.000000000e+00, v30  }
0x1de: {  	v29 =	vor.u32 v9, v18;
	[tilespmem:s14+$0xFFFFFF30] =	vst v36;
	v27 =	vld.idx.msk [tilespmem:v27+s17+$0x0], $0xffff;
	v33 =	vmul.f32 $8.000000000e+00, v59  }
0x1df: {  	v44 =	vor.u32 v2, v24;
	v45 =	vld.idx.msk [tilespmem:v60+s17+$0x0], $0xffff;
	v32 =	vmul.f32 $8.000000000e+00, v32;
	[tilespmem:s0+$0xFFFFFFA0] =	vst v30  }
0x1e0: {  	v40 =	vld.idx.msk [tilespmem:v61+s17+$0x0], $0xffff;
	v28 =	vmul.f32 $8.000000000e+00, v28;
	v30 =	vor.u32 v9, v17;
	[tilespmem:s16+$0xE0] =	vst v33  }
0x1e1: {  	v48 =	vor.u32 v13, v22;
	v39 =	vld.idx.msk [tilespmem:v63+s17+$0x0], $0xffff;
	v35 =	vmul.f32 $8.000000000e+00, v62;
	[tilespmem:s1+$0x70] =	vst v32  }
0x1e2: {  	s31 =	simm.s32 $0xA;
	v60 =	vmul.f32 $8.000000000e+00, v37;
	v49 =	vld.idx.msk [tilespmem:v25+s17+$0x0], $0xffff;
	[tilespmem:s21+$0x0] =	vst v28;
	v28 =	vor.u32 v6, v21  }
0x1e3: {  	v47 =	vmov s31;
	v57 =	vor.u32 v3, v23;
	v29 =	vld.idx.msk [tilespmem:v29+s17+$0x0], $0xffff;
	[tilespmem:s1+$0xFFFFFF70] =	vst v35;
	v27 =	vmul.f32 $8.000000000e+00, v27  }
0x1e4: {  	v51 =	vor.u32 v6, v20;
	v25 =	vand.u32 $0x3E, v47;
	v50 =	vld.idx.msk [tilespmem:v44+s17+$0x0], $0xffff;
	[tilespmem:s21+$0xFFFFFF10] =	vst v60;
	v36 =	vmul.f32 $8.000000000e+00, v45  }
0x1e5: {  	v52 =	vor.u32 v13, v19;
	v25 =	vbroadcast v25, $0x0;
	v40 =	vmul.f32 $8.000000000e+00, v40;
	v30 =	vld.idx.msk [tilespmem:v30+s17+$0x0], $0xffff;
	[tilespmem:s0+$0xB0] =	vst v27  }
0x1e6: {  	[tilespmem:s14+$0x40] =	vst v36;
	v27 =	vor.u32 v10, v18;
	v54 =	vmul.f32 $8.000000000e+00, v39;
	v32 =	vld.idx.msk [tilespmem:v48+s17+$0x0], $0xffff  }
0x1e7: {  	v53 =	vor.u32 v1, v25;
	[tilespmem:s14+$0xFFFFFF40] =	vst v40;
	v56 =	vld.idx.msk [tilespmem:v28+s17+$0x0], $0xffff;
	v28 =	vmul.f32 $8.000000000e+00, v49  }
0x1e8: {  	v55 =	vor.u32 v3, v24;
	v38 =	vld.idx.msk [tilespmem:v57+s17+$0x0], $0xffff;
	v29 =	vmul.f32 $8.000000000e+00, v29;
	[tilespmem:s0+$0xFFFFFFB0] =	vst v54  }
0x1e9: {  	v59 =	vor.u32 v10, v17;
	v58 =	vld.idx.msk [tilespmem:v51+s17+$0x0], $0xffff;
	v33 =	vmul.f32 $8.000000000e+00, v50;
	[tilespmem:s16+$0xF0] =	vst v28  }
0x1ea: {  	v35 =	vld.idx.msk [tilespmem:v52+s17+$0x0], $0xffff;
	[tilespmem:s1+$0x80] =	vst v29;
	v29 =	vor.u32 v14, v22;
	v30 =	vmul.f32 $8.000000000e+00, v30  }
0x1eb: {  	v61 =	vor.u32 v7, v21;
	[tilespmem:s21+$0x10] =	vst v33;
	v34 =	vld.idx.msk [tilespmem:v27+s17+$0x0], $0xffff;
	v27 =	vmul.f32 $8.000000000e+00, v32  }
0x1ec: {  	v36 =	vor.u32 v7, v20;
	v28 =	vld.idx.msk [tilespmem:v53+s17+$0x0], $0xffff;
	[tilespmem:s1+$0xFFFFFF80] =	vst v30  }
0x1ed: {  	v39 =	vld.idx.msk [tilespmem:v55+s17+$0x0], $0xffff;
	v62 =	vmul.f32 $8.000000000e+00, v56;
	[tilespmem:s0+$0xC0] =	vst v27;
	v27 =	vmul.f32 $8.000000000e+00, v31;
	v31 =	vor.u32 v14, v19  }
0x1ee: {  	v63 =	vmul.f32 $8.000000000e+00, v58;
	v30 =	vor.u32 v16, v26;
	v32 =	vld.idx.msk [tilespmem:v59+s17+$0x0], $0xffff  }
0x1ef: {  	[tilespmem:s14+$0x50] =	vst v62;
	v37 =	vmul.f32 $8.000000000e+00, v35;
	v33 =	vld.idx.msk [tilespmem:v29+s17+$0x0], $0xffff;
	v29 =	vor.u32 v11, v18  }
0x1f0: {  	s24 =	simm.s32 $0xB;
	s7 =	simm.s32 $0xC;
	v40 =	vor.u32 v4, v24;
	[tilespmem:s14+$0xFFFFFF50] =	vst v63;
	v35 =	vld.idx.msk [tilespmem:v61+s17+$0x0], $0xffff  }
.LBB2_6:
0x1f1: {  	p0 =	slt.u32 s7, $0x3E;
	v26 =	vmov s24;
	v41 =	vor.u32 v4, v23;
	v36 =	vld.idx.msk [tilespmem:v36+s17+$0x0], $0xffff;
	v34 =	vmul.f32 $8.000000000e+00, v34;
	[tilespmem:s0+$0xFFFFFFC0] =	vst v37  }
0x1f2: {  	v37 =	vmul.f32 $8.000000000e+00, v39;
	v39 =	vor.u32 v11, v17;
	v26 =	vand.u32 $0x3F, v26;
	v31 =	vld.idx.msk [tilespmem:v31+s17+$0x0], $0xffff;
	[tilespmem:s16+$0xFFFFFFE0] =	vst v27  }
0x1f3: {  	v27 =	vmul.f32 $8.000000000e+00, v38;
	v26 =	vbroadcast v26, $0x0;
	[tilespmem:s1+$0x90] =	vst v34;
	v34 =	vor.u32 v15, v22;
	v30 =	vld.idx.msk [tilespmem:v30+s17+$0x0], $0xffff  }
0x1f4: {  	v32 =	vmul.f32 $8.000000000e+00, v32;
	[tilespmem:s21+$0x20] =	vst v37;
	v37 =	vor.u32 v8, v21;
	v29 =	vld.idx.msk [tilespmem:v29+s17+$0x0], $0xffff  }
0x1f5: {  	v33 =	vmul.f32 $8.000000000e+00, v33;
	v38 =	vor.u32 v1, v26;
	[tilespmem:s21+$0xFFFFFF20] =	vst v27;
	v27 =	vld.idx.msk [tilespmem:v40+s17+$0x0], $0xffff  }
0x1f6: {  	v35 =	vmul.f32 $8.000000000e+00, v35;
	v40 =	vld.idx.msk [tilespmem:v41+s17+$0x0], $0xffff;
	v41 =	vor.u32 v8, v20;
	[tilespmem:s1+$0xFFFFFF90] =	vst v32  }
0x1f7: {  	v32 =	vmul.f32 $8.000000000e+00, v36;
	v36 =	vld.idx.msk [tilespmem:v39+s17+$0x0], $0xffff;
	v39 =	vor.u32 v15, v19;
	[tilespmem:s0+$0xD0] =	vst v33  }
0x1f8: {  	v33 =	vor.u32 v12, v18;
	v31 =	vmul.f32 $8.000000000e+00, v31;
	[tilespmem:s14+$0x60] =	vst v35;
	v34 =	vld.idx.msk [tilespmem:v34+s17+$0x0], $0xffff  }
0x1f9: {  	v35 =	vor.u32 v5, v24;
	v30 =	vmul.f32 $8.000000000e+00, v30;
	[tilespmem:s14+$0xFFFFFF60] =	vst v32;
	v32 =	vld.idx.msk [tilespmem:v37+s17+$0x0], $0xffff  }
0x1fa: {  	v29 =	vmul.f32 $8.000000000e+00, v29;
	v37 =	vld.idx.msk [tilespmem:v38+s17+$0x0], $0xffff;
	v38 =	vor.u32 v5, v23;
	[tilespmem:s0+$0xFFFFFFD0] =	vst v31  }
0x1fb: {  	v27 =	vmul.f32 $8.000000000e+00, v27;
	v31 =	vld.idx.msk [tilespmem:v41+s17+$0x0], $0xffff;
	v41 =	vor.u32 v12, v17;
	[tilespmem:s16+$0xFFFFFFF0] =	vst v30;
	s16 =	smov.u32 s0;
	s0 =	smov.u32 s1;
	s1 =	smov.u32 s14  }
0x1fc: {  	v30 =	vmul.f32 $8.000000000e+00, v40;
	s14 =	smov.u32 s21;
	[tilespmem:s0+$0xA0] =	vst v29;
	v29 =	vld.idx.msk [tilespmem:v39+s17+$0x0], $0xffff;
	v39 =	vor.u32 v16, v22;
	v22 =	vmovc v18;
	v18 =	vmov v21  }
0x1fd: {  	v36 =	vmul.f32 $8.000000000e+00, v36;
	v21 =	vmovc v24;
	v24 =	vmov v26;
	[tilespmem:s21+$0x30] =	vst v27;
	v27 =	vor.u32 v9, v18;
	v33 =	vld.idx.msk [tilespmem:v33+s17+$0x0], $0xffff  }
0x1fe: {  	v26 =	vor.u32 v2, v24;
	v34 =	vmul.f32 $8.000000000e+00, v34;
	[tilespmem:s21+$0xFFFFFF30] =	vst v30;
	v30 =	vld.idx.msk [tilespmem:v35+s17+$0x0], $0xffff  }
0x1ff: {  	v35 =	vor.u32 v2, v25;
	v32 =	vmul.f32 $8.000000000e+00, v32;
	v38 =	vld.idx.msk [tilespmem:v38+s17+$0x0], $0xffff;
	[tilespmem:s0+$0xFFFFFFA0] =	vst v36  }
0x200: {  	v40 =	vor.u32 v9, v20;
	v36 =	vmov s7;
	v37 =	vmul.f32 $8.000000000e+00, v37;
	v41 =	vld.idx.msk [tilespmem:v41+s17+$0x0], $0xffff;
	[tilespmem:s16+$0xE0] =	vst v34  }
0x201: {  	v28 =	vmul.f32 $8.000000000e+00, v28;
	s21 =	sadd.s32 $0x200, s21;
	v31 =	vmul.f32 $8.000000000e+00, v31;
	[tilespmem:s1+$0x70] =	vst v32;
	v32 =	vor.u32 v13, v22;
	v34 =	vld.idx.msk [tilespmem:v39+s17+$0x0], $0xffff  }
0x202: {  	v36 =	vand.u32 $0x3E, v36;
	[tilespmem:s21+$0x0] =	vst v37;
	v37 =	vor.u32 v6, v21;
	v39 =	vld.idx.msk [tilespmem:v27+s17+$0x0], $0xffff;
	v27 =	vmul.f32 $8.000000000e+00, v29  }
0x203: {  	v42 =	vbroadcast v36, $0x0;
	v29 =	vmul.f32 $8.000000000e+00, v33;
	[tilespmem:s21+$0xFFFFFF00] =	vst v28;
	v26 =	vld.idx.msk [tilespmem:v26+s17+$0x0], $0xffff;
	v28 =	vor.u32 v6, v23  }
0x204: {  	v30 =	vmul.f32 $8.000000000e+00, v30;
	v33 =	vld.idx.msk [tilespmem:v35+s17+$0x0], $0xffff;
	[tilespmem:s1+$0xFFFFFF70] =	vst v31;
	v31 =	vor.u32 v13, v17  }
0x205: {  	v35 =	vor.u32 v1, v42;
	v36 =	vmul.f32 $8.000000000e+00, v38;
	v38 =	vld.idx.msk [tilespmem:v40+s17+$0x0], $0xffff;
	[tilespmem:s0+$0xB0] =	vst v29  }
0x206: {  	v29 =	vor.u32 v10, v18;
	[tilespmem:s14+$0x40] =	vst v30;
	v30 =	vmul.f32 $8.000000000e+00, v41;
	v32 =	vld.idx.msk [tilespmem:v32+s17+$0x0], $0xffff  }
0x207: {  	v40 =	vor.u32 v3, v24;
	v34 =	vmul.f32 $8.000000000e+00, v34;
	[tilespmem:s14+$0xFFFFFF40] =	vst v36;
	v37 =	vld.idx.msk [tilespmem:v37+s17+$0x0], $0xffff  }
0x208: {  	v41 =	vor.u32 v3, v25;
	v36 =	vmul.f32 $8.000000000e+00, v39;
	v43 =	vld.idx.msk [tilespmem:v28+s17+$0x0], $0xffff;
	[tilespmem:s0+$0xFFFFFFB0] =	vst v30  }
0x209: {  	v26 =	vmul.f32 $8.000000000e+00, v26;
	v30 =	vor.u32 v10, v20;
	v44 =	vld.idx.msk [tilespmem:v31+s17+$0x0], $0xffff;
	[tilespmem:s16+$0xF0] =	vst v34  }
0x20a: {  	v31 =	vmul.f32 $8.000000000e+00, v33;
	v33 =	vor.u32 v14, v22;
	v28 =	vld.idx.msk [tilespmem:v35+s17+$0x0], $0xffff;
	[tilespmem:s1+$0x80] =	vst v36  }
0x20b: {  	v35 =	vmul.f32 $8.000000000e+00, v38;
	[tilespmem:s21+$0x10] =	vst v26;
	v26 =	vor.u32 v7, v21;
	v34 =	vld.idx.msk [tilespmem:v29+s17+$0x0], $0xffff  }
.Ltmp2:
0x20c: {  	v36 =	vor.u32 v7, v23;
	v29 =	vmul.f32 $8.000000000e+00, v32;
	[tilespmem:s21+$0xFFFFFF10] =	vst v31;
	v39 =	vld.idx.msk [tilespmem:v40+s17+$0x0], $0xffff;
	(pc) =	sbr.rel @p0 .LBB2_6-.Ltmp2, $4  }
0x20d: {  	v37 =	vmul.f32 $8.000000000e+00, v37;
	v31 =	vor.u32 v14, v17;
	v38 =	vld.idx.msk [tilespmem:v41+s17+$0x0], $0xffff;
	[tilespmem:s1+$0xFFFFFF80] =	vst v35  }
0x20e: {  	v35 =	vmul.f32 $8.000000000e+00, v43;
	v32 =	vld.idx.msk [tilespmem:v30+s17+$0x0], $0xffff;
	[tilespmem:s0+$0xC0] =	vst v29;
	v30 =	vor.u32 v16, v19;
	v19 =	vmovc v17;
	v17 =	vmov v20  }
0x20f: {  	v29 =	vor.u32 v11, v18;
	v20 =	vmovc v23;
	v23 =	vmov v25;
	[tilespmem:s14+$0x50] =	vst v37;
	v37 =	vmul.f32 $8.000000000e+00, v44;
	v33 =	vld.idx.msk [tilespmem:v33+s17+$0x0], $0xffff  }
0x210: {  	s24 =	sadd.s32 $0x1, s7;
	s7 =	sadd.s32 $0x2, s7;
	v40 =	vor.u32 v4, v24;
	v25 =	vmov v42;
	[tilespmem:s14+$0xFFFFFF50] =	vst v35;
	v35 =	vld.idx.msk [tilespmem:v26+s17+$0x0], $0xffff  }
0x211: {  	v26 =	vmov s24  }
0x212: {  	v26 =	vand.u32 $0x3F, v26  }
0x213: {  	v26 =	vbroadcast v26, $0x0;
	_ =	sdelay $0x1  }
0x214: {  	v41 =	vor.u32 v1, v26;
	_ =	sdelay $0x4  }
0x215: {  	v41 =	vld.idx.msk [tilespmem:v41+s17+$0x0], $0xffff;
	_ =	sdelay $0x1  }
0x216: {  	v43 =	vor.u32 v2, v25  }
0x217: {  	v42 =	vor.u32 v2, v26  }
0x218: {  	v28 =	vmul.f32 $8.000000000e+00, v28  }
0x219: {  	s7 =	sadd.s32 $0x200, s21;
	v41 =	vmul.f32 $8.000000000e+00, v41  }
0x21a: {  	[tilespmem:s7+$0xFFFFFF00] =	vst v28  }
0x21b: {  	v53 =	vld.idx.msk [tilespmem:v43+s17+$0x0], $0xffff;
	[tilespmem:s7+$0x0] =	vst v41  }
0x21c: {  	v52 =	vld.idx.msk [tilespmem:v42+s17+$0x0], $0xffff;
	_ =	sdelay $0x1  }
0x21d: {  	v55 =	vor.u32 v3, v25  }
0x21e: {  	v54 =	vor.u32 v3, v26  }
0x21f: {  	v41 =	vmul.f32 $8.000000000e+00, v53  }
0x220: {  	v28 =	vmul.f32 $8.000000000e+00, v52  }
0x221: {  	[tilespmem:s7+$0xFFFFFF10] =	vst v41  }
0x222: {  	v41 =	vld.idx.msk [tilespmem:v55+s17+$0x0], $0xffff;
	[tilespmem:s7+$0x10] =	vst v28  }
0x223: {  	v56 =	vor.u32 v4, v23;
	v28 =	vld.idx.msk [tilespmem:v54+s17+$0x0], $0xffff  }
0x224: {  	v39 =	vmul.f32 $8.000000000e+00, v39  }
0x225: {  	v44 =	vor.u32 v4, v25;
	v38 =	vmul.f32 $8.000000000e+00, v38  }
0x226: {  	[tilespmem:s21+$0x20] =	vst v39;
	v57 =	vor.u32 v4, v26  }
0x227: {  	[tilespmem:s21+$0xFFFFFF20] =	vst v38;
	v58 =	vld.idx.msk [tilespmem:v40+s17+$0x0], $0xffff;
	v59 =	vmul.f32 $8.000000000e+00, v41  }
0x228: {  	v60 =	vld.idx.msk [tilespmem:v56+s17+$0x0], $0xffff;
	v28 =	vmul.f32 $8.000000000e+00, v28  }
0x229: {  	[tilespmem:s7+$0xFFFFFF20] =	vst v59  }
0x22a: {  	v61 =	vor.u32 v5, v24;
	v62 =	vld.idx.msk [tilespmem:v44+s17+$0x0], $0xffff;
	[tilespmem:s7+$0x20] =	vst v28  }
0x22b: {  	v63 =	vor.u32 v5, v23;
	v28 =	vld.idx.msk [tilespmem:v57+s17+$0x0], $0xffff  }
0x22c: {  	v38 =	vmul.f32 $8.000000000e+00, v58  }
0x22d: {  	v49 =	vor.u32 v5, v25;
	v40 =	vmul.f32 $8.000000000e+00, v60  }
0x22e: {  	v48 =	vor.u32 v5, v26;
	[tilespmem:s21+$0x30] =	vst v38  }
0x22f: {  	v38 =	vld.idx.msk [tilespmem:v61+s17+$0x0], $0xffff;
	[tilespmem:s21+$0xFFFFFF30] =	vst v40;
	v50 =	vmul.f32 $8.000000000e+00, v62  }
0x230: {  	v40 =	vld.idx.msk [tilespmem:v63+s17+$0x0], $0xffff;
	v28 =	vmul.f32 $8.000000000e+00, v28  }
0x231: {  	[tilespmem:s7+$0xFFFFFF30] =	vst v50  }
0x232: {  	v51 =	vor.u32 v6, v24;
	v52 =	vld.idx.msk [tilespmem:v49+s17+$0x0], $0xffff;
	[tilespmem:s7+$0x30] =	vst v28  }
0x233: {  	v53 =	vor.u32 v6, v23;
	v28 =	vld.idx.msk [tilespmem:v48+s17+$0x0], $0xffff  }
0x234: {  	v38 =	vmul.f32 $8.000000000e+00, v38  }
0x235: {  	v40 =	vmul.f32 $8.000000000e+00, v40;
	v55 =	vor.u32 v6, v25  }
0x236: {  	[tilespmem:s21+$0x40] =	vst v38;
	v54 =	vor.u32 v6, v26  }
0x237: {  	v38 =	vld.idx.msk [tilespmem:v51+s17+$0x0], $0xffff;
	[tilespmem:s21+$0xFFFFFF40] =	vst v40;
	v56 =	vmul.f32 $8.000000000e+00, v52  }
0x238: {  	v57 =	vld.idx.msk [tilespmem:v53+s17+$0x0], $0xffff;
	v28 =	vmul.f32 $8.000000000e+00, v28  }
0x239: {  	[tilespmem:s7+$0xFFFFFF40] =	vst v56  }
0x23a: {  	v59 =	vor.u32 v7, v24;
	v60 =	vld.idx.msk [tilespmem:v55+s17+$0x0], $0xffff;
	[tilespmem:s7+$0x40] =	vst v28  }
0x23b: {  	v61 =	vor.u32 v7, v23;
	v58 =	vld.idx.msk [tilespmem:v54+s17+$0x0], $0xffff  }
0x23c: {  	[tilespmem:s0+$0xFFFFFFC0] =	vst v37;
	v36 =	vld.idx.msk [tilespmem:v36+s17+$0x0], $0xffff;
	v62 =	vmul.f32 $8.000000000e+00, v38  }
0x23d: {  	[tilespmem:s16+$0xFFFFFFE0] =	vst v27;
	v44 =	vor.u32 v7, v25;
	v28 =	vmul.f32 $8.000000000e+00, v57  }
0x23e: {  	v34 =	vmul.f32 $8.000000000e+00, v34;
	v31 =	vld.idx.msk [tilespmem:v31+s17+$0x0], $0xffff;
	v63 =	vor.u32 v7, v26;
	[tilespmem:s21+$0x50] =	vst v62  }
0x23f: {  	v50 =	vor.u32 v8, v20;
	v46 =	vld.idx.msk [tilespmem:v59+s17+$0x0], $0xffff;
	v47 =	vmul.f32 $8.000000000e+00, v60;
	[tilespmem:s21+$0xFFFFFF50] =	vst v28  }
0x240: {  	[tilespmem:s1+$0x90] =	vst v34;
	v48 =	vor.u32 v8, v21;
	v37 =	vld.idx.msk [tilespmem:v61+s17+$0x0], $0xffff;
	v45 =	vmul.f32 $8.000000000e+00, v58  }
0x241: {  	v30 =	vld.idx.msk [tilespmem:v30+s17+$0x0], $0xffff;
	v36 =	vmul.f32 $8.000000000e+00, v36;
	[tilespmem:s7+$0xFFFFFF50] =	vst v47  }
0x242: {  	v35 =	vmul.f32 $8.000000000e+00, v35;
	v51 =	vor.u32 v8, v24;
	v34 =	vld.idx.msk [tilespmem:v44+s17+$0x0], $0xffff;
	[tilespmem:s7+$0x50] =	vst v45  }
0x243: {  	v32 =	vmul.f32 $8.000000000e+00, v32;
	[tilespmem:s14+$0xFFFFFF60] =	vst v36;
	v52 =	vor.u32 v8, v23;
	v38 =	vld.idx.msk [tilespmem:v63+s17+$0x0], $0xffff  }
0x244: {  	[tilespmem:s14+$0x60] =	vst v35;
	v49 =	vmul.f32 $8.000000000e+00, v33;
	v33 =	vld.idx.msk [tilespmem:v50+s17+$0x0], $0xffff;
	v28 =	vmul.f32 $8.000000000e+00, v46  }
0x245: {  	[tilespmem:s1+$0xFFFFFF90] =	vst v32;
	v55 =	vor.u32 v8, v25;
	v54 =	vld.idx.msk [tilespmem:v48+s17+$0x0], $0xffff;
	v37 =	vmul.f32 $8.000000000e+00, v37  }
0x246: {  	v29 =	vld.idx.msk [tilespmem:v29+s17+$0x0], $0xffff;
	v31 =	vmul.f32 $8.000000000e+00, v31;
	v53 =	vor.u32 v8, v26;
	[tilespmem:s21+$0x60] =	vst v28  }
0x247: {  	v60 =	vor.u32 v9, v20;
	v32 =	vld.idx.msk [tilespmem:v51+s17+$0x0], $0xffff;
	v34 =	vmul.f32 $8.000000000e+00, v34;
	[tilespmem:s21+$0xFFFFFF60] =	vst v37  }
0x248: {  	[tilespmem:s0+$0xFFFFFFD0] =	vst v31;
	v58 =	vor.u32 v9, v21;
	v27 =	vld.idx.msk [tilespmem:v52+s17+$0x0], $0xffff;
	v56 =	vmul.f32 $8.000000000e+00, v38  }
0x249: {  	v43 =	vmul.f32 $8.000000000e+00, v33;
	v57 =	vor.u32 v11, v17;
	[tilespmem:s7+$0xFFFFFF60] =	vst v34  }
0x24a: {  	v62 =	vmul.f32 $8.000000000e+00, v54;
	v63 =	vor.u32 v9, v24;
	v42 =	vld.idx.msk [tilespmem:v55+s17+$0x0], $0xffff;
	[tilespmem:s7+$0x60] =	vst v56  }
0x24b: {  	v29 =	vmul.f32 $8.000000000e+00, v29;
	[tilespmem:s14+$0xFFFFFF70] =	vst v43;
	v44 =	vor.u32 v9, v23;
	v61 =	vld.idx.msk [tilespmem:v53+s17+$0x0], $0xffff  }
0x24c: {  	v59 =	vmul.f32 $8.000000000e+00, v30;
	v50 =	vor.u32 v12, v18;
	v30 =	vld.idx.msk [tilespmem:v60+s17+$0x0], $0xffff;
	[tilespmem:s14+$0x70] =	vst v62;
	v45 =	vmul.f32 $8.000000000e+00, v32  }
0x24d: {  	[tilespmem:s1+$0xA0] =	vst v29;
	v47 =	vor.u32 v9, v25;
	v37 =	vld.idx.msk [tilespmem:v58+s17+$0x0], $0xffff;
	v27 =	vmul.f32 $8.000000000e+00, v27  }
0x24e: {  	v46 =	vor.u32 v9, v26;
	[tilespmem:s21+$0x70] =	vst v45;
	v38 =	vld.idx.msk [tilespmem:v57+s17+$0x0], $0xffff  }
0x24f: {  	v54 =	vor.u32 v10, v20;
	v35 =	vld.idx.msk [tilespmem:v63+s17+$0x0], $0xffff;
	v51 =	vmul.f32 $8.000000000e+00, v42;
	[tilespmem:s21+$0xFFFFFF70] =	vst v27  }
0x250: {  	[tilespmem:s0+$0xD0] =	vst v49;
	v48 =	vor.u32 v15, v22;
	v33 =	vld.idx.msk [tilespmem:v44+s17+$0x0], $0xffff;
	v49 =	vmul.f32 $8.000000000e+00, v61  }
0x251: {  	v30 =	vmul.f32 $8.000000000e+00, v30;
	v34 =	vld.idx.msk [tilespmem:v50+s17+$0x0], $0xffff;
	v52 =	vor.u32 v10, v21;
	[tilespmem:s7+$0xFFFFFF70] =	vst v51  }
0x252: {  	v56 =	vor.u32 v10, v24;
	v28 =	vld.idx.msk [tilespmem:v47+s17+$0x0], $0xffff;
	[tilespmem:s7+$0x70] =	vst v49  }
0x253: {  	v58 =	vor.u32 v10, v23;
	[tilespmem:s14+$0xFFFFFF80] =	vst v30;
	v55 =	vmul.f32 $8.000000000e+00, v37;
	v32 =	vld.idx.msk [tilespmem:v46+s17+$0x0], $0xffff  }
0x254: {  	[tilespmem:s16+$0xFFFFFFF0] =	vst v59;
	v63 =	vor.u32 v12, v17;
	v53 =	vmul.f32 $8.000000000e+00, v38;
	v59 =	vmul.f32 $8.000000000e+00, v35;
	v38 =	vld.idx.msk [tilespmem:v54+s17+$0x0], $0xffff  }
0x255: {  	v62 =	vor.u32 v10, v25;
	v57 =	vld.idx.msk [tilespmem:v48+s17+$0x0], $0xffff;
	[tilespmem:s14+$0x80] =	vst v55;
	v61 =	vmul.f32 $8.000000000e+00, v33  }
0x256: {  	v60 =	vor.u32 v10, v26;
	v36 =	vld.idx.msk [tilespmem:v52+s17+$0x0], $0xffff;
	[tilespmem:s21+$0x80] =	vst v59  }
0x257: {  	v47 =	vor.u32 v11, v20;
	v29 =	vld.idx.msk [tilespmem:v56+s17+$0x0], $0xffff;
	v28 =	vmul.f32 $8.000000000e+00, v28;
	[tilespmem:s21+$0xFFFFFF80] =	vst v61  }
0x258: {  	v43 =	vor.u32 v16, v22;
	[tilespmem:s1+$0xFFFFFFA0] =	vst v53;
	v31 =	vld.idx.msk [tilespmem:v58+s17+$0x0], $0xffff;
	v42 =	vmul.f32 $8.000000000e+00, v32  }
0x259: {  	v45 =	vor.u32 v11, v21;
	v50 =	vld.idx.msk [tilespmem:v63+s17+$0x0], $0xffff;
	v51 =	vmul.f32 $8.000000000e+00, v38;
	[tilespmem:s7+$0xFFFFFF80] =	vst v28  }
0x25a: {  	v44 =	vmul.f32 $8.000000000e+00, v57;
	v49 =	vor.u32 v11, v24;
	v33 =	vld.idx.msk [tilespmem:v62+s17+$0x0], $0xffff;
	[tilespmem:s7+$0x80] =	vst v42  }
0x25b: {  	v52 =	vor.u32 v11, v23;
	v48 =	vmul.f32 $8.000000000e+00, v36;
	[tilespmem:s14+$0xFFFFFF90] =	vst v51;
	v35 =	vld.idx.msk [tilespmem:v60+s17+$0x0], $0xffff  }
0x25c: {  	v57 =	vor.u32 v13, v18;
	[tilespmem:s0+$0xE0] =	vst v44;
	v46 =	vmul.f32 $8.000000000e+00, v34;
	v53 =	vmul.f32 $8.000000000e+00, v29;
	v34 =	vld.idx.msk [tilespmem:v47+s17+$0x0], $0xffff  }
0x25d: {  	v22 =	vld.idx.msk [tilespmem:v43+s17+$0x0], $0xffff;
	v56 =	vor.u32 v11, v25;
	[tilespmem:s14+$0x90] =	vst v48;
	v55 =	vmul.f32 $8.000000000e+00, v31  }
0x25e: {  	v54 =	vor.u32 v11, v26;
	[tilespmem:s21+$0x90] =	vst v53;
	v32 =	vld.idx.msk [tilespmem:v45+s17+$0x0], $0xffff  }
0x25f: {  	v63 =	vor.u32 v12, v20;
	v30 =	vld.idx.msk [tilespmem:v49+s17+$0x0], $0xffff;
	v60 =	vmul.f32 $8.000000000e+00, v33;
	[tilespmem:s21+$0xFFFFFF90] =	vst v55  }
0x260: {  	[tilespmem:s1+$0xB0] =	vst v46;
	v49 =	vor.u32 v15, v19;
	v37 =	vld.idx.msk [tilespmem:v52+s17+$0x0], $0xffff;
	v58 =	vmul.f32 $8.000000000e+00, v35  }
0x261: {  	v59 =	vor.u32 v13, v17;
	v42 =	vld.idx.msk [tilespmem:v57+s17+$0x0], $0xffff;
	v43 =	vmul.f32 $8.000000000e+00, v34;
	[tilespmem:s7+$0xFFFFFF90] =	vst v60  }
0x262: {  	v61 =	vmul.f32 $8.000000000e+00, v50;
	v62 =	vor.u32 v12, v21;
	v31 =	vld.idx.msk [tilespmem:v56+s17+$0x0], $0xffff;
	[tilespmem:s7+$0x90] =	vst v58  }
0x263: {  	v44 =	vor.u32 v12, v23;
	[tilespmem:s14+$0xFFFFFFA0] =	vst v43;
	v40 =	vmul.f32 $8.000000000e+00, v32;
	v29 =	vld.idx.msk [tilespmem:v54+s17+$0x0], $0xffff  }
0x264: {  	v41 =	vor.u32 v12, v24;
	[tilespmem:s1+$0xFFFFFFB0] =	vst v61;
	v45 =	vmul.f32 $8.000000000e+00, v30;
	v28 =	vld.idx.msk [tilespmem:v63+s17+$0x0], $0xffff  }
0x265: {  	v48 =	vor.u32 v12, v25;
	v60 =	vld.idx.msk [tilespmem:v49+s17+$0x0], $0xffff;
	[tilespmem:s14+$0xA0] =	vst v40;
	v47 =	vmul.f32 $8.000000000e+00, v37  }
0x266: {  	v46 =	vor.u32 v12, v26;
	[tilespmem:s21+$0xA0] =	vst v45;
	v53 =	vmul.f32 $8.000000000e+00, v42;
	v35 =	vld.idx.msk [tilespmem:v59+s17+$0x0], $0xffff  }
0x267: {  	v56 =	vor.u32 v13, v20;
	v36 =	vld.idx.msk [tilespmem:v62+s17+$0x0], $0xffff;
	v52 =	vmul.f32 $8.000000000e+00, v31;
	[tilespmem:s21+$0xFFFFFFA0] =	vst v47  }
0x268: {  	v19 =	vor.u32 v16, v19;
	[tilespmem:s1+$0xC0] =	vst v53;
	v34 =	vld.idx.msk [tilespmem:v44+s17+$0x0], $0xffff;
	v50 =	vmul.f32 $8.000000000e+00, v29  }
0x269: {  	v51 =	vor.u32 v14, v18;
	v32 =	vld.idx.msk [tilespmem:v41+s17+$0x0], $0xffff;
	v61 =	vmul.f32 $8.000000000e+00, v28;
	[tilespmem:s7+$0xFFFFFFA0] =	vst v52  }
0x26a: {  	v54 =	vor.u32 v13, v21;
	v47 =	vmul.f32 $8.000000000e+00, v60;
	v59 =	vld.idx.msk [tilespmem:v48+s17+$0x0], $0xffff;
	[tilespmem:s7+$0xA0] =	vst v50  }
0x26b: {  	v62 =	vor.u32 v13, v23;
	[tilespmem:s14+$0xFFFFFFB0] =	vst v61;
	v55 =	vmul.f32 $8.000000000e+00, v35;
	v30 =	vld.idx.msk [tilespmem:v46+s17+$0x0], $0xffff  }
0x26c: {  	v58 =	vor.u32 v13, v24;
	v57 =	vmul.f32 $8.000000000e+00, v36;
	v35 =	vld.idx.msk [tilespmem:v56+s17+$0x0], $0xffff;
	[tilespmem:s0+$0xFFFFFFE0] =	vst v47  }
0x26d: {  	v42 =	vor.u32 v13, v25;
	[tilespmem:s1+$0xFFFFFFC0] =	vst v55;
	v19 =	vld.idx.msk [tilespmem:v19+s17+$0x0], $0xffff;
	v41 =	vmul.f32 $8.000000000e+00, v34  }
0x26e: {  	v40 =	vor.u32 v13, v26;
	v63 =	vmul.f32 $8.000000000e+00, v32;
	[tilespmem:s14+$0xB0] =	vst v57;
	v29 =	vld.idx.msk [tilespmem:v51+s17+$0x0], $0xffff  }
0x26f: {  	v43 =	vor.u32 v14, v17;
	v33 =	vld.idx.msk [tilespmem:v54+s17+$0x0], $0xffff;
	v46 =	vmul.f32 $8.000000000e+00, v59;
	[tilespmem:s21+$0xFFFFFFB0] =	vst v41  }
0x270: {  	[tilespmem:s21+$0xB0] =	vst v63;
	v28 =	vld.idx.msk [tilespmem:v62+s17+$0x0], $0xffff;
	v44 =	vmul.f32 $8.000000000e+00, v30  }
0x271: {  	v22 =	vmul.f32 $8.000000000e+00, v22;
	v45 =	vld.idx.msk [tilespmem:v58+s17+$0x0], $0xffff;
	v50 =	vor.u32 v14, v20;
	[tilespmem:s7+$0xFFFFFFB0] =	vst v46  }
0x272: {  	v48 =	vor.u32 v14, v21;
	v55 =	vmul.f32 $8.000000000e+00, v35;
	v53 =	vld.idx.msk [tilespmem:v42+s17+$0x0], $0xffff;
	[tilespmem:s7+$0xB0] =	vst v44  }
0x273: {  	[tilespmem:s0+$0xF0] =	vst v22;
	v56 =	vor.u32 v14, v23;
	v19 =	vmul.f32 $8.000000000e+00, v19;
	v32 =	vld.idx.msk [tilespmem:v40+s17+$0x0], $0xffff  }
0x274: {  	v52 =	vor.u32 v14, v24;
	v54 =	vld.idx.msk [tilespmem:v43+s17+$0x0], $0xffff;
	[tilespmem:s14+$0xFFFFFFC0] =	vst v55;
	v51 =	vmul.f32 $8.000000000e+00, v33  }
0x275: {  	v60 =	vor.u32 v14, v25;
	[tilespmem:s0+$0xFFFFFFF0] =	vst v19;
	v59 =	vmul.f32 $8.000000000e+00, v28  }
0x276: {  	v58 =	vor.u32 v14, v26;
	v49 =	vmul.f32 $8.000000000e+00, v29;
	v57 =	vmul.f32 $8.000000000e+00, v45;
	[tilespmem:s14+$0xC0] =	vst v51;
	v29 =	vld.idx.msk [tilespmem:v50+s17+$0x0], $0xffff  }
0x277: {  	v63 =	vor.u32 v15, v17;
	v36 =	vld.idx.msk [tilespmem:v48+s17+$0x0], $0xffff;
	v39 =	vmul.f32 $8.000000000e+00, v53;
	[tilespmem:s21+$0xFFFFFFC0] =	vst v59  }
0x278: {  	v61 =	vor.u32 v15, v18;
	[tilespmem:s21+$0xC0] =	vst v57;
	v35 =	vld.idx.msk [tilespmem:v56+s17+$0x0], $0xffff;
	v62 =	vmul.f32 $8.000000000e+00, v32  }
0x279: {  	v42 =	vor.u32 v15, v20;
	v31 =	vld.idx.msk [tilespmem:v52+s17+$0x0], $0xffff;
	v40 =	vmul.f32 $8.000000000e+00, v54;
	[tilespmem:s7+$0xFFFFFFC0] =	vst v39  }
0x27a: {  	v41 =	vor.u32 v15, v21;
	v28 =	vld.idx.msk [tilespmem:v60+s17+$0x0], $0xffff;
	[tilespmem:s7+$0xC0] =	vst v62  }
0x27b: {  	v46 =	vor.u32 v15, v23;
	v19 =	vmul.f32 $8.000000000e+00, v29;
	[tilespmem:s1+$0xFFFFFFD0] =	vst v40;
	v30 =	vld.idx.msk [tilespmem:v58+s17+$0x0], $0xffff  }
0x27c: {  	[tilespmem:s1+$0xD0] =	vst v49;
	v44 =	vor.u32 v15, v24;
	v43 =	vmul.f32 $8.000000000e+00, v36;
	v32 =	vld.idx.msk [tilespmem:v63+s17+$0x0], $0xffff  }
0x27d: {  	v49 =	vor.u32 v15, v25;
	v45 =	vld.idx.msk [tilespmem:v61+s17+$0x0], $0xffff;
	[tilespmem:s14+$0xFFFFFFD0] =	vst v19;
	v19 =	vmul.f32 $8.000000000e+00, v35  }
0x27e: {  	v48 =	vor.u32 v15, v26;
	v47 =	vmul.f32 $8.000000000e+00, v31;
	[tilespmem:s14+$0xD0] =	vst v43;
	v27 =	vld.idx.msk [tilespmem:v42+s17+$0x0], $0xffff  }
0x27f: {  	v17 =	vor.u32 v16, v17;
	v34 =	vld.idx.msk [tilespmem:v41+s17+$0x0], $0xffff;
	[tilespmem:s21+$0xFFFFFFD0] =	vst v19;
	v19 =	vmul.f32 $8.000000000e+00, v28  }
0x280: {  	v18 =	vor.u32 v16, v18;
	[tilespmem:s21+$0xD0] =	vst v47;
	v29 =	vld.idx.msk [tilespmem:v46+s17+$0x0], $0xffff;
	v50 =	vmul.f32 $8.000000000e+00, v30  }
0x281: {  	v55 =	vor.u32 v16, v20;
	v51 =	vld.idx.msk [tilespmem:v44+s17+$0x0], $0xffff;
	v54 =	vmul.f32 $8.000000000e+00, v32;
	[tilespmem:s7+$0xFFFFFFD0] =	vst v19  }
0x282: {  	v53 =	vor.u32 v16, v21;
	v52 =	vmul.f32 $8.000000000e+00, v45;
	v57 =	vld.idx.msk [tilespmem:v49+s17+$0x0], $0xffff;
	[tilespmem:s7+$0xD0] =	vst v50  }
0x283: {  	v59 =	vor.u32 v16, v23;
	v58 =	vmul.f32 $8.000000000e+00, v27;
	[tilespmem:s1+$0xFFFFFFE0] =	vst v54;
	v31 =	vld.idx.msk [tilespmem:v48+s17+$0x0], $0xffff  }
0x284: {  	v56 =	vor.u32 v16, v24;
	[tilespmem:s1+$0xE0] =	vst v52;
	v19 =	vmul.f32 $8.000000000e+00, v34;
	v17 =	vld.idx.msk [tilespmem:v17+s17+$0x0], $0xffff  }
0x285: {  	v61 =	vor.u32 v16, v25;
	v18 =	vld.idx.msk [tilespmem:v18+s17+$0x0], $0xffff;
	[tilespmem:s14+$0xFFFFFFE0] =	vst v58;
	v60 =	vmul.f32 $8.000000000e+00, v29  }
0x286: {  	v26 =	vor.u32 v16, v26;
	v20 =	vld.idx.msk [tilespmem:v55+s17+$0x0], $0xffff;
	[tilespmem:s14+$0xE0] =	vst v19;
	v19 =	vmul.f32 $8.000000000e+00, v51  }
0x287: {  	v21 =	vld.idx.msk [tilespmem:v53+s17+$0x0], $0xffff;
	[tilespmem:s21+$0xFFFFFFE0] =	vst v60;
	v62 =	vmul.f32 $8.000000000e+00, v57  }
0x288: {  	[tilespmem:s21+$0xE0] =	vst v19;
	v23 =	vld.idx.msk [tilespmem:v59+s17+$0x0], $0xffff;
	v19 =	vmul.f32 $8.000000000e+00, v31  }
0x289: {  	v24 =	vld.idx.msk [tilespmem:v56+s17+$0x0], $0xffff;
	v17 =	vmul.f32 $8.000000000e+00, v17;
	[tilespmem:s7+$0xFFFFFFE0] =	vst v62  }
0x28a: {  	v18 =	vmul.f32 $8.000000000e+00, v18;
	v63 =	vld.idx.msk [tilespmem:v61+s17+$0x0], $0xffff;
	[tilespmem:s7+$0xE0] =	vst v19  }
0x28b: {  	[tilespmem:s1+$0xFFFFFFF0] =	vst v17;
	v17 =	vmul.f32 $8.000000000e+00, v20;
	v19 =	vld.idx.msk [tilespmem:v26+s17+$0x0], $0xffff  }
0x28c: {  	[tilespmem:s1+$0xF0] =	vst v18;
	v18 =	vmul.f32 $8.000000000e+00, v21  }
0x28d: {  	[tilespmem:s14+$0xFFFFFFF0] =	vst v17;
	v17 =	vmul.f32 $8.000000000e+00, v23  }
0x28e: {  	[tilespmem:s14+$0xF0] =	vst v18;
	v18 =	vmul.f32 $8.000000000e+00, v24  }
0x28f: {  	[tilespmem:s21+$0xFFFFFFF0] =	vst v17;
	v17 =	vmul.f32 $8.000000000e+00, v63  }
0x290: {  	[tilespmem:s21+$0xF0] =	vst v18;
	v18 =	vmul.f32 $8.000000000e+00, v19  }
0x291: {  	[tilespmem:s7+$0xFFFFFFF0] =	vst v17  }
0x292: {  	[tilespmem:s7+$0xF0] =	vst v18  }
0x293: {  	s0 =	rddreg [dreg:$0x4]  }
0x294: {  	[hbm4b:s0+s13] =	stream.strided.scatter [tilespmem:s23], [sflag:$0x4], $0x4000, s19, s13, $0x38;
	[tilespmem:$0x1D400] =	vst v63  }
0x295: {  	s31 =	simm.s32 $0x7300;
	s30 =	simm.s32 $0x0  }
0x296: {  	[tilespmem:s17], [sflag:$0x2] =	stream.indirect.gather [hbm4b:s5+s13], $0x40, s31, s13, $0xb8;
	[tilespmem:$0x1D400] =	vst v63  }
.LBB2_8:
0x297: {  	s0 =	simm.s32 $0x1  }
0x298: {  	v17 =	vmov s0  }
0x299: {  	v17 =	vand.u32 $0x3F, v17  }
0x29a: {  	v25 =	vbroadcast v17, $0x0  }
0x29b: {  	_ =	swait.ge [sflag:s18], $0x4000;
	v17 =	vmov s29  }
0x29c: {  	[sflag:s18] =	ssyncset.done $0x0;
	v17 =	vand.u32 $0x3E, v17;
	v18 =	vor.u32 v1, v25  }
0x29d: {  	[sflag:s18] =	ssyncadd.s32 $0xFFFFC000;
	v26 =	vbroadcast v17, $0x0  }
0x29e: {  	_ =	swait.ge [sflag:s25], $0x4000  }
0x29f: {  	[sflag:s25] =	ssyncset.done $0x0;
	v17 =	vor.u32 v1, v26  }
0x2a0: {  	[sflag:s25] =	ssyncadd.s32 $0xFFFFC000  }
0x2a1: {  	v18 =	vld.idx.msk [tilespmem:v18+s15+$0x0], $0xffff;
	_ =	sdelay $0x2  }
0x2a2: {  	v19 =	vor.u32 v2, v25;
	v17 =	vld.idx.msk [tilespmem:v17+s15+$0x0], $0xffff;
	_ =	sdelay $0x1  }
0x2a3: {  	v18 =	vmul.f32 $8.000000000e+00, v18  }
0x2a4: {  	s16 =	simm.s32 $0x15500;
	v20 =	vor.u32 v2, v26  }
0x2a5: {  	[tilespmem:s16+$0x0] =	vst v18  }
0x2a6: {  	v17 =	vmul.f32 $8.000000000e+00, v17;
	v18 =	vld.idx.msk [tilespmem:v19+s15+$0x0], $0xffff;
	_ =	sdelay $0x1  }
0x2a7: {  	[tilespmem:s16+$0xFFFFFF00] =	vst v17  }
0x2a8: {  	v19 =	vor.u32 v3, v25;
	v17 =	vld.idx.msk [tilespmem:v20+s15+$0x0], $0xffff;
	_ =	sdelay $0x1  }
0x2a9: {  	v18 =	vmul.f32 $8.000000000e+00, v18  }
0x2aa: {  	v20 =	vor.u32 v3, v26  }
0x2ab: {  	[tilespmem:s16+$0x10] =	vst v18  }
0x2ac: {  	v17 =	vmul.f32 $8.000000000e+00, v17;
	v18 =	vld.idx.msk [tilespmem:v19+s15+$0x0], $0xffff;
	_ =	sdelay $0x1  }
0x2ad: {  	s1 =	simm.s32 $0x3;
	[tilespmem:s16+$0xFFFFFF10] =	vst v17  }
0x2ae: {  	v19 =	vmov s1;
	v17 =	vld.idx.msk [tilespmem:v20+s15+$0x0], $0xffff;
	v20 =	vor.u32 v4, v25  }
0x2af: {  	v19 =	vand.u32 $0x3F, v19  }
0x2b0: {  	s7 =	simm.s32 $0x2;
	v22 =	vbroadcast v19, $0x0;
	v18 =	vmul.f32 $8.000000000e+00, v18  }
0x2b1: {  	v21 =	vor.u32 v4, v26;
	v19 =	vmov s7  }
0x2b2: {  	v19 =	vand.u32 $0x3E, v19;
	[tilespmem:s16+$0x20] =	vst v18;
	v18 =	vor.u32 v1, v22  }
0x2b3: {  	v19 =	vbroadcast v19, $0x0;
	v17 =	vmul.f32 $8.000000000e+00, v17;
	v20 =	vld.idx.msk [tilespmem:v20+s15+$0x0], $0xffff;
	_ =	sdelay $0x1  }
0x2b4: {  	v23 =	vor.u32 v1, v19;
	[tilespmem:s16+$0xFFFFFF20] =	vst v17  }
0x2b5: {  	v17 =	vld.idx.msk [tilespmem:v21+s15+$0x0], $0xffff;
	v21 =	vor.u32 v5, v25  }
0x2b6: {  	v18 =	vld.idx.msk [tilespmem:v18+s15+$0x0], $0xffff  }
0x2b7: {  	v20 =	vmul.f32 $8.000000000e+00, v20  }
0x2b8: {  	v24 =	vor.u32 v5, v26  }
0x2b9: {  	v23 =	vld.idx.msk [tilespmem:v23+s15+$0x0], $0xffff;
	[tilespmem:s16+$0x30] =	vst v20;
	v20 =	vor.u32 v2, v22  }
0x2ba: {  	v17 =	vmul.f32 $8.000000000e+00, v17;
	v21 =	vld.idx.msk [tilespmem:v21+s15+$0x0], $0xffff  }
0x2bb: {  	v18 =	vmul.f32 $8.000000000e+00, v18  }
0x2bc: {  	s0 =	simm.s32 $0x15700;
	[tilespmem:s16+$0xFFFFFF30] =	vst v17;
	v17 =	vor.u32 v2, v19  }
0x2bd: {  	v24 =	vld.idx.msk [tilespmem:v24+s15+$0x0], $0xffff;
	[tilespmem:s0+$0x0] =	vst v18;
	v18 =	vor.u32 v6, v25  }
0x2be: {  	v23 =	vmul.f32 $8.000000000e+00, v23;
	v20 =	vld.idx.msk [tilespmem:v20+s15+$0x0], $0xffff  }
0x2bf: {  	v21 =	vmul.f32 $8.000000000e+00, v21  }
0x2c0: {  	[tilespmem:s0+$0xFFFFFF00] =	vst v23;
	v23 =	vor.u32 v6, v26  }
0x2c1: {  	v17 =	vld.idx.msk [tilespmem:v17+s15+$0x0], $0xffff;
	[tilespmem:s16+$0x40] =	vst v21;
	v21 =	vor.u32 v3, v22  }
0x2c2: {  	v24 =	vmul.f32 $8.000000000e+00, v24;
	v18 =	vld.idx.msk [tilespmem:v18+s15+$0x0], $0xffff  }
0x2c3: {  	v20 =	vmul.f32 $8.000000000e+00, v20  }
0x2c4: {  	[tilespmem:s16+$0xFFFFFF40] =	vst v24;
	v24 =	vor.u32 v3, v19  }
0x2c5: {  	v23 =	vld.idx.msk [tilespmem:v23+s15+$0x0], $0xffff;
	[tilespmem:s0+$0x10] =	vst v20;
	v20 =	vor.u32 v7, v25  }
0x2c6: {  	v17 =	vmul.f32 $8.000000000e+00, v17;
	v21 =	vld.idx.msk [tilespmem:v21+s15+$0x0], $0xffff  }
0x2c7: {  	v18 =	vmul.f32 $8.000000000e+00, v18  }
0x2c8: {  	v27 =	vor.u32 v7, v26;
	[tilespmem:s0+$0xFFFFFF10] =	vst v17  }
0x2c9: {  	s1 =	simm.s32 $0x5;
	v28 =	vor.u32 v4, v22;
	v24 =	vld.idx.msk [tilespmem:v24+s15+$0x0], $0xffff;
	[tilespmem:s16+$0x50] =	vst v18  }
0x2ca: {  	s7 =	simm.s32 $0x4;
	v17 =	vmul.f32 $8.000000000e+00, v23;
	v18 =	vmov s1;
	v20 =	vld.idx.msk [tilespmem:v20+s15+$0x0], $0xffff  }
0x2cb: {  	v23 =	vmov s7;
	v18 =	vand.u32 $0x3F, v18;
	v21 =	vmul.f32 $8.000000000e+00, v21  }
0x2cc: {  	v29 =	vor.u32 v4, v19;
	v23 =	vand.u32 $0x3E, v23;
	[tilespmem:s16+$0xFFFFFF50] =	vst v17;
	v18 =	vbroadcast v18, $0x0  }
0x2cd: {  	v17 =	vbroadcast v23, $0x0;
	v23 =	vld.idx.msk [tilespmem:v27+s15+$0x0], $0xffff;
	[tilespmem:s0+$0x20] =	vst v21;
	v21 =	vor.u32 v8, v25  }
0x2ce: {  	v24 =	vmul.f32 $8.000000000e+00, v24;
	v27 =	vor.u32 v1, v18;
	v28 =	vld.idx.msk [tilespmem:v28+s15+$0x0], $0xffff  }
0x2cf: {  	v30 =	vor.u32 v1, v17;
	v20 =	vmul.f32 $8.000000000e+00, v20  }
0x2d0: {  	[tilespmem:s0+$0xFFFFFF20] =	vst v24;
	v24 =	vor.u32 v8, v26  }
0x2d1: {  	v29 =	vld.idx.msk [tilespmem:v29+s15+$0x0], $0xffff;
	[tilespmem:s16+$0x60] =	vst v20;
	v20 =	vor.u32 v5, v22  }
0x2d2: {  	v23 =	vmul.f32 $8.000000000e+00, v23;
	v21 =	vld.idx.msk [tilespmem:v21+s15+$0x0], $0xffff  }
0x2d3: {  	v27 =	vld.idx.msk [tilespmem:v27+s15+$0x0], $0xffff;
	v28 =	vmul.f32 $8.000000000e+00, v28  }
0x2d4: {  	v30 =	vld.idx.msk [tilespmem:v30+s15+$0x0], $0xffff;
	[tilespmem:s16+$0xFFFFFF60] =	vst v23;
	v23 =	vor.u32 v5, v19  }
0x2d5: {  	v24 =	vld.idx.msk [tilespmem:v24+s15+$0x0], $0xffff;
	[tilespmem:s0+$0x30] =	vst v28;
	v28 =	vor.u32 v9, v25  }
0x2d6: {  	v31 =	vor.u32 v2, v18;
	v29 =	vmul.f32 $8.000000000e+00, v29;
	v20 =	vld.idx.msk [tilespmem:v20+s15+$0x0], $0xffff  }
0x2d7: {  	v32 =	vor.u32 v2, v17;
	v21 =	vmul.f32 $8.000000000e+00, v21  }
0x2d8: {  	[tilespmem:s0+$0xFFFFFF30] =	vst v29;
	v27 =	vmul.f32 $8.000000000e+00, v27;
	v29 =	vor.u32 v9, v26  }
0x2d9: {  	s1 =	simm.s32 $0x15900;
	v30 =	vmul.f32 $8.000000000e+00, v30;
	v23 =	vld.idx.msk [tilespmem:v23+s15+$0x0], $0xffff;
	[tilespmem:s16+$0x70] =	vst v21;
	v21 =	vor.u32 v6, v22  }
0x2da: {  	v24 =	vmul.f32 $8.000000000e+00, v24;
	[tilespmem:s1+$0x0] =	vst v27;
	v27 =	vld.idx.msk [tilespmem:v28+s15+$0x0], $0xffff  }
0x2db: {  	[tilespmem:s1+$0xFFFFFF00] =	vst v30;
	v28 =	vld.idx.msk [tilespmem:v31+s15+$0x0], $0xffff;
	v20 =	vmul.f32 $8.000000000e+00, v20  }
0x2dc: {  	v30 =	vor.u32 v6, v19;
	v31 =	vld.idx.msk [tilespmem:v32+s15+$0x0], $0xffff;
	[tilespmem:s16+$0xFFFFFF70] =	vst v24  }
0x2dd: {  	v24 =	vld.idx.msk [tilespmem:v29+s15+$0x0], $0xffff;
	[tilespmem:s0+$0x40] =	vst v20;
	v20 =	vor.u32 v10, v25  }
0x2de: {  	v29 =	vor.u32 v3, v18;
	v23 =	vmul.f32 $8.000000000e+00, v23;
	v21 =	vld.idx.msk [tilespmem:v21+s15+$0x0], $0xffff  }
0x2df: {  	v38 =	vor.u32 v3, v17;
	v27 =	vmul.f32 $8.000000000e+00, v27  }
0x2e0: {  	[tilespmem:s0+$0xFFFFFF40] =	vst v23;
	v23 =	vmul.f32 $8.000000000e+00, v28;
	v28 =	vor.u32 v10, v26  }
0x2e1: {  	v31 =	vmul.f32 $8.000000000e+00, v31;
	v30 =	vld.idx.msk [tilespmem:v30+s15+$0x0], $0xffff;
	[tilespmem:s16+$0x80] =	vst v27;
	v27 =	vor.u32 v7, v22  }
0x2e2: {  	[tilespmem:s1+$0x10] =	vst v23;
	v23 =	vmul.f32 $8.000000000e+00, v24;
	v20 =	vld.idx.msk [tilespmem:v20+s15+$0x0], $0xffff  }
0x2e3: {  	s8 =	simm.s32 $0x6;
	[tilespmem:s1+$0xFFFFFF10] =	vst v31;
	v24 =	vld.idx.msk [tilespmem:v29+s15+$0x0], $0xffff;
	v21 =	vmul.f32 $8.000000000e+00, v21  }
0x2e4: {  	v31 =	vor.u32 v7, v19;
	v29 =	vmov s8;
	v32 =	vld.idx.msk [tilespmem:v38+s15+$0x0], $0xffff;
	[tilespmem:s16+$0xFFFFFF80] =	vst v23  }
0x2e5: {  	s14 =	simm.s32 $0x7;
	v23 =	vand.u32 $0x3E, v29;
	v29 =	vor.u32 v11, v25;
	v28 =	vld.idx.msk [tilespmem:v28+s15+$0x0], $0xffff;
	[tilespmem:s0+$0x50] =	vst v21  }
0x2e6: {  	v33 =	vmov s14;
	v21 =	vmul.f32 $8.000000000e+00, v30;
	v30 =	vor.u32 v4, v18;
	v27 =	vld.idx.msk [tilespmem:v27+s15+$0x0], $0xffff  }
0x2e7: {  	v34 =	vor.u32 v4, v17;
	v35 =	vmul.f32 $8.000000000e+00, v20;
	v20 =	vand.u32 $0x3F, v33  }
0x2e8: {  	v39 =	vor.u32 v11, v26;
	[tilespmem:s0+$0xFFFFFF50] =	vst v21;
	v24 =	vmul.f32 $8.000000000e+00, v24;
	v21 =	vbroadcast v20, $0x0  }
0x2e9: {  	v40 =	vor.u32 v8, v22;
	v20 =	vbroadcast v23, $0x0;
	v23 =	vld.idx.msk [tilespmem:v31+s15+$0x0], $0xffff;
	v31 =	vmul.f32 $8.000000000e+00, v32;
	[tilespmem:s16+$0x90] =	vst v35  }
0x2ea: {  	[tilespmem:s1+$0x20] =	vst v24;
	v24 =	vmul.f32 $8.000000000e+00, v28;
	v28 =	vld.idx.msk [tilespmem:v29+s15+$0x0], $0xffff;
	v29 =	vor.u32 v1, v21  }
0x2eb: {  	v41 =	vor.u32 v1, v20;
	[tilespmem:s1+$0xFFFFFF20] =	vst v31;
	v30 =	vld.idx.msk [tilespmem:v30+s15+$0x0], $0xffff;
	v27 =	vmul.f32 $8.000000000e+00, v27  }
0x2ec: {  	v42 =	vor.u32 v8, v19;
	v31 =	vld.idx.msk [tilespmem:v34+s15+$0x0], $0xffff;
	[tilespmem:s16+$0xFFFFFF90] =	vst v24  }
0x2ed: {  	v24 =	vld.idx.msk [tilespmem:v39+s15+$0x0], $0xffff;
	[tilespmem:s0+$0x60] =	vst v27;
	v27 =	vor.u32 v12, v25  }
0x2ee: {  	v43 =	vor.u32 v5, v18;
	v23 =	vmul.f32 $8.000000000e+00, v23;
	v32 =	vld.idx.msk [tilespmem:v40+s15+$0x0], $0xffff  }
0x2ef: {  	v36 =	vor.u32 v5, v17;
	v29 =	vld.idx.msk [tilespmem:v29+s15+$0x0], $0xffff;
	v28 =	vmul.f32 $8.000000000e+00, v28  }
0x2f0: {  	v35 =	vld.idx.msk [tilespmem:v41+s15+$0x0], $0xffff;
	[tilespmem:s0+$0xFFFFFF60] =	vst v23;
	v23 =	vmul.f32 $8.000000000e+00, v30;
	v30 =	vor.u32 v12, v26  }
0x2f1: {  	v34 =	vld.idx.msk [tilespmem:v42+s15+$0x0], $0xffff;
	v31 =	vmul.f32 $8.000000000e+00, v31;
	[tilespmem:s16+$0xA0] =	vst v28;
	v28 =	vor.u32 v9, v22  }
0x2f2: {  	[tilespmem:s1+$0x30] =	vst v23;
	v23 =	vmul.f32 $8.000000000e+00, v24;
	v24 =	vld.idx.msk [tilespmem:v27+s15+$0x0], $0xffff;
	v27 =	vor.u32 v2, v21  }
0x2f3: {  	v44 =	vor.u32 v2, v20;
	[tilespmem:s1+$0xFFFFFF30] =	vst v31;
	v31 =	vld.idx.msk [tilespmem:v43+s15+$0x0], $0xffff;
	v32 =	vmul.f32 $8.000000000e+00, v32  }
0x2f4: {  	s21 =	simm.s32 $0x8;
	v36 =	vld.idx.msk [tilespmem:v36+s15+$0x0], $0xffff;
	[tilespmem:s16+$0xFFFFFFA0] =	vst v23;
	v23 =	vmul.f32 $8.000000000e+00, v29;
	v29 =	vor.u32 v9, v19  }
0x2f5: {  	v37 =	vmov s21;
	s14 =	simm.s32 $0x15B00;
	v45 =	vor.u32 v13, v25;
	v30 =	vld.idx.msk [tilespmem:v30+s15+$0x0], $0xffff;
	v35 =	vmul.f32 $8.000000000e+00, v35;
	[tilespmem:s0+$0x70] =	vst v32  }
0x2f6: {  	v37 =	vand.u32 $0x3E, v37;
	v38 =	vor.u32 v6, v18;
	v34 =	vmul.f32 $8.000000000e+00, v34;
	[tilespmem:s14+$0x0] =	vst v23;
	v28 =	vld.idx.msk [tilespmem:v28+s15+$0x0], $0xffff  }
0x2f7: {  	v46 =	vor.u32 v6, v17;
	v23 =	vbroadcast v37, $0x0;
	[tilespmem:s14+$0xFFFFFF00] =	vst v35;
	v27 =	vld.idx.msk [tilespmem:v27+s15+$0x0], $0xffff;
	v24 =	vmul.f32 $8.000000000e+00, v24  }
0x2f8: {  	v47 =	vor.u32 v13, v26;
	v33 =	vld.idx.msk [tilespmem:v44+s15+$0x0], $0xffff;
	v31 =	vmul.f32 $8.000000000e+00, v31;
	[tilespmem:s0+$0xFFFFFF70] =	vst v34  }
0x2f9: {  	v37 =	vor.u32 v1, v23;
	v36 =	vmul.f32 $8.000000000e+00, v36;
	v29 =	vld.idx.msk [tilespmem:v29+s15+$0x0], $0xffff;
	[tilespmem:s16+$0xB0] =	vst v24  }
0x2fa: {  	[tilespmem:s1+$0x40] =	vst v31;
	v24 =	vor.u32 v10, v22;
	v30 =	vmul.f32 $8.000000000e+00, v30;
	v31 =	vld.idx.msk [tilespmem:v45+s15+$0x0], $0xffff  }
0x2fb: {  	v48 =	vor.u32 v3, v21;
	[tilespmem:s1+$0xFFFFFF40] =	vst v36;
	v49 =	vld.idx.msk [tilespmem:v38+s15+$0x0], $0xffff  }
0x2fc: {  	v50 =	vor.u32 v3, v20;
	v35 =	vld.idx.msk [tilespmem:v46+s15+$0x0], $0xffff;
	v28 =	vmul.f32 $8.000000000e+00, v28;
	[tilespmem:s16+$0xFFFFFFB0] =	vst v30  }
0x2fd: {  	v30 =	vor.u32 v10, v19;
	v27 =	vmul.f32 $8.000000000e+00, v27;
	v34 =	vld.idx.msk [tilespmem:v47+s15+$0x0], $0xffff  }
0x2fe: {  	v33 =	vmul.f32 $8.000000000e+00, v33;
	v37 =	vld.idx.msk [tilespmem:v37+s15+$0x0], $0xffff;
	[tilespmem:s0+$0x80] =	vst v28;
	v28 =	vor.u32 v14, v25  }
0x2ff: {  	[tilespmem:s14+$0x10] =	vst v27;
	v27 =	vor.u32 v7, v18;
	v29 =	vmul.f32 $8.000000000e+00, v29;
	v24 =	vld.idx.msk [tilespmem:v24+s15+$0x0], $0xffff  }
0x300: {  	v51 =	vor.u32 v7, v17;
	[tilespmem:s14+$0xFFFFFF10] =	vst v33;
	v32 =	vld.idx.msk [tilespmem:v48+s15+$0x0], $0xffff;
	v31 =	vmul.f32 $8.000000000e+00, v31  }
0x301: {  	v38 =	vld.idx.msk [tilespmem:v50+s15+$0x0], $0xffff;
	v36 =	vmul.f32 $8.000000000e+00, v49;
	[tilespmem:s0+$0xFFFFFF80] =	vst v29;
	v29 =	vor.u32 v14, v26  }
0x302: {  	v50 =	vor.u32 v2, v23;
	v35 =	vmul.f32 $8.000000000e+00, v35;
	v30 =	vld.idx.msk [tilespmem:v30+s15+$0x0], $0xffff;
	[tilespmem:s16+$0xC0] =	vst v31  }
0x303: {  	v31 =	vor.u32 v11, v22;
	[tilespmem:s1+$0x50] =	vst v36;
	v34 =	vmul.f32 $8.000000000e+00, v34;
	v28 =	vld.idx.msk [tilespmem:v28+s15+$0x0], $0xffff  }
0x304: {  	s24 =	simm.s32 $0x9;
	v52 =	vor.u32 v4, v21;
	[tilespmem:s1+$0xFFFFFF50] =	vst v35;
	v37 =	vmul.f32 $8.000000000e+00, v37;
	v27 =	vld.idx.msk [tilespmem:v27+s15+$0x0], $0xffff  }
0x305: {  	v53 =	vmov s24;
	s21 =	simm.s32 $0x15D00;
	v39 =	vor.u32 v4, v20;
	v40 =	vmul.f32 $8.000000000e+00, v24;
	v33 =	vld.idx.msk [tilespmem:v51+s15+$0x0], $0xffff;
	[tilespmem:s16+$0xFFFFFFC0] =	vst v34  }
0x306: {  	v54 =	vor.u32 v11, v19;
	v24 =	vand.u32 $0x3F, v53;
	v32 =	vmul.f32 $8.000000000e+00, v32;
	[tilespmem:s21+$0xFFFFFF00] =	vst v37;
	v29 =	vld.idx.msk [tilespmem:v29+s15+$0x0], $0xffff  }
0x307: {  	v56 =	vor.u32 v15, v25;
	v24 =	vbroadcast v24, $0x0;
	v55 =	vmul.f32 $8.000000000e+00, v38;
	[tilespmem:s0+$0x90] =	vst v40;
	v37 =	vld.idx.msk [tilespmem:v50+s15+$0x0], $0xffff  }
0x308: {  	v57 =	vor.u32 v8, v18;
	[tilespmem:s14+$0x20] =	vst v32;
	v30 =	vmul.f32 $8.000000000e+00, v30;
	v31 =	vld.idx.msk [tilespmem:v31+s15+$0x0], $0xffff  }
0x309: {  	v58 =	vor.u32 v1, v24;
	[tilespmem:s14+$0xFFFFFF20] =	vst v55;
	v59 =	vld.idx.msk [tilespmem:v52+s15+$0x0], $0xffff;
	v28 =	vmul.f32 $8.000000000e+00, v28  }
0x30a: {  	v61 =	vor.u32 v8, v17;
	v60 =	vld.idx.msk [tilespmem:v39+s15+$0x0], $0xffff;
	v27 =	vmul.f32 $8.000000000e+00, v27;
	[tilespmem:s0+$0xFFFFFF90] =	vst v30  }
0x30b: {  	v62 =	vor.u32 v15, v26;
	v30 =	vld.idx.msk [tilespmem:v54+s15+$0x0], $0xffff;
	[tilespmem:s16+$0xD0] =	vst v28;
	v28 =	vmul.f32 $8.000000000e+00, v33  }
0x30c: {  	[tilespmem:s1+$0x60] =	vst v27;
	v27 =	vor.u32 v12, v22;
	v63 =	vld.idx.msk [tilespmem:v56+s15+$0x0], $0xffff;
	v29 =	vmul.f32 $8.000000000e+00, v29  }
0x30d: {  	v44 =	vor.u32 v5, v21;
	v32 =	vld.idx.msk [tilespmem:v57+s15+$0x0], $0xffff;
	[tilespmem:s1+$0xFFFFFF60] =	vst v28;
	v31 =	vmul.f32 $8.000000000e+00, v31  }
0x30e: {  	v45 =	vor.u32 v5, v20;
	v28 =	vld.idx.msk [tilespmem:v58+s15+$0x0], $0xffff;
	[tilespmem:s16+$0xFFFFFFD0] =	vst v29;
	v29 =	vmul.f32 $8.000000000e+00, v59  }
0x30f: {  	v47 =	vor.u32 v12, v19;
	v46 =	vld.idx.msk [tilespmem:v61+s15+$0x0], $0xffff;
	v36 =	vmul.f32 $8.000000000e+00, v60;
	[tilespmem:s0+$0xA0] =	vst v31  }
0x310: {  	v25 =	vor.u32 v16, v25;
	v31 =	vld.idx.msk [tilespmem:v62+s15+$0x0], $0xffff;
	[tilespmem:s14+$0x30] =	vst v29;
	v30 =	vmul.f32 $8.000000000e+00, v30  }
0x311: {  	v29 =	vor.u32 v9, v18;
	[tilespmem:s14+$0xFFFFFF30] =	vst v36;
	v27 =	vld.idx.msk [tilespmem:v27+s15+$0x0], $0xffff;
	v33 =	vmul.f32 $8.000000000e+00, v63  }
0x312: {  	v48 =	vor.u32 v2, v24;
	v49 =	vld.idx.msk [tilespmem:v44+s15+$0x0], $0xffff;
	v32 =	vmul.f32 $8.000000000e+00, v32;
	[tilespmem:s0+$0xFFFFFFA0] =	vst v30  }
0x313: {  	v40 =	vld.idx.msk [tilespmem:v45+s15+$0x0], $0xffff;
	v28 =	vmul.f32 $8.000000000e+00, v28;
	v30 =	vor.u32 v9, v17;
	[tilespmem:s16+$0xE0] =	vst v33  }
0x314: {  	v52 =	vor.u32 v13, v22;
	v61 =	vmul.f32 $8.000000000e+00, v37;
	v39 =	vld.idx.msk [tilespmem:v47+s15+$0x0], $0xffff;
	[tilespmem:s1+$0x70] =	vst v32  }
0x315: {  	s31 =	simm.s32 $0xA;
	v35 =	vmul.f32 $8.000000000e+00, v46;
	v41 =	vld.idx.msk [tilespmem:v25+s15+$0x0], $0xffff;
	[tilespmem:s21+$0x0] =	vst v28;
	v28 =	vor.u32 v6, v21  }
0x316: {  	v51 =	vmov s31;
	v60 =	vor.u32 v3, v23;
	[tilespmem:s21+$0xFFFFFF10] =	vst v61;
	v29 =	vld.idx.msk [tilespmem:v29+s15+$0x0], $0xffff;
	v27 =	vmul.f32 $8.000000000e+00, v27  }
0x317: {  	v54 =	vor.u32 v6, v20;
	v25 =	vand.u32 $0x3E, v51;
	v53 =	vld.idx.msk [tilespmem:v48+s15+$0x0], $0xffff;
	[tilespmem:s1+$0xFFFFFF70] =	vst v35;
	v36 =	vmul.f32 $8.000000000e+00, v49  }
0x318: {  	v55 =	vor.u32 v13, v19;
	v25 =	vbroadcast v25, $0x0;
	v40 =	vmul.f32 $8.000000000e+00, v40;
	v30 =	vld.idx.msk [tilespmem:v30+s15+$0x0], $0xffff;
	[tilespmem:s0+$0xB0] =	vst v27  }
0x319: {  	[tilespmem:s14+$0x40] =	vst v36;
	v27 =	vor.u32 v10, v18;
	v57 =	vmul.f32 $8.000000000e+00, v39;
	v32 =	vld.idx.msk [tilespmem:v52+s15+$0x0], $0xffff  }
0x31a: {  	v56 =	vor.u32 v1, v25;
	[tilespmem:s14+$0xFFFFFF40] =	vst v40;
	v59 =	vld.idx.msk [tilespmem:v28+s15+$0x0], $0xffff;
	v28 =	vmul.f32 $8.000000000e+00, v41  }
0x31b: {  	v58 =	vor.u32 v3, v24;
	v38 =	vld.idx.msk [tilespmem:v60+s15+$0x0], $0xffff;
	v29 =	vmul.f32 $8.000000000e+00, v29;
	[tilespmem:s0+$0xFFFFFFB0] =	vst v57  }
0x31c: {  	v43 =	vor.u32 v10, v17;
	v42 =	vld.idx.msk [tilespmem:v54+s15+$0x0], $0xffff;
	v33 =	vmul.f32 $8.000000000e+00, v53;
	[tilespmem:s16+$0xF0] =	vst v28  }
0x31d: {  	v35 =	vld.idx.msk [tilespmem:v55+s15+$0x0], $0xffff;
	[tilespmem:s1+$0x80] =	vst v29;
	v29 =	vor.u32 v14, v22;
	v30 =	vmul.f32 $8.000000000e+00, v30  }
0x31e: {  	v44 =	vor.u32 v7, v21;
	[tilespmem:s21+$0x10] =	vst v33;
	v34 =	vld.idx.msk [tilespmem:v27+s15+$0x0], $0xffff;
	v27 =	vmul.f32 $8.000000000e+00, v32  }
0x31f: {  	v36 =	vor.u32 v7, v20;
	v28 =	vld.idx.msk [tilespmem:v56+s15+$0x0], $0xffff;
	[tilespmem:s1+$0xFFFFFF80] =	vst v30  }
0x320: {  	v39 =	vld.idx.msk [tilespmem:v58+s15+$0x0], $0xffff;
	v62 =	vmul.f32 $8.000000000e+00, v59;
	[tilespmem:s0+$0xC0] =	vst v27;
	v27 =	vmul.f32 $8.000000000e+00, v31;
	v31 =	vor.u32 v14, v19  }
0x321: {  	v63 =	vmul.f32 $8.000000000e+00, v42;
	v30 =	vor.u32 v16, v26;
	v32 =	vld.idx.msk [tilespmem:v43+s15+$0x0], $0xffff  }
0x322: {  	[tilespmem:s14+$0x50] =	vst v62;
	v37 =	vmul.f32 $8.000000000e+00, v35;
	v33 =	vld.idx.msk [tilespmem:v29+s15+$0x0], $0xffff;
	v29 =	vor.u32 v11, v18  }
0x323: {  	s24 =	simm.s32 $0xB;
	s7 =	simm.s32 $0xC;
	v40 =	vor.u32 v4, v24;
	[tilespmem:s14+$0xFFFFFF50] =	vst v63;
	v35 =	vld.idx.msk [tilespmem:v44+s15+$0x0], $0xffff  }
.LBB2_9:
0x324: {  	p0 =	slt.u32 s7, $0x3E;
	v26 =	vmov s24;
	v41 =	vor.u32 v4, v23;
	v36 =	vld.idx.msk [tilespmem:v36+s15+$0x0], $0xffff;
	v34 =	vmul.f32 $8.000000000e+00, v34;
	[tilespmem:s0+$0xFFFFFFC0] =	vst v37  }
0x325: {  	v37 =	vmul.f32 $8.000000000e+00, v39;
	v39 =	vor.u32 v11, v17;
	v26 =	vand.u32 $0x3F, v26;
	v31 =	vld.idx.msk [tilespmem:v31+s15+$0x0], $0xffff;
	[tilespmem:s16+$0xFFFFFFE0] =	vst v27  }
0x326: {  	v27 =	vmul.f32 $8.000000000e+00, v38;
	v26 =	vbroadcast v26, $0x0;
	[tilespmem:s1+$0x90] =	vst v34;
	v34 =	vor.u32 v15, v22;
	v30 =	vld.idx.msk [tilespmem:v30+s15+$0x0], $0xffff  }
0x327: {  	v32 =	vmul.f32 $8.000000000e+00, v32;
	[tilespmem:s21+$0x20] =	vst v37;
	v37 =	vor.u32 v8, v21;
	v29 =	vld.idx.msk [tilespmem:v29+s15+$0x0], $0xffff  }
0x328: {  	v33 =	vmul.f32 $8.000000000e+00, v33;
	v38 =	vor.u32 v1, v26;
	[tilespmem:s21+$0xFFFFFF20] =	vst v27;
	v27 =	vld.idx.msk [tilespmem:v40+s15+$0x0], $0xffff  }
0x329: {  	v35 =	vmul.f32 $8.000000000e+00, v35;
	v40 =	vld.idx.msk [tilespmem:v41+s15+$0x0], $0xffff;
	v41 =	vor.u32 v8, v20;
	[tilespmem:s1+$0xFFFFFF90] =	vst v32  }
0x32a: {  	v32 =	vmul.f32 $8.000000000e+00, v36;
	v36 =	vld.idx.msk [tilespmem:v39+s15+$0x0], $0xffff;
	v39 =	vor.u32 v15, v19;
	[tilespmem:s0+$0xD0] =	vst v33  }
0x32b: {  	v33 =	vor.u32 v12, v18;
	v31 =	vmul.f32 $8.000000000e+00, v31;
	[tilespmem:s14+$0x60] =	vst v35;
	v34 =	vld.idx.msk [tilespmem:v34+s15+$0x0], $0xffff  }
0x32c: {  	v35 =	vor.u32 v5, v24;
	v30 =	vmul.f32 $8.000000000e+00, v30;
	[tilespmem:s14+$0xFFFFFF60] =	vst v32;
	v32 =	vld.idx.msk [tilespmem:v37+s15+$0x0], $0xffff  }
0x32d: {  	v29 =	vmul.f32 $8.000000000e+00, v29;
	v37 =	vld.idx.msk [tilespmem:v38+s15+$0x0], $0xffff;
	v38 =	vor.u32 v5, v23;
	[tilespmem:s0+$0xFFFFFFD0] =	vst v31  }
0x32e: {  	v27 =	vmul.f32 $8.000000000e+00, v27;
	v31 =	vld.idx.msk [tilespmem:v41+s15+$0x0], $0xffff;
	v41 =	vor.u32 v12, v17;
	[tilespmem:s16+$0xFFFFFFF0] =	vst v30;
	s16 =	smov.u32 s0;
	s0 =	smov.u32 s1;
	s1 =	smov.u32 s14  }
0x32f: {  	v30 =	vmul.f32 $8.000000000e+00, v40;
	s14 =	smov.u32 s21;
	[tilespmem:s0+$0xA0] =	vst v29;
	v29 =	vld.idx.msk [tilespmem:v39+s15+$0x0], $0xffff;
	v39 =	vor.u32 v16, v22;
	v22 =	vmovc v18;
	v18 =	vmov v21  }
0x330: {  	v36 =	vmul.f32 $8.000000000e+00, v36;
	v21 =	vmovc v24;
	v24 =	vmov v26;
	[tilespmem:s21+$0x30] =	vst v27;
	v27 =	vor.u32 v9, v18;
	v33 =	vld.idx.msk [tilespmem:v33+s15+$0x0], $0xffff  }
0x331: {  	v26 =	vor.u32 v2, v24;
	v34 =	vmul.f32 $8.000000000e+00, v34;
	[tilespmem:s21+$0xFFFFFF30] =	vst v30;
	v30 =	vld.idx.msk [tilespmem:v35+s15+$0x0], $0xffff  }
0x332: {  	v35 =	vor.u32 v2, v25;
	v32 =	vmul.f32 $8.000000000e+00, v32;
	v38 =	vld.idx.msk [tilespmem:v38+s15+$0x0], $0xffff;
	[tilespmem:s0+$0xFFFFFFA0] =	vst v36  }
0x333: {  	v40 =	vor.u32 v9, v20;
	v36 =	vmov s7;
	v37 =	vmul.f32 $8.000000000e+00, v37;
	v41 =	vld.idx.msk [tilespmem:v41+s15+$0x0], $0xffff;
	[tilespmem:s16+$0xE0] =	vst v34  }
0x334: {  	v28 =	vmul.f32 $8.000000000e+00, v28;
	s21 =	sadd.s32 $0x200, s21;
	v31 =	vmul.f32 $8.000000000e+00, v31;
	[tilespmem:s1+$0x70] =	vst v32;
	v32 =	vor.u32 v13, v22;
	v34 =	vld.idx.msk [tilespmem:v39+s15+$0x0], $0xffff  }
0x335: {  	v36 =	vand.u32 $0x3E, v36;
	[tilespmem:s21+$0x0] =	vst v37;
	v37 =	vor.u32 v6, v21;
	v39 =	vld.idx.msk [tilespmem:v27+s15+$0x0], $0xffff;
	v27 =	vmul.f32 $8.000000000e+00, v29  }
0x336: {  	v42 =	vbroadcast v36, $0x0;
	v29 =	vmul.f32 $8.000000000e+00, v33;
	[tilespmem:s21+$0xFFFFFF00] =	vst v28;
	v26 =	vld.idx.msk [tilespmem:v26+s15+$0x0], $0xffff;
	v28 =	vor.u32 v6, v23  }
0x337: {  	v30 =	vmul.f32 $8.000000000e+00, v30;
	v33 =	vld.idx.msk [tilespmem:v35+s15+$0x0], $0xffff;
	[tilespmem:s1+$0xFFFFFF70] =	vst v31;
	v31 =	vor.u32 v13, v17  }
0x338: {  	v35 =	vor.u32 v1, v42;
	v36 =	vmul.f32 $8.000000000e+00, v38;
	v38 =	vld.idx.msk [tilespmem:v40+s15+$0x0], $0xffff;
	[tilespmem:s0+$0xB0] =	vst v29  }
0x339: {  	v29 =	vor.u32 v10, v18;
	[tilespmem:s14+$0x40] =	vst v30;
	v30 =	vmul.f32 $8.000000000e+00, v41;
	v32 =	vld.idx.msk [tilespmem:v32+s15+$0x0], $0xffff  }
0x33a: {  	v40 =	vor.u32 v3, v24;
	v34 =	vmul.f32 $8.000000000e+00, v34;
	[tilespmem:s14+$0xFFFFFF40] =	vst v36;
	v37 =	vld.idx.msk [tilespmem:v37+s15+$0x0], $0xffff  }
0x33b: {  	v41 =	vor.u32 v3, v25;
	v36 =	vmul.f32 $8.000000000e+00, v39;
	v43 =	vld.idx.msk [tilespmem:v28+s15+$0x0], $0xffff;
	[tilespmem:s0+$0xFFFFFFB0] =	vst v30  }
0x33c: {  	v26 =	vmul.f32 $8.000000000e+00, v26;
	v30 =	vor.u32 v10, v20;
	v44 =	vld.idx.msk [tilespmem:v31+s15+$0x0], $0xffff;
	[tilespmem:s16+$0xF0] =	vst v34  }
0x33d: {  	v31 =	vmul.f32 $8.000000000e+00, v33;
	v33 =	vor.u32 v14, v22;
	v28 =	vld.idx.msk [tilespmem:v35+s15+$0x0], $0xffff;
	[tilespmem:s1+$0x80] =	vst v36  }
0x33e: {  	v35 =	vmul.f32 $8.000000000e+00, v38;
	[tilespmem:s21+$0x10] =	vst v26;
	v26 =	vor.u32 v7, v21;
	v34 =	vld.idx.msk [tilespmem:v29+s15+$0x0], $0xffff  }
.Ltmp3:
0x33f: {  	v36 =	vor.u32 v7, v23;
	v29 =	vmul.f32 $8.000000000e+00, v32;
	[tilespmem:s21+$0xFFFFFF10] =	vst v31;
	v39 =	vld.idx.msk [tilespmem:v40+s15+$0x0], $0xffff;
	(pc) =	sbr.rel @p0 .LBB2_9-.Ltmp3, $4  }
0x340: {  	v37 =	vmul.f32 $8.000000000e+00, v37;
	v31 =	vor.u32 v14, v17;
	v38 =	vld.idx.msk [tilespmem:v41+s15+$0x0], $0xffff;
	[tilespmem:s1+$0xFFFFFF80] =	vst v35  }
0x341: {  	v35 =	vmul.f32 $8.000000000e+00, v43;
	v32 =	vld.idx.msk [tilespmem:v30+s15+$0x0], $0xffff;
	[tilespmem:s0+$0xC0] =	vst v29;
	v30 =	vor.u32 v16, v19;
	v19 =	vmovc v17;
	v17 =	vmov v20  }
0x342: {  	v29 =	vor.u32 v11, v18;
	v20 =	vmovc v23;
	v23 =	vmov v25;
	[tilespmem:s14+$0x50] =	vst v37;
	v37 =	vmul.f32 $8.000000000e+00, v44;
	v33 =	vld.idx.msk [tilespmem:v33+s15+$0x0], $0xffff  }
0x343: {  	s24 =	sadd.s32 $0x1, s7;
	s7 =	sadd.s32 $0x2, s7;
	v40 =	vor.u32 v4, v24;
	v25 =	vmov v42;
	[tilespmem:s14+$0xFFFFFF50] =	vst v35;
	v35 =	vld.idx.msk [tilespmem:v26+s15+$0x0], $0xffff  }
0x344: {  	v26 =	vmov s24  }
0x345: {  	v26 =	vand.u32 $0x3F, v26  }
0x346: {  	v26 =	vbroadcast v26, $0x0;
	_ =	sdelay $0x1  }
0x347: {  	v41 =	vor.u32 v1, v26;
	_ =	sdelay $0x4  }
0x348: {  	v41 =	vld.idx.msk [tilespmem:v41+s15+$0x0], $0xffff;
	_ =	sdelay $0x2  }
0x349: {  	v42 =	vor.u32 v2, v26  }
0x34a: {  	v43 =	vor.u32 v2, v25  }
0x34b: {  	v41 =	vmul.f32 $8.000000000e+00, v41  }
0x34c: {  	v28 =	vmul.f32 $8.000000000e+00, v28;
	s8 =	sadd.s32 $0x200, s21  }
0x34d: {  	[tilespmem:s8+$0x0] =	vst v41  }
0x34e: {  	[tilespmem:s8+$0xFFFFFF00] =	vst v28;
	v28 =	vld.idx.msk [tilespmem:v42+s15+$0x0], $0xffff  }
0x34f: {  	v52 =	vld.idx.msk [tilespmem:v43+s15+$0x0], $0xffff;
	_ =	sdelay $0x1  }
0x350: {  	v53 =	vor.u32 v3, v26  }
0x351: {  	v54 =	vor.u32 v3, v25  }
0x352: {  	v28 =	vmul.f32 $8.000000000e+00, v28  }
0x353: {  	v41 =	vmul.f32 $8.000000000e+00, v52  }
0x354: {  	[tilespmem:s8+$0x10] =	vst v28  }
0x355: {  	[tilespmem:s8+$0xFFFFFF10] =	vst v41;
	v28 =	vld.idx.msk [tilespmem:v53+s15+$0x0], $0xffff  }
0x356: {  	v41 =	vld.idx.msk [tilespmem:v54+s15+$0x0], $0xffff  }
0x357: {  	v55 =	vor.u32 v4, v23  }
0x358: {  	v39 =	vmul.f32 $8.000000000e+00, v39;
	v56 =	vor.u32 v4, v26  }
0x359: {  	v44 =	vor.u32 v4, v25;
	v38 =	vmul.f32 $8.000000000e+00, v38  }
0x35a: {  	[tilespmem:s21+$0x20] =	vst v39;
	v28 =	vmul.f32 $8.000000000e+00, v28  }
0x35b: {  	[tilespmem:s21+$0xFFFFFF20] =	vst v38;
	v57 =	vld.idx.msk [tilespmem:v40+s15+$0x0], $0xffff;
	v58 =	vmul.f32 $8.000000000e+00, v41  }
0x35c: {  	v59 =	vld.idx.msk [tilespmem:v55+s15+$0x0], $0xffff;
	[tilespmem:s8+$0x20] =	vst v28  }
0x35d: {  	[tilespmem:s8+$0xFFFFFF20] =	vst v58;
	v28 =	vld.idx.msk [tilespmem:v56+s15+$0x0], $0xffff  }
0x35e: {  	v60 =	vor.u32 v5, v24;
	v61 =	vld.idx.msk [tilespmem:v44+s15+$0x0], $0xffff  }
0x35f: {  	v62 =	vor.u32 v5, v23  }
0x360: {  	v63 =	vor.u32 v5, v26;
	v38 =	vmul.f32 $8.000000000e+00, v57  }
0x361: {  	v48 =	vor.u32 v5, v25;
	v40 =	vmul.f32 $8.000000000e+00, v59  }
0x362: {  	[tilespmem:s21+$0x30] =	vst v38;
	v28 =	vmul.f32 $8.000000000e+00, v28  }
0x363: {  	v38 =	vld.idx.msk [tilespmem:v60+s15+$0x0], $0xffff;
	[tilespmem:s21+$0xFFFFFF30] =	vst v40;
	v49 =	vmul.f32 $8.000000000e+00, v61  }
0x364: {  	v40 =	vld.idx.msk [tilespmem:v62+s15+$0x0], $0xffff;
	[tilespmem:s8+$0x30] =	vst v28  }
0x365: {  	[tilespmem:s8+$0xFFFFFF30] =	vst v49;
	v28 =	vld.idx.msk [tilespmem:v63+s15+$0x0], $0xffff  }
0x366: {  	v50 =	vor.u32 v6, v24;
	v51 =	vld.idx.msk [tilespmem:v48+s15+$0x0], $0xffff  }
0x367: {  	v52 =	vor.u32 v6, v23  }
0x368: {  	v38 =	vmul.f32 $8.000000000e+00, v38;
	v53 =	vor.u32 v6, v26  }
0x369: {  	v40 =	vmul.f32 $8.000000000e+00, v40;
	v54 =	vor.u32 v6, v25  }
0x36a: {  	[tilespmem:s21+$0x40] =	vst v38;
	v28 =	vmul.f32 $8.000000000e+00, v28  }
0x36b: {  	v38 =	vld.idx.msk [tilespmem:v50+s15+$0x0], $0xffff;
	[tilespmem:s21+$0xFFFFFF40] =	vst v40;
	v55 =	vmul.f32 $8.000000000e+00, v51  }
0x36c: {  	[tilespmem:s8+$0x40] =	vst v28;
	v28 =	vld.idx.msk [tilespmem:v52+s15+$0x0], $0xffff  }
0x36d: {  	[tilespmem:s8+$0xFFFFFF40] =	vst v55;
	v56 =	vld.idx.msk [tilespmem:v53+s15+$0x0], $0xffff  }
0x36e: {  	v57 =	vor.u32 v7, v24;
	v58 =	vld.idx.msk [tilespmem:v54+s15+$0x0], $0xffff  }
0x36f: {  	v34 =	vmul.f32 $8.000000000e+00, v34;
	[tilespmem:s0+$0xFFFFFFC0] =	vst v37;
	v59 =	vor.u32 v7, v23  }
0x370: {  	[tilespmem:s16+$0xFFFFFFE0] =	vst v27;
	v60 =	vor.u32 v7, v26;
	v27 =	vmul.f32 $8.000000000e+00, v38  }
0x371: {  	[tilespmem:s1+$0x90] =	vst v34;
	v61 =	vor.u32 v7, v25;
	v28 =	vmul.f32 $8.000000000e+00, v28  }
0x372: {  	v36 =	vld.idx.msk [tilespmem:v36+s15+$0x0], $0xffff;
	[tilespmem:s21+$0x50] =	vst v27;
	v27 =	vmul.f32 $8.000000000e+00, v56  }
0x373: {  	v62 =	vmul.f32 $8.000000000e+00, v58;
	[tilespmem:s21+$0xFFFFFF50] =	vst v28;
	v28 =	vld.idx.msk [tilespmem:v57+s15+$0x0], $0xffff  }
0x374: {  	v32 =	vmul.f32 $8.000000000e+00, v32;
	v63 =	vor.u32 v8, v21;
	v37 =	vld.idx.msk [tilespmem:v59+s15+$0x0], $0xffff;
	[tilespmem:s8+$0x50] =	vst v27  }
0x375: {  	v44 =	vor.u32 v8, v20;
	[tilespmem:s8+$0xFFFFFF50] =	vst v62;
	v27 =	vmul.f32 $8.000000000e+00, v33;
	v38 =	vld.idx.msk [tilespmem:v60+s15+$0x0], $0xffff  }
0x376: {  	v45 =	vor.u32 v8, v24;
	v35 =	vmul.f32 $8.000000000e+00, v35;
	[tilespmem:s1+$0xFFFFFF90] =	vst v32;
	v34 =	vld.idx.msk [tilespmem:v61+s15+$0x0], $0xffff  }
0x377: {  	v31 =	vld.idx.msk [tilespmem:v31+s15+$0x0], $0xffff;
	v36 =	vmul.f32 $8.000000000e+00, v36;
	[tilespmem:s0+$0xD0] =	vst v27;
	v27 =	vor.u32 v8, v23  }
0x378: {  	v30 =	vld.idx.msk [tilespmem:v30+s15+$0x0], $0xffff;
	v46 =	vor.u32 v8, v26;
	[tilespmem:s14+$0x60] =	vst v35;
	v28 =	vmul.f32 $8.000000000e+00, v28  }
0x379: {  	[tilespmem:s14+$0xFFFFFF60] =	vst v36;
	v48 =	vor.u32 v8, v25;
	v47 =	vld.idx.msk [tilespmem:v63+s15+$0x0], $0xffff;
	v37 =	vmul.f32 $8.000000000e+00, v37  }
0x37a: {  	v33 =	vld.idx.msk [tilespmem:v44+s15+$0x0], $0xffff;
	[tilespmem:s21+$0x60] =	vst v28;
	v28 =	vmul.f32 $8.000000000e+00, v38  }
0x37b: {  	v49 =	vor.u32 v11, v17;
	v34 =	vmul.f32 $8.000000000e+00, v34;
	[tilespmem:s21+$0xFFFFFF60] =	vst v37;
	v32 =	vld.idx.msk [tilespmem:v45+s15+$0x0], $0xffff  }
0x37c: {  	v31 =	vmul.f32 $8.000000000e+00, v31;
	v50 =	vor.u32 v9, v21;
	v27 =	vld.idx.msk [tilespmem:v27+s15+$0x0], $0xffff;
	[tilespmem:s8+$0x60] =	vst v28  }
0x37d: {  	[tilespmem:s8+$0xFFFFFF60] =	vst v34;
	v28 =	vmul.f32 $8.000000000e+00, v30;
	v30 =	vor.u32 v9, v20;
	v51 =	vld.idx.msk [tilespmem:v46+s15+$0x0], $0xffff  }
0x37e: {  	[tilespmem:s0+$0xFFFFFFD0] =	vst v31;
	v52 =	vor.u32 v9, v24;
	v31 =	vmul.f32 $8.000000000e+00, v47;
	v53 =	vld.idx.msk [tilespmem:v48+s15+$0x0], $0xffff  }
0x37f: {  	v29 =	vld.idx.msk [tilespmem:v29+s15+$0x0], $0xffff;
	v54 =	vor.u32 v9, v23;
	[tilespmem:s16+$0xFFFFFFF0] =	vst v28;
	v28 =	vmul.f32 $8.000000000e+00, v33  }
0x380: {  	v55 =	vor.u32 v9, v26;
	[tilespmem:s14+$0x70] =	vst v31;
	v38 =	vld.idx.msk [tilespmem:v49+s15+$0x0], $0xffff;
	v31 =	vmul.f32 $8.000000000e+00, v32  }
0x381: {  	v37 =	vld.idx.msk [tilespmem:v50+s15+$0x0], $0xffff;
	[tilespmem:s14+$0xFFFFFF70] =	vst v28;
	v28 =	vor.u32 v9, v25;
	v27 =	vmul.f32 $8.000000000e+00, v27  }
0x382: {  	v56 =	vor.u32 v15, v22;
	v30 =	vld.idx.msk [tilespmem:v30+s15+$0x0], $0xffff;
	[tilespmem:s21+$0x70] =	vst v31;
	v31 =	vmul.f32 $8.000000000e+00, v51  }
0x383: {  	v57 =	vor.u32 v12, v18;
	v35 =	vld.idx.msk [tilespmem:v52+s15+$0x0], $0xffff;
	[tilespmem:s21+$0xFFFFFF70] =	vst v27;
	v27 =	vmul.f32 $8.000000000e+00, v53  }
0x384: {  	v29 =	vmul.f32 $8.000000000e+00, v29;
	v58 =	vor.u32 v10, v21;
	v33 =	vld.idx.msk [tilespmem:v54+s15+$0x0], $0xffff;
	[tilespmem:s8+$0x70] =	vst v31  }
0x385: {  	v59 =	vor.u32 v10, v20;
	v31 =	vmul.f32 $8.000000000e+00, v38;
	v32 =	vld.idx.msk [tilespmem:v55+s15+$0x0], $0xffff;
	[tilespmem:s8+$0xFFFFFF70] =	vst v27  }
0x386: {  	[tilespmem:s1+$0xA0] =	vst v29;
	v29 =	vor.u32 v10, v24;
	v27 =	vmul.f32 $8.000000000e+00, v37;
	v28 =	vld.idx.msk [tilespmem:v28+s15+$0x0], $0xffff  }
0x387: {  	v60 =	vld.idx.msk [tilespmem:v56+s15+$0x0], $0xffff;
	[tilespmem:s1+$0xFFFFFFA0] =	vst v31;
	v30 =	vmul.f32 $8.000000000e+00, v30;
	v31 =	vor.u32 v10, v23  }
0x388: {  	v61 =	vor.u32 v10, v26;
	v34 =	vld.idx.msk [tilespmem:v57+s15+$0x0], $0xffff;
	[tilespmem:s14+$0x80] =	vst v27;
	v27 =	vmul.f32 $8.000000000e+00, v35  }
0x389: {  	v62 =	vor.u32 v10, v25;
	v36 =	vld.idx.msk [tilespmem:v58+s15+$0x0], $0xffff;
	[tilespmem:s14+$0xFFFFFF80] =	vst v30;
	v30 =	vmul.f32 $8.000000000e+00, v33  }
0x38a: {  	v63 =	vor.u32 v12, v17;
	v38 =	vld.idx.msk [tilespmem:v59+s15+$0x0], $0xffff;
	[tilespmem:s21+$0x80] =	vst v27;
	v27 =	vmul.f32 $8.000000000e+00, v32  }
0x38b: {  	v22 =	vor.u32 v16, v22;
	v29 =	vld.idx.msk [tilespmem:v29+s15+$0x0], $0xffff;
	[tilespmem:s21+$0xFFFFFF80] =	vst v30;
	v28 =	vmul.f32 $8.000000000e+00, v28  }
0x38c: {  	v42 =	vor.u32 v11, v21;
	v30 =	vmul.f32 $8.000000000e+00, v60;
	v31 =	vld.idx.msk [tilespmem:v31+s15+$0x0], $0xffff;
	[tilespmem:s8+$0x80] =	vst v27  }
0x38d: {  	v43 =	vor.u32 v11, v20;
	v27 =	vmul.f32 $8.000000000e+00, v34;
	v35 =	vld.idx.msk [tilespmem:v61+s15+$0x0], $0xffff;
	[tilespmem:s8+$0xFFFFFF80] =	vst v28  }
0x38e: {  	[tilespmem:s0+$0xE0] =	vst v30;
	v28 =	vmul.f32 $8.000000000e+00, v36;
	v30 =	vor.u32 v11, v24;
	v33 =	vld.idx.msk [tilespmem:v62+s15+$0x0], $0xffff  }
0x38f: {  	v45 =	vor.u32 v11, v23;
	v44 =	vld.idx.msk [tilespmem:v63+s15+$0x0], $0xffff;
	[tilespmem:s1+$0xB0] =	vst v27;
	v27 =	vmul.f32 $8.000000000e+00, v38  }
0x390: {  	v22 =	vld.idx.msk [tilespmem:v22+s15+$0x0], $0xffff;
	[tilespmem:s14+$0x90] =	vst v28;
	v28 =	vmul.f32 $8.000000000e+00, v29;
	v29 =	vor.u32 v11, v26  }
0x391: {  	v32 =	vld.idx.msk [tilespmem:v42+s15+$0x0], $0xffff;
	[tilespmem:s14+$0xFFFFFF90] =	vst v27;
	v27 =	vmul.f32 $8.000000000e+00, v31;
	v31 =	vor.u32 v11, v25  }
0x392: {  	v46 =	vor.u32 v13, v18;
	v34 =	vld.idx.msk [tilespmem:v43+s15+$0x0], $0xffff;
	[tilespmem:s21+$0x90] =	vst v28;
	v28 =	vmul.f32 $8.000000000e+00, v35  }
0x393: {  	v47 =	vor.u32 v13, v17;
	v30 =	vld.idx.msk [tilespmem:v30+s15+$0x0], $0xffff;
	[tilespmem:s21+$0xFFFFFF90] =	vst v27;
	v27 =	vmul.f32 $8.000000000e+00, v33  }
0x394: {  	v49 =	vor.u32 v12, v21;
	v48 =	vmul.f32 $8.000000000e+00, v44;
	v37 =	vld.idx.msk [tilespmem:v45+s15+$0x0], $0xffff;
	[tilespmem:s8+$0x90] =	vst v28  }
0x395: {  	v22 =	vmul.f32 $8.000000000e+00, v22;
	v28 =	vor.u32 v12, v20;
	v29 =	vld.idx.msk [tilespmem:v29+s15+$0x0], $0xffff;
	[tilespmem:s8+$0xFFFFFF90] =	vst v27  }
0x396: {  	v50 =	vor.u32 v12, v24;
	[tilespmem:s1+$0xFFFFFFB0] =	vst v48;
	v27 =	vmul.f32 $8.000000000e+00, v32;
	v31 =	vld.idx.msk [tilespmem:v31+s15+$0x0], $0xffff  }
0x397: {  	v52 =	vor.u32 v12, v23;
	v51 =	vld.idx.msk [tilespmem:v46+s15+$0x0], $0xffff;
	[tilespmem:s0+$0xF0] =	vst v22;
	v22 =	vmul.f32 $8.000000000e+00, v34  }
0x398: {  	v35 =	vld.idx.msk [tilespmem:v47+s15+$0x0], $0xffff;
	[tilespmem:s14+$0xA0] =	vst v27;
	v27 =	vmul.f32 $8.000000000e+00, v30;
	v30 =	vor.u32 v12, v26  }
0x399: {  	v53 =	vor.u32 v12, v25;
	v36 =	vld.idx.msk [tilespmem:v49+s15+$0x0], $0xffff;
	[tilespmem:s14+$0xFFFFFFA0] =	vst v22;
	v22 =	vmul.f32 $8.000000000e+00, v37  }
0x39a: {  	v54 =	vor.u32 v15, v19;
	v28 =	vld.idx.msk [tilespmem:v28+s15+$0x0], $0xffff;
	[tilespmem:s21+$0xA0] =	vst v27;
	v27 =	vmul.f32 $8.000000000e+00, v29  }
0x39b: {  	v29 =	vor.u32 v14, v18;
	v32 =	vld.idx.msk [tilespmem:v50+s15+$0x0], $0xffff;
	[tilespmem:s21+$0xFFFFFFA0] =	vst v22;
	v22 =	vmul.f32 $8.000000000e+00, v31  }
0x39c: {  	v55 =	vor.u32 v13, v21;
	v31 =	vmul.f32 $8.000000000e+00, v51;
	v34 =	vld.idx.msk [tilespmem:v52+s15+$0x0], $0xffff;
	[tilespmem:s8+$0xA0] =	vst v27  }
0x39d: {  	v56 =	vor.u32 v13, v20;
	v27 =	vmul.f32 $8.000000000e+00, v35;
	v30 =	vld.idx.msk [tilespmem:v30+s15+$0x0], $0xffff;
	[tilespmem:s8+$0xFFFFFFA0] =	vst v22  }
0x39e: {  	[tilespmem:s1+$0xC0] =	vst v31;
	v22 =	vmul.f32 $8.000000000e+00, v36;
	v31 =	vor.u32 v13, v24;
	v57 =	vld.idx.msk [tilespmem:v53+s15+$0x0], $0xffff  }
0x39f: {  	v58 =	vld.idx.msk [tilespmem:v54+s15+$0x0], $0xffff;
	[tilespmem:s1+$0xFFFFFFC0] =	vst v27;
	v27 =	vmul.f32 $8.000000000e+00, v28;
	v28 =	vor.u32 v13, v23  }
0x3a0: {  	v59 =	vor.u32 v13, v26;
	v29 =	vld.idx.msk [tilespmem:v29+s15+$0x0], $0xffff;
	[tilespmem:s14+$0xB0] =	vst v22;
	v22 =	vmul.f32 $8.000000000e+00, v32  }
0x3a1: {  	v60 =	vor.u32 v13, v25;
	v33 =	vld.idx.msk [tilespmem:v55+s15+$0x0], $0xffff;
	[tilespmem:s14+$0xFFFFFFB0] =	vst v27;
	v27 =	vmul.f32 $8.000000000e+00, v34  }
0x3a2: {  	v61 =	vor.u32 v14, v17;
	v35 =	vld.idx.msk [tilespmem:v56+s15+$0x0], $0xffff;
	[tilespmem:s21+$0xB0] =	vst v22;
	v22 =	vmul.f32 $8.000000000e+00, v30  }
0x3a3: {  	v19 =	vor.u32 v16, v19;
	v30 =	vld.idx.msk [tilespmem:v31+s15+$0x0], $0xffff;
	[tilespmem:s21+$0xFFFFFFB0] =	vst v27;
	v27 =	vmul.f32 $8.000000000e+00, v57  }
0x3a4: {  	v62 =	vor.u32 v14, v21;
	v31 =	vmul.f32 $8.000000000e+00, v58;
	v28 =	vld.idx.msk [tilespmem:v28+s15+$0x0], $0xffff;
	[tilespmem:s8+$0xB0] =	vst v22  }
0x3a5: {  	v22 =	vmul.f32 $8.000000000e+00, v29;
	v29 =	vor.u32 v14, v20;
	v32 =	vld.idx.msk [tilespmem:v59+s15+$0x0], $0xffff;
	[tilespmem:s8+$0xFFFFFFB0] =	vst v27  }
0x3a6: {  	[tilespmem:s0+$0xFFFFFFE0] =	vst v31;
	v27 =	vmul.f32 $8.000000000e+00, v33;
	v31 =	vor.u32 v14, v24;
	v63 =	vld.idx.msk [tilespmem:v60+s15+$0x0], $0xffff  }
0x3a7: {  	v41 =	vor.u32 v14, v23;
	v40 =	vld.idx.msk [tilespmem:v61+s15+$0x0], $0xffff;
	[tilespmem:s1+$0xD0] =	vst v22;
	v22 =	vmul.f32 $8.000000000e+00, v35  }
0x3a8: {  	v19 =	vld.idx.msk [tilespmem:v19+s15+$0x0], $0xffff;
	[tilespmem:s14+$0xC0] =	vst v27;
	v27 =	vmul.f32 $8.000000000e+00, v30;
	v30 =	vor.u32 v14, v26  }
0x3a9: {  	v36 =	vld.idx.msk [tilespmem:v62+s15+$0x0], $0xffff;
	[tilespmem:s14+$0xFFFFFFC0] =	vst v22;
	v22 =	vmul.f32 $8.000000000e+00, v28;
	v28 =	vor.u32 v14, v25  }
0x3aa: {  	v42 =	vor.u32 v15, v18;
	v29 =	vld.idx.msk [tilespmem:v29+s15+$0x0], $0xffff;
	[tilespmem:s21+$0xC0] =	vst v27;
	v27 =	vmul.f32 $8.000000000e+00, v32  }
0x3ab: {  	v43 =	vor.u32 v15, v17;
	v31 =	vld.idx.msk [tilespmem:v31+s15+$0x0], $0xffff;
	[tilespmem:s21+$0xFFFFFFC0] =	vst v22;
	v22 =	vmul.f32 $8.000000000e+00, v63  }
0x3ac: {  	v45 =	vor.u32 v15, v21;
	v44 =	vmul.f32 $8.000000000e+00, v40;
	v35 =	vld.idx.msk [tilespmem:v41+s15+$0x0], $0xffff;
	[tilespmem:s8+$0xC0] =	vst v27  }
0x3ad: {  	v19 =	vmul.f32 $8.000000000e+00, v19;
	v27 =	vor.u32 v15, v20;
	v30 =	vld.idx.msk [tilespmem:v30+s15+$0x0], $0xffff;
	[tilespmem:s8+$0xFFFFFFC0] =	vst v22  }
0x3ae: {  	v46 =	vor.u32 v15, v24;
	[tilespmem:s1+$0xFFFFFFD0] =	vst v44;
	v22 =	vmul.f32 $8.000000000e+00, v36;
	v28 =	vld.idx.msk [tilespmem:v28+s15+$0x0], $0xffff  }
0x3af: {  	v47 =	vld.idx.msk [tilespmem:v42+s15+$0x0], $0xffff;
	[tilespmem:s0+$0xFFFFFFF0] =	vst v19;
	v19 =	vmul.f32 $8.000000000e+00, v29;
	v29 =	vor.u32 v15, v23  }
0x3b0: {  	v32 =	vld.idx.msk [tilespmem:v43+s15+$0x0], $0xffff;
	[tilespmem:s14+$0xD0] =	vst v22;
	v22 =	vmul.f32 $8.000000000e+00, v31;
	v31 =	vor.u32 v15, v26  }
0x3b1: {  	v48 =	vor.u32 v15, v25;
	v34 =	vld.idx.msk [tilespmem:v45+s15+$0x0], $0xffff;
	[tilespmem:s14+$0xFFFFFFD0] =	vst v19;
	v19 =	vmul.f32 $8.000000000e+00, v35  }
0x3b2: {  	v18 =	vor.u32 v16, v18;
	v27 =	vld.idx.msk [tilespmem:v27+s15+$0x0], $0xffff;
	[tilespmem:s21+$0xD0] =	vst v22;
	v22 =	vmul.f32 $8.000000000e+00, v30  }
0x3b3: {  	v17 =	vor.u32 v16, v17;
	v30 =	vld.idx.msk [tilespmem:v46+s15+$0x0], $0xffff;
	[tilespmem:s21+$0xFFFFFFD0] =	vst v19;
	v19 =	vmul.f32 $8.000000000e+00, v28  }
0x3b4: {  	v21 =	vor.u32 v16, v21;
	v28 =	vmul.f32 $8.000000000e+00, v47;
	v29 =	vld.idx.msk [tilespmem:v29+s15+$0x0], $0xffff;
	[tilespmem:s8+$0xD0] =	vst v22  }
0x3b5: {  	v20 =	vor.u32 v16, v20;
	v22 =	vmul.f32 $8.000000000e+00, v32;
	v31 =	vld.idx.msk [tilespmem:v31+s15+$0x0], $0xffff;
	[tilespmem:s8+$0xFFFFFFD0] =	vst v19  }
0x3b6: {  	v24 =	vor.u32 v16, v24;
	[tilespmem:s1+$0xE0] =	vst v28;
	v19 =	vmul.f32 $8.000000000e+00, v34;
	v28 =	vld.idx.msk [tilespmem:v48+s15+$0x0], $0xffff  }
0x3b7: {  	v23 =	vor.u32 v16, v23;
	v18 =	vld.idx.msk [tilespmem:v18+s15+$0x0], $0xffff;
	[tilespmem:s1+$0xFFFFFFE0] =	vst v22;
	v22 =	vmul.f32 $8.000000000e+00, v27  }
0x3b8: {  	v26 =	vor.u32 v16, v26;
	v17 =	vld.idx.msk [tilespmem:v17+s15+$0x0], $0xffff;
	[tilespmem:s14+$0xE0] =	vst v19;
	v19 =	vmul.f32 $8.000000000e+00, v30  }
0x3b9: {  	v25 =	vor.u32 v16, v25;
	v21 =	vld.idx.msk [tilespmem:v21+s15+$0x0], $0xffff;
	[tilespmem:s14+$0xFFFFFFE0] =	vst v22;
	v22 =	vmul.f32 $8.000000000e+00, v29  }
0x3ba: {  	v20 =	vld.idx.msk [tilespmem:v20+s15+$0x0], $0xffff;
	[tilespmem:s21+$0xE0] =	vst v19;
	v19 =	vmul.f32 $8.000000000e+00, v31  }
0x3bb: {  	v24 =	vld.idx.msk [tilespmem:v24+s15+$0x0], $0xffff;
	[tilespmem:s21+$0xFFFFFFE0] =	vst v22;
	v22 =	vmul.f32 $8.000000000e+00, v28  }
0x3bc: {  	v18 =	vmul.f32 $8.000000000e+00, v18;
	v23 =	vld.idx.msk [tilespmem:v23+s15+$0x0], $0xffff;
	[tilespmem:s8+$0xE0] =	vst v19  }
0x3bd: {  	v17 =	vmul.f32 $8.000000000e+00, v17;
	v19 =	vld.idx.msk [tilespmem:v26+s15+$0x0], $0xffff;
	[tilespmem:s8+$0xFFFFFFE0] =	vst v22  }
0x3be: {  	[tilespmem:s1+$0xF0] =	vst v18;
	v18 =	vmul.f32 $8.000000000e+00, v21;
	v21 =	vld.idx.msk [tilespmem:v25+s15+$0x0], $0xffff  }
0x3bf: {  	[tilespmem:s1+$0xFFFFFFF0] =	vst v17;
	v17 =	vmul.f32 $8.000000000e+00, v20  }
0x3c0: {  	[tilespmem:s14+$0xF0] =	vst v18;
	v18 =	vmul.f32 $8.000000000e+00, v24  }
0x3c1: {  	s16 =	sshll.u32 s30, $0x14;
	[tilespmem:s14+$0xFFFFFFF0] =	vst v17;
	v17 =	vmul.f32 $8.000000000e+00, v23  }
0x3c2: {  	s0 =	sor.u32 s4, s16;
	[tilespmem:s21+$0xF0] =	vst v18;
	v18 =	vmul.f32 $8.000000000e+00, v19  }
0x3c3: {  	s0 =	sadd.s32 $0x100000, s0;
	[tilespmem:s21+$0xFFFFFFF0] =	vst v17;
	v17 =	vmul.f32 $8.000000000e+00, v21  }
0x3c4: {  	s31 =	sshrl.u32 s0, $0x3;
	[tilespmem:s8+$0xF0] =	vst v18  }
0x3c5: {  	s24 =	simm.s32 $0x1;
	s0 =	sadd.s32 s3, s31;
	s21 =	sshll.u32 s30, $0x9;
	[tilespmem:s8+$0xFFFFFFF0] =	vst v17  }
0x3c6: {  	[hbm4b:s0+s13] =	stream.strided.scatter [tilespmem:s20], [sflag:$0x3], $0x4000, s19, s13, $0x38;
	[tilespmem:$0x1D400] =	vst v63  }
0x3c7: {  	v17 =	vmov s24;
	s0 =	sand.u32 $0x3FFFFE00, s21  }
0x3c8: {  	s8 =	simm.s32 $0x0;
	v17 =	vand.u32 $0x3F, v17;
	s7 =	sadd.s32 $0x7400, s0  }
0x3c9: {  	v25 =	vbroadcast v17, $0x0;
	[tilespmem:s15], [sflag:$0x1] =	stream.indirect.gather [hbm4b:s5+s13], $0x40, s7, s13, $0xb8;
	[tilespmem:$0x1D400] =	vst v63  }
0x3ca: {  	v17 =	vmov s8;
	_ =	swait.ge [sflag:s22], $0x4000  }
0x3cb: {  	v17 =	vand.u32 $0x3E, v17;
	v18 =	vor.u32 v1, v25;
	[sflag:s22] =	ssyncset.done $0x0  }
0x3cc: {  	v26 =	vbroadcast v17, $0x0;
	[sflag:s22] =	ssyncadd.s32 $0xFFFFC000  }
0x3cd: {  	_ =	swait.ge [sflag:s26], $0x4000  }
0x3ce: {  	v17 =	vor.u32 v1, v26;
	[sflag:s26] =	ssyncset.done $0x0  }
0x3cf: {  	[sflag:s26] =	ssyncadd.s32 $0xFFFFC000  }
0x3d0: {  	v18 =	vld.idx.msk [tilespmem:v18+s17+$0x0], $0xffff;
	_ =	sdelay $0x2  }
0x3d1: {  	v19 =	vor.u32 v2, v25;
	v17 =	vld.idx.msk [tilespmem:v17+s17+$0x0], $0xffff;
	_ =	sdelay $0x1  }
0x3d2: {  	v18 =	vmul.f32 $8.000000000e+00, v18  }
0x3d3: {  	s21 =	simm.s32 $0x19500;
	v20 =	vor.u32 v2, v26  }
0x3d4: {  	[tilespmem:s21+$0x0] =	vst v18  }
0x3d5: {  	v17 =	vmul.f32 $8.000000000e+00, v17;
	v18 =	vld.idx.msk [tilespmem:v19+s17+$0x0], $0xffff;
	_ =	sdelay $0x1  }
0x3d6: {  	[tilespmem:s21+$0xFFFFFF00] =	vst v17  }
0x3d7: {  	v19 =	vor.u32 v3, v25;
	v17 =	vld.idx.msk [tilespmem:v20+s17+$0x0], $0xffff;
	_ =	sdelay $0x1  }
0x3d8: {  	v18 =	vmul.f32 $8.000000000e+00, v18  }
0x3d9: {  	v20 =	vor.u32 v3, v26  }
0x3da: {  	[tilespmem:s21+$0x10] =	vst v18  }
0x3db: {  	v17 =	vmul.f32 $8.000000000e+00, v17;
	v18 =	vld.idx.msk [tilespmem:v19+s17+$0x0], $0xffff;
	_ =	sdelay $0x1  }
0x3dc: {  	s14 =	simm.s32 $0x3;
	[tilespmem:s21+$0xFFFFFF10] =	vst v17  }
0x3dd: {  	v19 =	vmov s14;
	v17 =	vld.idx.msk [tilespmem:v20+s17+$0x0], $0xffff;
	v20 =	vor.u32 v4, v25  }
0x3de: {  	v19 =	vand.u32 $0x3F, v19  }
0x3df: {  	s16 =	simm.s32 $0x2;
	v22 =	vbroadcast v19, $0x0;
	v18 =	vmul.f32 $8.000000000e+00, v18  }
0x3e0: {  	v21 =	vor.u32 v4, v26;
	v19 =	vmov s16  }
0x3e1: {  	v19 =	vand.u32 $0x3E, v19;
	[tilespmem:s21+$0x20] =	vst v18;
	v18 =	vor.u32 v1, v22  }
0x3e2: {  	v19 =	vbroadcast v19, $0x0;
	v17 =	vmul.f32 $8.000000000e+00, v17;
	v20 =	vld.idx.msk [tilespmem:v20+s17+$0x0], $0xffff;
	_ =	sdelay $0x1  }
0x3e3: {  	v23 =	vor.u32 v1, v19;
	[tilespmem:s21+$0xFFFFFF20] =	vst v17  }
0x3e4: {  	v17 =	vld.idx.msk [tilespmem:v21+s17+$0x0], $0xffff;
	v21 =	vor.u32 v5, v25  }
0x3e5: {  	v18 =	vld.idx.msk [tilespmem:v18+s17+$0x0], $0xffff  }
0x3e6: {  	v20 =	vmul.f32 $8.000000000e+00, v20  }
0x3e7: {  	v24 =	vor.u32 v5, v26  }
0x3e8: {  	v23 =	vld.idx.msk [tilespmem:v23+s17+$0x0], $0xffff;
	[tilespmem:s21+$0x30] =	vst v20;
	v20 =	vor.u32 v2, v22  }
0x3e9: {  	v17 =	vmul.f32 $8.000000000e+00, v17;
	v21 =	vld.idx.msk [tilespmem:v21+s17+$0x0], $0xffff  }
0x3ea: {  	v18 =	vmul.f32 $8.000000000e+00, v18  }
0x3eb: {  	s1 =	simm.s32 $0x19700;
	[tilespmem:s21+$0xFFFFFF30] =	vst v17;
	v17 =	vor.u32 v2, v19  }
0x3ec: {  	v24 =	vld.idx.msk [tilespmem:v24+s17+$0x0], $0xffff;
	[tilespmem:s1+$0x0] =	vst v18;
	v18 =	vor.u32 v6, v25  }
0x3ed: {  	v23 =	vmul.f32 $8.000000000e+00, v23;
	v20 =	vld.idx.msk [tilespmem:v20+s17+$0x0], $0xffff  }
0x3ee: {  	v21 =	vmul.f32 $8.000000000e+00, v21  }
0x3ef: {  	[tilespmem:s1+$0xFFFFFF00] =	vst v23;
	v23 =	vor.u32 v6, v26  }
0x3f0: {  	v17 =	vld.idx.msk [tilespmem:v17+s17+$0x0], $0xffff;
	[tilespmem:s21+$0x40] =	vst v21;
	v21 =	vor.u32 v3, v22  }
0x3f1: {  	v24 =	vmul.f32 $8.000000000e+00, v24;
	v18 =	vld.idx.msk [tilespmem:v18+s17+$0x0], $0xffff  }
0x3f2: {  	v20 =	vmul.f32 $8.000000000e+00, v20  }
0x3f3: {  	[tilespmem:s21+$0xFFFFFF40] =	vst v24;
	v24 =	vor.u32 v3, v19  }
0x3f4: {  	v23 =	vld.idx.msk [tilespmem:v23+s17+$0x0], $0xffff;
	[tilespmem:s1+$0x10] =	vst v20;
	v20 =	vor.u32 v7, v25  }
0x3f5: {  	v17 =	vmul.f32 $8.000000000e+00, v17;
	v21 =	vld.idx.msk [tilespmem:v21+s17+$0x0], $0xffff  }
0x3f6: {  	v18 =	vmul.f32 $8.000000000e+00, v18  }
0x3f7: {  	v27 =	vor.u32 v7, v26;
	[tilespmem:s1+$0xFFFFFF10] =	vst v17  }
0x3f8: {  	s24 =	simm.s32 $0x5;
	v28 =	vor.u32 v4, v22;
	v24 =	vld.idx.msk [tilespmem:v24+s17+$0x0], $0xffff;
	[tilespmem:s21+$0x50] =	vst v18  }
0x3f9: {  	s8 =	simm.s32 $0x4;
	v17 =	vmul.f32 $8.000000000e+00, v23;
	v18 =	vmov s24;
	v20 =	vld.idx.msk [tilespmem:v20+s17+$0x0], $0xffff  }
0x3fa: {  	v23 =	vmov s8;
	v18 =	vand.u32 $0x3F, v18;
	v21 =	vmul.f32 $8.000000000e+00, v21  }
0x3fb: {  	v29 =	vor.u32 v4, v19;
	v23 =	vand.u32 $0x3E, v23;
	[tilespmem:s21+$0xFFFFFF50] =	vst v17;
	v18 =	vbroadcast v18, $0x0  }
0x3fc: {  	v17 =	vbroadcast v23, $0x0;
	v23 =	vld.idx.msk [tilespmem:v27+s17+$0x0], $0xffff;
	[tilespmem:s1+$0x20] =	vst v21;
	v21 =	vor.u32 v8, v25  }
0x3fd: {  	v24 =	vmul.f32 $8.000000000e+00, v24;
	v27 =	vor.u32 v1, v18;
	v28 =	vld.idx.msk [tilespmem:v28+s17+$0x0], $0xffff  }
0x3fe: {  	v30 =	vor.u32 v1, v17;
	v20 =	vmul.f32 $8.000000000e+00, v20  }
0x3ff: {  	[tilespmem:s1+$0xFFFFFF20] =	vst v24;
	v24 =	vor.u32 v8, v26  }
0x400: {  	v29 =	vld.idx.msk [tilespmem:v29+s17+$0x0], $0xffff;
	[tilespmem:s21+$0x60] =	vst v20;
	v20 =	vor.u32 v5, v22  }
0x401: {  	v23 =	vmul.f32 $8.000000000e+00, v23;
	v21 =	vld.idx.msk [tilespmem:v21+s17+$0x0], $0xffff  }
0x402: {  	v27 =	vld.idx.msk [tilespmem:v27+s17+$0x0], $0xffff;
	v28 =	vmul.f32 $8.000000000e+00, v28  }
0x403: {  	v30 =	vld.idx.msk [tilespmem:v30+s17+$0x0], $0xffff;
	[tilespmem:s21+$0xFFFFFF60] =	vst v23;
	v23 =	vor.u32 v5, v19  }
0x404: {  	v24 =	vld.idx.msk [tilespmem:v24+s17+$0x0], $0xffff;
	[tilespmem:s1+$0x30] =	vst v28;
	v28 =	vor.u32 v9, v25  }
0x405: {  	v31 =	vor.u32 v2, v18;
	v29 =	vmul.f32 $8.000000000e+00, v29;
	v20 =	vld.idx.msk [tilespmem:v20+s17+$0x0], $0xffff  }
0x406: {  	v49 =	vor.u32 v2, v17;
	v21 =	vmul.f32 $8.000000000e+00, v21  }
0x407: {  	[tilespmem:s1+$0xFFFFFF30] =	vst v29;
	v29 =	vor.u32 v9, v26;
	v27 =	vmul.f32 $8.000000000e+00, v27  }
0x408: {  	s14 =	simm.s32 $0x19900;
	v30 =	vmul.f32 $8.000000000e+00, v30;
	v23 =	vld.idx.msk [tilespmem:v23+s17+$0x0], $0xffff;
	[tilespmem:s21+$0x70] =	vst v21;
	v21 =	vor.u32 v6, v22  }
0x409: {  	v24 =	vmul.f32 $8.000000000e+00, v24;
	[tilespmem:s14+$0x0] =	vst v27;
	v27 =	vld.idx.msk [tilespmem:v28+s17+$0x0], $0xffff  }
0x40a: {  	[tilespmem:s14+$0xFFFFFF00] =	vst v30;
	v28 =	vld.idx.msk [tilespmem:v31+s17+$0x0], $0xffff;
	v20 =	vmul.f32 $8.000000000e+00, v20  }
0x40b: {  	v30 =	vor.u32 v6, v19;
	v31 =	vld.idx.msk [tilespmem:v49+s17+$0x0], $0xffff;
	[tilespmem:s21+$0xFFFFFF70] =	vst v24  }
0x40c: {  	v24 =	vld.idx.msk [tilespmem:v29+s17+$0x0], $0xffff;
	[tilespmem:s1+$0x40] =	vst v20;
	v20 =	vor.u32 v10, v25  }
0x40d: {  	v29 =	vor.u32 v3, v18;
	v23 =	vmul.f32 $8.000000000e+00, v23;
	v21 =	vld.idx.msk [tilespmem:v21+s17+$0x0], $0xffff  }
0x40e: {  	v50 =	vor.u32 v3, v17;
	v27 =	vmul.f32 $8.000000000e+00, v27  }
0x40f: {  	[tilespmem:s1+$0xFFFFFF40] =	vst v23;
	v23 =	vmul.f32 $8.000000000e+00, v28;
	v28 =	vor.u32 v10, v26  }
0x410: {  	v30 =	vld.idx.msk [tilespmem:v30+s17+$0x0], $0xffff;
	v31 =	vmul.f32 $8.000000000e+00, v31;
	[tilespmem:s21+$0x80] =	vst v27;
	v27 =	vor.u32 v7, v22  }
0x411: {  	[tilespmem:s14+$0x10] =	vst v23;
	v23 =	vmul.f32 $8.000000000e+00, v24;
	v20 =	vld.idx.msk [tilespmem:v20+s17+$0x0], $0xffff  }
0x412: {  	s8 =	simm.s32 $0x6;
	[tilespmem:s14+$0xFFFFFF10] =	vst v31;
	v24 =	vld.idx.msk [tilespmem:v29+s17+$0x0], $0xffff;
	v21 =	vmul.f32 $8.000000000e+00, v21  }
0x413: {  	v31 =	vor.u32 v7, v19;
	v29 =	vmov s8;
	v32 =	vld.idx.msk [tilespmem:v50+s17+$0x0], $0xffff;
	[tilespmem:s21+$0xFFFFFF80] =	vst v23  }
0x414: {  	s16 =	simm.s32 $0x7;
	v23 =	vand.u32 $0x3E, v29;
	v29 =	vor.u32 v11, v25;
	v28 =	vld.idx.msk [tilespmem:v28+s17+$0x0], $0xffff;
	[tilespmem:s1+$0x50] =	vst v21  }
0x415: {  	v51 =	vmov s16;
	v21 =	vmul.f32 $8.000000000e+00, v30;
	v30 =	vor.u32 v4, v18;
	v27 =	vld.idx.msk [tilespmem:v27+s17+$0x0], $0xffff  }
0x416: {  	v52 =	vor.u32 v4, v17;
	v53 =	vmul.f32 $8.000000000e+00, v20;
	v20 =	vand.u32 $0x3F, v51  }
0x417: {  	v54 =	vor.u32 v11, v26;
	[tilespmem:s1+$0xFFFFFF50] =	vst v21;
	v24 =	vmul.f32 $8.000000000e+00, v24;
	v21 =	vbroadcast v20, $0x0  }
0x418: {  	v55 =	vor.u32 v8, v22;
	v20 =	vbroadcast v23, $0x0;
	v23 =	vld.idx.msk [tilespmem:v31+s17+$0x0], $0xffff;
	v31 =	vmul.f32 $8.000000000e+00, v32;
	[tilespmem:s21+$0x90] =	vst v53  }
0x419: {  	[tilespmem:s14+$0x20] =	vst v24;
	v24 =	vmul.f32 $8.000000000e+00, v28;
	v28 =	vld.idx.msk [tilespmem:v29+s17+$0x0], $0xffff;
	v29 =	vor.u32 v1, v21  }
0x41a: {  	v56 =	vor.u32 v1, v20;
	[tilespmem:s14+$0xFFFFFF20] =	vst v31;
	v30 =	vld.idx.msk [tilespmem:v30+s17+$0x0], $0xffff;
	v27 =	vmul.f32 $8.000000000e+00, v27  }
0x41b: {  	v57 =	vor.u32 v8, v19;
	v31 =	vld.idx.msk [tilespmem:v52+s17+$0x0], $0xffff;
	[tilespmem:s21+$0xFFFFFF90] =	vst v24  }
0x41c: {  	v24 =	vld.idx.msk [tilespmem:v54+s17+$0x0], $0xffff;
	[tilespmem:s1+$0x60] =	vst v27;
	v27 =	vor.u32 v12, v25  }
0x41d: {  	v58 =	vor.u32 v5, v18;
	v23 =	vmul.f32 $8.000000000e+00, v23;
	v32 =	vld.idx.msk [tilespmem:v55+s17+$0x0], $0xffff  }
0x41e: {  	v59 =	vor.u32 v5, v17;
	v29 =	vld.idx.msk [tilespmem:v29+s17+$0x0], $0xffff;
	v28 =	vmul.f32 $8.000000000e+00, v28  }
0x41f: {  	v35 =	vld.idx.msk [tilespmem:v56+s17+$0x0], $0xffff;
	[tilespmem:s1+$0xFFFFFF60] =	vst v23;
	v23 =	vmul.f32 $8.000000000e+00, v30;
	v30 =	vor.u32 v12, v26  }
0x420: {  	v34 =	vld.idx.msk [tilespmem:v57+s17+$0x0], $0xffff;
	v31 =	vmul.f32 $8.000000000e+00, v31;
	[tilespmem:s21+$0xA0] =	vst v28;
	v28 =	vor.u32 v9, v22  }
0x421: {  	[tilespmem:s14+$0x30] =	vst v23;
	v23 =	vmul.f32 $8.000000000e+00, v24;
	v24 =	vld.idx.msk [tilespmem:v27+s17+$0x0], $0xffff;
	v27 =	vor.u32 v2, v21  }
0x422: {  	v60 =	vor.u32 v2, v20;
	[tilespmem:s14+$0xFFFFFF30] =	vst v31;
	v31 =	vld.idx.msk [tilespmem:v58+s17+$0x0], $0xffff;
	v32 =	vmul.f32 $8.000000000e+00, v32  }
0x423: {  	s24 =	simm.s32 $0x8;
	v36 =	vld.idx.msk [tilespmem:v59+s17+$0x0], $0xffff;
	[tilespmem:s21+$0xFFFFFFA0] =	vst v23;
	v23 =	vmul.f32 $8.000000000e+00, v29;
	v29 =	vor.u32 v9, v19  }
0x424: {  	v62 =	vor.u32 v13, v25;
	s16 =	simm.s32 $0x19B00;
	v61 =	vmov s24;
	v30 =	vld.idx.msk [tilespmem:v30+s17+$0x0], $0xffff;
	v35 =	vmul.f32 $8.000000000e+00, v35;
	[tilespmem:s1+$0x70] =	vst v32  }
0x425: {  	v37 =	vand.u32 $0x3E, v61;
	v63 =	vor.u32 v6, v18;
	v34 =	vmul.f32 $8.000000000e+00, v34;
	[tilespmem:s16+$0x0] =	vst v23;
	v28 =	vld.idx.msk [tilespmem:v28+s17+$0x0], $0xffff  }
0x426: {  	v40 =	vor.u32 v6, v17;
	v23 =	vbroadcast v37, $0x0;
	[tilespmem:s16+$0xFFFFFF00] =	vst v35;
	v27 =	vld.idx.msk [tilespmem:v27+s17+$0x0], $0xffff;
	v24 =	vmul.f32 $8.000000000e+00, v24  }
0x427: {  	v41 =	vor.u32 v13, v26;
	v33 =	vld.idx.msk [tilespmem:v60+s17+$0x0], $0xffff;
	v31 =	vmul.f32 $8.000000000e+00, v31;
	[tilespmem:s1+$0xFFFFFF70] =	vst v34  }
0x428: {  	v37 =	vor.u32 v1, v23;
	v36 =	vmul.f32 $8.000000000e+00, v36;
	v29 =	vld.idx.msk [tilespmem:v29+s17+$0x0], $0xffff;
	[tilespmem:s21+$0xB0] =	vst v24  }
0x429: {  	[tilespmem:s14+$0x40] =	vst v31;
	v24 =	vor.u32 v10, v22;
	v30 =	vmul.f32 $8.000000000e+00, v30;
	v31 =	vld.idx.msk [tilespmem:v62+s17+$0x0], $0xffff  }
0x42a: {  	v42 =	vor.u32 v3, v21;
	[tilespmem:s14+$0xFFFFFF40] =	vst v36;
	v43 =	vld.idx.msk [tilespmem:v63+s17+$0x0], $0xffff  }
0x42b: {  	v44 =	vor.u32 v3, v20;
	v35 =	vld.idx.msk [tilespmem:v40+s17+$0x0], $0xffff;
	v28 =	vmul.f32 $8.000000000e+00, v28;
	[tilespmem:s21+$0xFFFFFFB0] =	vst v30  }
0x42c: {  	v30 =	vor.u32 v10, v19;
	v27 =	vmul.f32 $8.000000000e+00, v27;
	v34 =	vld.idx.msk [tilespmem:v41+s17+$0x0], $0xffff  }
0x42d: {  	v33 =	vmul.f32 $8.000000000e+00, v33;
	v37 =	vld.idx.msk [tilespmem:v37+s17+$0x0], $0xffff;
	[tilespmem:s1+$0x80] =	vst v28;
	v28 =	vor.u32 v14, v25  }
0x42e: {  	[tilespmem:s16+$0x10] =	vst v27;
	v27 =	vor.u32 v7, v18;
	v29 =	vmul.f32 $8.000000000e+00, v29;
	v24 =	vld.idx.msk [tilespmem:v24+s17+$0x0], $0xffff  }
0x42f: {  	v45 =	vor.u32 v7, v17;
	[tilespmem:s16+$0xFFFFFF10] =	vst v33;
	v32 =	vld.idx.msk [tilespmem:v42+s17+$0x0], $0xffff;
	v31 =	vmul.f32 $8.000000000e+00, v31  }
0x430: {  	v38 =	vld.idx.msk [tilespmem:v44+s17+$0x0], $0xffff;
	v36 =	vmul.f32 $8.000000000e+00, v43;
	[tilespmem:s1+$0xFFFFFF80] =	vst v29;
	v29 =	vor.u32 v14, v26  }
0x431: {  	v35 =	vmul.f32 $8.000000000e+00, v35;
	v30 =	vld.idx.msk [tilespmem:v30+s17+$0x0], $0xffff;
	[tilespmem:s21+$0xC0] =	vst v31;
	v31 =	vor.u32 v11, v22  }
0x432: {  	s8 =	simm.s32 $0x9;
	v46 =	vor.u32 v4, v21;
	[tilespmem:s14+$0x50] =	vst v36;
	v34 =	vmul.f32 $8.000000000e+00, v34;
	v28 =	vld.idx.msk [tilespmem:v28+s17+$0x0], $0xffff  }
0x433: {  	v47 =	vmov s8;
	v48 =	vor.u32 v4, v20;
	[tilespmem:s14+$0xFFFFFF50] =	vst v35;
	v27 =	vld.idx.msk [tilespmem:v27+s17+$0x0], $0xffff;
	v49 =	vmul.f32 $8.000000000e+00, v24  }
0x434: {  	v50 =	vor.u32 v11, v19;
	v33 =	vld.idx.msk [tilespmem:v45+s17+$0x0], $0xffff;
	[tilespmem:s21+$0xFFFFFFC0] =	vst v34;
	v24 =	vand.u32 $0x3F, v47;
	v32 =	vmul.f32 $8.000000000e+00, v32  }
0x435: {  	v52 =	vor.u32 v15, v25;
	v24 =	vbroadcast v24, $0x0;
	v51 =	vmul.f32 $8.000000000e+00, v38;
	v29 =	vld.idx.msk [tilespmem:v29+s17+$0x0], $0xffff;
	[tilespmem:s1+$0x90] =	vst v49  }
0x436: {  	v53 =	vor.u32 v8, v18;
	[tilespmem:s16+$0x20] =	vst v32;
	v30 =	vmul.f32 $8.000000000e+00, v30;
	v31 =	vld.idx.msk [tilespmem:v31+s17+$0x0], $0xffff  }
0x437: {  	v54 =	vor.u32 v1, v24;
	[tilespmem:s16+$0xFFFFFF20] =	vst v51;
	v55 =	vld.idx.msk [tilespmem:v46+s17+$0x0], $0xffff;
	v28 =	vmul.f32 $8.000000000e+00, v28  }
0x438: {  	v57 =	vor.u32 v8, v17;
	v56 =	vld.idx.msk [tilespmem:v48+s17+$0x0], $0xffff;
	v27 =	vmul.f32 $8.000000000e+00, v27;
	[tilespmem:s1+$0xFFFFFF90] =	vst v30  }
0x439: {  	s24 =	simm.s32 $0xA;
	v37 =	vmul.f32 $8.000000000e+00, v37;
	v46 =	vor.u32 v2, v23;
	v30 =	vld.idx.msk [tilespmem:v50+s17+$0x0], $0xffff;
	[tilespmem:s21+$0xD0] =	vst v28  }
0x43a: {  	v58 =	vor.u32 v15, v26;
	v47 =	vmov s24;
	s24 =	simm.s32 $0x19D00;
	v28 =	vmul.f32 $8.000000000e+00, v33;
	[tilespmem:s14+$0x60] =	vst v27;
	v59 =	vld.idx.msk [tilespmem:v52+s17+$0x0], $0xffff  }
0x43b: {  	[tilespmem:s24+$0xFFFFFF00] =	vst v37;
	v27 =	vor.u32 v12, v22;
	v29 =	vmul.f32 $8.000000000e+00, v29;
	v32 =	vld.idx.msk [tilespmem:v53+s17+$0x0], $0xffff  }
0x43c: {  	v60 =	vor.u32 v5, v21;
	[tilespmem:s14+$0xFFFFFF60] =	vst v28;
	v28 =	vld.idx.msk [tilespmem:v54+s17+$0x0], $0xffff;
	v31 =	vmul.f32 $8.000000000e+00, v31  }
0x43d: {  	v61 =	vor.u32 v5, v20;
	[tilespmem:s21+$0xFFFFFFD0] =	vst v29;
	v29 =	vmul.f32 $8.000000000e+00, v55;
	v62 =	vld.idx.msk [tilespmem:v57+s17+$0x0], $0xffff  }
0x43e: {  	v63 =	vor.u32 v12, v19;
	v36 =	vmul.f32 $8.000000000e+00, v56;
	v37 =	vld.idx.msk [tilespmem:v46+s17+$0x0], $0xffff;
	[tilespmem:s1+$0xA0] =	vst v31  }
0x43f: {  	v25 =	vor.u32 v16, v25;
	v31 =	vld.idx.msk [tilespmem:v58+s17+$0x0], $0xffff;
	[tilespmem:s16+$0x30] =	vst v29;
	v30 =	vmul.f32 $8.000000000e+00, v30  }
0x440: {  	v29 =	vor.u32 v9, v18;
	[tilespmem:s16+$0xFFFFFF30] =	vst v36;
	v27 =	vld.idx.msk [tilespmem:v27+s17+$0x0], $0xffff;
	v33 =	vmul.f32 $8.000000000e+00, v59  }
0x441: {  	v44 =	vor.u32 v2, v24;
	v45 =	vld.idx.msk [tilespmem:v60+s17+$0x0], $0xffff;
	v32 =	vmul.f32 $8.000000000e+00, v32;
	[tilespmem:s1+$0xFFFFFFA0] =	vst v30  }
0x442: {  	v40 =	vld.idx.msk [tilespmem:v61+s17+$0x0], $0xffff;
	v28 =	vmul.f32 $8.000000000e+00, v28;
	v30 =	vor.u32 v9, v17;
	[tilespmem:s21+$0xE0] =	vst v33  }
0x443: {  	v48 =	vor.u32 v13, v22;
	v39 =	vld.idx.msk [tilespmem:v63+s17+$0x0], $0xffff;
	v35 =	vmul.f32 $8.000000000e+00, v62;
	[tilespmem:s14+$0x70] =	vst v32  }
0x444: {  	v60 =	vmul.f32 $8.000000000e+00, v37;
	v49 =	vld.idx.msk [tilespmem:v25+s17+$0x0], $0xffff;
	[tilespmem:s24+$0x0] =	vst v28;
	v28 =	vor.u32 v6, v21  }
0x445: {  	v57 =	vor.u32 v3, v23;
	v29 =	vld.idx.msk [tilespmem:v29+s17+$0x0], $0xffff;
	[tilespmem:s14+$0xFFFFFF70] =	vst v35;
	v27 =	vmul.f32 $8.000000000e+00, v27  }
0x446: {  	v51 =	vor.u32 v6, v20;
	v25 =	vand.u32 $0x3E, v47;
	v50 =	vld.idx.msk [tilespmem:v44+s17+$0x0], $0xffff;
	[tilespmem:s24+$0xFFFFFF10] =	vst v60;
	v36 =	vmul.f32 $8.000000000e+00, v45  }
0x447: {  	v52 =	vor.u32 v13, v19;
	v25 =	vbroadcast v25, $0x0;
	v40 =	vmul.f32 $8.000000000e+00, v40;
	v30 =	vld.idx.msk [tilespmem:v30+s17+$0x0], $0xffff;
	[tilespmem:s1+$0xB0] =	vst v27  }
0x448: {  	[tilespmem:s16+$0x40] =	vst v36;
	v27 =	vor.u32 v10, v18;
	v54 =	vmul.f32 $8.000000000e+00, v39;
	v32 =	vld.idx.msk [tilespmem:v48+s17+$0x0], $0xffff  }
0x449: {  	v53 =	vor.u32 v1, v25;
	[tilespmem:s16+$0xFFFFFF40] =	vst v40;
	v56 =	vld.idx.msk [tilespmem:v28+s17+$0x0], $0xffff;
	v28 =	vmul.f32 $8.000000000e+00, v49  }
0x44a: {  	v55 =	vor.u32 v3, v24;
	v38 =	vld.idx.msk [tilespmem:v57+s17+$0x0], $0xffff;
	v29 =	vmul.f32 $8.000000000e+00, v29;
	[tilespmem:s1+$0xFFFFFFB0] =	vst v54  }
0x44b: {  	v59 =	vor.u32 v10, v17;
	v58 =	vld.idx.msk [tilespmem:v51+s17+$0x0], $0xffff;
	v33 =	vmul.f32 $8.000000000e+00, v50;
	[tilespmem:s21+$0xF0] =	vst v28  }
0x44c: {  	v35 =	vld.idx.msk [tilespmem:v52+s17+$0x0], $0xffff;
	[tilespmem:s14+$0x80] =	vst v29;
	v29 =	vor.u32 v14, v22;
	v30 =	vmul.f32 $8.000000000e+00, v30  }
0x44d: {  	v61 =	vor.u32 v7, v21;
	[tilespmem:s24+$0x10] =	vst v33;
	v34 =	vld.idx.msk [tilespmem:v27+s17+$0x0], $0xffff;
	v27 =	vmul.f32 $8.000000000e+00, v32  }
0x44e: {  	v36 =	vor.u32 v7, v20;
	v28 =	vld.idx.msk [tilespmem:v53+s17+$0x0], $0xffff;
	[tilespmem:s14+$0xFFFFFF80] =	vst v30  }
0x44f: {  	v39 =	vld.idx.msk [tilespmem:v55+s17+$0x0], $0xffff;
	v62 =	vmul.f32 $8.000000000e+00, v56;
	[tilespmem:s1+$0xC0] =	vst v27;
	v27 =	vmul.f32 $8.000000000e+00, v31;
	v31 =	vor.u32 v14, v19  }
0x450: {  	v63 =	vmul.f32 $8.000000000e+00, v58;
	v30 =	vor.u32 v16, v26;
	v32 =	vld.idx.msk [tilespmem:v59+s17+$0x0], $0xffff  }
0x451: {  	[tilespmem:s16+$0x50] =	vst v62;
	v37 =	vmul.f32 $8.000000000e+00, v35;
	v33 =	vld.idx.msk [tilespmem:v29+s17+$0x0], $0xffff;
	v29 =	vor.u32 v11, v18  }
0x452: {  	s7 =	simm.s32 $0xC;
	s8 =	simm.s32 $0xB;
	v40 =	vor.u32 v4, v24;
	[tilespmem:s16+$0xFFFFFF50] =	vst v63;
	v35 =	vld.idx.msk [tilespmem:v61+s17+$0x0], $0xffff  }
.LBB2_11:
0x453: {  	p0 =	slt.u32 s7, $0x3E;
	v26 =	vmov s8;
	v41 =	vor.u32 v4, v23;
	v36 =	vld.idx.msk [tilespmem:v36+s17+$0x0], $0xffff;
	v34 =	vmul.f32 $8.000000000e+00, v34;
	[tilespmem:s1+$0xFFFFFFC0] =	vst v37  }
0x454: {  	v37 =	vmul.f32 $8.000000000e+00, v39;
	v39 =	vor.u32 v11, v17;
	v26 =	vand.u32 $0x3F, v26;
	v31 =	vld.idx.msk [tilespmem:v31+s17+$0x0], $0xffff;
	[tilespmem:s21+$0xFFFFFFE0] =	vst v27  }
0x455: {  	v27 =	vmul.f32 $8.000000000e+00, v38;
	v26 =	vbroadcast v26, $0x0;
	[tilespmem:s14+$0x90] =	vst v34;
	v34 =	vor.u32 v15, v22;
	v30 =	vld.idx.msk [tilespmem:v30+s17+$0x0], $0xffff  }
0x456: {  	v32 =	vmul.f32 $8.000000000e+00, v32;
	[tilespmem:s24+$0x20] =	vst v37;
	v37 =	vor.u32 v8, v21;
	v29 =	vld.idx.msk [tilespmem:v29+s17+$0x0], $0xffff  }
0x457: {  	v33 =	vmul.f32 $8.000000000e+00, v33;
	v38 =	vor.u32 v1, v26;
	[tilespmem:s24+$0xFFFFFF20] =	vst v27;
	v27 =	vld.idx.msk [tilespmem:v40+s17+$0x0], $0xffff  }
0x458: {  	v35 =	vmul.f32 $8.000000000e+00, v35;
	v40 =	vld.idx.msk [tilespmem:v41+s17+$0x0], $0xffff;
	v41 =	vor.u32 v8, v20;
	[tilespmem:s14+$0xFFFFFF90] =	vst v32  }
0x459: {  	v32 =	vmul.f32 $8.000000000e+00, v36;
	v36 =	vld.idx.msk [tilespmem:v39+s17+$0x0], $0xffff;
	v39 =	vor.u32 v15, v19;
	[tilespmem:s1+$0xD0] =	vst v33  }
0x45a: {  	v33 =	vor.u32 v12, v18;
	v31 =	vmul.f32 $8.000000000e+00, v31;
	[tilespmem:s16+$0x60] =	vst v35;
	v34 =	vld.idx.msk [tilespmem:v34+s17+$0x0], $0xffff  }
0x45b: {  	v35 =	vor.u32 v5, v24;
	v30 =	vmul.f32 $8.000000000e+00, v30;
	[tilespmem:s16+$0xFFFFFF60] =	vst v32;
	v32 =	vld.idx.msk [tilespmem:v37+s17+$0x0], $0xffff  }
0x45c: {  	v29 =	vmul.f32 $8.000000000e+00, v29;
	v37 =	vld.idx.msk [tilespmem:v38+s17+$0x0], $0xffff;
	v38 =	vor.u32 v5, v23;
	[tilespmem:s1+$0xFFFFFFD0] =	vst v31  }
0x45d: {  	v27 =	vmul.f32 $8.000000000e+00, v27;
	v31 =	vld.idx.msk [tilespmem:v41+s17+$0x0], $0xffff;
	v41 =	vor.u32 v12, v17;
	[tilespmem:s21+$0xFFFFFFF0] =	vst v30;
	s21 =	smov.u32 s1;
	s1 =	smov.u32 s14;
	s14 =	smov.u32 s16  }
0x45e: {  	v30 =	vmul.f32 $8.000000000e+00, v40;
	s16 =	smov.u32 s24;
	[tilespmem:s1+$0xA0] =	vst v29;
	v29 =	vld.idx.msk [tilespmem:v39+s17+$0x0], $0xffff;
	v39 =	vor.u32 v16, v22;
	v22 =	vmovc v18;
	v18 =	vmov v21  }
0x45f: {  	v36 =	vmul.f32 $8.000000000e+00, v36;
	v21 =	vmovc v24;
	v24 =	vmov v26;
	[tilespmem:s24+$0x30] =	vst v27;
	v27 =	vor.u32 v9, v18;
	v33 =	vld.idx.msk [tilespmem:v33+s17+$0x0], $0xffff  }
0x460: {  	v26 =	vor.u32 v2, v24;
	v34 =	vmul.f32 $8.000000000e+00, v34;
	[tilespmem:s24+$0xFFFFFF30] =	vst v30;
	v30 =	vld.idx.msk [tilespmem:v35+s17+$0x0], $0xffff  }
0x461: {  	v35 =	vor.u32 v2, v25;
	v32 =	vmul.f32 $8.000000000e+00, v32;
	v38 =	vld.idx.msk [tilespmem:v38+s17+$0x0], $0xffff;
	[tilespmem:s1+$0xFFFFFFA0] =	vst v36  }
0x462: {  	v40 =	vor.u32 v9, v20;
	v36 =	vmov s7;
	v37 =	vmul.f32 $8.000000000e+00, v37;
	v41 =	vld.idx.msk [tilespmem:v41+s17+$0x0], $0xffff;
	[tilespmem:s21+$0xE0] =	vst v34  }
0x463: {  	v28 =	vmul.f32 $8.000000000e+00, v28;
	s24 =	sadd.s32 $0x200, s24;
	v31 =	vmul.f32 $8.000000000e+00, v31;
	[tilespmem:s14+$0x70] =	vst v32;
	v32 =	vor.u32 v13, v22;
	v34 =	vld.idx.msk [tilespmem:v39+s17+$0x0], $0xffff  }
0x464: {  	v36 =	vand.u32 $0x3E, v36;
	[tilespmem:s24+$0x0] =	vst v37;
	v37 =	vor.u32 v6, v21;
	v39 =	vld.idx.msk [tilespmem:v27+s17+$0x0], $0xffff;
	v27 =	vmul.f32 $8.000000000e+00, v29  }
0x465: {  	v42 =	vbroadcast v36, $0x0;
	v29 =	vmul.f32 $8.000000000e+00, v33;
	[tilespmem:s24+$0xFFFFFF00] =	vst v28;
	v26 =	vld.idx.msk [tilespmem:v26+s17+$0x0], $0xffff;
	v28 =	vor.u32 v6, v23  }
0x466: {  	v30 =	vmul.f32 $8.000000000e+00, v30;
	v33 =	vld.idx.msk [tilespmem:v35+s17+$0x0], $0xffff;
	[tilespmem:s14+$0xFFFFFF70] =	vst v31;
	v31 =	vor.u32 v13, v17  }
0x467: {  	v35 =	vor.u32 v1, v42;
	v36 =	vmul.f32 $8.000000000e+00, v38;
	v38 =	vld.idx.msk [tilespmem:v40+s17+$0x0], $0xffff;
	[tilespmem:s1+$0xB0] =	vst v29  }
0x468: {  	v29 =	vor.u32 v10, v18;
	[tilespmem:s16+$0x40] =	vst v30;
	v30 =	vmul.f32 $8.000000000e+00, v41;
	v32 =	vld.idx.msk [tilespmem:v32+s17+$0x0], $0xffff  }
0x469: {  	v40 =	vor.u32 v3, v24;
	v34 =	vmul.f32 $8.000000000e+00, v34;
	[tilespmem:s16+$0xFFFFFF40] =	vst v36;
	v37 =	vld.idx.msk [tilespmem:v37+s17+$0x0], $0xffff  }
0x46a: {  	v41 =	vor.u32 v3, v25;
	v36 =	vmul.f32 $8.000000000e+00, v39;
	v43 =	vld.idx.msk [tilespmem:v28+s17+$0x0], $0xffff;
	[tilespmem:s1+$0xFFFFFFB0] =	vst v30  }
0x46b: {  	v26 =	vmul.f32 $8.000000000e+00, v26;
	v30 =	vor.u32 v10, v20;
	v44 =	vld.idx.msk [tilespmem:v31+s17+$0x0], $0xffff;
	[tilespmem:s21+$0xF0] =	vst v34  }
0x46c: {  	v31 =	vmul.f32 $8.000000000e+00, v33;
	v33 =	vor.u32 v14, v22;
	v28 =	vld.idx.msk [tilespmem:v35+s17+$0x0], $0xffff;
	[tilespmem:s14+$0x80] =	vst v36  }
0x46d: {  	v35 =	vmul.f32 $8.000000000e+00, v38;
	[tilespmem:s24+$0x10] =	vst v26;
	v26 =	vor.u32 v7, v21;
	v34 =	vld.idx.msk [tilespmem:v29+s17+$0x0], $0xffff  }
.Ltmp4:
0x46e: {  	v36 =	vor.u32 v7, v23;
	v29 =	vmul.f32 $8.000000000e+00, v32;
	[tilespmem:s24+$0xFFFFFF10] =	vst v31;
	v39 =	vld.idx.msk [tilespmem:v40+s17+$0x0], $0xffff;
	(pc) =	sbr.rel @p0 .LBB2_11-.Ltmp4, $4  }
0x46f: {  	v37 =	vmul.f32 $8.000000000e+00, v37;
	v31 =	vor.u32 v14, v17;
	v38 =	vld.idx.msk [tilespmem:v41+s17+$0x0], $0xffff;
	[tilespmem:s14+$0xFFFFFF80] =	vst v35  }
0x470: {  	v35 =	vmul.f32 $8.000000000e+00, v43;
	v32 =	vld.idx.msk [tilespmem:v30+s17+$0x0], $0xffff;
	[tilespmem:s1+$0xC0] =	vst v29;
	v30 =	vor.u32 v16, v19;
	v19 =	vmovc v17;
	v17 =	vmov v20  }
0x471: {  	v29 =	vor.u32 v11, v18;
	v20 =	vmovc v23;
	v23 =	vmov v25;
	[tilespmem:s16+$0x50] =	vst v37;
	v37 =	vmul.f32 $8.000000000e+00, v44;
	v33 =	vld.idx.msk [tilespmem:v33+s17+$0x0], $0xffff  }
0x472: {  	s8 =	sadd.s32 $0x1, s7;
	s7 =	sadd.s32 $0x2, s7;
	v40 =	vor.u32 v4, v24;
	v25 =	vmov v42;
	[tilespmem:s16+$0xFFFFFF50] =	vst v35;
	v35 =	vld.idx.msk [tilespmem:v26+s17+$0x0], $0xffff  }
0x473: {  	v26 =	vmov s8  }
0x474: {  	v26 =	vand.u32 $0x3F, v26  }
0x475: {  	v26 =	vbroadcast v26, $0x0;
	_ =	sdelay $0x1  }
0x476: {  	v41 =	vor.u32 v1, v26;
	_ =	sdelay $0x4  }
0x477: {  	v41 =	vld.idx.msk [tilespmem:v41+s17+$0x0], $0xffff;
	_ =	sdelay $0x1  }
0x478: {  	v43 =	vor.u32 v2, v25  }
0x479: {  	v42 =	vor.u32 v2, v26  }
0x47a: {  	v28 =	vmul.f32 $8.000000000e+00, v28  }
0x47b: {  	s7 =	sadd.s32 $0x200, s24;
	v41 =	vmul.f32 $8.000000000e+00, v41  }
0x47c: {  	[tilespmem:s7+$0xFFFFFF00] =	vst v28  }
0x47d: {  	v53 =	vld.idx.msk [tilespmem:v43+s17+$0x0], $0xffff;
	[tilespmem:s7+$0x0] =	vst v41  }
0x47e: {  	v52 =	vld.idx.msk [tilespmem:v42+s17+$0x0], $0xffff;
	_ =	sdelay $0x1  }
0x47f: {  	v55 =	vor.u32 v3, v25  }
0x480: {  	v54 =	vor.u32 v3, v26  }
0x481: {  	v41 =	vmul.f32 $8.000000000e+00, v53  }
0x482: {  	v28 =	vmul.f32 $8.000000000e+00, v52  }
0x483: {  	[tilespmem:s7+$0xFFFFFF10] =	vst v41  }
0x484: {  	v41 =	vld.idx.msk [tilespmem:v55+s17+$0x0], $0xffff;
	[tilespmem:s7+$0x10] =	vst v28  }
0x485: {  	v56 =	vor.u32 v4, v23;
	v28 =	vld.idx.msk [tilespmem:v54+s17+$0x0], $0xffff  }
0x486: {  	v39 =	vmul.f32 $8.000000000e+00, v39  }
0x487: {  	v44 =	vor.u32 v4, v25;
	v38 =	vmul.f32 $8.000000000e+00, v38  }
0x488: {  	[tilespmem:s24+$0x20] =	vst v39;
	v57 =	vor.u32 v4, v26  }
0x489: {  	[tilespmem:s24+$0xFFFFFF20] =	vst v38;
	v58 =	vld.idx.msk [tilespmem:v40+s17+$0x0], $0xffff;
	v59 =	vmul.f32 $8.000000000e+00, v41  }
0x48a: {  	v60 =	vld.idx.msk [tilespmem:v56+s17+$0x0], $0xffff;
	v28 =	vmul.f32 $8.000000000e+00, v28  }
0x48b: {  	[tilespmem:s7+$0xFFFFFF20] =	vst v59  }
0x48c: {  	v61 =	vor.u32 v5, v24;
	v62 =	vld.idx.msk [tilespmem:v44+s17+$0x0], $0xffff;
	[tilespmem:s7+$0x20] =	vst v28  }
0x48d: {  	v63 =	vor.u32 v5, v23;
	v28 =	vld.idx.msk [tilespmem:v57+s17+$0x0], $0xffff  }
0x48e: {  	v38 =	vmul.f32 $8.000000000e+00, v58  }
0x48f: {  	v49 =	vor.u32 v5, v25;
	v40 =	vmul.f32 $8.000000000e+00, v60  }
0x490: {  	v48 =	vor.u32 v5, v26;
	[tilespmem:s24+$0x30] =	vst v38  }
0x491: {  	v38 =	vld.idx.msk [tilespmem:v61+s17+$0x0], $0xffff;
	[tilespmem:s24+$0xFFFFFF30] =	vst v40;
	v50 =	vmul.f32 $8.000000000e+00, v62  }
0x492: {  	v40 =	vld.idx.msk [tilespmem:v63+s17+$0x0], $0xffff;
	v28 =	vmul.f32 $8.000000000e+00, v28  }
0x493: {  	[tilespmem:s7+$0xFFFFFF30] =	vst v50  }
0x494: {  	v51 =	vor.u32 v6, v24;
	v52 =	vld.idx.msk [tilespmem:v49+s17+$0x0], $0xffff;
	[tilespmem:s7+$0x30] =	vst v28  }
0x495: {  	v53 =	vor.u32 v6, v23;
	v28 =	vld.idx.msk [tilespmem:v48+s17+$0x0], $0xffff  }
0x496: {  	v38 =	vmul.f32 $8.000000000e+00, v38  }
0x497: {  	v40 =	vmul.f32 $8.000000000e+00, v40;
	v55 =	vor.u32 v6, v25  }
0x498: {  	[tilespmem:s24+$0x40] =	vst v38;
	v54 =	vor.u32 v6, v26  }
0x499: {  	v38 =	vld.idx.msk [tilespmem:v51+s17+$0x0], $0xffff;
	[tilespmem:s24+$0xFFFFFF40] =	vst v40;
	v56 =	vmul.f32 $8.000000000e+00, v52  }
0x49a: {  	v57 =	vld.idx.msk [tilespmem:v53+s17+$0x0], $0xffff;
	v28 =	vmul.f32 $8.000000000e+00, v28  }
0x49b: {  	[tilespmem:s7+$0xFFFFFF40] =	vst v56  }
0x49c: {  	v59 =	vor.u32 v7, v24;
	v60 =	vld.idx.msk [tilespmem:v55+s17+$0x0], $0xffff;
	[tilespmem:s7+$0x40] =	vst v28  }
0x49d: {  	v61 =	vor.u32 v7, v23;
	v58 =	vld.idx.msk [tilespmem:v54+s17+$0x0], $0xffff  }
0x49e: {  	[tilespmem:s1+$0xFFFFFFC0] =	vst v37;
	v36 =	vld.idx.msk [tilespmem:v36+s17+$0x0], $0xffff;
	v62 =	vmul.f32 $8.000000000e+00, v38  }
0x49f: {  	[tilespmem:s21+$0xFFFFFFE0] =	vst v27;
	v44 =	vor.u32 v7, v25;
	v28 =	vmul.f32 $8.000000000e+00, v57  }
0x4a0: {  	v34 =	vmul.f32 $8.000000000e+00, v34;
	v31 =	vld.idx.msk [tilespmem:v31+s17+$0x0], $0xffff;
	v63 =	vor.u32 v7, v26;
	[tilespmem:s24+$0x50] =	vst v62  }
0x4a1: {  	v50 =	vor.u32 v8, v20;
	v46 =	vld.idx.msk [tilespmem:v59+s17+$0x0], $0xffff;
	v47 =	vmul.f32 $8.000000000e+00, v60;
	[tilespmem:s24+$0xFFFFFF50] =	vst v28  }
0x4a2: {  	[tilespmem:s14+$0x90] =	vst v34;
	v48 =	vor.u32 v8, v21;
	v37 =	vld.idx.msk [tilespmem:v61+s17+$0x0], $0xffff;
	v45 =	vmul.f32 $8.000000000e+00, v58  }
0x4a3: {  	v30 =	vld.idx.msk [tilespmem:v30+s17+$0x0], $0xffff;
	v36 =	vmul.f32 $8.000000000e+00, v36;
	[tilespmem:s7+$0xFFFFFF50] =	vst v47  }
0x4a4: {  	v35 =	vmul.f32 $8.000000000e+00, v35;
	v51 =	vor.u32 v8, v24;
	v34 =	vld.idx.msk [tilespmem:v44+s17+$0x0], $0xffff;
	[tilespmem:s7+$0x50] =	vst v45  }
0x4a5: {  	v32 =	vmul.f32 $8.000000000e+00, v32;
	[tilespmem:s16+$0xFFFFFF60] =	vst v36;
	v52 =	vor.u32 v8, v23;
	v38 =	vld.idx.msk [tilespmem:v63+s17+$0x0], $0xffff  }
0x4a6: {  	[tilespmem:s16+$0x60] =	vst v35;
	v49 =	vmul.f32 $8.000000000e+00, v33;
	v33 =	vld.idx.msk [tilespmem:v50+s17+$0x0], $0xffff;
	v28 =	vmul.f32 $8.000000000e+00, v46  }
0x4a7: {  	[tilespmem:s14+$0xFFFFFF90] =	vst v32;
	v55 =	vor.u32 v8, v25;
	v54 =	vld.idx.msk [tilespmem:v48+s17+$0x0], $0xffff;
	v37 =	vmul.f32 $8.000000000e+00, v37  }
0x4a8: {  	v29 =	vld.idx.msk [tilespmem:v29+s17+$0x0], $0xffff;
	v31 =	vmul.f32 $8.000000000e+00, v31;
	v53 =	vor.u32 v8, v26;
	[tilespmem:s24+$0x60] =	vst v28  }
0x4a9: {  	v60 =	vor.u32 v9, v20;
	v32 =	vld.idx.msk [tilespmem:v51+s17+$0x0], $0xffff;
	v34 =	vmul.f32 $8.000000000e+00, v34;
	[tilespmem:s24+$0xFFFFFF60] =	vst v37  }
0x4aa: {  	[tilespmem:s1+$0xFFFFFFD0] =	vst v31;
	v58 =	vor.u32 v9, v21;
	v27 =	vld.idx.msk [tilespmem:v52+s17+$0x0], $0xffff;
	v56 =	vmul.f32 $8.000000000e+00, v38  }
0x4ab: {  	v43 =	vmul.f32 $8.000000000e+00, v33;
	v57 =	vor.u32 v11, v17;
	[tilespmem:s7+$0xFFFFFF60] =	vst v34  }
0x4ac: {  	v62 =	vmul.f32 $8.000000000e+00, v54;
	v63 =	vor.u32 v9, v24;
	v42 =	vld.idx.msk [tilespmem:v55+s17+$0x0], $0xffff;
	[tilespmem:s7+$0x60] =	vst v56  }
0x4ad: {  	v29 =	vmul.f32 $8.000000000e+00, v29;
	[tilespmem:s16+$0xFFFFFF70] =	vst v43;
	v44 =	vor.u32 v9, v23;
	v61 =	vld.idx.msk [tilespmem:v53+s17+$0x0], $0xffff  }
0x4ae: {  	v59 =	vmul.f32 $8.000000000e+00, v30;
	v50 =	vor.u32 v12, v18;
	v30 =	vld.idx.msk [tilespmem:v60+s17+$0x0], $0xffff;
	[tilespmem:s16+$0x70] =	vst v62;
	v45 =	vmul.f32 $8.000000000e+00, v32  }
0x4af: {  	[tilespmem:s14+$0xA0] =	vst v29;
	v47 =	vor.u32 v9, v25;
	v37 =	vld.idx.msk [tilespmem:v58+s17+$0x0], $0xffff;
	v27 =	vmul.f32 $8.000000000e+00, v27  }
0x4b0: {  	v46 =	vor.u32 v9, v26;
	[tilespmem:s24+$0x70] =	vst v45;
	v38 =	vld.idx.msk [tilespmem:v57+s17+$0x0], $0xffff  }
0x4b1: {  	v54 =	vor.u32 v10, v20;
	v35 =	vld.idx.msk [tilespmem:v63+s17+$0x0], $0xffff;
	v51 =	vmul.f32 $8.000000000e+00, v42;
	[tilespmem:s24+$0xFFFFFF70] =	vst v27  }
0x4b2: {  	[tilespmem:s1+$0xD0] =	vst v49;
	v48 =	vor.u32 v15, v22;
	v33 =	vld.idx.msk [tilespmem:v44+s17+$0x0], $0xffff;
	v49 =	vmul.f32 $8.000000000e+00, v61  }
0x4b3: {  	v30 =	vmul.f32 $8.000000000e+00, v30;
	v34 =	vld.idx.msk [tilespmem:v50+s17+$0x0], $0xffff;
	v52 =	vor.u32 v10, v21;
	[tilespmem:s7+$0xFFFFFF70] =	vst v51  }
0x4b4: {  	v56 =	vor.u32 v10, v24;
	v28 =	vld.idx.msk [tilespmem:v47+s17+$0x0], $0xffff;
	[tilespmem:s7+$0x70] =	vst v49  }
0x4b5: {  	v58 =	vor.u32 v10, v23;
	[tilespmem:s16+$0xFFFFFF80] =	vst v30;
	v55 =	vmul.f32 $8.000000000e+00, v37;
	v32 =	vld.idx.msk [tilespmem:v46+s17+$0x0], $0xffff  }
0x4b6: {  	[tilespmem:s21+$0xFFFFFFF0] =	vst v59;
	v63 =	vor.u32 v12, v17;
	v53 =	vmul.f32 $8.000000000e+00, v38;
	v59 =	vmul.f32 $8.000000000e+00, v35;
	v38 =	vld.idx.msk [tilespmem:v54+s17+$0x0], $0xffff  }
0x4b7: {  	v62 =	vor.u32 v10, v25;
	v57 =	vld.idx.msk [tilespmem:v48+s17+$0x0], $0xffff;
	[tilespmem:s16+$0x80] =	vst v55;
	v61 =	vmul.f32 $8.000000000e+00, v33  }
0x4b8: {  	v60 =	vor.u32 v10, v26;
	v36 =	vld.idx.msk [tilespmem:v52+s17+$0x0], $0xffff;
	[tilespmem:s24+$0x80] =	vst v59  }
0x4b9: {  	v47 =	vor.u32 v11, v20;
	v29 =	vld.idx.msk [tilespmem:v56+s17+$0x0], $0xffff;
	v28 =	vmul.f32 $8.000000000e+00, v28;
	[tilespmem:s24+$0xFFFFFF80] =	vst v61  }
0x4ba: {  	v43 =	vor.u32 v16, v22;
	[tilespmem:s14+$0xFFFFFFA0] =	vst v53;
	v31 =	vld.idx.msk [tilespmem:v58+s17+$0x0], $0xffff;
	v42 =	vmul.f32 $8.000000000e+00, v32  }
0x4bb: {  	v45 =	vor.u32 v11, v21;
	v50 =	vld.idx.msk [tilespmem:v63+s17+$0x0], $0xffff;
	v51 =	vmul.f32 $8.000000000e+00, v38;
	[tilespmem:s7+$0xFFFFFF80] =	vst v28  }
0x4bc: {  	v44 =	vmul.f32 $8.000000000e+00, v57;
	v49 =	vor.u32 v11, v24;
	v33 =	vld.idx.msk [tilespmem:v62+s17+$0x0], $0xffff;
	[tilespmem:s7+$0x80] =	vst v42  }
0x4bd: {  	v52 =	vor.u32 v11, v23;
	v48 =	vmul.f32 $8.000000000e+00, v36;
	[tilespmem:s16+$0xFFFFFF90] =	vst v51;
	v35 =	vld.idx.msk [tilespmem:v60+s17+$0x0], $0xffff  }
0x4be: {  	v57 =	vor.u32 v13, v18;
	[tilespmem:s1+$0xE0] =	vst v44;
	v46 =	vmul.f32 $8.000000000e+00, v34;
	v53 =	vmul.f32 $8.000000000e+00, v29;
	v34 =	vld.idx.msk [tilespmem:v47+s17+$0x0], $0xffff  }
0x4bf: {  	v22 =	vld.idx.msk [tilespmem:v43+s17+$0x0], $0xffff;
	v56 =	vor.u32 v11, v25;
	[tilespmem:s16+$0x90] =	vst v48;
	v55 =	vmul.f32 $8.000000000e+00, v31  }
0x4c0: {  	v54 =	vor.u32 v11, v26;
	[tilespmem:s24+$0x90] =	vst v53;
	v32 =	vld.idx.msk [tilespmem:v45+s17+$0x0], $0xffff  }
0x4c1: {  	v63 =	vor.u32 v12, v20;
	v30 =	vld.idx.msk [tilespmem:v49+s17+$0x0], $0xffff;
	v60 =	vmul.f32 $8.000000000e+00, v33;
	[tilespmem:s24+$0xFFFFFF90] =	vst v55  }
0x4c2: {  	[tilespmem:s14+$0xB0] =	vst v46;
	v49 =	vor.u32 v15, v19;
	v37 =	vld.idx.msk [tilespmem:v52+s17+$0x0], $0xffff;
	v58 =	vmul.f32 $8.000000000e+00, v35  }
0x4c3: {  	v59 =	vor.u32 v13, v17;
	v42 =	vld.idx.msk [tilespmem:v57+s17+$0x0], $0xffff;
	v43 =	vmul.f32 $8.000000000e+00, v34;
	[tilespmem:s7+$0xFFFFFF90] =	vst v60  }
0x4c4: {  	v61 =	vmul.f32 $8.000000000e+00, v50;
	v62 =	vor.u32 v12, v21;
	v31 =	vld.idx.msk [tilespmem:v56+s17+$0x0], $0xffff;
	[tilespmem:s7+$0x90] =	vst v58  }
0x4c5: {  	v44 =	vor.u32 v12, v23;
	[tilespmem:s16+$0xFFFFFFA0] =	vst v43;
	v40 =	vmul.f32 $8.000000000e+00, v32;
	v29 =	vld.idx.msk [tilespmem:v54+s17+$0x0], $0xffff  }
0x4c6: {  	v41 =	vor.u32 v12, v24;
	[tilespmem:s14+$0xFFFFFFB0] =	vst v61;
	v45 =	vmul.f32 $8.000000000e+00, v30;
	v28 =	vld.idx.msk [tilespmem:v63+s17+$0x0], $0xffff  }
0x4c7: {  	v48 =	vor.u32 v12, v25;
	v60 =	vld.idx.msk [tilespmem:v49+s17+$0x0], $0xffff;
	[tilespmem:s16+$0xA0] =	vst v40;
	v47 =	vmul.f32 $8.000000000e+00, v37  }
0x4c8: {  	v46 =	vor.u32 v12, v26;
	[tilespmem:s24+$0xA0] =	vst v45;
	v53 =	vmul.f32 $8.000000000e+00, v42;
	v35 =	vld.idx.msk [tilespmem:v59+s17+$0x0], $0xffff  }
0x4c9: {  	v56 =	vor.u32 v13, v20;
	v36 =	vld.idx.msk [tilespmem:v62+s17+$0x0], $0xffff;
	v52 =	vmul.f32 $8.000000000e+00, v31;
	[tilespmem:s24+$0xFFFFFFA0] =	vst v47  }
0x4ca: {  	v19 =	vor.u32 v16, v19;
	[tilespmem:s14+$0xC0] =	vst v53;
	v34 =	vld.idx.msk [tilespmem:v44+s17+$0x0], $0xffff;
	v50 =	vmul.f32 $8.000000000e+00, v29  }
0x4cb: {  	v51 =	vor.u32 v14, v18;
	v32 =	vld.idx.msk [tilespmem:v41+s17+$0x0], $0xffff;
	v61 =	vmul.f32 $8.000000000e+00, v28;
	[tilespmem:s7+$0xFFFFFFA0] =	vst v52  }
0x4cc: {  	v54 =	vor.u32 v13, v21;
	v47 =	vmul.f32 $8.000000000e+00, v60;
	v59 =	vld.idx.msk [tilespmem:v48+s17+$0x0], $0xffff;
	[tilespmem:s7+$0xA0] =	vst v50  }
0x4cd: {  	v62 =	vor.u32 v13, v23;
	[tilespmem:s16+$0xFFFFFFB0] =	vst v61;
	v55 =	vmul.f32 $8.000000000e+00, v35;
	v30 =	vld.idx.msk [tilespmem:v46+s17+$0x0], $0xffff  }
0x4ce: {  	v58 =	vor.u32 v13, v24;
	v57 =	vmul.f32 $8.000000000e+00, v36;
	v35 =	vld.idx.msk [tilespmem:v56+s17+$0x0], $0xffff;
	[tilespmem:s1+$0xFFFFFFE0] =	vst v47  }
0x4cf: {  	v42 =	vor.u32 v13, v25;
	[tilespmem:s14+$0xFFFFFFC0] =	vst v55;
	v19 =	vld.idx.msk [tilespmem:v19+s17+$0x0], $0xffff;
	v41 =	vmul.f32 $8.000000000e+00, v34  }
0x4d0: {  	v40 =	vor.u32 v13, v26;
	v63 =	vmul.f32 $8.000000000e+00, v32;
	[tilespmem:s16+$0xB0] =	vst v57;
	v29 =	vld.idx.msk [tilespmem:v51+s17+$0x0], $0xffff  }
0x4d1: {  	v43 =	vor.u32 v14, v17;
	v33 =	vld.idx.msk [tilespmem:v54+s17+$0x0], $0xffff;
	v46 =	vmul.f32 $8.000000000e+00, v59;
	[tilespmem:s24+$0xFFFFFFB0] =	vst v41  }
0x4d2: {  	[tilespmem:s24+$0xB0] =	vst v63;
	v28 =	vld.idx.msk [tilespmem:v62+s17+$0x0], $0xffff;
	v44 =	vmul.f32 $8.000000000e+00, v30  }
0x4d3: {  	v22 =	vmul.f32 $8.000000000e+00, v22;
	v45 =	vld.idx.msk [tilespmem:v58+s17+$0x0], $0xffff;
	v50 =	vor.u32 v14, v20;
	[tilespmem:s7+$0xFFFFFFB0] =	vst v46  }
0x4d4: {  	v48 =	vor.u32 v14, v21;
	v55 =	vmul.f32 $8.000000000e+00, v35;
	v53 =	vld.idx.msk [tilespmem:v42+s17+$0x0], $0xffff;
	[tilespmem:s7+$0xB0] =	vst v44  }
0x4d5: {  	[tilespmem:s1+$0xF0] =	vst v22;
	v56 =	vor.u32 v14, v23;
	v19 =	vmul.f32 $8.000000000e+00, v19;
	v32 =	vld.idx.msk [tilespmem:v40+s17+$0x0], $0xffff  }
0x4d6: {  	v52 =	vor.u32 v14, v24;
	v54 =	vld.idx.msk [tilespmem:v43+s17+$0x0], $0xffff;
	[tilespmem:s16+$0xFFFFFFC0] =	vst v55;
	v51 =	vmul.f32 $8.000000000e+00, v33  }
0x4d7: {  	v60 =	vor.u32 v14, v25;
	[tilespmem:s1+$0xFFFFFFF0] =	vst v19;
	v59 =	vmul.f32 $8.000000000e+00, v28  }
0x4d8: {  	v58 =	vor.u32 v14, v26;
	v49 =	vmul.f32 $8.000000000e+00, v29;
	v57 =	vmul.f32 $8.000000000e+00, v45;
	[tilespmem:s16+$0xC0] =	vst v51;
	v29 =	vld.idx.msk [tilespmem:v50+s17+$0x0], $0xffff  }
0x4d9: {  	v63 =	vor.u32 v15, v17;
	v36 =	vld.idx.msk [tilespmem:v48+s17+$0x0], $0xffff;
	v39 =	vmul.f32 $8.000000000e+00, v53;
	[tilespmem:s24+$0xFFFFFFC0] =	vst v59  }
0x4da: {  	v61 =	vor.u32 v15, v18;
	[tilespmem:s24+$0xC0] =	vst v57;
	v35 =	vld.idx.msk [tilespmem:v56+s17+$0x0], $0xffff;
	v62 =	vmul.f32 $8.000000000e+00, v32  }
0x4db: {  	v42 =	vor.u32 v15, v20;
	v31 =	vld.idx.msk [tilespmem:v52+s17+$0x0], $0xffff;
	v40 =	vmul.f32 $8.000000000e+00, v54;
	[tilespmem:s7+$0xFFFFFFC0] =	vst v39  }
0x4dc: {  	v41 =	vor.u32 v15, v21;
	v28 =	vld.idx.msk [tilespmem:v60+s17+$0x0], $0xffff;
	[tilespmem:s7+$0xC0] =	vst v62  }
0x4dd: {  	v46 =	vor.u32 v15, v23;
	v19 =	vmul.f32 $8.000000000e+00, v29;
	[tilespmem:s14+$0xFFFFFFD0] =	vst v40;
	v30 =	vld.idx.msk [tilespmem:v58+s17+$0x0], $0xffff  }
0x4de: {  	[tilespmem:s14+$0xD0] =	vst v49;
	v44 =	vor.u32 v15, v24;
	v43 =	vmul.f32 $8.000000000e+00, v36;
	v32 =	vld.idx.msk [tilespmem:v63+s17+$0x0], $0xffff  }
0x4df: {  	v49 =	vor.u32 v15, v25;
	v45 =	vld.idx.msk [tilespmem:v61+s17+$0x0], $0xffff;
	[tilespmem:s16+$0xFFFFFFD0] =	vst v19;
	v19 =	vmul.f32 $8.000000000e+00, v35  }
0x4e0: {  	v48 =	vor.u32 v15, v26;
	v47 =	vmul.f32 $8.000000000e+00, v31;
	[tilespmem:s16+$0xD0] =	vst v43;
	v27 =	vld.idx.msk [tilespmem:v42+s17+$0x0], $0xffff  }
0x4e1: {  	v17 =	vor.u32 v16, v17;
	v34 =	vld.idx.msk [tilespmem:v41+s17+$0x0], $0xffff;
	[tilespmem:s24+$0xFFFFFFD0] =	vst v19;
	v19 =	vmul.f32 $8.000000000e+00, v28  }
0x4e2: {  	v18 =	vor.u32 v16, v18;
	[tilespmem:s24+$0xD0] =	vst v47;
	v29 =	vld.idx.msk [tilespmem:v46+s17+$0x0], $0xffff;
	v50 =	vmul.f32 $8.000000000e+00, v30  }
0x4e3: {  	v55 =	vor.u32 v16, v20;
	v51 =	vld.idx.msk [tilespmem:v44+s17+$0x0], $0xffff;
	v54 =	vmul.f32 $8.000000000e+00, v32;
	[tilespmem:s7+$0xFFFFFFD0] =	vst v19  }
0x4e4: {  	v53 =	vor.u32 v16, v21;
	v52 =	vmul.f32 $8.000000000e+00, v45;
	v57 =	vld.idx.msk [tilespmem:v49+s17+$0x0], $0xffff;
	[tilespmem:s7+$0xD0] =	vst v50  }
0x4e5: {  	v59 =	vor.u32 v16, v23;
	v58 =	vmul.f32 $8.000000000e+00, v27;
	[tilespmem:s14+$0xFFFFFFE0] =	vst v54;
	v31 =	vld.idx.msk [tilespmem:v48+s17+$0x0], $0xffff  }
0x4e6: {  	v56 =	vor.u32 v16, v24;
	[tilespmem:s14+$0xE0] =	vst v52;
	v19 =	vmul.f32 $8.000000000e+00, v34;
	v17 =	vld.idx.msk [tilespmem:v17+s17+$0x0], $0xffff  }
0x4e7: {  	v61 =	vor.u32 v16, v25;
	v18 =	vld.idx.msk [tilespmem:v18+s17+$0x0], $0xffff;
	[tilespmem:s16+$0xFFFFFFE0] =	vst v58;
	v60 =	vmul.f32 $8.000000000e+00, v29  }
0x4e8: {  	v26 =	vor.u32 v16, v26;
	v20 =	vld.idx.msk [tilespmem:v55+s17+$0x0], $0xffff;
	[tilespmem:s16+$0xE0] =	vst v19;
	v19 =	vmul.f32 $8.000000000e+00, v51  }
0x4e9: {  	v21 =	vld.idx.msk [tilespmem:v53+s17+$0x0], $0xffff;
	[tilespmem:s24+$0xFFFFFFE0] =	vst v60;
	v62 =	vmul.f32 $8.000000000e+00, v57  }
0x4ea: {  	[tilespmem:s24+$0xE0] =	vst v19;
	v23 =	vld.idx.msk [tilespmem:v59+s17+$0x0], $0xffff;
	v19 =	vmul.f32 $8.000000000e+00, v31  }
0x4eb: {  	v24 =	vld.idx.msk [tilespmem:v56+s17+$0x0], $0xffff;
	v17 =	vmul.f32 $8.000000000e+00, v17;
	[tilespmem:s7+$0xFFFFFFE0] =	vst v62  }
0x4ec: {  	v18 =	vmul.f32 $8.000000000e+00, v18;
	v63 =	vld.idx.msk [tilespmem:v61+s17+$0x0], $0xffff;
	[tilespmem:s7+$0xE0] =	vst v19  }
0x4ed: {  	[tilespmem:s14+$0xFFFFFFF0] =	vst v17;
	v17 =	vmul.f32 $8.000000000e+00, v20;
	v19 =	vld.idx.msk [tilespmem:v26+s17+$0x0], $0xffff  }
0x4ee: {  	[tilespmem:s14+$0xF0] =	vst v18;
	v18 =	vmul.f32 $8.000000000e+00, v21  }
0x4ef: {  	[tilespmem:s16+$0xFFFFFFF0] =	vst v17;
	v17 =	vmul.f32 $8.000000000e+00, v23  }
0x4f0: {  	[tilespmem:s16+$0xF0] =	vst v18;
	v18 =	vmul.f32 $8.000000000e+00, v24  }
0x4f1: {  	s30 =	sadd.s32 $0x1, s30;
	[tilespmem:s24+$0xFFFFFFF0] =	vst v17;
	v17 =	vmul.f32 $8.000000000e+00, v63  }
0x4f2: {  	p0 =	sne.s32 s30, $0x30;
	[tilespmem:s24+$0xF0] =	vst v18;
	v18 =	vmul.f32 $8.000000000e+00, v19  }
.Ltmp5:
0x4f3: {  	s31 =	sadd.s32 s31, s3;
	[tilespmem:s7+$0xFFFFFFF0] =	vst v17;
	(pc) =	sbr.rel @p0 .LBB2_8-.Ltmp5, $4  }
0x4f4: {  	s1 =	sadd.s32 $0x20, s31;
	[tilespmem:s7+$0xF0] =	vst v18  }
0x4f5: {  	[hbm4b:s1+s13] =	stream.strided.scatter [tilespmem:s23], [sflag:$0x4], $0x4000, s19, s13, $0x38;
	[tilespmem:$0x1D400] =	vst v63  }
0x4f6: {  	s0 =	sadd.s32 $0x7500, s0  }
0x4f7: {  	[tilespmem:s17], [sflag:$0x2] =	stream.indirect.gather [hbm4b:s5+s13], $0x40, s0, s13, $0xb8;
	[tilespmem:$0x1D400] =	vst v63  }
0x4f8: {  	s0 =	simm.s32 $0x1  }
0x4f9: {  	v17 =	vmov s0  }
0x4fa: {  	v17 =	vand.u32 $0x3F, v17  }
0x4fb: {  	s1 =	simm.s32 $0x0;
	v25 =	vbroadcast v17, $0x0  }
0x4fc: {  	_ =	swait.ge [sflag:s18], $0x4000;
	v17 =	vmov s1  }
0x4fd: {  	[sflag:s18] =	ssyncset.done $0x0;
	v17 =	vand.u32 $0x3E, v17;
	v18 =	vor.u32 v1, v25  }
0x4fe: {  	[sflag:s18] =	ssyncadd.s32 $0xFFFFC000;
	v26 =	vbroadcast v17, $0x0  }
0x4ff: {  	_ =	swait.ge [sflag:s25], $0x4000  }
0x500: {  	[sflag:s25] =	ssyncset.done $0x0;
	v17 =	vor.u32 v1, v26  }
0x501: {  	[sflag:s25] =	ssyncadd.s32 $0xFFFFC000  }
0x502: {  	v18 =	vld.idx.msk [tilespmem:v18+s15+$0x0], $0xffff;
	_ =	sdelay $0x2  }
0x503: {  	v19 =	vor.u32 v2, v25;
	v17 =	vld.idx.msk [tilespmem:v17+s15+$0x0], $0xffff;
	_ =	sdelay $0x1  }
0x504: {  	v18 =	vmul.f32 $8.000000000e+00, v18  }
0x505: {  	s16 =	simm.s32 $0x15500;
	v20 =	vor.u32 v2, v26  }
0x506: {  	[tilespmem:s16+$0x0] =	vst v18  }
0x507: {  	v17 =	vmul.f32 $8.000000000e+00, v17;
	v18 =	vld.idx.msk [tilespmem:v19+s15+$0x0], $0xffff;
	_ =	sdelay $0x1  }
0x508: {  	[tilespmem:s16+$0xFFFFFF00] =	vst v17  }
0x509: {  	v19 =	vor.u32 v3, v25;
	v17 =	vld.idx.msk [tilespmem:v20+s15+$0x0], $0xffff;
	_ =	sdelay $0x1  }
0x50a: {  	v18 =	vmul.f32 $8.000000000e+00, v18  }
0x50b: {  	v20 =	vor.u32 v3, v26  }
0x50c: {  	[tilespmem:s16+$0x10] =	vst v18  }
0x50d: {  	v17 =	vmul.f32 $8.000000000e+00, v17;
	v18 =	vld.idx.msk [tilespmem:v19+s15+$0x0], $0xffff;
	_ =	sdelay $0x1  }
0x50e: {  	s7 =	simm.s32 $0x3;
	[tilespmem:s16+$0xFFFFFF10] =	vst v17  }
0x50f: {  	v19 =	vmov s7;
	v17 =	vld.idx.msk [tilespmem:v20+s15+$0x0], $0xffff;
	v20 =	vor.u32 v4, v25  }
0x510: {  	v19 =	vand.u32 $0x3F, v19  }
0x511: {  	s8 =	simm.s32 $0x2;
	v22 =	vbroadcast v19, $0x0;
	v18 =	vmul.f32 $8.000000000e+00, v18  }
0x512: {  	v21 =	vor.u32 v4, v26;
	v19 =	vmov s8  }
0x513: {  	v19 =	vand.u32 $0x3E, v19;
	[tilespmem:s16+$0x20] =	vst v18;
	v18 =	vor.u32 v1, v22  }
0x514: {  	v19 =	vbroadcast v19, $0x0;
	v17 =	vmul.f32 $8.000000000e+00, v17;
	v20 =	vld.idx.msk [tilespmem:v20+s15+$0x0], $0xffff;
	_ =	sdelay $0x1  }
0x515: {  	v23 =	vor.u32 v1, v19;
	[tilespmem:s16+$0xFFFFFF20] =	vst v17  }
0x516: {  	v17 =	vld.idx.msk [tilespmem:v21+s15+$0x0], $0xffff;
	v21 =	vor.u32 v5, v25  }
0x517: {  	v18 =	vld.idx.msk [tilespmem:v18+s15+$0x0], $0xffff  }
0x518: {  	v20 =	vmul.f32 $8.000000000e+00, v20  }
0x519: {  	v24 =	vor.u32 v5, v26  }
0x51a: {  	v23 =	vld.idx.msk [tilespmem:v23+s15+$0x0], $0xffff;
	[tilespmem:s16+$0x30] =	vst v20;
	v20 =	vor.u32 v2, v22  }
0x51b: {  	v17 =	vmul.f32 $8.000000000e+00, v17;
	v21 =	vld.idx.msk [tilespmem:v21+s15+$0x0], $0xffff  }
0x51c: {  	v18 =	vmul.f32 $8.000000000e+00, v18  }
0x51d: {  	s0 =	simm.s32 $0x15700;
	[tilespmem:s16+$0xFFFFFF30] =	vst v17;
	v17 =	vor.u32 v2, v19  }
0x51e: {  	v24 =	vld.idx.msk [tilespmem:v24+s15+$0x0], $0xffff;
	[tilespmem:s0+$0x0] =	vst v18;
	v18 =	vor.u32 v6, v25  }
0x51f: {  	v23 =	vmul.f32 $8.000000000e+00, v23;
	v20 =	vld.idx.msk [tilespmem:v20+s15+$0x0], $0xffff  }
0x520: {  	v21 =	vmul.f32 $8.000000000e+00, v21  }
0x521: {  	[tilespmem:s0+$0xFFFFFF00] =	vst v23;
	v23 =	vor.u32 v6, v26  }
0x522: {  	v17 =	vld.idx.msk [tilespmem:v17+s15+$0x0], $0xffff;
	[tilespmem:s16+$0x40] =	vst v21;
	v21 =	vor.u32 v3, v22  }
0x523: {  	v24 =	vmul.f32 $8.000000000e+00, v24;
	v18 =	vld.idx.msk [tilespmem:v18+s15+$0x0], $0xffff  }
0x524: {  	v20 =	vmul.f32 $8.000000000e+00, v20  }
0x525: {  	[tilespmem:s16+$0xFFFFFF40] =	vst v24;
	v24 =	vor.u32 v3, v19  }
0x526: {  	v23 =	vld.idx.msk [tilespmem:v23+s15+$0x0], $0xffff;
	[tilespmem:s0+$0x10] =	vst v20;
	v20 =	vor.u32 v7, v25  }
0x527: {  	v17 =	vmul.f32 $8.000000000e+00, v17;
	v21 =	vld.idx.msk [tilespmem:v21+s15+$0x0], $0xffff  }
0x528: {  	v18 =	vmul.f32 $8.000000000e+00, v18  }
0x529: {  	v27 =	vor.u32 v7, v26;
	[tilespmem:s0+$0xFFFFFF10] =	vst v17  }
0x52a: {  	s1 =	simm.s32 $0x5;
	v28 =	vor.u32 v4, v22;
	v24 =	vld.idx.msk [tilespmem:v24+s15+$0x0], $0xffff;
	[tilespmem:s16+$0x50] =	vst v18  }
0x52b: {  	s7 =	simm.s32 $0x4;
	v17 =	vmul.f32 $8.000000000e+00, v23;
	v18 =	vmov s1;
	v20 =	vld.idx.msk [tilespmem:v20+s15+$0x0], $0xffff  }
0x52c: {  	v23 =	vmov s7;
	v18 =	vand.u32 $0x3F, v18;
	v21 =	vmul.f32 $8.000000000e+00, v21  }
0x52d: {  	v29 =	vor.u32 v4, v19;
	v23 =	vand.u32 $0x3E, v23;
	[tilespmem:s16+$0xFFFFFF50] =	vst v17;
	v18 =	vbroadcast v18, $0x0  }
0x52e: {  	v17 =	vbroadcast v23, $0x0;
	v23 =	vld.idx.msk [tilespmem:v27+s15+$0x0], $0xffff;
	[tilespmem:s0+$0x20] =	vst v21;
	v21 =	vor.u32 v8, v25  }
0x52f: {  	v24 =	vmul.f32 $8.000000000e+00, v24;
	v27 =	vor.u32 v1, v18;
	v28 =	vld.idx.msk [tilespmem:v28+s15+$0x0], $0xffff  }
0x530: {  	v30 =	vor.u32 v1, v17;
	v20 =	vmul.f32 $8.000000000e+00, v20  }
0x531: {  	[tilespmem:s0+$0xFFFFFF20] =	vst v24;
	v24 =	vor.u32 v8, v26  }
0x532: {  	v29 =	vld.idx.msk [tilespmem:v29+s15+$0x0], $0xffff;
	[tilespmem:s16+$0x60] =	vst v20;
	v20 =	vor.u32 v5, v22  }
0x533: {  	v23 =	vmul.f32 $8.000000000e+00, v23;
	v21 =	vld.idx.msk [tilespmem:v21+s15+$0x0], $0xffff  }
0x534: {  	v27 =	vld.idx.msk [tilespmem:v27+s15+$0x0], $0xffff;
	v28 =	vmul.f32 $8.000000000e+00, v28  }
0x535: {  	v30 =	vld.idx.msk [tilespmem:v30+s15+$0x0], $0xffff;
	[tilespmem:s16+$0xFFFFFF60] =	vst v23;
	v23 =	vor.u32 v5, v19  }
0x536: {  	v24 =	vld.idx.msk [tilespmem:v24+s15+$0x0], $0xffff;
	[tilespmem:s0+$0x30] =	vst v28;
	v28 =	vor.u32 v9, v25  }
0x537: {  	v31 =	vor.u32 v2, v18;
	v29 =	vmul.f32 $8.000000000e+00, v29;
	v20 =	vld.idx.msk [tilespmem:v20+s15+$0x0], $0xffff  }
0x538: {  	v32 =	vor.u32 v2, v17;
	v21 =	vmul.f32 $8.000000000e+00, v21  }
0x539: {  	[tilespmem:s0+$0xFFFFFF30] =	vst v29;
	v27 =	vmul.f32 $8.000000000e+00, v27;
	v29 =	vor.u32 v9, v26  }
0x53a: {  	s1 =	simm.s32 $0x15900;
	v30 =	vmul.f32 $8.000000000e+00, v30;
	v23 =	vld.idx.msk [tilespmem:v23+s15+$0x0], $0xffff;
	[tilespmem:s16+$0x70] =	vst v21;
	v21 =	vor.u32 v6, v22  }
0x53b: {  	v24 =	vmul.f32 $8.000000000e+00, v24;
	[tilespmem:s1+$0x0] =	vst v27;
	v27 =	vld.idx.msk [tilespmem:v28+s15+$0x0], $0xffff  }
0x53c: {  	[tilespmem:s1+$0xFFFFFF00] =	vst v30;
	v28 =	vld.idx.msk [tilespmem:v31+s15+$0x0], $0xffff;
	v20 =	vmul.f32 $8.000000000e+00, v20  }
0x53d: {  	v30 =	vor.u32 v6, v19;
	v31 =	vld.idx.msk [tilespmem:v32+s15+$0x0], $0xffff;
	[tilespmem:s16+$0xFFFFFF70] =	vst v24  }
0x53e: {  	v24 =	vld.idx.msk [tilespmem:v29+s15+$0x0], $0xffff;
	[tilespmem:s0+$0x40] =	vst v20;
	v20 =	vor.u32 v10, v25  }
0x53f: {  	v29 =	vor.u32 v3, v18;
	v23 =	vmul.f32 $8.000000000e+00, v23;
	v21 =	vld.idx.msk [tilespmem:v21+s15+$0x0], $0xffff  }
0x540: {  	v38 =	vor.u32 v3, v17;
	v27 =	vmul.f32 $8.000000000e+00, v27  }
0x541: {  	[tilespmem:s0+$0xFFFFFF40] =	vst v23;
	v23 =	vmul.f32 $8.000000000e+00, v28;
	v28 =	vor.u32 v10, v26  }
0x542: {  	v31 =	vmul.f32 $8.000000000e+00, v31;
	v30 =	vld.idx.msk [tilespmem:v30+s15+$0x0], $0xffff;
	[tilespmem:s16+$0x80] =	vst v27;
	v27 =	vor.u32 v7, v22  }
0x543: {  	[tilespmem:s1+$0x10] =	vst v23;
	v23 =	vmul.f32 $8.000000000e+00, v24;
	v20 =	vld.idx.msk [tilespmem:v20+s15+$0x0], $0xffff  }
0x544: {  	s14 =	simm.s32 $0x6;
	[tilespmem:s1+$0xFFFFFF10] =	vst v31;
	v24 =	vld.idx.msk [tilespmem:v29+s15+$0x0], $0xffff;
	v21 =	vmul.f32 $8.000000000e+00, v21  }
0x545: {  	v31 =	vor.u32 v7, v19;
	v29 =	vmov s14;
	v32 =	vld.idx.msk [tilespmem:v38+s15+$0x0], $0xffff;
	[tilespmem:s16+$0xFFFFFF80] =	vst v23  }
0x546: {  	s21 =	simm.s32 $0x7;
	v23 =	vand.u32 $0x3E, v29;
	v29 =	vor.u32 v11, v25;
	v28 =	vld.idx.msk [tilespmem:v28+s15+$0x0], $0xffff;
	[tilespmem:s0+$0x50] =	vst v21  }
0x547: {  	v33 =	vmov s21;
	v21 =	vmul.f32 $8.000000000e+00, v30;
	v30 =	vor.u32 v4, v18;
	v27 =	vld.idx.msk [tilespmem:v27+s15+$0x0], $0xffff  }
0x548: {  	v34 =	vor.u32 v4, v17;
	v35 =	vmul.f32 $8.000000000e+00, v20;
	v20 =	vand.u32 $0x3F, v33  }
0x549: {  	v39 =	vor.u32 v11, v26;
	[tilespmem:s0+$0xFFFFFF50] =	vst v21;
	v24 =	vmul.f32 $8.000000000e+00, v24;
	v21 =	vbroadcast v20, $0x0  }
0x54a: {  	v40 =	vor.u32 v8, v22;
	v20 =	vbroadcast v23, $0x0;
	v23 =	vld.idx.msk [tilespmem:v31+s15+$0x0], $0xffff;
	v31 =	vmul.f32 $8.000000000e+00, v32;
	[tilespmem:s16+$0x90] =	vst v35  }
0x54b: {  	[tilespmem:s1+$0x20] =	vst v24;
	v24 =	vmul.f32 $8.000000000e+00, v28;
	v28 =	vld.idx.msk [tilespmem:v29+s15+$0x0], $0xffff;
	v29 =	vor.u32 v1, v21  }
0x54c: {  	v41 =	vor.u32 v1, v20;
	[tilespmem:s1+$0xFFFFFF20] =	vst v31;
	v30 =	vld.idx.msk [tilespmem:v30+s15+$0x0], $0xffff;
	v27 =	vmul.f32 $8.000000000e+00, v27  }
0x54d: {  	v42 =	vor.u32 v8, v19;
	v31 =	vld.idx.msk [tilespmem:v34+s15+$0x0], $0xffff;
	[tilespmem:s16+$0xFFFFFF90] =	vst v24  }
0x54e: {  	v24 =	vld.idx.msk [tilespmem:v39+s15+$0x0], $0xffff;
	[tilespmem:s0+$0x60] =	vst v27;
	v27 =	vor.u32 v12, v25  }
0x54f: {  	v43 =	vor.u32 v5, v18;
	v23 =	vmul.f32 $8.000000000e+00, v23;
	v32 =	vld.idx.msk [tilespmem:v40+s15+$0x0], $0xffff  }
0x550: {  	v36 =	vor.u32 v5, v17;
	v29 =	vld.idx.msk [tilespmem:v29+s15+$0x0], $0xffff;
	v28 =	vmul.f32 $8.000000000e+00, v28  }
0x551: {  	v35 =	vld.idx.msk [tilespmem:v41+s15+$0x0], $0xffff;
	[tilespmem:s0+$0xFFFFFF60] =	vst v23;
	v23 =	vmul.f32 $8.000000000e+00, v30;
	v30 =	vor.u32 v12, v26  }
0x552: {  	v34 =	vld.idx.msk [tilespmem:v42+s15+$0x0], $0xffff;
	v31 =	vmul.f32 $8.000000000e+00, v31;
	[tilespmem:s16+$0xA0] =	vst v28;
	v28 =	vor.u32 v9, v22  }
0x553: {  	[tilespmem:s1+$0x30] =	vst v23;
	v23 =	vmul.f32 $8.000000000e+00, v24;
	v24 =	vld.idx.msk [tilespmem:v27+s15+$0x0], $0xffff;
	v27 =	vor.u32 v2, v21  }
0x554: {  	v44 =	vor.u32 v2, v20;
	[tilespmem:s1+$0xFFFFFF30] =	vst v31;
	v31 =	vld.idx.msk [tilespmem:v43+s15+$0x0], $0xffff;
	v32 =	vmul.f32 $8.000000000e+00, v32  }
0x555: {  	s24 =	simm.s32 $0x8;
	v36 =	vld.idx.msk [tilespmem:v36+s15+$0x0], $0xffff;
	[tilespmem:s16+$0xFFFFFFA0] =	vst v23;
	v23 =	vmul.f32 $8.000000000e+00, v29;
	v29 =	vor.u32 v9, v19  }
0x556: {  	v37 =	vmov s24;
	v45 =	vor.u32 v13, v25;
	s14 =	simm.s32 $0x15B00;
	v30 =	vld.idx.msk [tilespmem:v30+s15+$0x0], $0xffff;
	v35 =	vmul.f32 $8.000000000e+00, v35;
	[tilespmem:s0+$0x70] =	vst v32  }
0x557: {  	v37 =	vand.u32 $0x3E, v37;
	v38 =	vor.u32 v6, v18;
	v34 =	vmul.f32 $8.000000000e+00, v34;
	[tilespmem:s14+$0x0] =	vst v23;
	v28 =	vld.idx.msk [tilespmem:v28+s15+$0x0], $0xffff  }
0x558: {  	v46 =	vor.u32 v6, v17;
	v23 =	vbroadcast v37, $0x0;
	[tilespmem:s14+$0xFFFFFF00] =	vst v35;
	v27 =	vld.idx.msk [tilespmem:v27+s15+$0x0], $0xffff;
	v24 =	vmul.f32 $8.000000000e+00, v24  }
0x559: {  	v47 =	vor.u32 v13, v26;
	v33 =	vld.idx.msk [tilespmem:v44+s15+$0x0], $0xffff;
	v31 =	vmul.f32 $8.000000000e+00, v31;
	[tilespmem:s0+$0xFFFFFF70] =	vst v34  }
0x55a: {  	v37 =	vor.u32 v1, v23;
	v36 =	vmul.f32 $8.000000000e+00, v36;
	v29 =	vld.idx.msk [tilespmem:v29+s15+$0x0], $0xffff;
	[tilespmem:s16+$0xB0] =	vst v24  }
0x55b: {  	[tilespmem:s1+$0x40] =	vst v31;
	v24 =	vor.u32 v10, v22;
	v30 =	vmul.f32 $8.000000000e+00, v30;
	v31 =	vld.idx.msk [tilespmem:v45+s15+$0x0], $0xffff  }
0x55c: {  	v48 =	vor.u32 v3, v21;
	[tilespmem:s1+$0xFFFFFF40] =	vst v36;
	v49 =	vld.idx.msk [tilespmem:v38+s15+$0x0], $0xffff  }
0x55d: {  	v50 =	vor.u32 v3, v20;
	v35 =	vld.idx.msk [tilespmem:v46+s15+$0x0], $0xffff;
	v28 =	vmul.f32 $8.000000000e+00, v28;
	[tilespmem:s16+$0xFFFFFFB0] =	vst v30  }
0x55e: {  	v30 =	vor.u32 v10, v19;
	v27 =	vmul.f32 $8.000000000e+00, v27;
	v34 =	vld.idx.msk [tilespmem:v47+s15+$0x0], $0xffff  }
0x55f: {  	v33 =	vmul.f32 $8.000000000e+00, v33;
	v37 =	vld.idx.msk [tilespmem:v37+s15+$0x0], $0xffff;
	[tilespmem:s0+$0x80] =	vst v28;
	v28 =	vor.u32 v14, v25  }
0x560: {  	[tilespmem:s14+$0x10] =	vst v27;
	v27 =	vor.u32 v7, v18;
	v29 =	vmul.f32 $8.000000000e+00, v29;
	v24 =	vld.idx.msk [tilespmem:v24+s15+$0x0], $0xffff  }
0x561: {  	v51 =	vor.u32 v7, v17;
	[tilespmem:s14+$0xFFFFFF10] =	vst v33;
	v32 =	vld.idx.msk [tilespmem:v48+s15+$0x0], $0xffff;
	v31 =	vmul.f32 $8.000000000e+00, v31  }
0x562: {  	v38 =	vld.idx.msk [tilespmem:v50+s15+$0x0], $0xffff;
	v36 =	vmul.f32 $8.000000000e+00, v49;
	[tilespmem:s0+$0xFFFFFF80] =	vst v29;
	v29 =	vor.u32 v14, v26  }
0x563: {  	v50 =	vor.u32 v2, v23;
	v35 =	vmul.f32 $8.000000000e+00, v35;
	v30 =	vld.idx.msk [tilespmem:v30+s15+$0x0], $0xffff;
	[tilespmem:s16+$0xC0] =	vst v31  }
0x564: {  	v31 =	vor.u32 v11, v22;
	[tilespmem:s1+$0x50] =	vst v36;
	v34 =	vmul.f32 $8.000000000e+00, v34;
	v28 =	vld.idx.msk [tilespmem:v28+s15+$0x0], $0xffff  }
0x565: {  	s30 =	simm.s32 $0x9;
	v52 =	vor.u32 v4, v21;
	[tilespmem:s1+$0xFFFFFF50] =	vst v35;
	v37 =	vmul.f32 $8.000000000e+00, v37;
	v27 =	vld.idx.msk [tilespmem:v27+s15+$0x0], $0xffff  }
0x566: {  	v53 =	vmov s30;
	s21 =	simm.s32 $0x15D00;
	v39 =	vor.u32 v4, v20;
	v40 =	vmul.f32 $8.000000000e+00, v24;
	v33 =	vld.idx.msk [tilespmem:v51+s15+$0x0], $0xffff;
	[tilespmem:s16+$0xFFFFFFC0] =	vst v34  }
0x567: {  	v54 =	vor.u32 v11, v19;
	v24 =	vand.u32 $0x3F, v53;
	v32 =	vmul.f32 $8.000000000e+00, v32;
	[tilespmem:s21+$0xFFFFFF00] =	vst v37;
	v29 =	vld.idx.msk [tilespmem:v29+s15+$0x0], $0xffff  }
0x568: {  	v56 =	vor.u32 v15, v25;
	v24 =	vbroadcast v24, $0x0;
	v55 =	vmul.f32 $8.000000000e+00, v38;
	[tilespmem:s0+$0x90] =	vst v40;
	v37 =	vld.idx.msk [tilespmem:v50+s15+$0x0], $0xffff  }
0x569: {  	v57 =	vor.u32 v8, v18;
	[tilespmem:s14+$0x20] =	vst v32;
	v30 =	vmul.f32 $8.000000000e+00, v30;
	v31 =	vld.idx.msk [tilespmem:v31+s15+$0x0], $0xffff  }
0x56a: {  	v58 =	vor.u32 v1, v24;
	[tilespmem:s14+$0xFFFFFF20] =	vst v55;
	v59 =	vld.idx.msk [tilespmem:v52+s15+$0x0], $0xffff;
	v28 =	vmul.f32 $8.000000000e+00, v28  }
0x56b: {  	v61 =	vor.u32 v8, v17;
	v60 =	vld.idx.msk [tilespmem:v39+s15+$0x0], $0xffff;
	v27 =	vmul.f32 $8.000000000e+00, v27;
	[tilespmem:s0+$0xFFFFFF90] =	vst v30  }
0x56c: {  	v62 =	vor.u32 v15, v26;
	v30 =	vld.idx.msk [tilespmem:v54+s15+$0x0], $0xffff;
	[tilespmem:s16+$0xD0] =	vst v28;
	v28 =	vmul.f32 $8.000000000e+00, v33  }
0x56d: {  	[tilespmem:s1+$0x60] =	vst v27;
	v27 =	vor.u32 v12, v22;
	v63 =	vld.idx.msk [tilespmem:v56+s15+$0x0], $0xffff;
	v29 =	vmul.f32 $8.000000000e+00, v29  }
0x56e: {  	v44 =	vor.u32 v5, v21;
	v32 =	vld.idx.msk [tilespmem:v57+s15+$0x0], $0xffff;
	[tilespmem:s1+$0xFFFFFF60] =	vst v28;
	v31 =	vmul.f32 $8.000000000e+00, v31  }
0x56f: {  	v45 =	vor.u32 v5, v20;
	v28 =	vld.idx.msk [tilespmem:v58+s15+$0x0], $0xffff;
	[tilespmem:s16+$0xFFFFFFD0] =	vst v29;
	v29 =	vmul.f32 $8.000000000e+00, v59  }
0x570: {  	v47 =	vor.u32 v12, v19;
	v46 =	vld.idx.msk [tilespmem:v61+s15+$0x0], $0xffff;
	v36 =	vmul.f32 $8.000000000e+00, v60;
	[tilespmem:s0+$0xA0] =	vst v31  }
0x571: {  	v25 =	vor.u32 v16, v25;
	v31 =	vld.idx.msk [tilespmem:v62+s15+$0x0], $0xffff;
	[tilespmem:s14+$0x30] =	vst v29;
	v30 =	vmul.f32 $8.000000000e+00, v30  }
0x572: {  	v29 =	vor.u32 v9, v18;
	[tilespmem:s14+$0xFFFFFF30] =	vst v36;
	v27 =	vld.idx.msk [tilespmem:v27+s15+$0x0], $0xffff;
	v33 =	vmul.f32 $8.000000000e+00, v63  }
0x573: {  	v48 =	vor.u32 v2, v24;
	v49 =	vld.idx.msk [tilespmem:v44+s15+$0x0], $0xffff;
	v32 =	vmul.f32 $8.000000000e+00, v32;
	[tilespmem:s0+$0xFFFFFFA0] =	vst v30  }
0x574: {  	v40 =	vld.idx.msk [tilespmem:v45+s15+$0x0], $0xffff;
	v28 =	vmul.f32 $8.000000000e+00, v28;
	v30 =	vor.u32 v9, v17;
	[tilespmem:s16+$0xE0] =	vst v33  }
0x575: {  	v52 =	vor.u32 v13, v22;
	v61 =	vmul.f32 $8.000000000e+00, v37;
	v39 =	vld.idx.msk [tilespmem:v47+s15+$0x0], $0xffff;
	[tilespmem:s1+$0x70] =	vst v32  }
0x576: {  	s31 =	simm.s32 $0xA;
	v35 =	vmul.f32 $8.000000000e+00, v46;
	v41 =	vld.idx.msk [tilespmem:v25+s15+$0x0], $0xffff;
	[tilespmem:s21+$0x0] =	vst v28;
	v28 =	vor.u32 v6, v21  }
0x577: {  	v51 =	vmov s31;
	v60 =	vor.u32 v3, v23;
	[tilespmem:s21+$0xFFFFFF10] =	vst v61;
	v29 =	vld.idx.msk [tilespmem:v29+s15+$0x0], $0xffff;
	v27 =	vmul.f32 $8.000000000e+00, v27  }
0x578: {  	v54 =	vor.u32 v6, v20;
	v25 =	vand.u32 $0x3E, v51;
	v53 =	vld.idx.msk [tilespmem:v48+s15+$0x0], $0xffff;
	[tilespmem:s1+$0xFFFFFF70] =	vst v35;
	v36 =	vmul.f32 $8.000000000e+00, v49  }
0x579: {  	v55 =	vor.u32 v13, v19;
	v25 =	vbroadcast v25, $0x0;
	v40 =	vmul.f32 $8.000000000e+00, v40;
	v30 =	vld.idx.msk [tilespmem:v30+s15+$0x0], $0xffff;
	[tilespmem:s0+$0xB0] =	vst v27  }
0x57a: {  	[tilespmem:s14+$0x40] =	vst v36;
	v27 =	vor.u32 v10, v18;
	v57 =	vmul.f32 $8.000000000e+00, v39;
	v32 =	vld.idx.msk [tilespmem:v52+s15+$0x0], $0xffff  }
0x57b: {  	v56 =	vor.u32 v1, v25;
	[tilespmem:s14+$0xFFFFFF40] =	vst v40;
	v59 =	vld.idx.msk [tilespmem:v28+s15+$0x0], $0xffff;
	v28 =	vmul.f32 $8.000000000e+00, v41  }
0x57c: {  	v58 =	vor.u32 v3, v24;
	v38 =	vld.idx.msk [tilespmem:v60+s15+$0x0], $0xffff;
	v29 =	vmul.f32 $8.000000000e+00, v29;
	[tilespmem:s0+$0xFFFFFFB0] =	vst v57  }
0x57d: {  	v43 =	vor.u32 v10, v17;
	v42 =	vld.idx.msk [tilespmem:v54+s15+$0x0], $0xffff;
	v33 =	vmul.f32 $8.000000000e+00, v53;
	[tilespmem:s16+$0xF0] =	vst v28  }
0x57e: {  	v35 =	vld.idx.msk [tilespmem:v55+s15+$0x0], $0xffff;
	[tilespmem:s1+$0x80] =	vst v29;
	v29 =	vor.u32 v14, v22;
	v30 =	vmul.f32 $8.000000000e+00, v30  }
0x57f: {  	v44 =	vor.u32 v7, v21;
	[tilespmem:s21+$0x10] =	vst v33;
	v34 =	vld.idx.msk [tilespmem:v27+s15+$0x0], $0xffff;
	v27 =	vmul.f32 $8.000000000e+00, v32  }
0x580: {  	v36 =	vor.u32 v7, v20;
	v28 =	vld.idx.msk [tilespmem:v56+s15+$0x0], $0xffff;
	[tilespmem:s1+$0xFFFFFF80] =	vst v30  }
0x581: {  	v39 =	vld.idx.msk [tilespmem:v58+s15+$0x0], $0xffff;
	v62 =	vmul.f32 $8.000000000e+00, v59;
	[tilespmem:s0+$0xC0] =	vst v27;
	v27 =	vmul.f32 $8.000000000e+00, v31;
	v31 =	vor.u32 v14, v19  }
0x582: {  	v63 =	vmul.f32 $8.000000000e+00, v42;
	v30 =	vor.u32 v16, v26;
	v32 =	vld.idx.msk [tilespmem:v43+s15+$0x0], $0xffff  }
0x583: {  	[tilespmem:s14+$0x50] =	vst v62;
	v37 =	vmul.f32 $8.000000000e+00, v35;
	v33 =	vld.idx.msk [tilespmem:v29+s15+$0x0], $0xffff;
	v29 =	vor.u32 v11, v18  }
0x584: {  	s8 =	simm.s32 $0xB;
	s7 =	simm.s32 $0xC;
	v40 =	vor.u32 v4, v24;
	[tilespmem:s14+$0xFFFFFF50] =	vst v63;
	v35 =	vld.idx.msk [tilespmem:v44+s15+$0x0], $0xffff  }
.LBB2_14:
0x585: {  	p0 =	slt.u32 s7, $0x3E;
	v26 =	vmov s8;
	v41 =	vor.u32 v4, v23;
	v36 =	vld.idx.msk [tilespmem:v36+s15+$0x0], $0xffff;
	v34 =	vmul.f32 $8.000000000e+00, v34;
	[tilespmem:s0+$0xFFFFFFC0] =	vst v37  }
0x586: {  	v37 =	vmul.f32 $8.000000000e+00, v39;
	v39 =	vor.u32 v11, v17;
	v26 =	vand.u32 $0x3F, v26;
	v31 =	vld.idx.msk [tilespmem:v31+s15+$0x0], $0xffff;
	[tilespmem:s16+$0xFFFFFFE0] =	vst v27  }
0x587: {  	v27 =	vmul.f32 $8.000000000e+00, v38;
	v26 =	vbroadcast v26, $0x0;
	[tilespmem:s1+$0x90] =	vst v34;
	v34 =	vor.u32 v15, v22;
	v30 =	vld.idx.msk [tilespmem:v30+s15+$0x0], $0xffff  }
0x588: {  	v32 =	vmul.f32 $8.000000000e+00, v32;
	[tilespmem:s21+$0x20] =	vst v37;
	v37 =	vor.u32 v8, v21;
	v29 =	vld.idx.msk [tilespmem:v29+s15+$0x0], $0xffff  }
0x589: {  	v33 =	vmul.f32 $8.000000000e+00, v33;
	v38 =	vor.u32 v1, v26;
	[tilespmem:s21+$0xFFFFFF20] =	vst v27;
	v27 =	vld.idx.msk [tilespmem:v40+s15+$0x0], $0xffff  }
0x58a: {  	v35 =	vmul.f32 $8.000000000e+00, v35;
	v40 =	vld.idx.msk [tilespmem:v41+s15+$0x0], $0xffff;
	v41 =	vor.u32 v8, v20;
	[tilespmem:s1+$0xFFFFFF90] =	vst v32  }
0x58b: {  	v32 =	vmul.f32 $8.000000000e+00, v36;
	v36 =	vld.idx.msk [tilespmem:v39+s15+$0x0], $0xffff;
	v39 =	vor.u32 v15, v19;
	[tilespmem:s0+$0xD0] =	vst v33  }
0x58c: {  	v33 =	vor.u32 v12, v18;
	v31 =	vmul.f32 $8.000000000e+00, v31;
	[tilespmem:s14+$0x60] =	vst v35;
	v34 =	vld.idx.msk [tilespmem:v34+s15+$0x0], $0xffff  }
0x58d: {  	v35 =	vor.u32 v5, v24;
	v30 =	vmul.f32 $8.000000000e+00, v30;
	[tilespmem:s14+$0xFFFFFF60] =	vst v32;
	v32 =	vld.idx.msk [tilespmem:v37+s15+$0x0], $0xffff  }
0x58e: {  	v29 =	vmul.f32 $8.000000000e+00, v29;
	v37 =	vld.idx.msk [tilespmem:v38+s15+$0x0], $0xffff;
	v38 =	vor.u32 v5, v23;
	[tilespmem:s0+$0xFFFFFFD0] =	vst v31  }
0x58f: {  	v27 =	vmul.f32 $8.000000000e+00, v27;
	v31 =	vld.idx.msk [tilespmem:v41+s15+$0x0], $0xffff;
	v41 =	vor.u32 v12, v17;
	[tilespmem:s16+$0xFFFFFFF0] =	vst v30;
	s16 =	smov.u32 s0;
	s0 =	smov.u32 s1;
	s1 =	smov.u32 s14  }
0x590: {  	v30 =	vmul.f32 $8.000000000e+00, v40;
	s14 =	smov.u32 s21;
	[tilespmem:s0+$0xA0] =	vst v29;
	v29 =	vld.idx.msk [tilespmem:v39+s15+$0x0], $0xffff;
	v39 =	vor.u32 v16, v22;
	v22 =	vmovc v18;
	v18 =	vmov v21  }
0x591: {  	v36 =	vmul.f32 $8.000000000e+00, v36;
	v21 =	vmovc v24;
	v24 =	vmov v26;
	[tilespmem:s21+$0x30] =	vst v27;
	v27 =	vor.u32 v9, v18;
	v33 =	vld.idx.msk [tilespmem:v33+s15+$0x0], $0xffff  }
0x592: {  	v26 =	vor.u32 v2, v24;
	v34 =	vmul.f32 $8.000000000e+00, v34;
	[tilespmem:s21+$0xFFFFFF30] =	vst v30;
	v30 =	vld.idx.msk [tilespmem:v35+s15+$0x0], $0xffff  }
0x593: {  	v35 =	vor.u32 v2, v25;
	v32 =	vmul.f32 $8.000000000e+00, v32;
	v38 =	vld.idx.msk [tilespmem:v38+s15+$0x0], $0xffff;
	[tilespmem:s0+$0xFFFFFFA0] =	vst v36  }
0x594: {  	v40 =	vor.u32 v9, v20;
	v36 =	vmov s7;
	v37 =	vmul.f32 $8.000000000e+00, v37;
	v41 =	vld.idx.msk [tilespmem:v41+s15+$0x0], $0xffff;
	[tilespmem:s16+$0xE0] =	vst v34  }
0x595: {  	v28 =	vmul.f32 $8.000000000e+00, v28;
	s21 =	sadd.s32 $0x200, s21;
	v31 =	vmul.f32 $8.000000000e+00, v31;
	[tilespmem:s1+$0x70] =	vst v32;
	v32 =	vor.u32 v13, v22;
	v34 =	vld.idx.msk [tilespmem:v39+s15+$0x0], $0xffff  }
0x596: {  	v36 =	vand.u32 $0x3E, v36;
	[tilespmem:s21+$0x0] =	vst v37;
	v37 =	vor.u32 v6, v21;
	v39 =	vld.idx.msk [tilespmem:v27+s15+$0x0], $0xffff;
	v27 =	vmul.f32 $8.000000000e+00, v29  }
0x597: {  	v42 =	vbroadcast v36, $0x0;
	v29 =	vmul.f32 $8.000000000e+00, v33;
	[tilespmem:s21+$0xFFFFFF00] =	vst v28;
	v26 =	vld.idx.msk [tilespmem:v26+s15+$0x0], $0xffff;
	v28 =	vor.u32 v6, v23  }
0x598: {  	v30 =	vmul.f32 $8.000000000e+00, v30;
	v33 =	vld.idx.msk [tilespmem:v35+s15+$0x0], $0xffff;
	[tilespmem:s1+$0xFFFFFF70] =	vst v31;
	v31 =	vor.u32 v13, v17  }
0x599: {  	v35 =	vor.u32 v1, v42;
	v36 =	vmul.f32 $8.000000000e+00, v38;
	v38 =	vld.idx.msk [tilespmem:v40+s15+$0x0], $0xffff;
	[tilespmem:s0+$0xB0] =	vst v29  }
0x59a: {  	v29 =	vor.u32 v10, v18;
	[tilespmem:s14+$0x40] =	vst v30;
	v30 =	vmul.f32 $8.000000000e+00, v41;
	v32 =	vld.idx.msk [tilespmem:v32+s15+$0x0], $0xffff  }
0x59b: {  	v40 =	vor.u32 v3, v24;
	v34 =	vmul.f32 $8.000000000e+00, v34;
	[tilespmem:s14+$0xFFFFFF40] =	vst v36;
	v37 =	vld.idx.msk [tilespmem:v37+s15+$0x0], $0xffff  }
0x59c: {  	v41 =	vor.u32 v3, v25;
	v36 =	vmul.f32 $8.000000000e+00, v39;
	v43 =	vld.idx.msk [tilespmem:v28+s15+$0x0], $0xffff;
	[tilespmem:s0+$0xFFFFFFB0] =	vst v30  }
0x59d: {  	v26 =	vmul.f32 $8.000000000e+00, v26;
	v30 =	vor.u32 v10, v20;
	v44 =	vld.idx.msk [tilespmem:v31+s15+$0x0], $0xffff;
	[tilespmem:s16+$0xF0] =	vst v34  }
0x59e: {  	v31 =	vmul.f32 $8.000000000e+00, v33;
	v33 =	vor.u32 v14, v22;
	v28 =	vld.idx.msk [tilespmem:v35+s15+$0x0], $0xffff;
	[tilespmem:s1+$0x80] =	vst v36  }
0x59f: {  	v35 =	vmul.f32 $8.000000000e+00, v38;
	[tilespmem:s21+$0x10] =	vst v26;
	v26 =	vor.u32 v7, v21;
	v34 =	vld.idx.msk [tilespmem:v29+s15+$0x0], $0xffff  }
.Ltmp6:
0x5a0: {  	v36 =	vor.u32 v7, v23;
	v29 =	vmul.f32 $8.000000000e+00, v32;
	[tilespmem:s21+$0xFFFFFF10] =	vst v31;
	v39 =	vld.idx.msk [tilespmem:v40+s15+$0x0], $0xffff;
	(pc) =	sbr.rel @p0 .LBB2_14-.Ltmp6, $4  }
0x5a1: {  	v37 =	vmul.f32 $8.000000000e+00, v37;
	v31 =	vor.u32 v14, v17;
	v38 =	vld.idx.msk [tilespmem:v41+s15+$0x0], $0xffff;
	[tilespmem:s1+$0xFFFFFF80] =	vst v35  }
0x5a2: {  	v35 =	vmul.f32 $8.000000000e+00, v43;
	v32 =	vld.idx.msk [tilespmem:v30+s15+$0x0], $0xffff;
	[tilespmem:s0+$0xC0] =	vst v29;
	v30 =	vor.u32 v16, v19;
	v19 =	vmovc v17;
	v17 =	vmov v20  }
0x5a3: {  	v29 =	vor.u32 v11, v18;
	v20 =	vmovc v23;
	v23 =	vmov v25;
	[tilespmem:s14+$0x50] =	vst v37;
	v37 =	vmul.f32 $8.000000000e+00, v44;
	v33 =	vld.idx.msk [tilespmem:v33+s15+$0x0], $0xffff  }
0x5a4: {  	s8 =	sadd.s32 $0x1, s7;
	s7 =	sadd.s32 $0x2, s7;
	v40 =	vor.u32 v4, v24;
	v25 =	vmov v42;
	[tilespmem:s14+$0xFFFFFF50] =	vst v35;
	v35 =	vld.idx.msk [tilespmem:v26+s15+$0x0], $0xffff  }
0x5a5: {  	v26 =	vmov s8  }
0x5a6: {  	v26 =	vand.u32 $0x3F, v26  }
0x5a7: {  	v26 =	vbroadcast v26, $0x0;
	_ =	sdelay $0x1  }
0x5a8: {  	v41 =	vor.u32 v1, v26;
	_ =	sdelay $0x4  }
0x5a9: {  	v41 =	vld.idx.msk [tilespmem:v41+s15+$0x0], $0xffff;
	_ =	sdelay $0x2  }
0x5aa: {  	v42 =	vor.u32 v2, v26  }
0x5ab: {  	v43 =	vor.u32 v2, v25  }
0x5ac: {  	v41 =	vmul.f32 $8.000000000e+00, v41  }
0x5ad: {  	v28 =	vmul.f32 $8.000000000e+00, v28;
	s7 =	sadd.s32 $0x200, s21  }
0x5ae: {  	[tilespmem:s7+$0x0] =	vst v41  }
0x5af: {  	[tilespmem:s7+$0xFFFFFF00] =	vst v28;
	v28 =	vld.idx.msk [tilespmem:v42+s15+$0x0], $0xffff  }
0x5b0: {  	v52 =	vld.idx.msk [tilespmem:v43+s15+$0x0], $0xffff;
	_ =	sdelay $0x1  }
0x5b1: {  	v53 =	vor.u32 v3, v26  }
0x5b2: {  	v54 =	vor.u32 v3, v25  }
0x5b3: {  	v28 =	vmul.f32 $8.000000000e+00, v28  }
0x5b4: {  	v41 =	vmul.f32 $8.000000000e+00, v52  }
0x5b5: {  	[tilespmem:s7+$0x10] =	vst v28  }
0x5b6: {  	[tilespmem:s7+$0xFFFFFF10] =	vst v41;
	v28 =	vld.idx.msk [tilespmem:v53+s15+$0x0], $0xffff  }
0x5b7: {  	v41 =	vld.idx.msk [tilespmem:v54+s15+$0x0], $0xffff  }
0x5b8: {  	v55 =	vor.u32 v4, v23  }
0x5b9: {  	v39 =	vmul.f32 $8.000000000e+00, v39;
	v56 =	vor.u32 v4, v26  }
0x5ba: {  	v44 =	vor.u32 v4, v25;
	v38 =	vmul.f32 $8.000000000e+00, v38  }
0x5bb: {  	[tilespmem:s21+$0x20] =	vst v39;
	v28 =	vmul.f32 $8.000000000e+00, v28  }
0x5bc: {  	[tilespmem:s21+$0xFFFFFF20] =	vst v38;
	v57 =	vld.idx.msk [tilespmem:v40+s15+$0x0], $0xffff;
	v58 =	vmul.f32 $8.000000000e+00, v41  }
0x5bd: {  	v59 =	vld.idx.msk [tilespmem:v55+s15+$0x0], $0xffff;
	[tilespmem:s7+$0x20] =	vst v28  }
0x5be: {  	[tilespmem:s7+$0xFFFFFF20] =	vst v58;
	v28 =	vld.idx.msk [tilespmem:v56+s15+$0x0], $0xffff  }
0x5bf: {  	v60 =	vor.u32 v5, v24;
	v61 =	vld.idx.msk [tilespmem:v44+s15+$0x0], $0xffff  }
0x5c0: {  	v62 =	vor.u32 v5, v23  }
0x5c1: {  	v63 =	vor.u32 v5, v26;
	v38 =	vmul.f32 $8.000000000e+00, v57  }
0x5c2: {  	v48 =	vor.u32 v5, v25;
	v40 =	vmul.f32 $8.000000000e+00, v59  }
0x5c3: {  	[tilespmem:s21+$0x30] =	vst v38;
	v28 =	vmul.f32 $8.000000000e+00, v28  }
0x5c4: {  	v38 =	vld.idx.msk [tilespmem:v60+s15+$0x0], $0xffff;
	[tilespmem:s21+$0xFFFFFF30] =	vst v40;
	v49 =	vmul.f32 $8.000000000e+00, v61  }
0x5c5: {  	v40 =	vld.idx.msk [tilespmem:v62+s15+$0x0], $0xffff;
	[tilespmem:s7+$0x30] =	vst v28  }
0x5c6: {  	[tilespmem:s7+$0xFFFFFF30] =	vst v49;
	v28 =	vld.idx.msk [tilespmem:v63+s15+$0x0], $0xffff  }
0x5c7: {  	v50 =	vor.u32 v6, v24;
	v51 =	vld.idx.msk [tilespmem:v48+s15+$0x0], $0xffff  }
0x5c8: {  	v52 =	vor.u32 v6, v23  }
0x5c9: {  	v38 =	vmul.f32 $8.000000000e+00, v38;
	v53 =	vor.u32 v6, v26  }
0x5ca: {  	v40 =	vmul.f32 $8.000000000e+00, v40;
	v54 =	vor.u32 v6, v25  }
0x5cb: {  	[tilespmem:s21+$0x40] =	vst v38;
	v28 =	vmul.f32 $8.000000000e+00, v28  }
0x5cc: {  	v38 =	vld.idx.msk [tilespmem:v50+s15+$0x0], $0xffff;
	[tilespmem:s21+$0xFFFFFF40] =	vst v40;
	v55 =	vmul.f32 $8.000000000e+00, v51  }
0x5cd: {  	[tilespmem:s7+$0x40] =	vst v28;
	v28 =	vld.idx.msk [tilespmem:v52+s15+$0x0], $0xffff  }
0x5ce: {  	[tilespmem:s7+$0xFFFFFF40] =	vst v55;
	v56 =	vld.idx.msk [tilespmem:v53+s15+$0x0], $0xffff  }
0x5cf: {  	v57 =	vor.u32 v7, v24;
	v58 =	vld.idx.msk [tilespmem:v54+s15+$0x0], $0xffff  }
0x5d0: {  	v34 =	vmul.f32 $8.000000000e+00, v34;
	[tilespmem:s0+$0xFFFFFFC0] =	vst v37;
	v59 =	vor.u32 v7, v23  }
0x5d1: {  	[tilespmem:s16+$0xFFFFFFE0] =	vst v27;
	v60 =	vor.u32 v7, v26;
	v27 =	vmul.f32 $8.000000000e+00, v38  }
0x5d2: {  	[tilespmem:s1+$0x90] =	vst v34;
	v61 =	vor.u32 v7, v25;
	v28 =	vmul.f32 $8.000000000e+00, v28  }
0x5d3: {  	v36 =	vld.idx.msk [tilespmem:v36+s15+$0x0], $0xffff;
	[tilespmem:s21+$0x50] =	vst v27;
	v27 =	vmul.f32 $8.000000000e+00, v56  }
0x5d4: {  	v62 =	vmul.f32 $8.000000000e+00, v58;
	[tilespmem:s21+$0xFFFFFF50] =	vst v28;
	v28 =	vld.idx.msk [tilespmem:v57+s15+$0x0], $0xffff  }
0x5d5: {  	v32 =	vmul.f32 $8.000000000e+00, v32;
	v63 =	vor.u32 v8, v21;
	v37 =	vld.idx.msk [tilespmem:v59+s15+$0x0], $0xffff;
	[tilespmem:s7+$0x50] =	vst v27  }
0x5d6: {  	v44 =	vor.u32 v8, v20;
	[tilespmem:s7+$0xFFFFFF50] =	vst v62;
	v27 =	vmul.f32 $8.000000000e+00, v33;
	v38 =	vld.idx.msk [tilespmem:v60+s15+$0x0], $0xffff  }
0x5d7: {  	v45 =	vor.u32 v8, v24;
	v35 =	vmul.f32 $8.000000000e+00, v35;
	[tilespmem:s1+$0xFFFFFF90] =	vst v32;
	v34 =	vld.idx.msk [tilespmem:v61+s15+$0x0], $0xffff  }
0x5d8: {  	v31 =	vld.idx.msk [tilespmem:v31+s15+$0x0], $0xffff;
	v36 =	vmul.f32 $8.000000000e+00, v36;
	[tilespmem:s0+$0xD0] =	vst v27;
	v27 =	vor.u32 v8, v23  }
0x5d9: {  	v30 =	vld.idx.msk [tilespmem:v30+s15+$0x0], $0xffff;
	v46 =	vor.u32 v8, v26;
	[tilespmem:s14+$0x60] =	vst v35;
	v28 =	vmul.f32 $8.000000000e+00, v28  }
0x5da: {  	[tilespmem:s14+$0xFFFFFF60] =	vst v36;
	v48 =	vor.u32 v8, v25;
	v47 =	vld.idx.msk [tilespmem:v63+s15+$0x0], $0xffff;
	v37 =	vmul.f32 $8.000000000e+00, v37  }
0x5db: {  	v33 =	vld.idx.msk [tilespmem:v44+s15+$0x0], $0xffff;
	[tilespmem:s21+$0x60] =	vst v28;
	v28 =	vmul.f32 $8.000000000e+00, v38  }
0x5dc: {  	v49 =	vor.u32 v11, v17;
	v34 =	vmul.f32 $8.000000000e+00, v34;
	[tilespmem:s21+$0xFFFFFF60] =	vst v37;
	v32 =	vld.idx.msk [tilespmem:v45+s15+$0x0], $0xffff  }
0x5dd: {  	v31 =	vmul.f32 $8.000000000e+00, v31;
	v50 =	vor.u32 v9, v21;
	v27 =	vld.idx.msk [tilespmem:v27+s15+$0x0], $0xffff;
	[tilespmem:s7+$0x60] =	vst v28  }
0x5de: {  	[tilespmem:s7+$0xFFFFFF60] =	vst v34;
	v28 =	vmul.f32 $8.000000000e+00, v30;
	v30 =	vor.u32 v9, v20;
	v51 =	vld.idx.msk [tilespmem:v46+s15+$0x0], $0xffff  }
0x5df: {  	[tilespmem:s0+$0xFFFFFFD0] =	vst v31;
	v52 =	vor.u32 v9, v24;
	v31 =	vmul.f32 $8.000000000e+00, v47;
	v53 =	vld.idx.msk [tilespmem:v48+s15+$0x0], $0xffff  }
0x5e0: {  	v29 =	vld.idx.msk [tilespmem:v29+s15+$0x0], $0xffff;
	v54 =	vor.u32 v9, v23;
	[tilespmem:s16+$0xFFFFFFF0] =	vst v28;
	v28 =	vmul.f32 $8.000000000e+00, v33  }
0x5e1: {  	v55 =	vor.u32 v9, v26;
	[tilespmem:s14+$0x70] =	vst v31;
	v38 =	vld.idx.msk [tilespmem:v49+s15+$0x0], $0xffff;
	v31 =	vmul.f32 $8.000000000e+00, v32  }
0x5e2: {  	v37 =	vld.idx.msk [tilespmem:v50+s15+$0x0], $0xffff;
	[tilespmem:s14+$0xFFFFFF70] =	vst v28;
	v28 =	vor.u32 v9, v25;
	v27 =	vmul.f32 $8.000000000e+00, v27  }
0x5e3: {  	v56 =	vor.u32 v15, v22;
	v30 =	vld.idx.msk [tilespmem:v30+s15+$0x0], $0xffff;
	[tilespmem:s21+$0x70] =	vst v31;
	v31 =	vmul.f32 $8.000000000e+00, v51  }
0x5e4: {  	v57 =	vor.u32 v12, v18;
	v35 =	vld.idx.msk [tilespmem:v52+s15+$0x0], $0xffff;
	[tilespmem:s21+$0xFFFFFF70] =	vst v27;
	v27 =	vmul.f32 $8.000000000e+00, v53  }
0x5e5: {  	v29 =	vmul.f32 $8.000000000e+00, v29;
	v58 =	vor.u32 v10, v21;
	v33 =	vld.idx.msk [tilespmem:v54+s15+$0x0], $0xffff;
	[tilespmem:s7+$0x70] =	vst v31  }
0x5e6: {  	v59 =	vor.u32 v10, v20;
	v31 =	vmul.f32 $8.000000000e+00, v38;
	v32 =	vld.idx.msk [tilespmem:v55+s15+$0x0], $0xffff;
	[tilespmem:s7+$0xFFFFFF70] =	vst v27  }
0x5e7: {  	[tilespmem:s1+$0xA0] =	vst v29;
	v29 =	vor.u32 v10, v24;
	v27 =	vmul.f32 $8.000000000e+00, v37;
	v28 =	vld.idx.msk [tilespmem:v28+s15+$0x0], $0xffff  }
0x5e8: {  	v60 =	vld.idx.msk [tilespmem:v56+s15+$0x0], $0xffff;
	[tilespmem:s1+$0xFFFFFFA0] =	vst v31;
	v30 =	vmul.f32 $8.000000000e+00, v30;
	v31 =	vor.u32 v10, v23  }
0x5e9: {  	v61 =	vor.u32 v10, v26;
	v34 =	vld.idx.msk [tilespmem:v57+s15+$0x0], $0xffff;
	[tilespmem:s14+$0x80] =	vst v27;
	v27 =	vmul.f32 $8.000000000e+00, v35  }
0x5ea: {  	v62 =	vor.u32 v10, v25;
	v36 =	vld.idx.msk [tilespmem:v58+s15+$0x0], $0xffff;
	[tilespmem:s14+$0xFFFFFF80] =	vst v30;
	v30 =	vmul.f32 $8.000000000e+00, v33  }
0x5eb: {  	v63 =	vor.u32 v12, v17;
	v38 =	vld.idx.msk [tilespmem:v59+s15+$0x0], $0xffff;
	[tilespmem:s21+$0x80] =	vst v27;
	v27 =	vmul.f32 $8.000000000e+00, v32  }
0x5ec: {  	v22 =	vor.u32 v16, v22;
	v29 =	vld.idx.msk [tilespmem:v29+s15+$0x0], $0xffff;
	[tilespmem:s21+$0xFFFFFF80] =	vst v30;
	v28 =	vmul.f32 $8.000000000e+00, v28  }
0x5ed: {  	v42 =	vor.u32 v11, v21;
	v30 =	vmul.f32 $8.000000000e+00, v60;
	v31 =	vld.idx.msk [tilespmem:v31+s15+$0x0], $0xffff;
	[tilespmem:s7+$0x80] =	vst v27  }
0x5ee: {  	v43 =	vor.u32 v11, v20;
	v27 =	vmul.f32 $8.000000000e+00, v34;
	v35 =	vld.idx.msk [tilespmem:v61+s15+$0x0], $0xffff;
	[tilespmem:s7+$0xFFFFFF80] =	vst v28  }
0x5ef: {  	[tilespmem:s0+$0xE0] =	vst v30;
	v28 =	vmul.f32 $8.000000000e+00, v36;
	v30 =	vor.u32 v11, v24;
	v33 =	vld.idx.msk [tilespmem:v62+s15+$0x0], $0xffff  }
0x5f0: {  	v45 =	vor.u32 v11, v23;
	v44 =	vld.idx.msk [tilespmem:v63+s15+$0x0], $0xffff;
	[tilespmem:s1+$0xB0] =	vst v27;
	v27 =	vmul.f32 $8.000000000e+00, v38  }
0x5f1: {  	v22 =	vld.idx.msk [tilespmem:v22+s15+$0x0], $0xffff;
	[tilespmem:s14+$0x90] =	vst v28;
	v28 =	vmul.f32 $8.000000000e+00, v29;
	v29 =	vor.u32 v11, v26  }
0x5f2: {  	v32 =	vld.idx.msk [tilespmem:v42+s15+$0x0], $0xffff;
	[tilespmem:s14+$0xFFFFFF90] =	vst v27;
	v27 =	vmul.f32 $8.000000000e+00, v31;
	v31 =	vor.u32 v11, v25  }
0x5f3: {  	v46 =	vor.u32 v13, v18;
	v34 =	vld.idx.msk [tilespmem:v43+s15+$0x0], $0xffff;
	[tilespmem:s21+$0x90] =	vst v28;
	v28 =	vmul.f32 $8.000000000e+00, v35  }
0x5f4: {  	v47 =	vor.u32 v13, v17;
	v30 =	vld.idx.msk [tilespmem:v30+s15+$0x0], $0xffff;
	[tilespmem:s21+$0xFFFFFF90] =	vst v27;
	v27 =	vmul.f32 $8.000000000e+00, v33  }
0x5f5: {  	v49 =	vor.u32 v12, v21;
	v48 =	vmul.f32 $8.000000000e+00, v44;
	v37 =	vld.idx.msk [tilespmem:v45+s15+$0x0], $0xffff;
	[tilespmem:s7+$0x90] =	vst v28  }
0x5f6: {  	v22 =	vmul.f32 $8.000000000e+00, v22;
	v28 =	vor.u32 v12, v20;
	v29 =	vld.idx.msk [tilespmem:v29+s15+$0x0], $0xffff;
	[tilespmem:s7+$0xFFFFFF90] =	vst v27  }
0x5f7: {  	v50 =	vor.u32 v12, v24;
	[tilespmem:s1+$0xFFFFFFB0] =	vst v48;
	v27 =	vmul.f32 $8.000000000e+00, v32;
	v31 =	vld.idx.msk [tilespmem:v31+s15+$0x0], $0xffff  }
0x5f8: {  	v52 =	vor.u32 v12, v23;
	v51 =	vld.idx.msk [tilespmem:v46+s15+$0x0], $0xffff;
	[tilespmem:s0+$0xF0] =	vst v22;
	v22 =	vmul.f32 $8.000000000e+00, v34  }
0x5f9: {  	v35 =	vld.idx.msk [tilespmem:v47+s15+$0x0], $0xffff;
	[tilespmem:s14+$0xA0] =	vst v27;
	v27 =	vmul.f32 $8.000000000e+00, v30;
	v30 =	vor.u32 v12, v26  }
0x5fa: {  	v53 =	vor.u32 v12, v25;
	v36 =	vld.idx.msk [tilespmem:v49+s15+$0x0], $0xffff;
	[tilespmem:s14+$0xFFFFFFA0] =	vst v22;
	v22 =	vmul.f32 $8.000000000e+00, v37  }
0x5fb: {  	v54 =	vor.u32 v15, v19;
	v28 =	vld.idx.msk [tilespmem:v28+s15+$0x0], $0xffff;
	[tilespmem:s21+$0xA0] =	vst v27;
	v27 =	vmul.f32 $8.000000000e+00, v29  }
0x5fc: {  	v29 =	vor.u32 v14, v18;
	v32 =	vld.idx.msk [tilespmem:v50+s15+$0x0], $0xffff;
	[tilespmem:s21+$0xFFFFFFA0] =	vst v22;
	v22 =	vmul.f32 $8.000000000e+00, v31  }
0x5fd: {  	v55 =	vor.u32 v13, v21;
	v31 =	vmul.f32 $8.000000000e+00, v51;
	v34 =	vld.idx.msk [tilespmem:v52+s15+$0x0], $0xffff;
	[tilespmem:s7+$0xA0] =	vst v27  }
0x5fe: {  	v56 =	vor.u32 v13, v20;
	v27 =	vmul.f32 $8.000000000e+00, v35;
	v30 =	vld.idx.msk [tilespmem:v30+s15+$0x0], $0xffff;
	[tilespmem:s7+$0xFFFFFFA0] =	vst v22  }
0x5ff: {  	[tilespmem:s1+$0xC0] =	vst v31;
	v22 =	vmul.f32 $8.000000000e+00, v36;
	v31 =	vor.u32 v13, v24;
	v57 =	vld.idx.msk [tilespmem:v53+s15+$0x0], $0xffff  }
0x600: {  	v58 =	vld.idx.msk [tilespmem:v54+s15+$0x0], $0xffff;
	[tilespmem:s1+$0xFFFFFFC0] =	vst v27;
	v27 =	vmul.f32 $8.000000000e+00, v28;
	v28 =	vor.u32 v13, v23  }
0x601: {  	v59 =	vor.u32 v13, v26;
	v29 =	vld.idx.msk [tilespmem:v29+s15+$0x0], $0xffff;
	[tilespmem:s14+$0xB0] =	vst v22;
	v22 =	vmul.f32 $8.000000000e+00, v32  }
0x602: {  	v60 =	vor.u32 v13, v25;
	v33 =	vld.idx.msk [tilespmem:v55+s15+$0x0], $0xffff;
	[tilespmem:s14+$0xFFFFFFB0] =	vst v27;
	v27 =	vmul.f32 $8.000000000e+00, v34  }
0x603: {  	v61 =	vor.u32 v14, v17;
	v35 =	vld.idx.msk [tilespmem:v56+s15+$0x0], $0xffff;
	[tilespmem:s21+$0xB0] =	vst v22;
	v22 =	vmul.f32 $8.000000000e+00, v30  }
0x604: {  	v19 =	vor.u32 v16, v19;
	v30 =	vld.idx.msk [tilespmem:v31+s15+$0x0], $0xffff;
	[tilespmem:s21+$0xFFFFFFB0] =	vst v27;
	v27 =	vmul.f32 $8.000000000e+00, v57  }
0x605: {  	v62 =	vor.u32 v14, v21;
	v31 =	vmul.f32 $8.000000000e+00, v58;
	v28 =	vld.idx.msk [tilespmem:v28+s15+$0x0], $0xffff;
	[tilespmem:s7+$0xB0] =	vst v22  }
0x606: {  	v22 =	vmul.f32 $8.000000000e+00, v29;
	v29 =	vor.u32 v14, v20;
	v32 =	vld.idx.msk [tilespmem:v59+s15+$0x0], $0xffff;
	[tilespmem:s7+$0xFFFFFFB0] =	vst v27  }
0x607: {  	[tilespmem:s0+$0xFFFFFFE0] =	vst v31;
	v27 =	vmul.f32 $8.000000000e+00, v33;
	v31 =	vor.u32 v14, v24;
	v63 =	vld.idx.msk [tilespmem:v60+s15+$0x0], $0xffff  }
0x608: {  	v41 =	vor.u32 v14, v23;
	v40 =	vld.idx.msk [tilespmem:v61+s15+$0x0], $0xffff;
	[tilespmem:s1+$0xD0] =	vst v22;
	v22 =	vmul.f32 $8.000000000e+00, v35  }
0x609: {  	v19 =	vld.idx.msk [tilespmem:v19+s15+$0x0], $0xffff;
	[tilespmem:s14+$0xC0] =	vst v27;
	v27 =	vmul.f32 $8.000000000e+00, v30;
	v30 =	vor.u32 v14, v26  }
0x60a: {  	v36 =	vld.idx.msk [tilespmem:v62+s15+$0x0], $0xffff;
	[tilespmem:s14+$0xFFFFFFC0] =	vst v22;
	v22 =	vmul.f32 $8.000000000e+00, v28;
	v28 =	vor.u32 v14, v25  }
0x60b: {  	v42 =	vor.u32 v15, v18;
	v29 =	vld.idx.msk [tilespmem:v29+s15+$0x0], $0xffff;
	[tilespmem:s21+$0xC0] =	vst v27;
	v27 =	vmul.f32 $8.000000000e+00, v32  }
0x60c: {  	v43 =	vor.u32 v15, v17;
	v31 =	vld.idx.msk [tilespmem:v31+s15+$0x0], $0xffff;
	[tilespmem:s21+$0xFFFFFFC0] =	vst v22;
	v22 =	vmul.f32 $8.000000000e+00, v63  }
0x60d: {  	v45 =	vor.u32 v15, v21;
	v44 =	vmul.f32 $8.000000000e+00, v40;
	v35 =	vld.idx.msk [tilespmem:v41+s15+$0x0], $0xffff;
	[tilespmem:s7+$0xC0] =	vst v27  }
0x60e: {  	v19 =	vmul.f32 $8.000000000e+00, v19;
	v27 =	vor.u32 v15, v20;
	v30 =	vld.idx.msk [tilespmem:v30+s15+$0x0], $0xffff;
	[tilespmem:s7+$0xFFFFFFC0] =	vst v22  }
0x60f: {  	v46 =	vor.u32 v15, v24;
	[tilespmem:s1+$0xFFFFFFD0] =	vst v44;
	v22 =	vmul.f32 $8.000000000e+00, v36;
	v28 =	vld.idx.msk [tilespmem:v28+s15+$0x0], $0xffff  }
0x610: {  	v47 =	vld.idx.msk [tilespmem:v42+s15+$0x0], $0xffff;
	[tilespmem:s0+$0xFFFFFFF0] =	vst v19;
	v19 =	vmul.f32 $8.000000000e+00, v29;
	v29 =	vor.u32 v15, v23  }
0x611: {  	v32 =	vld.idx.msk [tilespmem:v43+s15+$0x0], $0xffff;
	[tilespmem:s14+$0xD0] =	vst v22;
	v22 =	vmul.f32 $8.000000000e+00, v31;
	v31 =	vor.u32 v15, v26  }
0x612: {  	v48 =	vor.u32 v15, v25;
	v34 =	vld.idx.msk [tilespmem:v45+s15+$0x0], $0xffff;
	[tilespmem:s14+$0xFFFFFFD0] =	vst v19;
	v19 =	vmul.f32 $8.000000000e+00, v35  }
0x613: {  	v18 =	vor.u32 v16, v18;
	v27 =	vld.idx.msk [tilespmem:v27+s15+$0x0], $0xffff;
	[tilespmem:s21+$0xD0] =	vst v22;
	v22 =	vmul.f32 $8.000000000e+00, v30  }
0x614: {  	v17 =	vor.u32 v16, v17;
	v30 =	vld.idx.msk [tilespmem:v46+s15+$0x0], $0xffff;
	[tilespmem:s21+$0xFFFFFFD0] =	vst v19;
	v19 =	vmul.f32 $8.000000000e+00, v28  }
0x615: {  	v21 =	vor.u32 v16, v21;
	v28 =	vmul.f32 $8.000000000e+00, v47;
	v29 =	vld.idx.msk [tilespmem:v29+s15+$0x0], $0xffff;
	[tilespmem:s7+$0xD0] =	vst v22  }
0x616: {  	v20 =	vor.u32 v16, v20;
	v22 =	vmul.f32 $8.000000000e+00, v32;
	v31 =	vld.idx.msk [tilespmem:v31+s15+$0x0], $0xffff;
	[tilespmem:s7+$0xFFFFFFD0] =	vst v19  }
0x617: {  	[tilespmem:s1+$0xE0] =	vst v28;
	v19 =	vmul.f32 $8.000000000e+00, v34;
	v28 =	vld.idx.msk [tilespmem:v48+s15+$0x0], $0xffff  }
0x618: {  	v23 =	vor.u32 v16, v23;
	v18 =	vld.idx.msk [tilespmem:v18+s15+$0x0], $0xffff;
	[tilespmem:s1+$0xFFFFFFE0] =	vst v22;
	v22 =	vmul.f32 $8.000000000e+00, v27  }
0x619: {  	v24 =	vor.u32 v16, v24;
	v17 =	vld.idx.msk [tilespmem:v17+s15+$0x0], $0xffff;
	[tilespmem:s14+$0xE0] =	vst v19;
	v19 =	vmul.f32 $8.000000000e+00, v30  }
0x61a: {  	v25 =	vor.u32 v16, v25;
	v21 =	vld.idx.msk [tilespmem:v21+s15+$0x0], $0xffff;
	[tilespmem:s14+$0xFFFFFFE0] =	vst v22;
	v22 =	vmul.f32 $8.000000000e+00, v29  }
0x61b: {  	v26 =	vor.u32 v16, v26;
	v20 =	vld.idx.msk [tilespmem:v20+s15+$0x0], $0xffff;
	[tilespmem:s21+$0xE0] =	vst v19;
	v19 =	vmul.f32 $8.000000000e+00, v31  }
0x61c: {  	[tilespmem:s21+$0xFFFFFFE0] =	vst v22;
	v22 =	vmul.f32 $8.000000000e+00, v28  }
0x61d: {  	v18 =	vmul.f32 $8.000000000e+00, v18;
	v23 =	vld.idx.msk [tilespmem:v23+s15+$0x0], $0xffff;
	[tilespmem:s7+$0xE0] =	vst v19  }
0x61e: {  	v24 =	vld.idx.msk [tilespmem:v24+s15+$0x0], $0xffff;
	v17 =	vmul.f32 $8.000000000e+00, v17;
	[tilespmem:s7+$0xFFFFFFE0] =	vst v22  }
0x61f: {  	[tilespmem:s1+$0xF0] =	vst v18;
	v18 =	vmul.f32 $8.000000000e+00, v21;
	v21 =	vld.idx.msk [tilespmem:v25+s15+$0x0], $0xffff  }
0x620: {  	v19 =	vld.idx.msk [tilespmem:v26+s15+$0x0], $0xffff;
	[tilespmem:s1+$0xFFFFFFF0] =	vst v17;
	v17 =	vmul.f32 $8.000000000e+00, v20;
	_ =	sdelay $0x1  }
0x621: {  	[tilespmem:s14+$0xFFFFFFF0] =	vst v17;
	v17 =	vmul.f32 $8.000000000e+00, v23  }
0x622: {  	[tilespmem:s14+$0xF0] =	vst v18;
	v18 =	vmul.f32 $8.000000000e+00, v24  }
0x623: {  	[tilespmem:s21+$0xFFFFFFF0] =	vst v17;
	v17 =	vmul.f32 $8.000000000e+00, v21  }
0x624: {  	s24 =	simm.s32 $0x1;
	[tilespmem:s21+$0xF0] =	vst v18;
	v18 =	vmul.f32 $8.000000000e+00, v19  }
0x625: {  	[tilespmem:s7+$0xFFFFFFF0] =	vst v17;
	v17 =	vmov s24  }
0x626: {  	s30 =	simm.s32 $0x0;
	[tilespmem:s7+$0xF0] =	vst v18;
	v17 =	vand.u32 $0x3F, v17  }
0x627: {  	[hbm4b:s9+s13] =	stream.strided.scatter [tilespmem:s20], [sflag:$0x3], $0x4000, s19, s13, $0x38;
	v25 =	vbroadcast v17, $0x0;
	[tilespmem:$0x1D400] =	vst v63  }
0x628: {  	_ =	swait.ge [sflag:s22], $0x4000;
	v17 =	vmov s30  }
0x629: {  	[sflag:s22] =	ssyncset.done $0x0;
	v17 =	vand.u32 $0x3E, v17;
	v18 =	vor.u32 v1, v25  }
0x62a: {  	[sflag:s22] =	ssyncadd.s32 $0xFFFFC000;
	v26 =	vbroadcast v17, $0x0  }
0x62b: {  	_ =	swait.ge [sflag:s26], $0x4000  }
0x62c: {  	[sflag:s26] =	ssyncset.done $0x0;
	v17 =	vor.u32 v1, v26  }
0x62d: {  	[sflag:s26] =	ssyncadd.s32 $0xFFFFC000  }
0x62e: {  	v18 =	vld.idx.msk [tilespmem:v18+s17+$0x0], $0xffff;
	_ =	sdelay $0x2  }
0x62f: {  	v19 =	vor.u32 v2, v25;
	v17 =	vld.idx.msk [tilespmem:v17+s17+$0x0], $0xffff;
	_ =	sdelay $0x1  }
0x630: {  	v18 =	vmul.f32 $8.000000000e+00, v18  }
0x631: {  	s16 =	simm.s32 $0x19500;
	v20 =	vor.u32 v2, v26  }
0x632: {  	[tilespmem:s16+$0x0] =	vst v18  }
0x633: {  	v17 =	vmul.f32 $8.000000000e+00, v17;
	v18 =	vld.idx.msk [tilespmem:v19+s17+$0x0], $0xffff;
	_ =	sdelay $0x1  }
0x634: {  	[tilespmem:s16+$0xFFFFFF00] =	vst v17  }
0x635: {  	v19 =	vor.u32 v3, v25;
	v17 =	vld.idx.msk [tilespmem:v20+s17+$0x0], $0xffff;
	_ =	sdelay $0x1  }
0x636: {  	v18 =	vmul.f32 $8.000000000e+00, v18  }
0x637: {  	v20 =	vor.u32 v3, v26  }
0x638: {  	[tilespmem:s16+$0x10] =	vst v18  }
0x639: {  	v17 =	vmul.f32 $8.000000000e+00, v17;
	v18 =	vld.idx.msk [tilespmem:v19+s17+$0x0], $0xffff;
	_ =	sdelay $0x1  }
0x63a: {  	s31 =	simm.s32 $0x3;
	[tilespmem:s16+$0xFFFFFF10] =	vst v17  }
0x63b: {  	v19 =	vmov s31;
	v17 =	vld.idx.msk [tilespmem:v20+s17+$0x0], $0xffff;
	v20 =	vor.u32 v4, v25  }
0x63c: {  	v19 =	vand.u32 $0x3F, v19  }
0x63d: {  	s1 =	simm.s32 $0x2;
	v22 =	vbroadcast v19, $0x0;
	v18 =	vmul.f32 $8.000000000e+00, v18  }
0x63e: {  	v21 =	vor.u32 v4, v26;
	v19 =	vmov s1  }
0x63f: {  	v19 =	vand.u32 $0x3E, v19;
	[tilespmem:s16+$0x20] =	vst v18;
	v18 =	vor.u32 v1, v22  }
0x640: {  	v19 =	vbroadcast v19, $0x0;
	v17 =	vmul.f32 $8.000000000e+00, v17;
	v20 =	vld.idx.msk [tilespmem:v20+s17+$0x0], $0xffff;
	_ =	sdelay $0x1  }
0x641: {  	v23 =	vor.u32 v1, v19;
	[tilespmem:s16+$0xFFFFFF20] =	vst v17  }
0x642: {  	v17 =	vld.idx.msk [tilespmem:v21+s17+$0x0], $0xffff;
	v21 =	vor.u32 v5, v25  }
0x643: {  	v18 =	vld.idx.msk [tilespmem:v18+s17+$0x0], $0xffff  }
0x644: {  	v20 =	vmul.f32 $8.000000000e+00, v20  }
0x645: {  	v24 =	vor.u32 v5, v26  }
0x646: {  	v23 =	vld.idx.msk [tilespmem:v23+s17+$0x0], $0xffff;
	[tilespmem:s16+$0x30] =	vst v20;
	v20 =	vor.u32 v2, v22  }
0x647: {  	v17 =	vmul.f32 $8.000000000e+00, v17;
	v21 =	vld.idx.msk [tilespmem:v21+s17+$0x0], $0xffff  }
0x648: {  	v18 =	vmul.f32 $8.000000000e+00, v18  }
0x649: {  	s0 =	simm.s32 $0x19700;
	[tilespmem:s16+$0xFFFFFF30] =	vst v17;
	v17 =	vor.u32 v2, v19  }
0x64a: {  	v24 =	vld.idx.msk [tilespmem:v24+s17+$0x0], $0xffff;
	[tilespmem:s0+$0x0] =	vst v18;
	v18 =	vor.u32 v6, v25  }
0x64b: {  	v23 =	vmul.f32 $8.000000000e+00, v23;
	v20 =	vld.idx.msk [tilespmem:v20+s17+$0x0], $0xffff  }
0x64c: {  	v21 =	vmul.f32 $8.000000000e+00, v21  }
0x64d: {  	[tilespmem:s0+$0xFFFFFF00] =	vst v23;
	v23 =	vor.u32 v6, v26  }
0x64e: {  	v17 =	vld.idx.msk [tilespmem:v17+s17+$0x0], $0xffff;
	[tilespmem:s16+$0x40] =	vst v21;
	v21 =	vor.u32 v3, v22  }
0x64f: {  	v24 =	vmul.f32 $8.000000000e+00, v24;
	v18 =	vld.idx.msk [tilespmem:v18+s17+$0x0], $0xffff  }
0x650: {  	v20 =	vmul.f32 $8.000000000e+00, v20  }
0x651: {  	[tilespmem:s16+$0xFFFFFF40] =	vst v24;
	v24 =	vor.u32 v3, v19  }
0x652: {  	v23 =	vld.idx.msk [tilespmem:v23+s17+$0x0], $0xffff;
	[tilespmem:s0+$0x10] =	vst v20;
	v20 =	vor.u32 v7, v25  }
0x653: {  	v17 =	vmul.f32 $8.000000000e+00, v17;
	v21 =	vld.idx.msk [tilespmem:v21+s17+$0x0], $0xffff  }
0x654: {  	v18 =	vmul.f32 $8.000000000e+00, v18  }
0x655: {  	v27 =	vor.u32 v7, v26;
	[tilespmem:s0+$0xFFFFFF10] =	vst v17  }
0x656: {  	s7 =	simm.s32 $0x5;
	v28 =	vor.u32 v4, v22;
	v24 =	vld.idx.msk [tilespmem:v24+s17+$0x0], $0xffff;
	[tilespmem:s16+$0x50] =	vst v18  }
0x657: {  	s8 =	simm.s32 $0x4;
	v17 =	vmul.f32 $8.000000000e+00, v23;
	v18 =	vmov s7;
	v20 =	vld.idx.msk [tilespmem:v20+s17+$0x0], $0xffff  }
0x658: {  	v23 =	vmov s8;
	v18 =	vand.u32 $0x3F, v18;
	v21 =	vmul.f32 $8.000000000e+00, v21  }
0x659: {  	v29 =	vor.u32 v4, v19;
	v23 =	vand.u32 $0x3E, v23;
	[tilespmem:s16+$0xFFFFFF50] =	vst v17;
	v18 =	vbroadcast v18, $0x0  }
0x65a: {  	v17 =	vbroadcast v23, $0x0;
	v23 =	vld.idx.msk [tilespmem:v27+s17+$0x0], $0xffff;
	[tilespmem:s0+$0x20] =	vst v21;
	v21 =	vor.u32 v8, v25  }
0x65b: {  	v24 =	vmul.f32 $8.000000000e+00, v24;
	v27 =	vor.u32 v1, v18;
	v28 =	vld.idx.msk [tilespmem:v28+s17+$0x0], $0xffff  }
0x65c: {  	v30 =	vor.u32 v1, v17;
	v20 =	vmul.f32 $8.000000000e+00, v20  }
0x65d: {  	[tilespmem:s0+$0xFFFFFF20] =	vst v24;
	v24 =	vor.u32 v8, v26  }
0x65e: {  	v29 =	vld.idx.msk [tilespmem:v29+s17+$0x0], $0xffff;
	[tilespmem:s16+$0x60] =	vst v20;
	v20 =	vor.u32 v5, v22  }
0x65f: {  	v23 =	vmul.f32 $8.000000000e+00, v23;
	v21 =	vld.idx.msk [tilespmem:v21+s17+$0x0], $0xffff  }
0x660: {  	v27 =	vld.idx.msk [tilespmem:v27+s17+$0x0], $0xffff;
	v28 =	vmul.f32 $8.000000000e+00, v28  }
0x661: {  	v30 =	vld.idx.msk [tilespmem:v30+s17+$0x0], $0xffff;
	[tilespmem:s16+$0xFFFFFF60] =	vst v23;
	v23 =	vor.u32 v5, v19  }
0x662: {  	v24 =	vld.idx.msk [tilespmem:v24+s17+$0x0], $0xffff;
	[tilespmem:s0+$0x30] =	vst v28;
	v28 =	vor.u32 v9, v25  }
0x663: {  	v31 =	vor.u32 v2, v18;
	v29 =	vmul.f32 $8.000000000e+00, v29;
	v20 =	vld.idx.msk [tilespmem:v20+s17+$0x0], $0xffff  }
0x664: {  	v49 =	vor.u32 v2, v17;
	v21 =	vmul.f32 $8.000000000e+00, v21  }
0x665: {  	[tilespmem:s0+$0xFFFFFF30] =	vst v29;
	v27 =	vmul.f32 $8.000000000e+00, v27;
	v29 =	vor.u32 v9, v26  }
0x666: {  	s1 =	simm.s32 $0x19900;
	v30 =	vmul.f32 $8.000000000e+00, v30;
	v23 =	vld.idx.msk [tilespmem:v23+s17+$0x0], $0xffff;
	[tilespmem:s16+$0x70] =	vst v21;
	v21 =	vor.u32 v6, v22  }
0x667: {  	v24 =	vmul.f32 $8.000000000e+00, v24;
	[tilespmem:s1+$0x0] =	vst v27;
	v27 =	vld.idx.msk [tilespmem:v28+s17+$0x0], $0xffff  }
0x668: {  	[tilespmem:s1+$0xFFFFFF00] =	vst v30;
	v28 =	vld.idx.msk [tilespmem:v31+s17+$0x0], $0xffff;
	v20 =	vmul.f32 $8.000000000e+00, v20  }
0x669: {  	v30 =	vor.u32 v6, v19;
	v31 =	vld.idx.msk [tilespmem:v49+s17+$0x0], $0xffff;
	[tilespmem:s16+$0xFFFFFF70] =	vst v24  }
0x66a: {  	v24 =	vld.idx.msk [tilespmem:v29+s17+$0x0], $0xffff;
	[tilespmem:s0+$0x40] =	vst v20;
	v20 =	vor.u32 v10, v25  }
0x66b: {  	v29 =	vor.u32 v3, v18;
	v23 =	vmul.f32 $8.000000000e+00, v23;
	v21 =	vld.idx.msk [tilespmem:v21+s17+$0x0], $0xffff  }
0x66c: {  	v50 =	vor.u32 v3, v17;
	v27 =	vmul.f32 $8.000000000e+00, v27  }
0x66d: {  	[tilespmem:s0+$0xFFFFFF40] =	vst v23;
	v23 =	vmul.f32 $8.000000000e+00, v28;
	v28 =	vor.u32 v10, v26  }
0x66e: {  	v31 =	vmul.f32 $8.000000000e+00, v31;
	v30 =	vld.idx.msk [tilespmem:v30+s17+$0x0], $0xffff;
	[tilespmem:s16+$0x80] =	vst v27;
	v27 =	vor.u32 v7, v22  }
0x66f: {  	[tilespmem:s1+$0x10] =	vst v23;
	v23 =	vmul.f32 $8.000000000e+00, v24;
	v20 =	vld.idx.msk [tilespmem:v20+s17+$0x0], $0xffff  }
0x670: {  	s14 =	simm.s32 $0x6;
	[tilespmem:s1+$0xFFFFFF10] =	vst v31;
	v24 =	vld.idx.msk [tilespmem:v29+s17+$0x0], $0xffff;
	v21 =	vmul.f32 $8.000000000e+00, v21  }
0x671: {  	v31 =	vor.u32 v7, v19;
	v29 =	vmov s14;
	v32 =	vld.idx.msk [tilespmem:v50+s17+$0x0], $0xffff;
	[tilespmem:s16+$0xFFFFFF80] =	vst v23  }
0x672: {  	s21 =	simm.s32 $0x7;
	v23 =	vand.u32 $0x3E, v29;
	v29 =	vor.u32 v11, v25;
	v28 =	vld.idx.msk [tilespmem:v28+s17+$0x0], $0xffff;
	[tilespmem:s0+$0x50] =	vst v21  }
0x673: {  	v51 =	vmov s21;
	v21 =	vmul.f32 $8.000000000e+00, v30;
	v30 =	vor.u32 v4, v18;
	v27 =	vld.idx.msk [tilespmem:v27+s17+$0x0], $0xffff  }
0x674: {  	v52 =	vor.u32 v4, v17;
	v53 =	vmul.f32 $8.000000000e+00, v20;
	v20 =	vand.u32 $0x3F, v51  }
0x675: {  	v54 =	vor.u32 v11, v26;
	[tilespmem:s0+$0xFFFFFF50] =	vst v21;
	v24 =	vmul.f32 $8.000000000e+00, v24;
	v21 =	vbroadcast v20, $0x0  }
0x676: {  	v55 =	vor.u32 v8, v22;
	v20 =	vbroadcast v23, $0x0;
	v23 =	vld.idx.msk [tilespmem:v31+s17+$0x0], $0xffff;
	v31 =	vmul.f32 $8.000000000e+00, v32;
	[tilespmem:s16+$0x90] =	vst v53  }
0x677: {  	[tilespmem:s1+$0x20] =	vst v24;
	v24 =	vmul.f32 $8.000000000e+00, v28;
	v28 =	vld.idx.msk [tilespmem:v29+s17+$0x0], $0xffff;
	v29 =	vor.u32 v1, v21  }
0x678: {  	v56 =	vor.u32 v1, v20;
	[tilespmem:s1+$0xFFFFFF20] =	vst v31;
	v30 =	vld.idx.msk [tilespmem:v30+s17+$0x0], $0xffff;
	v27 =	vmul.f32 $8.000000000e+00, v27  }
0x679: {  	v57 =	vor.u32 v8, v19;
	v31 =	vld.idx.msk [tilespmem:v52+s17+$0x0], $0xffff;
	[tilespmem:s16+$0xFFFFFF90] =	vst v24  }
0x67a: {  	v24 =	vld.idx.msk [tilespmem:v54+s17+$0x0], $0xffff;
	[tilespmem:s0+$0x60] =	vst v27;
	v27 =	vor.u32 v12, v25  }
0x67b: {  	v58 =	vor.u32 v5, v18;
	v23 =	vmul.f32 $8.000000000e+00, v23;
	v32 =	vld.idx.msk [tilespmem:v55+s17+$0x0], $0xffff  }
0x67c: {  	v59 =	vor.u32 v5, v17;
	v29 =	vld.idx.msk [tilespmem:v29+s17+$0x0], $0xffff;
	v28 =	vmul.f32 $8.000000000e+00, v28  }
0x67d: {  	v35 =	vld.idx.msk [tilespmem:v56+s17+$0x0], $0xffff;
	[tilespmem:s0+$0xFFFFFF60] =	vst v23;
	v23 =	vmul.f32 $8.000000000e+00, v30;
	v30 =	vor.u32 v12, v26  }
0x67e: {  	v34 =	vld.idx.msk [tilespmem:v57+s17+$0x0], $0xffff;
	v31 =	vmul.f32 $8.000000000e+00, v31;
	[tilespmem:s16+$0xA0] =	vst v28;
	v28 =	vor.u32 v9, v22  }
0x67f: {  	[tilespmem:s1+$0x30] =	vst v23;
	v23 =	vmul.f32 $8.000000000e+00, v24;
	v24 =	vld.idx.msk [tilespmem:v27+s17+$0x0], $0xffff;
	v27 =	vor.u32 v2, v21  }
0x680: {  	v60 =	vor.u32 v2, v20;
	[tilespmem:s1+$0xFFFFFF30] =	vst v31;
	v31 =	vld.idx.msk [tilespmem:v58+s17+$0x0], $0xffff;
	v32 =	vmul.f32 $8.000000000e+00, v32  }
0x681: {  	s24 =	simm.s32 $0x8;
	v36 =	vld.idx.msk [tilespmem:v59+s17+$0x0], $0xffff;
	[tilespmem:s16+$0xFFFFFFA0] =	vst v23;
	v23 =	vmul.f32 $8.000000000e+00, v29;
	v29 =	vor.u32 v9, v19  }
0x682: {  	v61 =	vmov s24;
	v62 =	vor.u32 v13, v25;
	s14 =	simm.s32 $0x19B00;
	v30 =	vld.idx.msk [tilespmem:v30+s17+$0x0], $0xffff;
	v35 =	vmul.f32 $8.000000000e+00, v35;
	[tilespmem:s0+$0x70] =	vst v32  }
0x683: {  	v37 =	vand.u32 $0x3E, v61;
	v63 =	vor.u32 v6, v18;
	v34 =	vmul.f32 $8.000000000e+00, v34;
	[tilespmem:s14+$0x0] =	vst v23;
	v28 =	vld.idx.msk [tilespmem:v28+s17+$0x0], $0xffff  }
0x684: {  	v40 =	vor.u32 v6, v17;
	v23 =	vbroadcast v37, $0x0;
	[tilespmem:s14+$0xFFFFFF00] =	vst v35;
	v27 =	vld.idx.msk [tilespmem:v27+s17+$0x0], $0xffff;
	v24 =	vmul.f32 $8.000000000e+00, v24  }
0x685: {  	v41 =	vor.u32 v13, v26;
	v33 =	vld.idx.msk [tilespmem:v60+s17+$0x0], $0xffff;
	v31 =	vmul.f32 $8.000000000e+00, v31;
	[tilespmem:s0+$0xFFFFFF70] =	vst v34  }
0x686: {  	v37 =	vor.u32 v1, v23;
	v36 =	vmul.f32 $8.000000000e+00, v36;
	v29 =	vld.idx.msk [tilespmem:v29+s17+$0x0], $0xffff;
	[tilespmem:s16+$0xB0] =	vst v24  }
0x687: {  	[tilespmem:s1+$0x40] =	vst v31;
	v24 =	vor.u32 v10, v22;
	v30 =	vmul.f32 $8.000000000e+00, v30;
	v31 =	vld.idx.msk [tilespmem:v62+s17+$0x0], $0xffff  }
0x688: {  	v42 =	vor.u32 v3, v21;
	[tilespmem:s1+$0xFFFFFF40] =	vst v36;
	v43 =	vld.idx.msk [tilespmem:v63+s17+$0x0], $0xffff  }
0x689: {  	v44 =	vor.u32 v3, v20;
	v35 =	vld.idx.msk [tilespmem:v40+s17+$0x0], $0xffff;
	v28 =	vmul.f32 $8.000000000e+00, v28;
	[tilespmem:s16+$0xFFFFFFB0] =	vst v30  }
0x68a: {  	v30 =	vor.u32 v10, v19;
	v27 =	vmul.f32 $8.000000000e+00, v27;
	v34 =	vld.idx.msk [tilespmem:v41+s17+$0x0], $0xffff  }
0x68b: {  	v33 =	vmul.f32 $8.000000000e+00, v33;
	v37 =	vld.idx.msk [tilespmem:v37+s17+$0x0], $0xffff;
	[tilespmem:s0+$0x80] =	vst v28;
	v28 =	vor.u32 v14, v25  }
0x68c: {  	[tilespmem:s14+$0x10] =	vst v27;
	v27 =	vor.u32 v7, v18;
	v29 =	vmul.f32 $8.000000000e+00, v29;
	v24 =	vld.idx.msk [tilespmem:v24+s17+$0x0], $0xffff  }
0x68d: {  	v45 =	vor.u32 v7, v17;
	[tilespmem:s14+$0xFFFFFF10] =	vst v33;
	v32 =	vld.idx.msk [tilespmem:v42+s17+$0x0], $0xffff;
	v31 =	vmul.f32 $8.000000000e+00, v31  }
0x68e: {  	v38 =	vld.idx.msk [tilespmem:v44+s17+$0x0], $0xffff;
	v36 =	vmul.f32 $8.000000000e+00, v43;
	[tilespmem:s0+$0xFFFFFF80] =	vst v29;
	v29 =	vor.u32 v14, v26  }
0x68f: {  	v35 =	vmul.f32 $8.000000000e+00, v35;
	v30 =	vld.idx.msk [tilespmem:v30+s17+$0x0], $0xffff;
	[tilespmem:s16+$0xC0] =	vst v31;
	v31 =	vor.u32 v11, v22  }
0x690: {  	s30 =	simm.s32 $0x9;
	v46 =	vor.u32 v4, v21;
	[tilespmem:s1+$0x50] =	vst v36;
	v34 =	vmul.f32 $8.000000000e+00, v34;
	v28 =	vld.idx.msk [tilespmem:v28+s17+$0x0], $0xffff  }
0x691: {  	v47 =	vmov s30;
	v48 =	vor.u32 v4, v20;
	[tilespmem:s1+$0xFFFFFF50] =	vst v35;
	v27 =	vld.idx.msk [tilespmem:v27+s17+$0x0], $0xffff;
	v49 =	vmul.f32 $8.000000000e+00, v24  }
0x692: {  	v50 =	vor.u32 v11, v19;
	v33 =	vld.idx.msk [tilespmem:v45+s17+$0x0], $0xffff;
	[tilespmem:s16+$0xFFFFFFC0] =	vst v34;
	v24 =	vand.u32 $0x3F, v47;
	v32 =	vmul.f32 $8.000000000e+00, v32  }
0x693: {  	v52 =	vor.u32 v15, v25;
	v24 =	vbroadcast v24, $0x0;
	v51 =	vmul.f32 $8.000000000e+00, v38;
	v29 =	vld.idx.msk [tilespmem:v29+s17+$0x0], $0xffff;
	[tilespmem:s0+$0x90] =	vst v49  }
0x694: {  	v53 =	vor.u32 v8, v18;
	[tilespmem:s14+$0x20] =	vst v32;
	v30 =	vmul.f32 $8.000000000e+00, v30;
	v31 =	vld.idx.msk [tilespmem:v31+s17+$0x0], $0xffff  }
0x695: {  	v54 =	vor.u32 v1, v24;
	[tilespmem:s14+$0xFFFFFF20] =	vst v51;
	v55 =	vld.idx.msk [tilespmem:v46+s17+$0x0], $0xffff;
	v28 =	vmul.f32 $8.000000000e+00, v28  }
0x696: {  	v57 =	vor.u32 v8, v17;
	v56 =	vld.idx.msk [tilespmem:v48+s17+$0x0], $0xffff;
	v27 =	vmul.f32 $8.000000000e+00, v27;
	[tilespmem:s0+$0xFFFFFF90] =	vst v30  }
0x697: {  	v37 =	vmul.f32 $8.000000000e+00, v37;
	v46 =	vor.u32 v2, v23;
	v30 =	vld.idx.msk [tilespmem:v50+s17+$0x0], $0xffff;
	[tilespmem:s16+$0xD0] =	vst v28  }
0x698: {  	s21 =	simm.s32 $0x19D00;
	v58 =	vor.u32 v15, v26;
	v28 =	vmul.f32 $8.000000000e+00, v33;
	[tilespmem:s1+$0x60] =	vst v27;
	v59 =	vld.idx.msk [tilespmem:v52+s17+$0x0], $0xffff  }
0x699: {  	[tilespmem:s21+$0xFFFFFF00] =	vst v37;
	v27 =	vor.u32 v12, v22;
	v29 =	vmul.f32 $8.000000000e+00, v29;
	v32 =	vld.idx.msk [tilespmem:v53+s17+$0x0], $0xffff  }
0x69a: {  	v60 =	vor.u32 v5, v21;
	[tilespmem:s1+$0xFFFFFF60] =	vst v28;
	v28 =	vld.idx.msk [tilespmem:v54+s17+$0x0], $0xffff;
	v31 =	vmul.f32 $8.000000000e+00, v31  }
0x69b: {  	v61 =	vor.u32 v5, v20;
	[tilespmem:s16+$0xFFFFFFD0] =	vst v29;
	v29 =	vmul.f32 $8.000000000e+00, v55;
	v62 =	vld.idx.msk [tilespmem:v57+s17+$0x0], $0xffff  }
0x69c: {  	v63 =	vor.u32 v12, v19;
	v36 =	vmul.f32 $8.000000000e+00, v56;
	v37 =	vld.idx.msk [tilespmem:v46+s17+$0x0], $0xffff;
	[tilespmem:s0+$0xA0] =	vst v31  }
0x69d: {  	v25 =	vor.u32 v16, v25;
	v31 =	vld.idx.msk [tilespmem:v58+s17+$0x0], $0xffff;
	[tilespmem:s14+$0x30] =	vst v29;
	v30 =	vmul.f32 $8.000000000e+00, v30  }
0x69e: {  	v29 =	vor.u32 v9, v18;
	[tilespmem:s14+$0xFFFFFF30] =	vst v36;
	v27 =	vld.idx.msk [tilespmem:v27+s17+$0x0], $0xffff;
	v33 =	vmul.f32 $8.000000000e+00, v59  }
0x69f: {  	v44 =	vor.u32 v2, v24;
	v45 =	vld.idx.msk [tilespmem:v60+s17+$0x0], $0xffff;
	v32 =	vmul.f32 $8.000000000e+00, v32;
	[tilespmem:s0+$0xFFFFFFA0] =	vst v30  }
0x6a0: {  	v40 =	vld.idx.msk [tilespmem:v61+s17+$0x0], $0xffff;
	v28 =	vmul.f32 $8.000000000e+00, v28;
	v30 =	vor.u32 v9, v17;
	[tilespmem:s16+$0xE0] =	vst v33  }
0x6a1: {  	v48 =	vor.u32 v13, v22;
	v39 =	vld.idx.msk [tilespmem:v63+s17+$0x0], $0xffff;
	v35 =	vmul.f32 $8.000000000e+00, v62;
	[tilespmem:s1+$0x70] =	vst v32  }
0x6a2: {  	s31 =	simm.s32 $0xA;
	v60 =	vmul.f32 $8.000000000e+00, v37;
	v49 =	vld.idx.msk [tilespmem:v25+s17+$0x0], $0xffff;
	[tilespmem:s21+$0x0] =	vst v28;
	v28 =	vor.u32 v6, v21  }
0x6a3: {  	v47 =	vmov s31;
	v57 =	vor.u32 v3, v23;
	v29 =	vld.idx.msk [tilespmem:v29+s17+$0x0], $0xffff;
	[tilespmem:s1+$0xFFFFFF70] =	vst v35;
	v27 =	vmul.f32 $8.000000000e+00, v27  }
0x6a4: {  	v51 =	vor.u32 v6, v20;
	v25 =	vand.u32 $0x3E, v47;
	v50 =	vld.idx.msk [tilespmem:v44+s17+$0x0], $0xffff;
	[tilespmem:s21+$0xFFFFFF10] =	vst v60;
	v36 =	vmul.f32 $8.000000000e+00, v45  }
0x6a5: {  	v52 =	vor.u32 v13, v19;
	v25 =	vbroadcast v25, $0x0;
	v40 =	vmul.f32 $8.000000000e+00, v40;
	v30 =	vld.idx.msk [tilespmem:v30+s17+$0x0], $0xffff;
	[tilespmem:s0+$0xB0] =	vst v27  }
0x6a6: {  	[tilespmem:s14+$0x40] =	vst v36;
	v27 =	vor.u32 v10, v18;
	v54 =	vmul.f32 $8.000000000e+00, v39;
	v32 =	vld.idx.msk [tilespmem:v48+s17+$0x0], $0xffff  }
0x6a7: {  	v53 =	vor.u32 v1, v25;
	[tilespmem:s14+$0xFFFFFF40] =	vst v40;
	v56 =	vld.idx.msk [tilespmem:v28+s17+$0x0], $0xffff;
	v28 =	vmul.f32 $8.000000000e+00, v49  }
0x6a8: {  	v55 =	vor.u32 v3, v24;
	v38 =	vld.idx.msk [tilespmem:v57+s17+$0x0], $0xffff;
	v29 =	vmul.f32 $8.000000000e+00, v29;
	[tilespmem:s0+$0xFFFFFFB0] =	vst v54  }
0x6a9: {  	v59 =	vor.u32 v10, v17;
	v58 =	vld.idx.msk [tilespmem:v51+s17+$0x0], $0xffff;
	v33 =	vmul.f32 $8.000000000e+00, v50;
	[tilespmem:s16+$0xF0] =	vst v28  }
0x6aa: {  	v35 =	vld.idx.msk [tilespmem:v52+s17+$0x0], $0xffff;
	[tilespmem:s1+$0x80] =	vst v29;
	v29 =	vor.u32 v14, v22;
	v30 =	vmul.f32 $8.000000000e+00, v30  }
0x6ab: {  	v61 =	vor.u32 v7, v21;
	[tilespmem:s21+$0x10] =	vst v33;
	v34 =	vld.idx.msk [tilespmem:v27+s17+$0x0], $0xffff;
	v27 =	vmul.f32 $8.000000000e+00, v32  }
0x6ac: {  	v36 =	vor.u32 v7, v20;
	v28 =	vld.idx.msk [tilespmem:v53+s17+$0x0], $0xffff;
	[tilespmem:s1+$0xFFFFFF80] =	vst v30  }
0x6ad: {  	v39 =	vld.idx.msk [tilespmem:v55+s17+$0x0], $0xffff;
	v62 =	vmul.f32 $8.000000000e+00, v56;
	[tilespmem:s0+$0xC0] =	vst v27;
	v27 =	vmul.f32 $8.000000000e+00, v31;
	v31 =	vor.u32 v14, v19  }
0x6ae: {  	v63 =	vmul.f32 $8.000000000e+00, v58;
	v30 =	vor.u32 v16, v26;
	v32 =	vld.idx.msk [tilespmem:v59+s17+$0x0], $0xffff  }
0x6af: {  	[tilespmem:s14+$0x50] =	vst v62;
	v37 =	vmul.f32 $8.000000000e+00, v35;
	v33 =	vld.idx.msk [tilespmem:v29+s17+$0x0], $0xffff;
	v29 =	vor.u32 v11, v18  }
0x6b0: {  	s8 =	simm.s32 $0xB;
	s7 =	simm.s32 $0xC;
	v40 =	vor.u32 v4, v24;
	[tilespmem:s14+$0xFFFFFF50] =	vst v63;
	v35 =	vld.idx.msk [tilespmem:v61+s17+$0x0], $0xffff  }
.LBB2_16:
0x6b1: {  	p0 =	slt.u32 s7, $0x3E;
	v26 =	vmov s8;
	v41 =	vor.u32 v4, v23;
	v36 =	vld.idx.msk [tilespmem:v36+s17+$0x0], $0xffff;
	v34 =	vmul.f32 $8.000000000e+00, v34;
	[tilespmem:s0+$0xFFFFFFC0] =	vst v37  }
0x6b2: {  	v37 =	vmul.f32 $8.000000000e+00, v39;
	v39 =	vor.u32 v11, v17;
	v26 =	vand.u32 $0x3F, v26;
	v31 =	vld.idx.msk [tilespmem:v31+s17+$0x0], $0xffff;
	[tilespmem:s16+$0xFFFFFFE0] =	vst v27  }
0x6b3: {  	v27 =	vmul.f32 $8.000000000e+00, v38;
	v26 =	vbroadcast v26, $0x0;
	[tilespmem:s1+$0x90] =	vst v34;
	v34 =	vor.u32 v15, v22;
	v30 =	vld.idx.msk [tilespmem:v30+s17+$0x0], $0xffff  }
0x6b4: {  	v32 =	vmul.f32 $8.000000000e+00, v32;
	[tilespmem:s21+$0x20] =	vst v37;
	v37 =	vor.u32 v8, v21;
	v29 =	vld.idx.msk [tilespmem:v29+s17+$0x0], $0xffff  }
0x6b5: {  	v33 =	vmul.f32 $8.000000000e+00, v33;
	v38 =	vor.u32 v1, v26;
	[tilespmem:s21+$0xFFFFFF20] =	vst v27;
	v27 =	vld.idx.msk [tilespmem:v40+s17+$0x0], $0xffff  }
0x6b6: {  	v35 =	vmul.f32 $8.000000000e+00, v35;
	v40 =	vld.idx.msk [tilespmem:v41+s17+$0x0], $0xffff;
	v41 =	vor.u32 v8, v20;
	[tilespmem:s1+$0xFFFFFF90] =	vst v32  }
0x6b7: {  	v32 =	vmul.f32 $8.000000000e+00, v36;
	v36 =	vld.idx.msk [tilespmem:v39+s17+$0x0], $0xffff;
	v39 =	vor.u32 v15, v19;
	[tilespmem:s0+$0xD0] =	vst v33  }
0x6b8: {  	v33 =	vor.u32 v12, v18;
	v31 =	vmul.f32 $8.000000000e+00, v31;
	[tilespmem:s14+$0x60] =	vst v35;
	v34 =	vld.idx.msk [tilespmem:v34+s17+$0x0], $0xffff  }
0x6b9: {  	v35 =	vor.u32 v5, v24;
	v30 =	vmul.f32 $8.000000000e+00, v30;
	[tilespmem:s14+$0xFFFFFF60] =	vst v32;
	v32 =	vld.idx.msk [tilespmem:v37+s17+$0x0], $0xffff  }
0x6ba: {  	v29 =	vmul.f32 $8.000000000e+00, v29;
	v37 =	vld.idx.msk [tilespmem:v38+s17+$0x0], $0xffff;
	v38 =	vor.u32 v5, v23;
	[tilespmem:s0+$0xFFFFFFD0] =	vst v31  }
0x6bb: {  	v27 =	vmul.f32 $8.000000000e+00, v27;
	v31 =	vld.idx.msk [tilespmem:v41+s17+$0x0], $0xffff;
	v41 =	vor.u32 v12, v17;
	[tilespmem:s16+$0xFFFFFFF0] =	vst v30;
	s16 =	smov.u32 s0;
	s0 =	smov.u32 s1;
	s1 =	smov.u32 s14  }
0x6bc: {  	v30 =	vmul.f32 $8.000000000e+00, v40;
	s14 =	smov.u32 s21;
	[tilespmem:s0+$0xA0] =	vst v29;
	v29 =	vld.idx.msk [tilespmem:v39+s17+$0x0], $0xffff;
	v39 =	vor.u32 v16, v22;
	v22 =	vmovc v18;
	v18 =	vmov v21  }
0x6bd: {  	v36 =	vmul.f32 $8.000000000e+00, v36;
	v21 =	vmovc v24;
	v24 =	vmov v26;
	[tilespmem:s21+$0x30] =	vst v27;
	v27 =	vor.u32 v9, v18;
	v33 =	vld.idx.msk [tilespmem:v33+s17+$0x0], $0xffff  }
0x6be: {  	v26 =	vor.u32 v2, v24;
	v34 =	vmul.f32 $8.000000000e+00, v34;
	[tilespmem:s21+$0xFFFFFF30] =	vst v30;
	v30 =	vld.idx.msk [tilespmem:v35+s17+$0x0], $0xffff  }
0x6bf: {  	v35 =	vor.u32 v2, v25;
	v32 =	vmul.f32 $8.000000000e+00, v32;
	v38 =	vld.idx.msk [tilespmem:v38+s17+$0x0], $0xffff;
	[tilespmem:s0+$0xFFFFFFA0] =	vst v36  }
0x6c0: {  	v40 =	vor.u32 v9, v20;
	v36 =	vmov s7;
	v37 =	vmul.f32 $8.000000000e+00, v37;
	v41 =	vld.idx.msk [tilespmem:v41+s17+$0x0], $0xffff;
	[tilespmem:s16+$0xE0] =	vst v34  }
0x6c1: {  	v28 =	vmul.f32 $8.000000000e+00, v28;
	s21 =	sadd.s32 $0x200, s21;
	v31 =	vmul.f32 $8.000000000e+00, v31;
	[tilespmem:s1+$0x70] =	vst v32;
	v32 =	vor.u32 v13, v22;
	v34 =	vld.idx.msk [tilespmem:v39+s17+$0x0], $0xffff  }
0x6c2: {  	v36 =	vand.u32 $0x3E, v36;
	[tilespmem:s21+$0x0] =	vst v37;
	v37 =	vor.u32 v6, v21;
	v39 =	vld.idx.msk [tilespmem:v27+s17+$0x0], $0xffff;
	v27 =	vmul.f32 $8.000000000e+00, v29  }
0x6c3: {  	v42 =	vbroadcast v36, $0x0;
	v29 =	vmul.f32 $8.000000000e+00, v33;
	[tilespmem:s21+$0xFFFFFF00] =	vst v28;
	v26 =	vld.idx.msk [tilespmem:v26+s17+$0x0], $0xffff;
	v28 =	vor.u32 v6, v23  }
0x6c4: {  	v30 =	vmul.f32 $8.000000000e+00, v30;
	v33 =	vld.idx.msk [tilespmem:v35+s17+$0x0], $0xffff;
	[tilespmem:s1+$0xFFFFFF70] =	vst v31;
	v31 =	vor.u32 v13, v17  }
0x6c5: {  	v35 =	vor.u32 v1, v42;
	v36 =	vmul.f32 $8.000000000e+00, v38;
	v38 =	vld.idx.msk [tilespmem:v40+s17+$0x0], $0xffff;
	[tilespmem:s0+$0xB0] =	vst v29  }
0x6c6: {  	v29 =	vor.u32 v10, v18;
	[tilespmem:s14+$0x40] =	vst v30;
	v30 =	vmul.f32 $8.000000000e+00, v41;
	v32 =	vld.idx.msk [tilespmem:v32+s17+$0x0], $0xffff  }
0x6c7: {  	v40 =	vor.u32 v3, v24;
	v34 =	vmul.f32 $8.000000000e+00, v34;
	[tilespmem:s14+$0xFFFFFF40] =	vst v36;
	v37 =	vld.idx.msk [tilespmem:v37+s17+$0x0], $0xffff  }
0x6c8: {  	v41 =	vor.u32 v3, v25;
	v36 =	vmul.f32 $8.000000000e+00, v39;
	v43 =	vld.idx.msk [tilespmem:v28+s17+$0x0], $0xffff;
	[tilespmem:s0+$0xFFFFFFB0] =	vst v30  }
0x6c9: {  	v26 =	vmul.f32 $8.000000000e+00, v26;
	v30 =	vor.u32 v10, v20;
	v44 =	vld.idx.msk [tilespmem:v31+s17+$0x0], $0xffff;
	[tilespmem:s16+$0xF0] =	vst v34  }
0x6ca: {  	v31 =	vmul.f32 $8.000000000e+00, v33;
	v33 =	vor.u32 v14, v22;
	v28 =	vld.idx.msk [tilespmem:v35+s17+$0x0], $0xffff;
	[tilespmem:s1+$0x80] =	vst v36  }
0x6cb: {  	v35 =	vmul.f32 $8.000000000e+00, v38;
	[tilespmem:s21+$0x10] =	vst v26;
	v26 =	vor.u32 v7, v21;
	v34 =	vld.idx.msk [tilespmem:v29+s17+$0x0], $0xffff  }
.Ltmp7:
0x6cc: {  	v36 =	vor.u32 v7, v23;
	v29 =	vmul.f32 $8.000000000e+00, v32;
	[tilespmem:s21+$0xFFFFFF10] =	vst v31;
	v39 =	vld.idx.msk [tilespmem:v40+s17+$0x0], $0xffff;
	(pc) =	sbr.rel @p0 .LBB2_16-.Ltmp7, $4  }
0x6cd: {  	v37 =	vmul.f32 $8.000000000e+00, v37;
	v31 =	vor.u32 v14, v17;
	v38 =	vld.idx.msk [tilespmem:v41+s17+$0x0], $0xffff;
	[tilespmem:s1+$0xFFFFFF80] =	vst v35  }
0x6ce: {  	v35 =	vmul.f32 $8.000000000e+00, v43;
	v32 =	vld.idx.msk [tilespmem:v30+s17+$0x0], $0xffff;
	[tilespmem:s0+$0xC0] =	vst v29;
	v30 =	vor.u32 v16, v19;
	v19 =	vmovc v17;
	v17 =	vmov v20  }
0x6cf: {  	v29 =	vor.u32 v11, v18;
	v20 =	vmovc v23;
	v23 =	vmov v25;
	[tilespmem:s14+$0x50] =	vst v37;
	v37 =	vmul.f32 $8.000000000e+00, v44;
	v33 =	vld.idx.msk [tilespmem:v33+s17+$0x0], $0xffff  }
0x6d0: {  	s8 =	sadd.s32 $0x1, s7;
	s7 =	sadd.s32 $0x2, s7;
	v40 =	vor.u32 v4, v24;
	v25 =	vmov v42;
	[tilespmem:s14+$0xFFFFFF50] =	vst v35;
	v35 =	vld.idx.msk [tilespmem:v26+s17+$0x0], $0xffff  }
0x6d1: {  	v26 =	vmov s8  }
0x6d2: {  	v26 =	vand.u32 $0x3F, v26  }
0x6d3: {  	v26 =	vbroadcast v26, $0x0;
	_ =	sdelay $0x1  }
0x6d4: {  	v41 =	vor.u32 v1, v26;
	_ =	sdelay $0x4  }
0x6d5: {  	v41 =	vld.idx.msk [tilespmem:v41+s17+$0x0], $0xffff;
	_ =	sdelay $0x1  }
0x6d6: {  	v43 =	vor.u32 v2, v25  }
0x6d7: {  	v42 =	vor.u32 v2, v26  }
0x6d8: {  	v28 =	vmul.f32 $8.000000000e+00, v28  }
0x6d9: {  	s7 =	sadd.s32 $0x200, s21;
	v41 =	vmul.f32 $8.000000000e+00, v41  }
0x6da: {  	[tilespmem:s7+$0xFFFFFF00] =	vst v28  }
0x6db: {  	v53 =	vld.idx.msk [tilespmem:v43+s17+$0x0], $0xffff;
	[tilespmem:s7+$0x0] =	vst v41  }
0x6dc: {  	v52 =	vld.idx.msk [tilespmem:v42+s17+$0x0], $0xffff;
	_ =	sdelay $0x1  }
0x6dd: {  	v55 =	vor.u32 v3, v25  }
0x6de: {  	v54 =	vor.u32 v3, v26  }
0x6df: {  	v41 =	vmul.f32 $8.000000000e+00, v53  }
0x6e0: {  	v28 =	vmul.f32 $8.000000000e+00, v52  }
0x6e1: {  	[tilespmem:s7+$0xFFFFFF10] =	vst v41  }
0x6e2: {  	v41 =	vld.idx.msk [tilespmem:v55+s17+$0x0], $0xffff;
	[tilespmem:s7+$0x10] =	vst v28  }
0x6e3: {  	v56 =	vor.u32 v4, v23;
	v28 =	vld.idx.msk [tilespmem:v54+s17+$0x0], $0xffff  }
0x6e4: {  	v39 =	vmul.f32 $8.000000000e+00, v39  }
0x6e5: {  	v44 =	vor.u32 v4, v25;
	v38 =	vmul.f32 $8.000000000e+00, v38  }
0x6e6: {  	[tilespmem:s21+$0x20] =	vst v39;
	v57 =	vor.u32 v4, v26  }
0x6e7: {  	[tilespmem:s21+$0xFFFFFF20] =	vst v38;
	v58 =	vld.idx.msk [tilespmem:v40+s17+$0x0], $0xffff;
	v59 =	vmul.f32 $8.000000000e+00, v41  }
0x6e8: {  	v60 =	vld.idx.msk [tilespmem:v56+s17+$0x0], $0xffff;
	v28 =	vmul.f32 $8.000000000e+00, v28  }
0x6e9: {  	[tilespmem:s7+$0xFFFFFF20] =	vst v59  }
0x6ea: {  	v61 =	vor.u32 v5, v24;
	v62 =	vld.idx.msk [tilespmem:v44+s17+$0x0], $0xffff;
	[tilespmem:s7+$0x20] =	vst v28  }
0x6eb: {  	v63 =	vor.u32 v5, v23;
	v28 =	vld.idx.msk [tilespmem:v57+s17+$0x0], $0xffff  }
0x6ec: {  	v38 =	vmul.f32 $8.000000000e+00, v58  }
0x6ed: {  	v49 =	vor.u32 v5, v25;
	v40 =	vmul.f32 $8.000000000e+00, v60  }
0x6ee: {  	v48 =	vor.u32 v5, v26;
	[tilespmem:s21+$0x30] =	vst v38  }
0x6ef: {  	v38 =	vld.idx.msk [tilespmem:v61+s17+$0x0], $0xffff;
	[tilespmem:s21+$0xFFFFFF30] =	vst v40;
	v50 =	vmul.f32 $8.000000000e+00, v62  }
0x6f0: {  	v40 =	vld.idx.msk [tilespmem:v63+s17+$0x0], $0xffff;
	v28 =	vmul.f32 $8.000000000e+00, v28  }
0x6f1: {  	[tilespmem:s7+$0xFFFFFF30] =	vst v50  }
0x6f2: {  	v51 =	vor.u32 v6, v24;
	v52 =	vld.idx.msk [tilespmem:v49+s17+$0x0], $0xffff;
	[tilespmem:s7+$0x30] =	vst v28  }
0x6f3: {  	v53 =	vor.u32 v6, v23;
	v28 =	vld.idx.msk [tilespmem:v48+s17+$0x0], $0xffff  }
0x6f4: {  	v38 =	vmul.f32 $8.000000000e+00, v38  }
0x6f5: {  	v40 =	vmul.f32 $8.000000000e+00, v40;
	v55 =	vor.u32 v6, v25  }
0x6f6: {  	[tilespmem:s21+$0x40] =	vst v38;
	v54 =	vor.u32 v6, v26  }
0x6f7: {  	v38 =	vld.idx.msk [tilespmem:v51+s17+$0x0], $0xffff;
	[tilespmem:s21+$0xFFFFFF40] =	vst v40;
	v56 =	vmul.f32 $8.000000000e+00, v52  }
0x6f8: {  	v57 =	vld.idx.msk [tilespmem:v53+s17+$0x0], $0xffff;
	v28 =	vmul.f32 $8.000000000e+00, v28  }
0x6f9: {  	[tilespmem:s7+$0xFFFFFF40] =	vst v56  }
0x6fa: {  	v59 =	vor.u32 v7, v24;
	v60 =	vld.idx.msk [tilespmem:v55+s17+$0x0], $0xffff;
	[tilespmem:s7+$0x40] =	vst v28  }
0x6fb: {  	v61 =	vor.u32 v7, v23;
	v58 =	vld.idx.msk [tilespmem:v54+s17+$0x0], $0xffff  }
0x6fc: {  	[tilespmem:s0+$0xFFFFFFC0] =	vst v37;
	v36 =	vld.idx.msk [tilespmem:v36+s17+$0x0], $0xffff;
	v62 =	vmul.f32 $8.000000000e+00, v38  }
0x6fd: {  	[tilespmem:s16+$0xFFFFFFE0] =	vst v27;
	v44 =	vor.u32 v7, v25;
	v28 =	vmul.f32 $8.000000000e+00, v57  }
0x6fe: {  	v34 =	vmul.f32 $8.000000000e+00, v34;
	v31 =	vld.idx.msk [tilespmem:v31+s17+$0x0], $0xffff;
	v63 =	vor.u32 v7, v26;
	[tilespmem:s21+$0x50] =	vst v62  }
0x6ff: {  	v50 =	vor.u32 v8, v20;
	v46 =	vld.idx.msk [tilespmem:v59+s17+$0x0], $0xffff;
	v47 =	vmul.f32 $8.000000000e+00, v60;
	[tilespmem:s21+$0xFFFFFF50] =	vst v28  }
0x700: {  	[tilespmem:s1+$0x90] =	vst v34;
	v48 =	vor.u32 v8, v21;
	v37 =	vld.idx.msk [tilespmem:v61+s17+$0x0], $0xffff;
	v45 =	vmul.f32 $8.000000000e+00, v58  }
0x701: {  	v30 =	vld.idx.msk [tilespmem:v30+s17+$0x0], $0xffff;
	v36 =	vmul.f32 $8.000000000e+00, v36;
	[tilespmem:s7+$0xFFFFFF50] =	vst v47  }
0x702: {  	v35 =	vmul.f32 $8.000000000e+00, v35;
	v51 =	vor.u32 v8, v24;
	v34 =	vld.idx.msk [tilespmem:v44+s17+$0x0], $0xffff;
	[tilespmem:s7+$0x50] =	vst v45  }
0x703: {  	v32 =	vmul.f32 $8.000000000e+00, v32;
	[tilespmem:s14+$0xFFFFFF60] =	vst v36;
	v52 =	vor.u32 v8, v23;
	v38 =	vld.idx.msk [tilespmem:v63+s17+$0x0], $0xffff  }
0x704: {  	[tilespmem:s14+$0x60] =	vst v35;
	v49 =	vmul.f32 $8.000000000e+00, v33;
	v33 =	vld.idx.msk [tilespmem:v50+s17+$0x0], $0xffff;
	v28 =	vmul.f32 $8.000000000e+00, v46  }
0x705: {  	[tilespmem:s1+$0xFFFFFF90] =	vst v32;
	v55 =	vor.u32 v8, v25;
	v54 =	vld.idx.msk [tilespmem:v48+s17+$0x0], $0xffff;
	v37 =	vmul.f32 $8.000000000e+00, v37  }
0x706: {  	v29 =	vld.idx.msk [tilespmem:v29+s17+$0x0], $0xffff;
	v31 =	vmul.f32 $8.000000000e+00, v31;
	v53 =	vor.u32 v8, v26;
	[tilespmem:s21+$0x60] =	vst v28  }
0x707: {  	v60 =	vor.u32 v9, v20;
	v32 =	vld.idx.msk [tilespmem:v51+s17+$0x0], $0xffff;
	v34 =	vmul.f32 $8.000000000e+00, v34;
	[tilespmem:s21+$0xFFFFFF60] =	vst v37  }
0x708: {  	[tilespmem:s0+$0xFFFFFFD0] =	vst v31;
	v58 =	vor.u32 v9, v21;
	v27 =	vld.idx.msk [tilespmem:v52+s17+$0x0], $0xffff;
	v56 =	vmul.f32 $8.000000000e+00, v38  }
0x709: {  	v43 =	vmul.f32 $8.000000000e+00, v33;
	v57 =	vor.u32 v11, v17;
	[tilespmem:s7+$0xFFFFFF60] =	vst v34  }
0x70a: {  	v62 =	vmul.f32 $8.000000000e+00, v54;
	v63 =	vor.u32 v9, v24;
	v42 =	vld.idx.msk [tilespmem:v55+s17+$0x0], $0xffff;
	[tilespmem:s7+$0x60] =	vst v56  }
0x70b: {  	v29 =	vmul.f32 $8.000000000e+00, v29;
	[tilespmem:s14+$0xFFFFFF70] =	vst v43;
	v44 =	vor.u32 v9, v23;
	v61 =	vld.idx.msk [tilespmem:v53+s17+$0x0], $0xffff  }
0x70c: {  	v59 =	vmul.f32 $8.000000000e+00, v30;
	v50 =	vor.u32 v12, v18;
	v30 =	vld.idx.msk [tilespmem:v60+s17+$0x0], $0xffff;
	[tilespmem:s14+$0x70] =	vst v62;
	v45 =	vmul.f32 $8.000000000e+00, v32  }
0x70d: {  	[tilespmem:s1+$0xA0] =	vst v29;
	v47 =	vor.u32 v9, v25;
	v37 =	vld.idx.msk [tilespmem:v58+s17+$0x0], $0xffff;
	v27 =	vmul.f32 $8.000000000e+00, v27  }
0x70e: {  	v46 =	vor.u32 v9, v26;
	[tilespmem:s21+$0x70] =	vst v45;
	v38 =	vld.idx.msk [tilespmem:v57+s17+$0x0], $0xffff  }
0x70f: {  	v54 =	vor.u32 v10, v20;
	v35 =	vld.idx.msk [tilespmem:v63+s17+$0x0], $0xffff;
	v51 =	vmul.f32 $8.000000000e+00, v42;
	[tilespmem:s21+$0xFFFFFF70] =	vst v27  }
0x710: {  	[tilespmem:s0+$0xD0] =	vst v49;
	v48 =	vor.u32 v15, v22;
	v33 =	vld.idx.msk [tilespmem:v44+s17+$0x0], $0xffff;
	v49 =	vmul.f32 $8.000000000e+00, v61  }
0x711: {  	v30 =	vmul.f32 $8.000000000e+00, v30;
	v34 =	vld.idx.msk [tilespmem:v50+s17+$0x0], $0xffff;
	v52 =	vor.u32 v10, v21;
	[tilespmem:s7+$0xFFFFFF70] =	vst v51  }
0x712: {  	v56 =	vor.u32 v10, v24;
	v28 =	vld.idx.msk [tilespmem:v47+s17+$0x0], $0xffff;
	[tilespmem:s7+$0x70] =	vst v49  }
0x713: {  	v58 =	vor.u32 v10, v23;
	[tilespmem:s14+$0xFFFFFF80] =	vst v30;
	v55 =	vmul.f32 $8.000000000e+00, v37;
	v32 =	vld.idx.msk [tilespmem:v46+s17+$0x0], $0xffff  }
0x714: {  	[tilespmem:s16+$0xFFFFFFF0] =	vst v59;
	v63 =	vor.u32 v12, v17;
	v53 =	vmul.f32 $8.000000000e+00, v38;
	v59 =	vmul.f32 $8.000000000e+00, v35;
	v38 =	vld.idx.msk [tilespmem:v54+s17+$0x0], $0xffff  }
0x715: {  	v62 =	vor.u32 v10, v25;
	v57 =	vld.idx.msk [tilespmem:v48+s17+$0x0], $0xffff;
	[tilespmem:s14+$0x80] =	vst v55;
	v61 =	vmul.f32 $8.000000000e+00, v33  }
0x716: {  	v60 =	vor.u32 v10, v26;
	v36 =	vld.idx.msk [tilespmem:v52+s17+$0x0], $0xffff;
	[tilespmem:s21+$0x80] =	vst v59  }
0x717: {  	v47 =	vor.u32 v11, v20;
	v29 =	vld.idx.msk [tilespmem:v56+s17+$0x0], $0xffff;
	v28 =	vmul.f32 $8.000000000e+00, v28;
	[tilespmem:s21+$0xFFFFFF80] =	vst v61  }
0x718: {  	v43 =	vor.u32 v16, v22;
	[tilespmem:s1+$0xFFFFFFA0] =	vst v53;
	v31 =	vld.idx.msk [tilespmem:v58+s17+$0x0], $0xffff;
	v42 =	vmul.f32 $8.000000000e+00, v32  }
0x719: {  	v45 =	vor.u32 v11, v21;
	v50 =	vld.idx.msk [tilespmem:v63+s17+$0x0], $0xffff;
	v51 =	vmul.f32 $8.000000000e+00, v38;
	[tilespmem:s7+$0xFFFFFF80] =	vst v28  }
0x71a: {  	v44 =	vmul.f32 $8.000000000e+00, v57;
	v49 =	vor.u32 v11, v24;
	v33 =	vld.idx.msk [tilespmem:v62+s17+$0x0], $0xffff;
	[tilespmem:s7+$0x80] =	vst v42  }
0x71b: {  	v52 =	vor.u32 v11, v23;
	v48 =	vmul.f32 $8.000000000e+00, v36;
	[tilespmem:s14+$0xFFFFFF90] =	vst v51;
	v35 =	vld.idx.msk [tilespmem:v60+s17+$0x0], $0xffff  }
0x71c: {  	v57 =	vor.u32 v13, v18;
	[tilespmem:s0+$0xE0] =	vst v44;
	v46 =	vmul.f32 $8.000000000e+00, v34;
	v53 =	vmul.f32 $8.000000000e+00, v29;
	v34 =	vld.idx.msk [tilespmem:v47+s17+$0x0], $0xffff  }
0x71d: {  	v22 =	vld.idx.msk [tilespmem:v43+s17+$0x0], $0xffff;
	v56 =	vor.u32 v11, v25;
	[tilespmem:s14+$0x90] =	vst v48;
	v55 =	vmul.f32 $8.000000000e+00, v31  }
0x71e: {  	v54 =	vor.u32 v11, v26;
	[tilespmem:s21+$0x90] =	vst v53;
	v32 =	vld.idx.msk [tilespmem:v45+s17+$0x0], $0xffff  }
0x71f: {  	v63 =	vor.u32 v12, v20;
	v30 =	vld.idx.msk [tilespmem:v49+s17+$0x0], $0xffff;
	v60 =	vmul.f32 $8.000000000e+00, v33;
	[tilespmem:s21+$0xFFFFFF90] =	vst v55  }
0x720: {  	[tilespmem:s1+$0xB0] =	vst v46;
	v49 =	vor.u32 v15, v19;
	v37 =	vld.idx.msk [tilespmem:v52+s17+$0x0], $0xffff;
	v58 =	vmul.f32 $8.000000000e+00, v35  }
0x721: {  	v59 =	vor.u32 v13, v17;
	v42 =	vld.idx.msk [tilespmem:v57+s17+$0x0], $0xffff;
	v43 =	vmul.f32 $8.000000000e+00, v34;
	[tilespmem:s7+$0xFFFFFF90] =	vst v60  }
0x722: {  	v61 =	vmul.f32 $8.000000000e+00, v50;
	v62 =	vor.u32 v12, v21;
	v31 =	vld.idx.msk [tilespmem:v56+s17+$0x0], $0xffff;
	[tilespmem:s7+$0x90] =	vst v58  }
0x723: {  	v44 =	vor.u32 v12, v23;
	[tilespmem:s14+$0xFFFFFFA0] =	vst v43;
	v40 =	vmul.f32 $8.000000000e+00, v32;
	v29 =	vld.idx.msk [tilespmem:v54+s17+$0x0], $0xffff  }
0x724: {  	v41 =	vor.u32 v12, v24;
	[tilespmem:s1+$0xFFFFFFB0] =	vst v61;
	v45 =	vmul.f32 $8.000000000e+00, v30;
	v28 =	vld.idx.msk [tilespmem:v63+s17+$0x0], $0xffff  }
0x725: {  	v48 =	vor.u32 v12, v25;
	v60 =	vld.idx.msk [tilespmem:v49+s17+$0x0], $0xffff;
	[tilespmem:s14+$0xA0] =	vst v40;
	v47 =	vmul.f32 $8.000000000e+00, v37  }
0x726: {  	v46 =	vor.u32 v12, v26;
	[tilespmem:s21+$0xA0] =	vst v45;
	v53 =	vmul.f32 $8.000000000e+00, v42;
	v35 =	vld.idx.msk [tilespmem:v59+s17+$0x0], $0xffff  }
0x727: {  	v56 =	vor.u32 v13, v20;
	v36 =	vld.idx.msk [tilespmem:v62+s17+$0x0], $0xffff;
	v52 =	vmul.f32 $8.000000000e+00, v31;
	[tilespmem:s21+$0xFFFFFFA0] =	vst v47  }
0x728: {  	v19 =	vor.u32 v16, v19;
	[tilespmem:s1+$0xC0] =	vst v53;
	v34 =	vld.idx.msk [tilespmem:v44+s17+$0x0], $0xffff;
	v50 =	vmul.f32 $8.000000000e+00, v29  }
0x729: {  	v51 =	vor.u32 v14, v18;
	v32 =	vld.idx.msk [tilespmem:v41+s17+$0x0], $0xffff;
	v61 =	vmul.f32 $8.000000000e+00, v28;
	[tilespmem:s7+$0xFFFFFFA0] =	vst v52  }
0x72a: {  	v54 =	vor.u32 v13, v21;
	v47 =	vmul.f32 $8.000000000e+00, v60;
	v59 =	vld.idx.msk [tilespmem:v48+s17+$0x0], $0xffff;
	[tilespmem:s7+$0xA0] =	vst v50  }
0x72b: {  	v62 =	vor.u32 v13, v23;
	[tilespmem:s14+$0xFFFFFFB0] =	vst v61;
	v55 =	vmul.f32 $8.000000000e+00, v35;
	v30 =	vld.idx.msk [tilespmem:v46+s17+$0x0], $0xffff  }
0x72c: {  	v58 =	vor.u32 v13, v24;
	v57 =	vmul.f32 $8.000000000e+00, v36;
	v35 =	vld.idx.msk [tilespmem:v56+s17+$0x0], $0xffff;
	[tilespmem:s0+$0xFFFFFFE0] =	vst v47  }
0x72d: {  	v42 =	vor.u32 v13, v25;
	[tilespmem:s1+$0xFFFFFFC0] =	vst v55;
	v19 =	vld.idx.msk [tilespmem:v19+s17+$0x0], $0xffff;
	v41 =	vmul.f32 $8.000000000e+00, v34  }
0x72e: {  	v40 =	vor.u32 v13, v26;
	v63 =	vmul.f32 $8.000000000e+00, v32;
	[tilespmem:s14+$0xB0] =	vst v57;
	v29 =	vld.idx.msk [tilespmem:v51+s17+$0x0], $0xffff  }
0x72f: {  	v43 =	vor.u32 v14, v17;
	v33 =	vld.idx.msk [tilespmem:v54+s17+$0x0], $0xffff;
	v46 =	vmul.f32 $8.000000000e+00, v59;
	[tilespmem:s21+$0xFFFFFFB0] =	vst v41  }
0x730: {  	[tilespmem:s21+$0xB0] =	vst v63;
	v28 =	vld.idx.msk [tilespmem:v62+s17+$0x0], $0xffff;
	v44 =	vmul.f32 $8.000000000e+00, v30  }
0x731: {  	v22 =	vmul.f32 $8.000000000e+00, v22;
	v45 =	vld.idx.msk [tilespmem:v58+s17+$0x0], $0xffff;
	v50 =	vor.u32 v14, v20;
	[tilespmem:s7+$0xFFFFFFB0] =	vst v46  }
0x732: {  	v48 =	vor.u32 v14, v21;
	v55 =	vmul.f32 $8.000000000e+00, v35;
	v53 =	vld.idx.msk [tilespmem:v42+s17+$0x0], $0xffff;
	[tilespmem:s7+$0xB0] =	vst v44  }
0x733: {  	[tilespmem:s0+$0xF0] =	vst v22;
	v56 =	vor.u32 v14, v23;
	v19 =	vmul.f32 $8.000000000e+00, v19;
	v32 =	vld.idx.msk [tilespmem:v40+s17+$0x0], $0xffff  }
0x734: {  	v52 =	vor.u32 v14, v24;
	v54 =	vld.idx.msk [tilespmem:v43+s17+$0x0], $0xffff;
	[tilespmem:s14+$0xFFFFFFC0] =	vst v55;
	v51 =	vmul.f32 $8.000000000e+00, v33  }
0x735: {  	v60 =	vor.u32 v14, v25;
	[tilespmem:s0+$0xFFFFFFF0] =	vst v19;
	v59 =	vmul.f32 $8.000000000e+00, v28  }
0x736: {  	v58 =	vor.u32 v14, v26;
	v49 =	vmul.f32 $8.000000000e+00, v29;
	v57 =	vmul.f32 $8.000000000e+00, v45;
	[tilespmem:s14+$0xC0] =	vst v51;
	v29 =	vld.idx.msk [tilespmem:v50+s17+$0x0], $0xffff  }
0x737: {  	v63 =	vor.u32 v15, v17;
	v36 =	vld.idx.msk [tilespmem:v48+s17+$0x0], $0xffff;
	v39 =	vmul.f32 $8.000000000e+00, v53;
	[tilespmem:s21+$0xFFFFFFC0] =	vst v59  }
0x738: {  	v61 =	vor.u32 v15, v18;
	[tilespmem:s21+$0xC0] =	vst v57;
	v35 =	vld.idx.msk [tilespmem:v56+s17+$0x0], $0xffff;
	v62 =	vmul.f32 $8.000000000e+00, v32  }
0x739: {  	v42 =	vor.u32 v15, v20;
	v31 =	vld.idx.msk [tilespmem:v52+s17+$0x0], $0xffff;
	v40 =	vmul.f32 $8.000000000e+00, v54;
	[tilespmem:s7+$0xFFFFFFC0] =	vst v39  }
0x73a: {  	v41 =	vor.u32 v15, v21;
	v28 =	vld.idx.msk [tilespmem:v60+s17+$0x0], $0xffff;
	[tilespmem:s7+$0xC0] =	vst v62  }
0x73b: {  	v46 =	vor.u32 v15, v23;
	v19 =	vmul.f32 $8.000000000e+00, v29;
	[tilespmem:s1+$0xFFFFFFD0] =	vst v40;
	v30 =	vld.idx.msk [tilespmem:v58+s17+$0x0], $0xffff  }
0x73c: {  	[tilespmem:s1+$0xD0] =	vst v49;
	v44 =	vor.u32 v15, v24;
	v43 =	vmul.f32 $8.000000000e+00, v36;
	v32 =	vld.idx.msk [tilespmem:v63+s17+$0x0], $0xffff  }
0x73d: {  	v49 =	vor.u32 v15, v25;
	v45 =	vld.idx.msk [tilespmem:v61+s17+$0x0], $0xffff;
	[tilespmem:s14+$0xFFFFFFD0] =	vst v19;
	v19 =	vmul.f32 $8.000000000e+00, v35  }
0x73e: {  	v48 =	vor.u32 v15, v26;
	v47 =	vmul.f32 $8.000000000e+00, v31;
	[tilespmem:s14+$0xD0] =	vst v43;
	v27 =	vld.idx.msk [tilespmem:v42+s17+$0x0], $0xffff  }
0x73f: {  	v17 =	vor.u32 v16, v17;
	v34 =	vld.idx.msk [tilespmem:v41+s17+$0x0], $0xffff;
	[tilespmem:s21+$0xFFFFFFD0] =	vst v19;
	v19 =	vmul.f32 $8.000000000e+00, v28  }
0x740: {  	v18 =	vor.u32 v16, v18;
	[tilespmem:s21+$0xD0] =	vst v47;
	v29 =	vld.idx.msk [tilespmem:v46+s17+$0x0], $0xffff;
	v50 =	vmul.f32 $8.000000000e+00, v30  }
0x741: {  	v55 =	vor.u32 v16, v20;
	v51 =	vld.idx.msk [tilespmem:v44+s17+$0x0], $0xffff;
	v54 =	vmul.f32 $8.000000000e+00, v32;
	[tilespmem:s7+$0xFFFFFFD0] =	vst v19  }
0x742: {  	v53 =	vor.u32 v16, v21;
	v52 =	vmul.f32 $8.000000000e+00, v45;
	v57 =	vld.idx.msk [tilespmem:v49+s17+$0x0], $0xffff;
	[tilespmem:s7+$0xD0] =	vst v50  }
0x743: {  	v59 =	vor.u32 v16, v23;
	v58 =	vmul.f32 $8.000000000e+00, v27;
	[tilespmem:s1+$0xFFFFFFE0] =	vst v54;
	v31 =	vld.idx.msk [tilespmem:v48+s17+$0x0], $0xffff  }
0x744: {  	v56 =	vor.u32 v16, v24;
	[tilespmem:s1+$0xE0] =	vst v52;
	v19 =	vmul.f32 $8.000000000e+00, v34;
	v17 =	vld.idx.msk [tilespmem:v17+s17+$0x0], $0xffff  }
0x745: {  	v61 =	vor.u32 v16, v25;
	v18 =	vld.idx.msk [tilespmem:v18+s17+$0x0], $0xffff;
	[tilespmem:s14+$0xFFFFFFE0] =	vst v58;
	v60 =	vmul.f32 $8.000000000e+00, v29  }
0x746: {  	v26 =	vor.u32 v16, v26;
	v20 =	vld.idx.msk [tilespmem:v55+s17+$0x0], $0xffff;
	[tilespmem:s14+$0xE0] =	vst v19;
	v19 =	vmul.f32 $8.000000000e+00, v51  }
0x747: {  	v21 =	vld.idx.msk [tilespmem:v53+s17+$0x0], $0xffff;
	[tilespmem:s21+$0xFFFFFFE0] =	vst v60;
	v62 =	vmul.f32 $8.000000000e+00, v57  }
0x748: {  	[tilespmem:s21+$0xE0] =	vst v19;
	v23 =	vld.idx.msk [tilespmem:v59+s17+$0x0], $0xffff;
	v19 =	vmul.f32 $8.000000000e+00, v31  }
0x749: {  	v24 =	vld.idx.msk [tilespmem:v56+s17+$0x0], $0xffff;
	v17 =	vmul.f32 $8.000000000e+00, v17;
	[tilespmem:s7+$0xFFFFFFE0] =	vst v62  }
0x74a: {  	v18 =	vmul.f32 $8.000000000e+00, v18;
	v63 =	vld.idx.msk [tilespmem:v61+s17+$0x0], $0xffff;
	[tilespmem:s7+$0xE0] =	vst v19  }
0x74b: {  	[tilespmem:s1+$0xFFFFFFF0] =	vst v17;
	v17 =	vmul.f32 $8.000000000e+00, v20;
	v19 =	vld.idx.msk [tilespmem:v26+s17+$0x0], $0xffff  }
0x74c: {  	[tilespmem:s1+$0xF0] =	vst v18;
	v18 =	vmul.f32 $8.000000000e+00, v21  }
0x74d: {  	[tilespmem:s14+$0xFFFFFFF0] =	vst v17;
	v17 =	vmul.f32 $8.000000000e+00, v23  }
0x74e: {  	[tilespmem:s14+$0xF0] =	vst v18;
	v18 =	vmul.f32 $8.000000000e+00, v24  }
0x74f: {  	[tilespmem:s21+$0xFFFFFFF0] =	vst v17;
	v17 =	vmul.f32 $8.000000000e+00, v63  }
0x750: {  	[tilespmem:s21+$0xF0] =	vst v18;
	v18 =	vmul.f32 $8.000000000e+00, v19  }
0x751: {  	[tilespmem:s7+$0xFFFFFFF0] =	vst v17  }
0x752: {  	s28 =	sadd.s32 $0x1, s28;
	[tilespmem:s7+$0xF0] =	vst v18  }
0x753: {  	[hbm4b:s10+s13] =	stream.strided.scatter [tilespmem:s23], [sflag:$0x4], $0x4000, s19, s13, $0x38;
	[tilespmem:$0x1D400] =	vst v63  }
0x754: {  	p0 =	sne.s32 s28, s11;
	_ =	swait.ge [sflag:s25], $0x4000  }
.Ltmp8:
0x755: {  	[sflag:s25] =	ssyncset.done $0x0;
	(pc) =	sbr.rel @p0 .LBB2_1-.Ltmp8, $4  }
0x756: {  	[sflag:s25] =	ssyncadd.s32 $0xFFFFC000  }
0x757: {  	_ =	swait.ge [sflag:s26], $0x4000  }
0x758: {  	[sflag:s26] =	ssyncset.done $0x0  }
0x759: {  	[sflag:s26] =	ssyncadd.s32 $0xFFFFC000  }
0x75a: {  	_ =	sfence.sel $0x180000  }
0x75b: {  	[bflag:$0x0] =	sbarrier.arrive $0xFFFF  }
0x75c: {  	_ =	strace $0x90000047  }
0x75d: {  	s0 =	stileid.u32;
	[bflag:$0x2] =	sbarrier.arrive $0xFFFF  }
0x75e: {  	p0 =	sne.s32 s0, $0x0;
	s0 =	rddreg [dreg:$0x2]  }
0x75f: {  	s0 =	sadd.s32 @!p0 $0x100000, s0  }
0x760: {  	[sflag:s0] =	ssyncadd.tile.s32 @!p0 $0x1;
	_ =	shalt  }
.Lfunc_end2:
_tile_overlayer_lowered:
.L_overlay_start_2:
0x761: {  	(tag) =	ssettag $0x2  }
0x762: {  	s0 =	rddreg [dreg:$0x0];
	s2 =	stileid.u32  }
0x763: {  	s1 =	rddreg [dreg:$0x1];
	p0 =	sne.s32 s2, $0x0  }
0x764: {  	s3 =	rddreg [dreg:$0x2];
	[bflag:$0x3] =	sbarrier.arrive $0xFFFF;
	s2 =	simm.s32 @!p0 $0x1C05  }
0x765: {  	[timem:s3], [sflag:s2] =	dma.local @!p0 [hbm:s0], s1  }
0x766: {  	s0 =	simm.s32 @!p0 $0x5  }
0x767: {  	_ =	swait.ge @!p0 [sflag:s0], s1  }
0x768: {  	s1 =	ssub.s32 @!p0 $0x0, s1;
	[sflag:s0] =	ssyncset.done @!p0 $0x0  }
0x769: {  	[sflag:s0] =	ssyncadd.s32 @!p0 s1  }
0x76a: {  	[bflag:$0x3] =	sbarrier.arrive $0xFFFF  }
0x76b: {  	_ =	shalt  }

</sc_bundles>
